<compile_context>
chip_gen: v7x
topology: tpu7x:2x2x1
jax: 0.10.2.dev20260603
libtpu: 0.0.44.dev20260713+nightly
codegen_flags: <defaults>
</compile_context>

<pallas_src>
import jax
import jax.numpy as jnp
from jax import lax
from jax.experimental import pallas as pl
from jax.experimental.pallas import tpu as pltpu
from jax.experimental.pallas import tpu_sc as plsc

N = 10000
E = 320000
F = 128
NC, NS = 2, 16
NW = NC * NS
B = 128
NB = 80
EPT = NB * B
EPAD = NW * EPT
NBP = NB // 2
NA = N + 8
ZR = 624
AZC = 24
AZN = ZR // AZC
ZCH = 104
NZ = ZR // ZCH
TAIL = N - NS * ZR

_mesh = plsc.VectorSubcoreMesh(core_axis_name="c", subcore_axis_name="s")


def _deg_body(dst_hbm, out_hbm, zbuf, ones, didx, acc, isem, ssem):
    c = lax.axis_index("c")
    s = lax.axis_index("s")
    wid = s * NC + c

    icp = pltpu.async_copy(dst_hbm.at[wid], didx, isem)

    def fill(r, carry):
        zbuf[r, :] = jnp.zeros((16,), jnp.float32)
        return carry

    lax.fori_loop(0, ZCH, fill, 0)

    def fill2(r, carry):
        ones[r, :] = jnp.ones((16,), jnp.float32)
        return carry

    lax.fori_loop(0, B, fill2, 0)
    for k in range(NZ):
        pltpu.sync_copy(zbuf, acc.at[pl.ds(s * ZR + k * ZCH, ZCH)])

    @pl.when(s == 0)
    def _():
        pltpu.sync_copy(zbuf.at[pl.ds(0, TAIL)], acc.at[pl.ds(NS * ZR, TAIL)])
        pltpu.sync_copy(zbuf.at[pl.ds(0, 8)], acc.at[pl.ds(N, 8)])

    icp.wait()
    plsc.subcore_barrier()

    def step(i, carry):
        pltpu.async_copy(ones, acc.at[didx.at[i]], ssem, add=True)
        return carry

    lax.fori_loop(0, NB, step, 0)

    def drain(i, carry):
        pltpu.make_async_copy(ones, acc.at[didx.at[i]], ssem).wait()
        return carry

    lax.fori_loop(0, NB, drain, 0)
    plsc.subcore_barrier()
    pltpu.sync_copy(acc.at[pl.ds(s * ZR, ZR)], out_hbm.at[c, pl.ds(s * ZR, ZR)])

    @pl.when(s == 0)
    def _():
        pltpu.sync_copy(acc.at[pl.ds(NS * ZR, TAIL)],
                        out_hbm.at[c, pl.ds(NS * ZR, TAIL)])


_deg = pl.kernel(
    _deg_body,
    out_type=jax.ShapeDtypeStruct((NC, N, 16), jnp.float32),
    mesh=_mesh,
    scratch_types=[
        pltpu.VMEM((ZCH, 16), jnp.float32),
        pltpu.VMEM((B, 16), jnp.float32),
        pltpu.VMEM((NB, B), jnp.int32),
        pltpu.VMEM_SHARED((NA, 16), jnp.float32),
        pltpu.SemaphoreType.DMA,
        pltpu.SemaphoreType.DMA,
    ],
)


G = 8
NG = NB // G
NU = NG // 2


def _agg_body(y_hbm, src_hbm, dst_hbm, out_hbm, zbuf, sidx, dA, dB,
              r0, r1, acc, isem, zsem, dsemA, dsemB, gsem0, gsem1):
    c = lax.axis_index("c")
    s = lax.axis_index("s")
    wid = s * NC + c

    icp0 = pltpu.async_copy(src_hbm.at[wid], sidx, isem)
    pltpu.async_copy(dst_hbm.at[wid, pl.ds(0, G)], dA, dsemA)

    def fill(r, carry):
        for j in range(F // 16):
            zbuf[r, pl.ds(j * 16, 16)] = jnp.zeros((16,), jnp.float32)
        return carry

    lax.fori_loop(0, AZC, fill, 0)
    for k in range(AZN):
        pltpu.async_copy(zbuf, acc.at[pl.ds(s * ZR + k * AZC, AZC)], zsem)

    @pl.when(s == 0)
    def _():
        pltpu.async_copy(zbuf, acc.at[pl.ds(NS * ZR, TAIL + 8)], zsem)

    for k in range(AZN):
        pltpu.make_async_copy(zbuf, acc.at[pl.ds(s * ZR + k * AZC, AZC)], zsem).wait()

    @pl.when(s == 0)
    def _():
        pltpu.make_async_copy(zbuf, acc.at[pl.ds(NS * ZR, TAIL + 8)], zsem).wait()

    icp0.wait()
    plsc.subcore_barrier()

    pltpu.async_copy(y_hbm.at[c].at[sidx.at[pl.ds(0, B)]], r0, gsem0)

    def pair(b0, dbuf, row):
        b1 = b0 + 1
        cp1 = pltpu.async_copy(y_hbm.at[c].at[sidx.at[pl.ds(b1 * B, B)]], r1, gsem1)
        pltpu.make_async_copy(y_hbm.at[c].at[sidx.at[pl.ds(b0 * B, B)]], r0, gsem0).wait()
        pltpu.sync_copy(r0, acc.at[dbuf.at[row]], add=True)

        @pl.when(b0 + 2 < NB)
        def _():
            pltpu.async_copy(y_hbm.at[c].at[sidx.at[pl.ds((b0 + 2) * B, B)]], r0, gsem0)

        cp1.wait()
        pltpu.sync_copy(r1, acc.at[dbuf.at[row + 1]], add=True)

    def super_step(u, carry):
        gbase = 2 * u * G
        pltpu.async_copy(dst_hbm.at[wid, pl.ds(gbase + G, G)], dB, dsemB)
        pltpu.make_async_copy(dst_hbm.at[wid, pl.ds(0, G)], dA, dsemA).wait()
        for k in range(G // 2):
            pair(gbase + 2 * k, dA, 2 * k)

        @pl.when(u < NU - 1)
        def _():
            pltpu.async_copy(dst_hbm.at[wid, pl.ds(gbase + 2 * G, G)], dA, dsemA)

        pltpu.make_async_copy(dst_hbm.at[wid, pl.ds(0, G)], dB, dsemB).wait()
        for k in range(G // 2):
            pair(gbase + G + 2 * k, dB, 2 * k)
        return carry

    lax.fori_loop(0, NU, super_step, 0)
    plsc.subcore_barrier()
    pltpu.sync_copy(acc.at[pl.ds(s * ZR, ZR)], out_hbm.at[c, pl.ds(s * ZR, ZR)])

    @pl.when(s == 0)
    def _():
        pltpu.sync_copy(acc.at[pl.ds(NS * ZR, TAIL)],
                        out_hbm.at[c, pl.ds(NS * ZR, TAIL)])


_agg = pl.kernel(
    _agg_body,
    out_type=jax.ShapeDtypeStruct((NC, N, F), jnp.float32),
    mesh=_mesh,
    scratch_types=[
        pltpu.VMEM((AZC, F), jnp.float32),
        pltpu.VMEM((EPT,), jnp.int32),
        pltpu.VMEM((G, B), jnp.int32),
        pltpu.VMEM((G, B), jnp.int32),
        pltpu.VMEM((B, F), jnp.float32),
        pltpu.VMEM((B, F), jnp.float32),
        pltpu.VMEM_SHARED((NA, F), jnp.float32),
        pltpu.SemaphoreType.DMA,
        pltpu.SemaphoreType.DMA,
        pltpu.SemaphoreType.DMA,
        pltpu.SemaphoreType.DMA,
        pltpu.SemaphoreType.DMA,
        pltpu.SemaphoreType.DMA,
    ],
)


def _tc1_body(x_ref, w_ref, degp_ref, y_ref, dinv_ref):
    deg = degp_ref[0, :, 0:1] + degp_ref[1, :, 0:1] + 1.0
    dinv = lax.rsqrt(deg)
    xw = jnp.dot(x_ref[...], w_ref[...], preferred_element_type=jnp.float32)
    y = xw * dinv
    y_ref[0] = y
    y_ref[1] = y
    dinv_ref[...] = dinv


_tc1 = pl.pallas_call(
    _tc1_body,
    out_shape=[
        jax.ShapeDtypeStruct((NC, N, F), jnp.float32),
        jax.ShapeDtypeStruct((N, 1), jnp.float32),
    ],
)


def _tc2_body(aggp_ref, y_ref, dinv_ref, b_ref, w_ref, y2_ref):
    h = aggp_ref[0] + aggp_ref[1] + y_ref[0]
    h = jnp.maximum(h * dinv_ref[...] + b_ref[...], 0.0)
    y2 = jnp.dot(h, w_ref[...], preferred_element_type=jnp.float32) * dinv_ref[...]
    y2_ref[0] = y2
    y2_ref[1] = y2


_tc2 = pl.pallas_call(
    _tc2_body,
    out_shape=jax.ShapeDtypeStruct((NC, N, F), jnp.float32),
)


def _tc3_body(aggp_ref, y_ref, dinv_ref, b_ref, wc_ref, bc_ref, out_ref):
    h = aggp_ref[0] + aggp_ref[1] + y_ref[0]
    h = jnp.maximum(h * dinv_ref[...] + b_ref[...], 0.0)
    out_ref[...] = jnp.dot(h, wc_ref[...], preferred_element_type=jnp.float32) + bc_ref[...]


_tc3 = pl.pallas_call(
    _tc3_body,
    out_shape=jax.ShapeDtypeStruct((N, 1), jnp.float32),
)


@jax.jit
def kernel(x, edge_index, W1, b1, W2, b2, Wc, bc):
    pad = EPT - E // NW
    pad_src = jnp.zeros((NW, pad), edge_index.dtype)
    pad_dst = jnp.broadcast_to(N + (jnp.arange(pad) % 8), (NW, pad)).astype(edge_index.dtype)
    src = jnp.concatenate(
        [edge_index[0].reshape(NW, E // NW), pad_src], axis=1).reshape(NW, EPT)
    dst = jnp.concatenate(
        [edge_index[1].reshape(NW, E // NW), pad_dst], axis=1).reshape(NW, NB, B)
    degp = _deg(dst)
    y1, dinv = _tc1(x, W1, degp)
    aggp1 = _agg(y1, src, dst)
    y2 = _tc2(aggp1, y1, dinv, b1.reshape(1, F), W2)
    aggp2 = _agg(y2, src, dst)
    out = _tc3(aggp2, y2, dinv, b2.reshape(1, F), Wc, bc.reshape(1, 1))
    return out[:, 0]

# --- scband reference (transcript-rebuilt; emitter-appended) ---
"""Pipeline reference for scband-gcn-72421738545283 (READ-ONLY COPY).

The authoritative reference and input builder live on the scoring server;
editing this copy changes nothing except your own understanding.
"""

import jax, jax.numpy as jnp
import numpy as np

N_NODES = 10000


def gcn_conv(x, edge_index, W, b):
    n = x.shape[0]
    src = edge_index[0]
    dst = edge_index[1]
    # add self loops (PyG GCNConv default)
    loop = jnp.arange(n, dtype=edge_index.dtype)
    src = jnp.concatenate([src, loop])
    dst = jnp.concatenate([dst, loop])
    # linear transform first (as in PyG GCNConv)
    xw = x @ W
    # symmetric normalization D^-1/2 (A+I) D^-1/2
    ones = jnp.ones(src.shape[0], dtype=x.dtype)
    deg = jnp.zeros(n, dtype=x.dtype).at[dst].add(ones)
    dinv = jnp.where(deg > 0, deg ** -0.5, 0.0)
    norm = dinv[src] * dinv[dst]
    # gather messages, scale, scatter-add to destination nodes
    msg = xw[src] * norm[:, None]
    out = jnp.zeros((n, xw.shape[1]), dtype=x.dtype).at[dst].add(msg)
    return out + b


def setup_inputs(seed: int = 0) -> dict:
    key = jax.random.key(seed)
    ks = jax.random.split(key, 8)
    in_dim, hidden_dim, out_dim = 128, 128, 1
    x = jax.random.normal(ks[0], (N_NODES, in_dim), dtype=jnp.float32)
    edge_index = jax.random.randint(ks[1], (2, 320000), 0, N_NODES, dtype=jnp.int64 if jax.config.jax_enable_x64 else jnp.int32).astype(jnp.int32)
    # glorot-ish params
    W1 = jax.random.normal(ks[2], (in_dim, hidden_dim), dtype=jnp.float32) * (1.0 / np.sqrt(in_dim))
    b1 = jnp.zeros((hidden_dim,), dtype=jnp.float32)
    W2 = jax.random.normal(ks[3], (hidden_dim, hidden_dim), dtype=jnp.float32) * (1.0 / np.sqrt(hidden_dim))
    b2 = jnp.zeros((hidden_dim,), dtype=jnp.float32)
    Wc = jax.random.normal(ks[4], (hidden_dim, out_dim), dtype=jnp.float32) * (1.0 / np.sqrt(hidden_dim))
    bc = jnp.zeros((out_dim,), dtype=jnp.float32)
    return {"x": x, "edge_index": edge_index, "W1": W1, "b1": b1, "W2": W2, "b2": b2, "Wc": Wc, "bc": bc}


def reference(x, edge_index, W1, b1, W2, b2, Wc, bc):
    h = jax.nn.relu(gcn_conv(x, edge_index, W1, b1))
    h = jax.nn.relu(gcn_conv(h, edge_index, W2, b2))
    out = (h @ Wc + bc).squeeze()
    return out

if __name__ == "__main__":
    import jax
    _d = setup_inputs()
    print(jax.jit(kernel)(*tuple(_d.values())))

</pallas_src>

<mosaic_0001>
#map = affine_map<(d0, d1) -> (0, 0, 0)>
#map1 = affine_map<(d0, d1) -> (0, 0)>
module attributes {stable_mosaic.version = 14 : i64} {
  func.func @_agg_body(%arg0: i32, %arg1: i32, %arg2: memref<2x10000x128xf32, #tpu.memory_space<hbm>>, %arg3: memref<32x10240xi32, #tpu.memory_space<hbm>>, %arg4: memref<32x80x128xi32, #tpu.memory_space<hbm>>, %arg5: memref<2x10000x128xf32, #tpu.memory_space<hbm>>, %arg6: memref<24x128xf32, #tpu.memory_space<vmem>>, %arg7: memref<10240xi32, #tpu.memory_space<vmem>>, %arg8: memref<8x128xi32, #tpu.memory_space<vmem>>, %arg9: memref<8x128xi32, #tpu.memory_space<vmem>>, %arg10: memref<128x128xf32, #tpu.memory_space<vmem>>, %arg11: memref<128x128xf32, #tpu.memory_space<vmem>>, %arg12: memref<10008x128xf32, #tpu.memory_space<vmem_shared>>, %arg13: memref<!tpu.dma_semaphore, #tpu.memory_space<semaphore_mem>>, %arg14: memref<!tpu.dma_semaphore, #tpu.memory_space<semaphore_mem>>, %arg15: memref<!tpu.dma_semaphore, #tpu.memory_space<semaphore_mem>>, %arg16: memref<!tpu.dma_semaphore, #tpu.memory_space<semaphore_mem>>, %arg17: memref<!tpu.dma_semaphore, #tpu.memory_space<semaphore_mem>>, %arg18: memref<!tpu.dma_semaphore, #tpu.memory_space<semaphore_mem>>) attributes {dimension_semantics = [#tpu.dimension_semantics<core_parallel>, #tpu.dimension_semantics<subcore_parallel>], iteration_bounds = array<i64: 2, 16>, scalar_prefetch = 0 : i64, scratch_operands = 13 : i64, tpu.core_type = #tpu.core_type<sc_vector_subcore>, window_params = [{transform_indices = #map}, {transform_indices = #map1}, {transform_indices = #map}, {transform_indices = #map}]} {
    %mul3A = arith.constant 2 : i32
    %mul3A_0 = arith.muli %arg1, %mul3A : i32
    %add3A = arith.addi %mul3A_0, %arg0 : i32
    %dma_start3A = arith.constant 0 : i32
    %dma_start3A_1 = tpu.memref_slice %arg3[%add3A, %dma_start3A] : memref<32x10240xi32, #tpu.memory_space<hbm>> -> memref<1x10240xi32, #tpu.memory_space<hbm>>
    %dma_start3A_2 = tpu.memref_squeeze %dma_start3A_1 : memref<1x10240xi32, #tpu.memory_space<hbm>> -> memref<10240xi32, #tpu.memory_space<hbm>>
    %dma_start3A_3 = arith.constant 0 : i32
    %dma_start3A_4 = tpu.memref_slice %arg3[%add3A, %dma_start3A_3] : memref<32x10240xi32, #tpu.memory_space<hbm>> -> memref<1x10240xi32, #tpu.memory_space<hbm>>
    %dma_start3A_5 = tpu.memref_squeeze %dma_start3A_4 : memref<1x10240xi32, #tpu.memory_space<hbm>> -> memref<10240xi32, #tpu.memory_space<hbm>>
    tpu.enqueue_dma source(%dma_start3A_5 : memref<10240xi32, #tpu.memory_space<hbm>>) target(%arg7 : memref<10240xi32, #tpu.memory_space<vmem>>) target_semaphore(%arg13 : memref<!tpu.dma_semaphore, #tpu.memory_space<semaphore_mem>>)
    %dma_start3A_6 = arith.constant 0 : i32
    %dma_start3A_7 = arith.constant 0 : i32
    %dma_start3A_8 = tpu.memref_slice %arg4[%add3A, %dma_start3A_6, %dma_start3A_7] : memref<32x80x128xi32, #tpu.memory_space<hbm>> -> memref<1x8x128xi32, #tpu.memory_space<hbm>>
    %dma_start3A_9 = tpu.memref_squeeze %dma_start3A_8 : memref<1x8x128xi32, #tpu.memory_space<hbm>> -> memref<8x128xi32, #tpu.memory_space<hbm>>
    %dma_start3A_10 = arith.constant 0 : i32
    %dma_start3A_11 = arith.constant 0 : i32
    %dma_start3A_12 = tpu.memref_slice %arg4[%add3A, %dma_start3A_10, %dma_start3A_11] : memref<32x80x128xi32, #tpu.memory_space<hbm>> -> memref<1x8x128xi32, #tpu.memory_space<hbm>>
    %dma_start3A_13 = tpu.memref_squeeze %dma_start3A_12 : memref<1x8x128xi32, #tpu.memory_space<hbm>> -> memref<8x128xi32, #tpu.memory_space<hbm>>
    tpu.enqueue_dma source(%dma_start3A_13 : memref<8x128xi32, #tpu.memory_space<hbm>>) target(%arg8 : memref<8x128xi32, #tpu.memory_space<vmem>>) target_semaphore(%arg15 : memref<!tpu.dma_semaphore, #tpu.memory_space<semaphore_mem>>)
    %scan3A = arith.constant 0 : i32
    %scan3A_14 = arith.constant 0 : i32
    %scan3A_15 = arith.constant 24 : i32
    %scan3A_16 = arith.addi %scan3A_14, %scan3A_15 : i32
    %scan3A_17 = arith.constant 1 : i32
    scf.for %scan3A_472 = %scan3A_14 to %scan3A_16 step %scan3A_17  : i32 {
      %broadcast_in_dim3A = arith.constant 0.000000e+00 : f32
      %broadcast_in_dim3A_473 = vector.broadcast %broadcast_in_dim3A : f32 to vector<16xf32>
      %swap3A = arith.index_cast %scan3A_472 : i32 to index
      %swap3A_474 = arith.constant 0 : index
      %swap3A_475 = tpu.vector_load %arg6[%swap3A, %swap3A_474] {strides = array<i32>} : memref<24x128xf32, #tpu.memory_space<vmem>>, vector<1x16xf32>,
      %swap3A_476 = vector.shape_cast %swap3A_475 : vector<1x16xf32> to vector<16xf32>
      %swap3A_477 = vector.shape_cast %broadcast_in_dim3A_473 : vector<16xf32> to vector<1x16xf32>
      tpu.vector_store %arg6[%swap3A, %swap3A_474], %swap3A_477 {strides = array<i32>} : memref<24x128xf32, #tpu.memory_space<vmem>>, vector<1x16xf32>,
      %broadcast_in_dim3A_478 = arith.constant 0.000000e+00 : f32
      %broadcast_in_dim3A_479 = vector.broadcast %broadcast_in_dim3A_478 : f32 to vector<16xf32>
      %swap3A_480 = arith.index_cast %scan3A_472 : i32 to index
      %swap3A_481 = arith.constant 16 : index
      %swap3A_482 = tpu.vector_load %arg6[%swap3A_480, %swap3A_481] {strides = array<i32>} : memref<24x128xf32, #tpu.memory_space<vmem>>, vector<1x16xf32>,
      %swap3A_483 = vector.shape_cast %swap3A_482 : vector<1x16xf32> to vector<16xf32>
      %swap3A_484 = vector.shape_cast %broadcast_in_dim3A_479 : vector<16xf32> to vector<1x16xf32>
      tpu.vector_store %arg6[%swap3A_480, %swap3A_481], %swap3A_484 {strides = array<i32>} : memref<24x128xf32, #tpu.memory_space<vmem>>, vector<1x16xf32>,
      %broadcast_in_dim3A_485 = arith.constant 0.000000e+00 : f32
      %broadcast_in_dim3A_486 = vector.broadcast %broadcast_in_dim3A_485 : f32 to vector<16xf32>
      %swap3A_487 = arith.index_cast %scan3A_472 : i32 to index
      %swap3A_488 = arith.constant 32 : index
      %swap3A_489 = tpu.vector_load %arg6[%swap3A_487, %swap3A_488] {strides = array<i32>} : memref<24x128xf32, #tpu.memory_space<vmem>>, vector<1x16xf32>,
      %swap3A_490 = vector.shape_cast %swap3A_489 : vector<1x16xf32> to vector<16xf32>
      %swap3A_491 = vector.shape_cast %broadcast_in_dim3A_486 : vector<16xf32> to vector<1x16xf32>
      tpu.vector_store %arg6[%swap3A_487, %swap3A_488], %swap3A_491 {strides = array<i32>} : memref<24x128xf32, #tpu.memory_space<vmem>>, vector<1x16xf32>,
      %broadcast_in_dim3A_492 = arith.constant 0.000000e+00 : f32
      %broadcast_in_dim3A_493 = vector.broadcast %broadcast_in_dim3A_492 : f32 to vector<16xf32>
      %swap3A_494 = arith.index_cast %scan3A_472 : i32 to index
      %swap3A_495 = arith.constant 48 : index
      %swap3A_496 = tpu.vector_load %arg6[%swap3A_494, %swap3A_495] {strides = array<i32>} : memref<24x128xf32, #tpu.memory_space<vmem>>, vector<1x16xf32>,
      %swap3A_497 = vector.shape_cast %swap3A_496 : vector<1x16xf32> to vector<16xf32>
      %swap3A_498 = vector.shape_cast %broadcast_in_dim3A_493 : vector<16xf32> to vector<1x16xf32>
      tpu.vector_store %arg6[%swap3A_494, %swap3A_495], %swap3A_498 {strides = array<i32>} : memref<24x128xf32, #tpu.memory_space<vmem>>, vector<1x16xf32>,
      %broadcast_in_dim3A_499 = arith.constant 0.000000e+00 : f32
      %broadcast_in_dim3A_500 = vector.broadcast %broadcast_in_dim3A_499 : f32 to vector<16xf32>
      %swap3A_501 = arith.index_cast %scan3A_472 : i32 to index
      %swap3A_502 = arith.constant 64 : index
      %swap3A_503 = tpu.vector_load %arg6[%swap3A_501, %swap3A_502] {strides = array<i32>} : memref<24x128xf32, #tpu.memory_space<vmem>>, vector<1x16xf32>,
      %swap3A_504 = vector.shape_cast %swap3A_503 : vector<1x16xf32> to vector<16xf32>
      %swap3A_505 = vector.shape_cast %broadcast_in_dim3A_500 : vector<16xf32> to vector<1x16xf32>
      tpu.vector_store %arg6[%swap3A_501, %swap3A_502], %swap3A_505 {strides = array<i32>} : memref<24x128xf32, #tpu.memory_space<vmem>>, vector<1x16xf32>,
      %broadcast_in_dim3A_506 = arith.constant 0.000000e+00 : f32
      %broadcast_in_dim3A_507 = vector.broadcast %broadcast_in_dim3A_506 : f32 to vector<16xf32>
      %swap3A_508 = arith.index_cast %scan3A_472 : i32 to index
      %swap3A_509 = arith.constant 80 : index
      %swap3A_510 = tpu.vector_load %arg6[%swap3A_508, %swap3A_509] {strides = array<i32>} : memref<24x128xf32, #tpu.memory_space<vmem>>, vector<1x16xf32>,
      %swap3A_511 = vector.shape_cast %swap3A_510 : vector<1x16xf32> to vector<16xf32>
      %swap3A_512 = vector.shape_cast %broadcast_in_dim3A_507 : vector<16xf32> to vector<1x16xf32>
      tpu.vector_store %arg6[%swap3A_508, %swap3A_509], %swap3A_512 {strides = array<i32>} : memref<24x128xf32, #tpu.memory_space<vmem>>, vector<1x16xf32>,
      %broadcast_in_dim3A_513 = arith.constant 0.000000e+00 : f32
      %broadcast_in_dim3A_514 = vector.broadcast %broadcast_in_dim3A_513 : f32 to vector<16xf32>
      %swap3A_515 = arith.index_cast %scan3A_472 : i32 to index
      %swap3A_516 = arith.constant 96 : index
      %swap3A_517 = tpu.vector_load %arg6[%swap3A_515, %swap3A_516] {strides = array<i32>} : memref<24x128xf32, #tpu.memory_space<vmem>>, vector<1x16xf32>,
      %swap3A_518 = vector.shape_cast %swap3A_517 : vector<1x16xf32> to vector<16xf32>
      %swap3A_519 = vector.shape_cast %broadcast_in_dim3A_514 : vector<16xf32> to vector<1x16xf32>
      tpu.vector_store %arg6[%swap3A_515, %swap3A_516], %swap3A_519 {strides = array<i32>} : memref<24x128xf32, #tpu.memory_space<vmem>>, vector<1x16xf32>,
      %broadcast_in_dim3A_520 = arith.constant 0.000000e+00 : f32
      %broadcast_in_dim3A_521 = vector.broadcast %broadcast_in_dim3A_520 : f32 to vector<16xf32>
      %swap3A_522 = arith.index_cast %scan3A_472 : i32 to index
      %swap3A_523 = arith.constant 112 : index
      %swap3A_524 = tpu.vector_load %arg6[%swap3A_522, %swap3A_523] {strides = array<i32>} : memref<24x128xf32, #tpu.memory_space<vmem>>, vector<1x16xf32>,
      %swap3A_525 = vector.shape_cast %swap3A_524 : vector<1x16xf32> to vector<16xf32>
      %swap3A_526 = vector.shape_cast %broadcast_in_dim3A_521 : vector<16xf32> to vector<1x16xf32>
      tpu.vector_store %arg6[%swap3A_522, %swap3A_523], %swap3A_526 {strides = array<i32>} : memref<24x128xf32, #tpu.memory_space<vmem>>, vector<1x16xf32>,
    }
    %scan3A_18 = arith.constant 24 : i32
    %mul3A_19 = arith.constant 624 : i32
    %mul3A_20 = arith.muli %arg1, %mul3A_19 : i32
    %add3A_21 = arith.constant 0 : i32
    %add3A_22 = arith.addi %mul3A_20, %add3A_21 : i32
    %dma_start3A_23 = arith.constant 0 : i32
    %dma_start3A_24 = tpu.memref_slice %arg12[%add3A_22, %dma_start3A_23] : memref<10008x128xf32, #tpu.memory_space<vmem_shared>> -> memref<24x128xf32, #tpu.memory_space<vmem_shared>>
    %dma_start3A_25 = arith.constant 0 : i32
    %dma_start3A_26 = tpu.memref_slice %arg12[%add3A_22, %dma_start3A_25] : memref<10008x128xf32, #tpu.memory_space<vmem_shared>> -> memref<24x128xf32, #tpu.memory_space<vmem_shared>>
    tpu.enqueue_dma source(%arg6 : memref<24x128xf32, #tpu.memory_space<vmem>>) target(%dma_start3A_26 : memref<24x128xf32, #tpu.memory_space<vmem_shared>>) target_semaphore(%arg14 : memref<!tpu.dma_semaphore, #tpu.memory_space<semaphore_mem>>)
    %mul3A_27 = arith.constant 624 : i32
    %mul3A_28 = arith.muli %arg1, %mul3A_27 : i32
    %add3A_29 = arith.constant 24 : i32
    %add3A_30 = arith.addi %mul3A_28, %add3A_29 : i32
    %dma_start3A_31 = arith.constant 0 : i32
    %dma_start3A_32 = tpu.memref_slice %arg12[%add3A_30, %dma_start3A_31] : memref<10008x128xf32, #tpu.memory_space<vmem_shared>> -> memref<24x128xf32, #tpu.memory_space<vmem_shared>>
    %dma_start3A_33 = arith.constant 0 : i32
    %dma_start3A_34 = tpu.memref_slice %arg12[%add3A_30, %dma_start3A_33] : memref<10008x128xf32, #tpu.memory_space<vmem_shared>> -> memref<24x128xf32, #tpu.memory_space<vmem_shared>>
    tpu.enqueue_dma source(%arg6 : memref<24x128xf32, #tpu.memory_space<vmem>>) target(%dma_start3A_34 : memref<24x128xf32, #tpu.memory_space<vmem_shared>>) target_semaphore(%arg14 : memref<!tpu.dma_semaphore, #tpu.memory_space<semaphore_mem>>)
    %mul3A_35 = arith.constant 624 : i32
    %mul3A_36 = arith.muli %arg1, %mul3A_35 : i32
    %add3A_37 = arith.constant 48 : i32
    %add3A_38 = arith.addi %mul3A_36, %add3A_37 : i32
    %dma_start3A_39 = arith.constant 0 : i32
    %dma_start3A_40 = tpu.memref_slice %arg12[%add3A_38, %dma_start3A_39] : memref<10008x128xf32, #tpu.memory_space<vmem_shared>> -> memref<24x128xf32, #tpu.memory_space<vmem_shared>>
    %dma_start3A_41 = arith.constant 0 : i32
    %dma_start3A_42 = tpu.memref_slice %arg12[%add3A_38, %dma_start3A_41] : memref<10008x128xf32, #tpu.memory_space<vmem_shared>> -> memref<24x128xf32, #tpu.memory_space<vmem_shared>>
    tpu.enqueue_dma source(%arg6 : memref<24x128xf32, #tpu.memory_space<vmem>>) target(%dma_start3A_42 : memref<24x128xf32, #tpu.memory_space<vmem_shared>>) target_semaphore(%arg14 : memref<!tpu.dma_semaphore, #tpu.memory_space<semaphore_mem>>)
    %mul3A_43 = arith.constant 624 : i32
    %mul3A_44 = arith.muli %arg1, %mul3A_43 : i32
    %add3A_45 = arith.constant 72 : i32
    %add3A_46 = arith.addi %mul3A_44, %add3A_45 : i32
    %dma_start3A_47 = arith.constant 0 : i32
    %dma_start3A_48 = tpu.memref_slice %arg12[%add3A_46, %dma_start3A_47] : memref<10008x128xf32, #tpu.memory_space<vmem_shared>> -> memref<24x128xf32, #tpu.memory_space<vmem_shared>>
    %dma_start3A_49 = arith.constant 0 : i32
    %dma_start3A_50 = tpu.memref_slice %arg12[%add3A_46, %dma_start3A_49] : memref<10008x128xf32, #tpu.memory_space<vmem_shared>> -> memref<24x128xf32, #tpu.memory_space<vmem_shared>>
    tpu.enqueue_dma source(%arg6 : memref<24x128xf32, #tpu.memory_space<vmem>>) target(%dma_start3A_50 : memref<24x128xf32, #tpu.memory_space<vmem_shared>>) target_semaphore(%arg14 : memref<!tpu.dma_semaphore, #tpu.memory_space<semaphore_mem>>)
    %mul3A_51 = arith.constant 624 : i32
    %mul3A_52 = arith.muli %arg1, %mul3A_51 : i32
    %add3A_53 = arith.constant 96 : i32
    %add3A_54 = arith.addi %mul3A_52, %add3A_53 : i32
    %dma_start3A_55 = arith.constant 0 : i32
    %dma_start3A_56 = tpu.memref_slice %arg12[%add3A_54, %dma_start3A_55] : memref<10008x128xf32, #tpu.memory_space<vmem_shared>> -> memref<24x128xf32, #tpu.memory_space<vmem_shared>>
    %dma_start3A_57 = arith.constant 0 : i32
    %dma_start3A_58 = tpu.memref_slice %arg12[%add3A_54, %dma_start3A_57] : memref<10008x128xf32, #tpu.memory_space<vmem_shared>> -> memref<24x128xf32, #tpu.memory_space<vmem_shared>>
    tpu.enqueue_dma source(%arg6 : memref<24x128xf32, #tpu.memory_space<vmem>>) target(%dma_start3A_58 : memref<24x128xf32, #tpu.memory_space<vmem_shared>>) target_semaphore(%arg14 : memref<!tpu.dma_semaphore, #tpu.memory_space<semaphore_mem>>)
    %mul3A_59 = arith.constant 624 : i32
    %mul3A_60 = arith.muli %arg1, %mul3A_59 : i32
    %add3A_61 = arith.constant 120 : i32
    %add3A_62 = arith.addi %mul3A_60, %add3A_61 : i32
    %dma_start3A_63 = arith.constant 0 : i32
    %dma_start3A_64 = tpu.memref_slice %arg12[%add3A_62, %dma_start3A_63] : memref<10008x128xf32, #tpu.memory_space<vmem_shared>> -> memref<24x128xf32, #tpu.memory_space<vmem_shared>>
    %dma_start3A_65 = arith.constant 0 : i32
    %dma_start3A_66 = tpu.memref_slice %arg12[%add3A_62, %dma_start3A_65] : memref<10008x128xf32, #tpu.memory_space<vmem_shared>> -> memref<24x128xf32, #tpu.memory_space<vmem_shared>>
    tpu.enqueue_dma source(%arg6 : memref<24x128xf32, #tpu.memory_space<vmem>>) target(%dma_start3A_66 : memref<24x128xf32, #tpu.memory_space<vmem_shared>>) target_semaphore(%arg14 : memref<!tpu.dma_semaphore, #tpu.memory_space<semaphore_mem>>)
    %mul3A_67 = arith.constant 624 : i32
    %mul3A_68 = arith.muli %arg1, %mul3A_67 : i32
    %add3A_69 = arith.constant 144 : i32
    %add3A_70 = arith.addi %mul3A_68, %add3A_69 : i32
    %dma_start3A_71 = arith.constant 0 : i32
    %dma_start3A_72 = tpu.memref_slice %arg12[%add3A_70, %dma_start3A_71] : memref<10008x128xf32, #tpu.memory_space<vmem_shared>> -> memref<24x128xf32, #tpu.memory_space<vmem_shared>>
    %dma_start3A_73 = arith.constant 0 : i32
    %dma_start3A_74 = tpu.memref_slice %arg12[%add3A_70, %dma_start3A_73] : memref<10008x128xf32, #tpu.memory_space<vmem_shared>> -> memref<24x128xf32, #tpu.memory_space<vmem_shared>>
    tpu.enqueue_dma source(%arg6 : memref<24x128xf32, #tpu.memory_space<vmem>>) target(%dma_start3A_74 : memref<24x128xf32, #tpu.memory_space<vmem_shared>>) target_semaphore(%arg14 : memref<!tpu.dma_semaphore, #tpu.memory_space<semaphore_mem>>)
    %mul3A_75 = arith.constant 624 : i32
    %mul3A_76 = arith.muli %arg1, %mul3A_75 : i32
    %add3A_77 = arith.constant 168 : i32
    %add3A_78 = arith.addi %mul3A_76, %add3A_77 : i32
    %dma_start3A_79 = arith.constant 0 : i32
    %dma_start3A_80 = tpu.memref_slice %arg12[%add3A_78, %dma_start3A_79] : memref<10008x128xf32, #tpu.memory_space<vmem_shared>> -> memref<24x128xf32, #tpu.memory_space<vmem_shared>>
    %dma_start3A_81 = arith.constant 0 : i32
    %dma_start3A_82 = tpu.memref_slice %arg12[%add3A_78, %dma_start3A_81] : memref<10008x128xf32, #tpu.memory_space<vmem_shared>> -> memref<24x128xf32, #tpu.memory_space<vmem_shared>>
    tpu.enqueue_dma source(%arg6 : memref<24x128xf32, #tpu.memory_space<vmem>>) target(%dma_start3A_82 : memref<24x128xf32, #tpu.memory_space<vmem_shared>>) target_semaphore(%arg14 : memref<!tpu.dma_semaphore, #tpu.memory_space<semaphore_mem>>)
    %mul3A_83 = arith.constant 624 : i32
    %mul3A_84 = arith.muli %arg1, %mul3A_83 : i32
    %add3A_85 = arith.constant 192 : i32
    %add3A_86 = arith.addi %mul3A_84, %add3A_85 : i32
    %dma_start3A_87 = arith.constant 0 : i32
    %dma_start3A_88 = tpu.memref_slice %arg12[%add3A_86, %dma_start3A_87] : memref<10008x128xf32, #tpu.memory_space<vmem_shared>> -> memref<24x128xf32, #tpu.memory_space<vmem_shared>>
    %dma_start3A_89 = arith.constant 0 : i32
    %dma_start3A_90 = tpu.memref_slice %arg12[%add3A_86, %dma_start3A_89] : memref<10008x128xf32, #tpu.memory_space<vmem_shared>> -> memref<24x128xf32, #tpu.memory_space<vmem_shared>>
    tpu.enqueue_dma source(%arg6 : memref<24x128xf32, #tpu.memory_space<vmem>>) target(%dma_start3A_90 : memref<24x128xf32, #tpu.memory_space<vmem_shared>>) target_semaphore(%arg14 : memref<!tpu.dma_semaphore, #tpu.memory_space<semaphore_mem>>)
    %mul3A_91 = arith.constant 624 : i32
    %mul3A_92 = arith.muli %arg1, %mul3A_91 : i32
    %add3A_93 = arith.constant 216 : i32
    %add3A_94 = arith.addi %mul3A_92, %add3A_93 : i32
    %dma_start3A_95 = arith.constant 0 : i32
    %dma_start3A_96 = tpu.memref_slice %arg12[%add3A_94, %dma_start3A_95] : memref<10008x128xf32, #tpu.memory_space<vmem_shared>> -> memref<24x128xf32, #tpu.memory_space<vmem_shared>>
    %dma_start3A_97 = arith.constant 0 : i32
    %dma_start3A_98 = tpu.memref_slice %arg12[%add3A_94, %dma_start3A_97] : memref<10008x128xf32, #tpu.memory_space<vmem_shared>> -> memref<24x128xf32, #tpu.memory_space<vmem_shared>>
    tpu.enqueue_dma source(%arg6 : memref<24x128xf32, #tpu.memory_space<vmem>>) target(%dma_start3A_98 : memref<24x128xf32, #tpu.memory_space<vmem_shared>>) target_semaphore(%arg14 : memref<!tpu.dma_semaphore, #tpu.memory_space<semaphore_mem>>)
    %mul3A_99 = arith.constant 624 : i32
    %mul3A_100 = arith.muli %arg1, %mul3A_99 : i32
    %add3A_101 = arith.constant 240 : i32
    %add3A_102 = arith.addi %mul3A_100, %add3A_101 : i32
    %dma_start3A_103 = arith.constant 0 : i32
    %dma_start3A_104 = tpu.memref_slice %arg12[%add3A_102, %dma_start3A_103] : memref<10008x128xf32, #tpu.memory_space<vmem_shared>> -> memref<24x128xf32, #tpu.memory_space<vmem_shared>>
    %dma_start3A_105 = arith.constant 0 : i32
    %dma_start3A_106 = tpu.memref_slice %arg12[%add3A_102, %dma_start3A_105] : memref<10008x128xf32, #tpu.memory_space<vmem_shared>> -> memref<24x128xf32, #tpu.memory_space<vmem_shared>>
    tpu.enqueue_dma source(%arg6 : memref<24x128xf32, #tpu.memory_space<vmem>>) target(%dma_start3A_106 : memref<24x128xf32, #tpu.memory_space<vmem_shared>>) target_semaphore(%arg14 : memref<!tpu.dma_semaphore, #tpu.memory_space<semaphore_mem>>)
    %mul3A_107 = arith.constant 624 : i32
    %mul3A_108 = arith.muli %arg1, %mul3A_107 : i32
    %add3A_109 = arith.constant 264 : i32
    %add3A_110 = arith.addi %mul3A_108, %add3A_109 : i32
    %dma_start3A_111 = arith.constant 0 : i32
    %dma_start3A_112 = tpu.memref_slice %arg12[%add3A_110, %dma_start3A_111] : memref<10008x128xf32, #tpu.memory_space<vmem_shared>> -> memref<24x128xf32, #tpu.memory_space<vmem_shared>>
    %dma_start3A_113 = arith.constant 0 : i32
    %dma_start3A_114 = tpu.memref_slice %arg12[%add3A_110, %dma_start3A_113] : memref<10008x128xf32, #tpu.memory_space<vmem_shared>> -> memref<24x128xf32, #tpu.memory_space<vmem_shared>>
    tpu.enqueue_dma source(%arg6 : memref<24x128xf32, #tpu.memory_space<vmem>>) target(%dma_start3A_114 : memref<24x128xf32, #tpu.memory_space<vmem_shared>>) target_semaphore(%arg14 : memref<!tpu.dma_semaphore, #tpu.memory_space<semaphore_mem>>)
    %mul3A_115 = arith.constant 624 : i32
    %mul3A_116 = arith.muli %arg1, %mul3A_115 : i32
    %add3A_117 = arith.constant 288 : i32
    %add3A_118 = arith.addi %mul3A_116, %add3A_117 : i32
    %dma_start3A_119 = arith.constant 0 : i32
    %dma_start3A_120 = tpu.memref_slice %arg12[%add3A_118, %dma_start3A_119] : memref<10008x128xf32, #tpu.memory_space<vmem_shared>> -> memref<24x128xf32, #tpu.memory_space<vmem_shared>>
    %dma_start3A_121 = arith.constant 0 : i32
    %dma_start3A_122 = tpu.memref_slice %arg12[%add3A_118, %dma_start3A_121] : memref<10008x128xf32, #tpu.memory_space<vmem_shared>> -> memref<24x128xf32, #tpu.memory_space<vmem_shared>>
    tpu.enqueue_dma source(%arg6 : memref<24x128xf32, #tpu.memory_space<vmem>>) target(%dma_start3A_122 : memref<24x128xf32, #tpu.memory_space<vmem_shared>>) target_semaphore(%arg14 : memref<!tpu.dma_semaphore, #tpu.memory_space<semaphore_mem>>)
    %mul3A_123 = arith.constant 624 : i32
    %mul3A_124 = arith.muli %arg1, %mul3A_123 : i32
    %add3A_125 = arith.constant 312 : i32
    %add3A_126 = arith.addi %mul3A_124, %add3A_125 : i32
    %dma_start3A_127 = arith.constant 0 : i32
    %dma_start3A_128 = tpu.memref_slice %arg12[%add3A_126, %dma_start3A_127] : memref<10008x128xf32, #tpu.memory_space<vmem_shared>> -> memref<24x128xf32, #tpu.memory_space<vmem_shared>>
    %dma_start3A_129 = arith.constant 0 : i32
    %dma_start3A_130 = tpu.memref_slice %arg12[%add3A_126, %dma_start3A_129] : memref<10008x128xf32, #tpu.memory_space<vmem_shared>> -> memref<24x128xf32, #tpu.memory_space<vmem_shared>>
    tpu.enqueue_dma source(%arg6 : memref<24x128xf32, #tpu.memory_space<vmem>>) target(%dma_start3A_130 : memref<24x128xf32, #tpu.memory_space<vmem_shared>>) target_semaphore(%arg14 : memref<!tpu.dma_semaphore, #tpu.memory_space<semaphore_mem>>)
    %mul3A_131 = arith.constant 624 : i32
    %mul3A_132 = arith.muli %arg1, %mul3A_131 : i32
    %add3A_133 = arith.constant 336 : i32
    %add3A_134 = arith.addi %mul3A_132, %add3A_133 : i32
    %dma_start3A_135 = arith.constant 0 : i32
    %dma_start3A_136 = tpu.memref_slice %arg12[%add3A_134, %dma_start3A_135] : memref<10008x128xf32, #tpu.memory_space<vmem_shared>> -> memref<24x128xf32, #tpu.memory_space<vmem_shared>>
    %dma_start3A_137 = arith.constant 0 : i32
    %dma_start3A_138 = tpu.memref_slice %arg12[%add3A_134, %dma_start3A_137] : memref<10008x128xf32, #tpu.memory_space<vmem_shared>> -> memref<24x128xf32, #tpu.memory_space<vmem_shared>>
    tpu.enqueue_dma source(%arg6 : memref<24x128xf32, #tpu.memory_space<vmem>>) target(%dma_start3A_138 : memref<24x128xf32, #tpu.memory_space<vmem_shared>>) target_semaphore(%arg14 : memref<!tpu.dma_semaphore, #tpu.memory_space<semaphore_mem>>)
    %mul3A_139 = arith.constant 624 : i32
    %mul3A_140 = arith.muli %arg1, %mul3A_139 : i32
    %add3A_141 = arith.constant 360 : i32
    %add3A_142 = arith.addi %mul3A_140, %add3A_141 : i32
    %dma_start3A_143 = arith.constant 0 : i32
    %dma_start3A_144 = tpu.memref_slice %arg12[%add3A_142, %dma_start3A_143] : memref<10008x128xf32, #tpu.memory_space<vmem_shared>> -> memref<24x128xf32, #tpu.memory_space<vmem_shared>>
    %dma_start3A_145 = arith.constant 0 : i32
    %dma_start3A_146 = tpu.memref_slice %arg12[%add3A_142, %dma_start3A_145] : memref<10008x128xf32, #tpu.memory_space<vmem_shared>> -> memref<24x128xf32, #tpu.memory_space<vmem_shared>>
    tpu.enqueue_dma source(%arg6 : memref<24x128xf32, #tpu.memory_space<vmem>>) target(%dma_start3A_146 : memref<24x128xf32, #tpu.memory_space<vmem_shared>>) target_semaphore(%arg14 : memref<!tpu.dma_semaphore, #tpu.memory_space<semaphore_mem>>)
    %mul3A_147 = arith.constant 624 : i32
    %mul3A_148 = arith.muli %arg1, %mul3A_147 : i32
    %add3A_149 = arith.constant 384 : i32
    %add3A_150 = arith.addi %mul3A_148, %add3A_149 : i32
    %dma_start3A_151 = arith.constant 0 : i32
    %dma_start3A_152 = tpu.memref_slice %arg12[%add3A_150, %dma_start3A_151] : memref<10008x128xf32, #tpu.memory_space<vmem_shared>> -> memref<24x128xf32, #tpu.memory_space<vmem_shared>>
    %dma_start3A_153 = arith.constant 0 : i32
    %dma_start3A_154 = tpu.memref_slice %arg12[%add3A_150, %dma_start3A_153] : memref<10008x128xf32, #tpu.memory_space<vmem_shared>> -> memref<24x128xf32, #tpu.memory_space<vmem_shared>>
    tpu.enqueue_dma source(%arg6 : memref<24x128xf32, #tpu.memory_space<vmem>>) target(%dma_start3A_154 : memref<24x128xf32, #tpu.memory_space<vmem_shared>>) target_semaphore(%arg14 : memref<!tpu.dma_semaphore, #tpu.memory_space<semaphore_mem>>)
    %mul3A_155 = arith.constant 624 : i32
    %mul3A_156 = arith.muli %arg1, %mul3A_155 : i32
    %add3A_157 = arith.constant 408 : i32
    %add3A_158 = arith.addi %mul3A_156, %add3A_157 : i32
    %dma_start3A_159 = arith.constant 0 : i32
    %dma_start3A_160 = tpu.memref_slice %arg12[%add3A_158, %dma_start3A_159] : memref<10008x128xf32, #tpu.memory_space<vmem_shared>> -> memref<24x128xf32, #tpu.memory_space<vmem_shared>>
    %dma_start3A_161 = arith.constant 0 : i32
    %dma_start3A_162 = tpu.memref_slice %arg12[%add3A_158, %dma_start3A_161] : memref<10008x128xf32, #tpu.memory_space<vmem_shared>> -> memref<24x128xf32, #tpu.memory_space<vmem_shared>>
    tpu.enqueue_dma source(%arg6 : memref<24x128xf32, #tpu.memory_space<vmem>>) target(%dma_start3A_162 : memref<24x128xf32, #tpu.memory_space<vmem_shared>>) target_semaphore(%arg14 : memref<!tpu.dma_semaphore, #tpu.memory_space<semaphore_mem>>)
    %mul3A_163 = arith.constant 624 : i32
    %mul3A_164 = arith.muli %arg1, %mul3A_163 : i32
    %add3A_165 = arith.constant 432 : i32
    %add3A_166 = arith.addi %mul3A_164, %add3A_165 : i32
    %dma_start3A_167 = arith.constant 0 : i32
    %dma_start3A_168 = tpu.memref_slice %arg12[%add3A_166, %dma_start3A_167] : memref<10008x128xf32, #tpu.memory_space<vmem_shared>> -> memref<24x128xf32, #tpu.memory_space<vmem_shared>>
    %dma_start3A_169 = arith.constant 0 : i32
    %dma_start3A_170 = tpu.memref_slice %arg12[%add3A_166, %dma_start3A_169] : memref<10008x128xf32, #tpu.memory_space<vmem_shared>> -> memref<24x128xf32, #tpu.memory_space<vmem_shared>>
    tpu.enqueue_dma source(%arg6 : memref<24x128xf32, #tpu.memory_space<vmem>>) target(%dma_start3A_170 : memref<24x128xf32, #tpu.memory_space<vmem_shared>>) target_semaphore(%arg14 : memref<!tpu.dma_semaphore, #tpu.memory_space<semaphore_mem>>)
    %mul3A_171 = arith.constant 624 : i32
    %mul3A_172 = arith.muli %arg1, %mul3A_171 : i32
    %add3A_173 = arith.constant 456 : i32
    %add3A_174 = arith.addi %mul3A_172, %add3A_173 : i32
    %dma_start3A_175 = arith.constant 0 : i32
    %dma_start3A_176 = tpu.memref_slice %arg12[%add3A_174, %dma_start3A_175] : memref<10008x128xf32, #tpu.memory_space<vmem_shared>> -> memref<24x128xf32, #tpu.memory_space<vmem_shared>>
    %dma_start3A_177 = arith.constant 0 : i32
    %dma_start3A_178 = tpu.memref_slice %arg12[%add3A_174, %dma_start3A_177] : memref<10008x128xf32, #tpu.memory_space<vmem_shared>> -> memref<24x128xf32, #tpu.memory_space<vmem_shared>>
    tpu.enqueue_dma source(%arg6 : memref<24x128xf32, #tpu.memory_space<vmem>>) target(%dma_start3A_178 : memref<24x128xf32, #tpu.memory_space<vmem_shared>>) target_semaphore(%arg14 : memref<!tpu.dma_semaphore, #tpu.memory_space<semaphore_mem>>)
    %mul3A_179 = arith.constant 624 : i32
    %mul3A_180 = arith.muli %arg1, %mul3A_179 : i32
    %add3A_181 = arith.constant 480 : i32
    %add3A_182 = arith.addi %mul3A_180, %add3A_181 : i32
    %dma_start3A_183 = arith.constant 0 : i32
    %dma_start3A_184 = tpu.memref_slice %arg12[%add3A_182, %dma_start3A_183] : memref<10008x128xf32, #tpu.memory_space<vmem_shared>> -> memref<24x128xf32, #tpu.memory_space<vmem_shared>>
    %dma_start3A_185 = arith.constant 0 : i32
    %dma_start3A_186 = tpu.memref_slice %arg12[%add3A_182, %dma_start3A_185] : memref<10008x128xf32, #tpu.memory_space<vmem_shared>> -> memref<24x128xf32, #tpu.memory_space<vmem_shared>>
    tpu.enqueue_dma source(%arg6 : memref<24x128xf32, #tpu.memory_space<vmem>>) target(%dma_start3A_186 : memref<24x128xf32, #tpu.memory_space<vmem_shared>>) target_semaphore(%arg14 : memref<!tpu.dma_semaphore, #tpu.memory_space<semaphore_mem>>)
    %mul3A_187 = arith.constant 624 : i32
    %mul3A_188 = arith.muli %arg1, %mul3A_187 : i32
    %add3A_189 = arith.constant 504 : i32
    %add3A_190 = arith.addi %mul3A_188, %add3A_189 : i32
    %dma_start3A_191 = arith.constant 0 : i32
    %dma_start3A_192 = tpu.memref_slice %arg12[%add3A_190, %dma_start3A_191] : memref<10008x128xf32, #tpu.memory_space<vmem_shared>> -> memref<24x128xf32, #tpu.memory_space<vmem_shared>>
    %dma_start3A_193 = arith.constant 0 : i32
    %dma_start3A_194 = tpu.memref_slice %arg12[%add3A_190, %dma_start3A_193] : memref<10008x128xf32, #tpu.memory_space<vmem_shared>> -> memref<24x128xf32, #tpu.memory_space<vmem_shared>>
    tpu.enqueue_dma source(%arg6 : memref<24x128xf32, #tpu.memory_space<vmem>>) target(%dma_start3A_194 : memref<24x128xf32, #tpu.memory_space<vmem_shared>>) target_semaphore(%arg14 : memref<!tpu.dma_semaphore, #tpu.memory_space<semaphore_mem>>)
    %mul3A_195 = arith.constant 624 : i32
    %mul3A_196 = arith.muli %arg1, %mul3A_195 : i32
    %add3A_197 = arith.constant 528 : i32
    %add3A_198 = arith.addi %mul3A_196, %add3A_197 : i32
    %dma_start3A_199 = arith.constant 0 : i32
    %dma_start3A_200 = tpu.memref_slice %arg12[%add3A_198, %dma_start3A_199] : memref<10008x128xf32, #tpu.memory_space<vmem_shared>> -> memref<24x128xf32, #tpu.memory_space<vmem_shared>>
    %dma_start3A_201 = arith.constant 0 : i32
    %dma_start3A_202 = tpu.memref_slice %arg12[%add3A_198, %dma_start3A_201] : memref<10008x128xf32, #tpu.memory_space<vmem_shared>> -> memref<24x128xf32, #tpu.memory_space<vmem_shared>>
    tpu.enqueue_dma source(%arg6 : memref<24x128xf32, #tpu.memory_space<vmem>>) target(%dma_start3A_202 : memref<24x128xf32, #tpu.memory_space<vmem_shared>>) target_semaphore(%arg14 : memref<!tpu.dma_semaphore, #tpu.memory_space<semaphore_mem>>)
    %mul3A_203 = arith.constant 624 : i32
    %mul3A_204 = arith.muli %arg1, %mul3A_203 : i32
    %add3A_205 = arith.constant 552 : i32
    %add3A_206 = arith.addi %mul3A_204, %add3A_205 : i32
    %dma_start3A_207 = arith.constant 0 : i32
    %dma_start3A_208 = tpu.memref_slice %arg12[%add3A_206, %dma_start3A_207] : memref<10008x128xf32, #tpu.memory_space<vmem_shared>> -> memref<24x128xf32, #tpu.memory_space<vmem_shared>>
    %dma_start3A_209 = arith.constant 0 : i32
    %dma_start3A_210 = tpu.memref_slice %arg12[%add3A_206, %dma_start3A_209] : memref<10008x128xf32, #tpu.memory_space<vmem_shared>> -> memref<24x128xf32, #tpu.memory_space<vmem_shared>>
    tpu.enqueue_dma source(%arg6 : memref<24x128xf32, #tpu.memory_space<vmem>>) target(%dma_start3A_210 : memref<24x128xf32, #tpu.memory_space<vmem_shared>>) target_semaphore(%arg14 : memref<!tpu.dma_semaphore, #tpu.memory_space<semaphore_mem>>)
    %mul3A_211 = arith.constant 624 : i32
    %mul3A_212 = arith.muli %arg1, %mul3A_211 : i32
    %add3A_213 = arith.constant 576 : i32
    %add3A_214 = arith.addi %mul3A_212, %add3A_213 : i32
    %dma_start3A_215 = arith.constant 0 : i32
    %dma_start3A_216 = tpu.memref_slice %arg12[%add3A_214, %dma_start3A_215] : memref<10008x128xf32, #tpu.memory_space<vmem_shared>> -> memref<24x128xf32, #tpu.memory_space<vmem_shared>>
    %dma_start3A_217 = arith.constant 0 : i32
    %dma_start3A_218 = tpu.memref_slice %arg12[%add3A_214, %dma_start3A_217] : memref<10008x128xf32, #tpu.memory_space<vmem_shared>> -> memref<24x128xf32, #tpu.memory_space<vmem_shared>>
    tpu.enqueue_dma source(%arg6 : memref<24x128xf32, #tpu.memory_space<vmem>>) target(%dma_start3A_218 : memref<24x128xf32, #tpu.memory_space<vmem_shared>>) target_semaphore(%arg14 : memref<!tpu.dma_semaphore, #tpu.memory_space<semaphore_mem>>)
    %mul3A_219 = arith.constant 624 : i32
    %mul3A_220 = arith.muli %arg1, %mul3A_219 : i32
    %add3A_221 = arith.constant 600 : i32
    %add3A_222 = arith.addi %mul3A_220, %add3A_221 : i32
    %dma_start3A_223 = arith.constant 0 : i32
    %dma_start3A_224 = tpu.memref_slice %arg12[%add3A_222, %dma_start3A_223] : memref<10008x128xf32, #tpu.memory_space<vmem_shared>> -> memref<24x128xf32, #tpu.memory_space<vmem_shared>>
    %dma_start3A_225 = arith.constant 0 : i32
    %dma_start3A_226 = tpu.memref_slice %arg12[%add3A_222, %dma_start3A_225] : memref<10008x128xf32, #tpu.memory_space<vmem_shared>> -> memref<24x128xf32, #tpu.memory_space<vmem_shared>>
    tpu.enqueue_dma source(%arg6 : memref<24x128xf32, #tpu.memory_space<vmem>>) target(%dma_start3A_226 : memref<24x128xf32, #tpu.memory_space<vmem_shared>>) target_semaphore(%arg14 : memref<!tpu.dma_semaphore, #tpu.memory_space<semaphore_mem>>)
    %eq3A = arith.constant 0 : i32
    %eq3A_227 = arith.cmpi eq, %arg1, %eq3A : i32
    %convert_element_type3A = arith.extui %eq3A_227 : i1 to i32
    %cond3A = arith.constant 0 : i32
    %cond3A_228 = arith.cmpi ne, %convert_element_type3A, %cond3A : i32
    scf.if %cond3A_228 {
      %dma_start3A_472 = arith.constant 9984 : i32
      %dma_start3A_473 = arith.constant 0 : i32
      %dma_start3A_474 = tpu.memref_slice %arg12[%dma_start3A_472, %dma_start3A_473] : memref<10008x128xf32, #tpu.memory_space<vmem_shared>> -> memref<24x128xf32, #tpu.memory_space<vmem_shared>>
      %dma_start3A_475 = arith.constant 9984 : i32
      %dma_start3A_476 = arith.constant 0 : i32
      %dma_start3A_477 = tpu.memref_slice %arg12[%dma_start3A_475, %dma_start3A_476] : memref<10008x128xf32, #tpu.memory_space<vmem_shared>> -> memref<24x128xf32, #tpu.memory_space<vmem_shared>>
      tpu.enqueue_dma source(%arg6 : memref<24x128xf32, #tpu.memory_space<vmem>>) target(%dma_start3A_477 : memref<24x128xf32, #tpu.memory_space<vmem_shared>>) target_semaphore(%arg14 : memref<!tpu.dma_semaphore, #tpu.memory_space<semaphore_mem>>)
    } else {
    }
    %mul3A_229 = arith.constant 624 : i32
    %mul3A_230 = arith.muli %arg1, %mul3A_229 : i32
    %add3A_231 = arith.constant 0 : i32
    %add3A_232 = arith.addi %mul3A_230, %add3A_231 : i32
    %dma_wait3A = arith.constant 0 : i32
    %dma_wait3A_233 = tpu.memref_slice %arg12[%add3A_232, %dma_wait3A] : memref<10008x128xf32, #tpu.memory_space<vmem_shared>> -> memref<24x128xf32, #tpu.memory_space<vmem_shared>>
    %dma_wait3A_234 = arith.constant 0 : i32
    %dma_wait3A_235 = tpu.memref_slice %arg12[%add3A_232, %dma_wait3A_234] : memref<10008x128xf32, #tpu.memory_space<vmem_shared>> -> memref<24x128xf32, #tpu.memory_space<vmem_shared>>
    tpu.wait_dma2 semaphore(%arg14 : memref<!tpu.dma_semaphore, #tpu.memory_space<semaphore_mem>>) src(%arg6 : memref<24x128xf32, #tpu.memory_space<vmem>>) dst(%dma_wait3A_235 : memref<24x128xf32, #tpu.memory_space<vmem_shared>>)
    %mul3A_236 = arith.constant 624 : i32
    %mul3A_237 = arith.muli %arg1, %mul3A_236 : i32
    %add3A_238 = arith.constant 24 : i32
    %add3A_239 = arith.addi %mul3A_237, %add3A_238 : i32
    %dma_wait3A_240 = arith.constant 0 : i32
    %dma_wait3A_241 = tpu.memref_slice %arg12[%add3A_239, %dma_wait3A_240] : memref<10008x128xf32, #tpu.memory_space<vmem_shared>> -> memref<24x128xf32, #tpu.memory_space<vmem_shared>>
    %dma_wait3A_242 = arith.constant 0 : i32
    %dma_wait3A_243 = tpu.memref_slice %arg12[%add3A_239, %dma_wait3A_242] : memref<10008x128xf32, #tpu.memory_space<vmem_shared>> -> memref<24x128xf32, #tpu.memory_space<vmem_shared>>
    tpu.wait_dma2 semaphore(%arg14 : memref<!tpu.dma_semaphore, #tpu.memory_space<semaphore_mem>>) src(%arg6 : memref<24x128xf32, #tpu.memory_space<vmem>>) dst(%dma_wait3A_243 : memref<24x128xf32, #tpu.memory_space<vmem_shared>>)
    %mul3A_244 = arith.constant 624 : i32
    %mul3A_245 = arith.muli %arg1, %mul3A_244 : i32
    %add3A_246 = arith.constant 48 : i32
    %add3A_247 = arith.addi %mul3A_245, %add3A_246 : i32
    %dma_wait3A_248 = arith.constant 0 : i32
    %dma_wait3A_249 = tpu.memref_slice %arg12[%add3A_247, %dma_wait3A_248] : memref<10008x128xf32, #tpu.memory_space<vmem_shared>> -> memref<24x128xf32, #tpu.memory_space<vmem_shared>>
    %dma_wait3A_250 = arith.constant 0 : i32
    %dma_wait3A_251 = tpu.memref_slice %arg12[%add3A_247, %dma_wait3A_250] : memref<10008x128xf32, #tpu.memory_space<vmem_shared>> -> memref<24x128xf32, #tpu.memory_space<vmem_shared>>
    tpu.wait_dma2 semaphore(%arg14 : memref<!tpu.dma_semaphore, #tpu.memory_space<semaphore_mem>>) src(%arg6 : memref<24x128xf32, #tpu.memory_space<vmem>>) dst(%dma_wait3A_251 : memref<24x128xf32, #tpu.memory_space<vmem_shared>>)
    %mul3A_252 = arith.constant 624 : i32
    %mul3A_253 = arith.muli %arg1, %mul3A_252 : i32
    %add3A_254 = arith.constant 72 : i32
    %add3A_255 = arith.addi %mul3A_253, %add3A_254 : i32
    %dma_wait3A_256 = arith.constant 0 : i32
    %dma_wait3A_257 = tpu.memref_slice %arg12[%add3A_255, %dma_wait3A_256] : memref<10008x128xf32, #tpu.memory_space<vmem_shared>> -> memref<24x128xf32, #tpu.memory_space<vmem_shared>>
    %dma_wait3A_258 = arith.constant 0 : i32
    %dma_wait3A_259 = tpu.memref_slice %arg12[%add3A_255, %dma_wait3A_258] : memref<10008x128xf32, #tpu.memory_space<vmem_shared>> -> memref<24x128xf32, #tpu.memory_space<vmem_shared>>
    tpu.wait_dma2 semaphore(%arg14 : memref<!tpu.dma_semaphore, #tpu.memory_space<semaphore_mem>>) src(%arg6 : memref<24x128xf32, #tpu.memory_space<vmem>>) dst(%dma_wait3A_259 : memref<24x128xf32, #tpu.memory_space<vmem_shared>>)
    %mul3A_260 = arith.constant 624 : i32
    %mul3A_261 = arith.muli %arg1, %mul3A_260 : i32
    %add3A_262 = arith.constant 96 : i32
    %add3A_263 = arith.addi %mul3A_261, %add3A_262 : i32
    %dma_wait3A_264 = arith.constant 0 : i32
    %dma_wait3A_265 = tpu.memref_slice %arg12[%add3A_263, %dma_wait3A_264] : memref<10008x128xf32, #tpu.memory_space<vmem_shared>> -> memref<24x128xf32, #tpu.memory_space<vmem_shared>>
    %dma_wait3A_266 = arith.constant 0 : i32
    %dma_wait3A_267 = tpu.memref_slice %arg12[%add3A_263, %dma_wait3A_266] : memref<10008x128xf32, #tpu.memory_space<vmem_shared>> -> memref<24x128xf32, #tpu.memory_space<vmem_shared>>
    tpu.wait_dma2 semaphore(%arg14 : memref<!tpu.dma_semaphore, #tpu.memory_space<semaphore_mem>>) src(%arg6 : memref<24x128xf32, #tpu.memory_space<vmem>>) dst(%dma_wait3A_267 : memref<24x128xf32, #tpu.memory_space<vmem_shared>>)
    %mul3A_268 = arith.constant 624 : i32
    %mul3A_269 = arith.muli %arg1, %mul3A_268 : i32
    %add3A_270 = arith.constant 120 : i32
    %add3A_271 = arith.addi %mul3A_269, %add3A_270 : i32
    %dma_wait3A_272 = arith.constant 0 : i32
    %dma_wait3A_273 = tpu.memref_slice %arg12[%add3A_271, %dma_wait3A_272] : memref<10008x128xf32, #tpu.memory_space<vmem_shared>> -> memref<24x128xf32, #tpu.memory_space<vmem_shared>>
    %dma_wait3A_274 = arith.constant 0 : i32
    %dma_wait3A_275 = tpu.memref_slice %arg12[%add3A_271, %dma_wait3A_274] : memref<10008x128xf32, #tpu.memory_space<vmem_shared>> -> memref<24x128xf32, #tpu.memory_space<vmem_shared>>
    tpu.wait_dma2 semaphore(%arg14 : memref<!tpu.dma_semaphore, #tpu.memory_space<semaphore_mem>>) src(%arg6 : memref<24x128xf32, #tpu.memory_space<vmem>>) dst(%dma_wait3A_275 : memref<24x128xf32, #tpu.memory_space<vmem_shared>>)
    %mul3A_276 = arith.constant 624 : i32
    %mul3A_277 = arith.muli %arg1, %mul3A_276 : i32
    %add3A_278 = arith.constant 144 : i32
    %add3A_279 = arith.addi %mul3A_277, %add3A_278 : i32
    %dma_wait3A_280 = arith.constant 0 : i32
    %dma_wait3A_281 = tpu.memref_slice %arg12[%add3A_279, %dma_wait3A_280] : memref<10008x128xf32, #tpu.memory_space<vmem_shared>> -> memref<24x128xf32, #tpu.memory_space<vmem_shared>>
    %dma_wait3A_282 = arith.constant 0 : i32
    %dma_wait3A_283 = tpu.memref_slice %arg12[%add3A_279, %dma_wait3A_282] : memref<10008x128xf32, #tpu.memory_space<vmem_shared>> -> memref<24x128xf32, #tpu.memory_space<vmem_shared>>
    tpu.wait_dma2 semaphore(%arg14 : memref<!tpu.dma_semaphore, #tpu.memory_space<semaphore_mem>>) src(%arg6 : memref<24x128xf32, #tpu.memory_space<vmem>>) dst(%dma_wait3A_283 : memref<24x128xf32, #tpu.memory_space<vmem_shared>>)
    %mul3A_284 = arith.constant 624 : i32
    %mul3A_285 = arith.muli %arg1, %mul3A_284 : i32
    %add3A_286 = arith.constant 168 : i32
    %add3A_287 = arith.addi %mul3A_285, %add3A_286 : i32
    %dma_wait3A_288 = arith.constant 0 : i32
    %dma_wait3A_289 = tpu.memref_slice %arg12[%add3A_287, %dma_wait3A_288] : memref<10008x128xf32, #tpu.memory_space<vmem_shared>> -> memref<24x128xf32, #tpu.memory_space<vmem_shared>>
    %dma_wait3A_290 = arith.constant 0 : i32
    %dma_wait3A_291 = tpu.memref_slice %arg12[%add3A_287, %dma_wait3A_290] : memref<10008x128xf32, #tpu.memory_space<vmem_shared>> -> memref<24x128xf32, #tpu.memory_space<vmem_shared>>
    tpu.wait_dma2 semaphore(%arg14 : memref<!tpu.dma_semaphore, #tpu.memory_space<semaphore_mem>>) src(%arg6 : memref<24x128xf32, #tpu.memory_space<vmem>>) dst(%dma_wait3A_291 : memref<24x128xf32, #tpu.memory_space<vmem_shared>>)
    %mul3A_292 = arith.constant 624 : i32
    %mul3A_293 = arith.muli %arg1, %mul3A_292 : i32
    %add3A_294 = arith.constant 192 : i32
    %add3A_295 = arith.addi %mul3A_293, %add3A_294 : i32
    %dma_wait3A_296 = arith.constant 0 : i32
    %dma_wait3A_297 = tpu.memref_slice %arg12[%add3A_295, %dma_wait3A_296] : memref<10008x128xf32, #tpu.memory_space<vmem_shared>> -> memref<24x128xf32, #tpu.memory_space<vmem_shared>>
    %dma_wait3A_298 = arith.constant 0 : i32
    %dma_wait3A_299 = tpu.memref_slice %arg12[%add3A_295, %dma_wait3A_298] : memref<10008x128xf32, #tpu.memory_space<vmem_shared>> -> memref<24x128xf32, #tpu.memory_space<vmem_shared>>
    tpu.wait_dma2 semaphore(%arg14 : memref<!tpu.dma_semaphore, #tpu.memory_space<semaphore_mem>>) src(%arg6 : memref<24x128xf32, #tpu.memory_space<vmem>>) dst(%dma_wait3A_299 : memref<24x128xf32, #tpu.memory_space<vmem_shared>>)
    %mul3A_300 = arith.constant 624 : i32
    %mul3A_301 = arith.muli %arg1, %mul3A_300 : i32
    %add3A_302 = arith.constant 216 : i32
    %add3A_303 = arith.addi %mul3A_301, %add3A_302 : i32
    %dma_wait3A_304 = arith.constant 0 : i32
    %dma_wait3A_305 = tpu.memref_slice %arg12[%add3A_303, %dma_wait3A_304] : memref<10008x128xf32, #tpu.memory_space<vmem_shared>> -> memref<24x128xf32, #tpu.memory_space<vmem_shared>>
    %dma_wait3A_306 = arith.constant 0 : i32
    %dma_wait3A_307 = tpu.memref_slice %arg12[%add3A_303, %dma_wait3A_306] : memref<10008x128xf32, #tpu.memory_space<vmem_shared>> -> memref<24x128xf32, #tpu.memory_space<vmem_shared>>
    tpu.wait_dma2 semaphore(%arg14 : memref<!tpu.dma_semaphore, #tpu.memory_space<semaphore_mem>>) src(%arg6 : memref<24x128xf32, #tpu.memory_space<vmem>>) dst(%dma_wait3A_307 : memref<24x128xf32, #tpu.memory_space<vmem_shared>>)
    %mul3A_308 = arith.constant 624 : i32
    %mul3A_309 = arith.muli %arg1, %mul3A_308 : i32
    %add3A_310 = arith.constant 240 : i32
    %add3A_311 = arith.addi %mul3A_309, %add3A_310 : i32
    %dma_wait3A_312 = arith.constant 0 : i32
    %dma_wait3A_313 = tpu.memref_slice %arg12[%add3A_311, %dma_wait3A_312] : memref<10008x128xf32, #tpu.memory_space<vmem_shared>> -> memref<24x128xf32, #tpu.memory_space<vmem_shared>>
    %dma_wait3A_314 = arith.constant 0 : i32
    %dma_wait3A_315 = tpu.memref_slice %arg12[%add3A_311, %dma_wait3A_314] : memref<10008x128xf32, #tpu.memory_space<vmem_shared>> -> memref<24x128xf32, #tpu.memory_space<vmem_shared>>
    tpu.wait_dma2 semaphore(%arg14 : memref<!tpu.dma_semaphore, #tpu.memory_space<semaphore_mem>>) src(%arg6 : memref<24x128xf32, #tpu.memory_space<vmem>>) dst(%dma_wait3A_315 : memref<24x128xf32, #tpu.memory_space<vmem_shared>>)
    %mul3A_316 = arith.constant 624 : i32
    %mul3A_317 = arith.muli %arg1, %mul3A_316 : i32
    %add3A_318 = arith.constant 264 : i32
    %add3A_319 = arith.addi %mul3A_317, %add3A_318 : i32
    %dma_wait3A_320 = arith.constant 0 : i32
    %dma_wait3A_321 = tpu.memref_slice %arg12[%add3A_319, %dma_wait3A_320] : memref<10008x128xf32, #tpu.memory_space<vmem_shared>> -> memref<24x128xf32, #tpu.memory_space<vmem_shared>>
    %dma_wait3A_322 = arith.constant 0 : i32
    %dma_wait3A_323 = tpu.memref_slice %arg12[%add3A_319, %dma_wait3A_322] : memref<10008x128xf32, #tpu.memory_space<vmem_shared>> -> memref<24x128xf32, #tpu.memory_space<vmem_shared>>
    tpu.wait_dma2 semaphore(%arg14 : memref<!tpu.dma_semaphore, #tpu.memory_space<semaphore_mem>>) src(%arg6 : memref<24x128xf32, #tpu.memory_space<vmem>>) dst(%dma_wait3A_323 : memref<24x128xf32, #tpu.memory_space<vmem_shared>>)
    %mul3A_324 = arith.constant 624 : i32
    %mul3A_325 = arith.muli %arg1, %mul3A_324 : i32
    %add3A_326 = arith.constant 288 : i32
    %add3A_327 = arith.addi %mul3A_325, %add3A_326 : i32
    %dma_wait3A_328 = arith.constant 0 : i32
    %dma_wait3A_329 = tpu.memref_slice %arg12[%add3A_327, %dma_wait3A_328] : memref<10008x128xf32, #tpu.memory_space<vmem_shared>> -> memref<24x128xf32, #tpu.memory_space<vmem_shared>>
    %dma_wait3A_330 = arith.constant 0 : i32
    %dma_wait3A_331 = tpu.memref_slice %arg12[%add3A_327, %dma_wait3A_330] : memref<10008x128xf32, #tpu.memory_space<vmem_shared>> -> memref<24x128xf32, #tpu.memory_space<vmem_shared>>
    tpu.wait_dma2 semaphore(%arg14 : memref<!tpu.dma_semaphore, #tpu.memory_space<semaphore_mem>>) src(%arg6 : memref<24x128xf32, #tpu.memory_space<vmem>>) dst(%dma_wait3A_331 : memref<24x128xf32, #tpu.memory_space<vmem_shared>>)
    %mul3A_332 = arith.constant 624 : i32
    %mul3A_333 = arith.muli %arg1, %mul3A_332 : i32
    %add3A_334 = arith.constant 312 : i32
    %add3A_335 = arith.addi %mul3A_333, %add3A_334 : i32
    %dma_wait3A_336 = arith.constant 0 : i32
    %dma_wait3A_337 = tpu.memref_slice %arg12[%add3A_335, %dma_wait3A_336] : memref<10008x128xf32, #tpu.memory_space<vmem_shared>> -> memref<24x128xf32, #tpu.memory_space<vmem_shared>>
    %dma_wait3A_338 = arith.constant 0 : i32
    %dma_wait3A_339 = tpu.memref_slice %arg12[%add3A_335, %dma_wait3A_338] : memref<10008x128xf32, #tpu.memory_space<vmem_shared>> -> memref<24x128xf32, #tpu.memory_space<vmem_shared>>
    tpu.wait_dma2 semaphore(%arg14 : memref<!tpu.dma_semaphore, #tpu.memory_space<semaphore_mem>>) src(%arg6 : memref<24x128xf32, #tpu.memory_space<vmem>>) dst(%dma_wait3A_339 : memref<24x128xf32, #tpu.memory_space<vmem_shared>>)
    %mul3A_340 = arith.constant 624 : i32
    %mul3A_341 = arith.muli %arg1, %mul3A_340 : i32
    %add3A_342 = arith.constant 336 : i32
    %add3A_343 = arith.addi %mul3A_341, %add3A_342 : i32
    %dma_wait3A_344 = arith.constant 0 : i32
    %dma_wait3A_345 = tpu.memref_slice %arg12[%add3A_343, %dma_wait3A_344] : memref<10008x128xf32, #tpu.memory_space<vmem_shared>> -> memref<24x128xf32, #tpu.memory_space<vmem_shared>>
    %dma_wait3A_346 = arith.constant 0 : i32
    %dma_wait3A_347 = tpu.memref_slice %arg12[%add3A_343, %dma_wait3A_346] : memref<10008x128xf32, #tpu.memory_space<vmem_shared>> -> memref<24x128xf32, #tpu.memory_space<vmem_shared>>
    tpu.wait_dma2 semaphore(%arg14 : memref<!tpu.dma_semaphore, #tpu.memory_space<semaphore_mem>>) src(%arg6 : memref<24x128xf32, #tpu.memory_space<vmem>>) dst(%dma_wait3A_347 : memref<24x128xf32, #tpu.memory_space<vmem_shared>>)
    %mul3A_348 = arith.constant 624 : i32
    %mul3A_349 = arith.muli %arg1, %mul3A_348 : i32
    %add3A_350 = arith.constant 360 : i32
    %add3A_351 = arith.addi %mul3A_349, %add3A_350 : i32
    %dma_wait3A_352 = arith.constant 0 : i32
    %dma_wait3A_353 = tpu.memref_slice %arg12[%add3A_351, %dma_wait3A_352] : memref<10008x128xf32, #tpu.memory_space<vmem_shared>> -> memref<24x128xf32, #tpu.memory_space<vmem_shared>>
    %dma_wait3A_354 = arith.constant 0 : i32
    %dma_wait3A_355 = tpu.memref_slice %arg12[%add3A_351, %dma_wait3A_354] : memref<10008x128xf32, #tpu.memory_space<vmem_shared>> -> memref<24x128xf32, #tpu.memory_space<vmem_shared>>
    tpu.wait_dma2 semaphore(%arg14 : memref<!tpu.dma_semaphore, #tpu.memory_space<semaphore_mem>>) src(%arg6 : memref<24x128xf32, #tpu.memory_space<vmem>>) dst(%dma_wait3A_355 : memref<24x128xf32, #tpu.memory_space<vmem_shared>>)
    %mul3A_356 = arith.constant 624 : i32
    %mul3A_357 = arith.muli %arg1, %mul3A_356 : i32
    %add3A_358 = arith.constant 384 : i32
    %add3A_359 = arith.addi %mul3A_357, %add3A_358 : i32
    %dma_wait3A_360 = arith.constant 0 : i32
    %dma_wait3A_361 = tpu.memref_slice %arg12[%add3A_359, %dma_wait3A_360] : memref<10008x128xf32, #tpu.memory_space<vmem_shared>> -> memref<24x128xf32, #tpu.memory_space<vmem_shared>>
    %dma_wait3A_362 = arith.constant 0 : i32
    %dma_wait3A_363 = tpu.memref_slice %arg12[%add3A_359, %dma_wait3A_362] : memref<10008x128xf32, #tpu.memory_space<vmem_shared>> -> memref<24x128xf32, #tpu.memory_space<vmem_shared>>
    tpu.wait_dma2 semaphore(%arg14 : memref<!tpu.dma_semaphore, #tpu.memory_space<semaphore_mem>>) src(%arg6 : memref<24x128xf32, #tpu.memory_space<vmem>>) dst(%dma_wait3A_363 : memref<24x128xf32, #tpu.memory_space<vmem_shared>>)
    %mul3A_364 = arith.constant 624 : i32
    %mul3A_365 = arith.muli %arg1, %mul3A_364 : i32
    %add3A_366 = arith.constant 408 : i32
    %add3A_367 = arith.addi %mul3A_365, %add3A_366 : i32
    %dma_wait3A_368 = arith.constant 0 : i32
    %dma_wait3A_369 = tpu.memref_slice %arg12[%add3A_367, %dma_wait3A_368] : memref<10008x128xf32, #tpu.memory_space<vmem_shared>> -> memref<24x128xf32, #tpu.memory_space<vmem_shared>>
    %dma_wait3A_370 = arith.constant 0 : i32
    %dma_wait3A_371 = tpu.memref_slice %arg12[%add3A_367, %dma_wait3A_370] : memref<10008x128xf32, #tpu.memory_space<vmem_shared>> -> memref<24x128xf32, #tpu.memory_space<vmem_shared>>
    tpu.wait_dma2 semaphore(%arg14 : memref<!tpu.dma_semaphore, #tpu.memory_space<semaphore_mem>>) src(%arg6 : memref<24x128xf32, #tpu.memory_space<vmem>>) dst(%dma_wait3A_371 : memref<24x128xf32, #tpu.memory_space<vmem_shared>>)
    %mul3A_372 = arith.constant 624 : i32
    %mul3A_373 = arith.muli %arg1, %mul3A_372 : i32
    %add3A_374 = arith.constant 432 : i32
    %add3A_375 = arith.addi %mul3A_373, %add3A_374 : i32
    %dma_wait3A_376 = arith.constant 0 : i32
    %dma_wait3A_377 = tpu.memref_slice %arg12[%add3A_375, %dma_wait3A_376] : memref<10008x128xf32, #tpu.memory_space<vmem_shared>> -> memref<24x128xf32, #tpu.memory_space<vmem_shared>>
    %dma_wait3A_378 = arith.constant 0 : i32
    %dma_wait3A_379 = tpu.memref_slice %arg12[%add3A_375, %dma_wait3A_378] : memref<10008x128xf32, #tpu.memory_space<vmem_shared>> -> memref<24x128xf32, #tpu.memory_space<vmem_shared>>
    tpu.wait_dma2 semaphore(%arg14 : memref<!tpu.dma_semaphore, #tpu.memory_space<semaphore_mem>>) src(%arg6 : memref<24x128xf32, #tpu.memory_space<vmem>>) dst(%dma_wait3A_379 : memref<24x128xf32, #tpu.memory_space<vmem_shared>>)
    %mul3A_380 = arith.constant 624 : i32
    %mul3A_381 = arith.muli %arg1, %mul3A_380 : i32
    %add3A_382 = arith.constant 456 : i32
    %add3A_383 = arith.addi %mul3A_381, %add3A_382 : i32
    %dma_wait3A_384 = arith.constant 0 : i32
    %dma_wait3A_385 = tpu.memref_slice %arg12[%add3A_383, %dma_wait3A_384] : memref<10008x128xf32, #tpu.memory_space<vmem_shared>> -> memref<24x128xf32, #tpu.memory_space<vmem_shared>>
    %dma_wait3A_386 = arith.constant 0 : i32
    %dma_wait3A_387 = tpu.memref_slice %arg12[%add3A_383, %dma_wait3A_386] : memref<10008x128xf32, #tpu.memory_space<vmem_shared>> -> memref<24x128xf32, #tpu.memory_space<vmem_shared>>
    tpu.wait_dma2 semaphore(%arg14 : memref<!tpu.dma_semaphore, #tpu.memory_space<semaphore_mem>>) src(%arg6 : memref<24x128xf32, #tpu.memory_space<vmem>>) dst(%dma_wait3A_387 : memref<24x128xf32, #tpu.memory_space<vmem_shared>>)
    %mul3A_388 = arith.constant 624 : i32
    %mul3A_389 = arith.muli %arg1, %mul3A_388 : i32
    %add3A_390 = arith.constant 480 : i32
    %add3A_391 = arith.addi %mul3A_389, %add3A_390 : i32
    %dma_wait3A_392 = arith.constant 0 : i32
    %dma_wait3A_393 = tpu.memref_slice %arg12[%add3A_391, %dma_wait3A_392] : memref<10008x128xf32, #tpu.memory_space<vmem_shared>> -> memref<24x128xf32, #tpu.memory_space<vmem_shared>>
    %dma_wait3A_394 = arith.constant 0 : i32
    %dma_wait3A_395 = tpu.memref_slice %arg12[%add3A_391, %dma_wait3A_394] : memref<10008x128xf32, #tpu.memory_space<vmem_shared>> -> memref<24x128xf32, #tpu.memory_space<vmem_shared>>
    tpu.wait_dma2 semaphore(%arg14 : memref<!tpu.dma_semaphore, #tpu.memory_space<semaphore_mem>>) src(%arg6 : memref<24x128xf32, #tpu.memory_space<vmem>>) dst(%dma_wait3A_395 : memref<24x128xf32, #tpu.memory_space<vmem_shared>>)
    %mul3A_396 = arith.constant 624 : i32
    %mul3A_397 = arith.muli %arg1, %mul3A_396 : i32
    %add3A_398 = arith.constant 504 : i32
    %add3A_399 = arith.addi %mul3A_397, %add3A_398 : i32
    %dma_wait3A_400 = arith.constant 0 : i32
    %dma_wait3A_401 = tpu.memref_slice %arg12[%add3A_399, %dma_wait3A_400] : memref<10008x128xf32, #tpu.memory_space<vmem_shared>> -> memref<24x128xf32, #tpu.memory_space<vmem_shared>>
    %dma_wait3A_402 = arith.constant 0 : i32
    %dma_wait3A_403 = tpu.memref_slice %arg12[%add3A_399, %dma_wait3A_402] : memref<10008x128xf32, #tpu.memory_space<vmem_shared>> -> memref<24x128xf32, #tpu.memory_space<vmem_shared>>
    tpu.wait_dma2 semaphore(%arg14 : memref<!tpu.dma_semaphore, #tpu.memory_space<semaphore_mem>>) src(%arg6 : memref<24x128xf32, #tpu.memory_space<vmem>>) dst(%dma_wait3A_403 : memref<24x128xf32, #tpu.memory_space<vmem_shared>>)
    %mul3A_404 = arith.constant 624 : i32
    %mul3A_405 = arith.muli %arg1, %mul3A_404 : i32
    %add3A_406 = arith.constant 528 : i32
    %add3A_407 = arith.addi %mul3A_405, %add3A_406 : i32
    %dma_wait3A_408 = arith.constant 0 : i32
    %dma_wait3A_409 = tpu.memref_slice %arg12[%add3A_407, %dma_wait3A_408] : memref<10008x128xf32, #tpu.memory_space<vmem_shared>> -> memref<24x128xf32, #tpu.memory_space<vmem_shared>>
    %dma_wait3A_410 = arith.constant 0 : i32
    %dma_wait3A_411 = tpu.memref_slice %arg12[%add3A_407, %dma_wait3A_410] : memref<10008x128xf32, #tpu.memory_space<vmem_shared>> -> memref<24x128xf32, #tpu.memory_space<vmem_shared>>
    tpu.wait_dma2 semaphore(%arg14 : memref<!tpu.dma_semaphore, #tpu.memory_space<semaphore_mem>>) src(%arg6 : memref<24x128xf32, #tpu.memory_space<vmem>>) dst(%dma_wait3A_411 : memref<24x128xf32, #tpu.memory_space<vmem_shared>>)
    %mul3A_412 = arith.constant 624 : i32
    %mul3A_413 = arith.muli %arg1, %mul3A_412 : i32
    %add3A_414 = arith.constant 552 : i32
    %add3A_415 = arith.addi %mul3A_413, %add3A_414 : i32
    %dma_wait3A_416 = arith.constant 0 : i32
    %dma_wait3A_417 = tpu.memref_slice %arg12[%add3A_415, %dma_wait3A_416] : memref<10008x128xf32, #tpu.memory_space<vmem_shared>> -> memref<24x128xf32, #tpu.memory_space<vmem_shared>>
    %dma_wait3A_418 = arith.constant 0 : i32
    %dma_wait3A_419 = tpu.memref_slice %arg12[%add3A_415, %dma_wait3A_418] : memref<10008x128xf32, #tpu.memory_space<vmem_shared>> -> memref<24x128xf32, #tpu.memory_space<vmem_shared>>
    tpu.wait_dma2 semaphore(%arg14 : memref<!tpu.dma_semaphore, #tpu.memory_space<semaphore_mem>>) src(%arg6 : memref<24x128xf32, #tpu.memory_space<vmem>>) dst(%dma_wait3A_419 : memref<24x128xf32, #tpu.memory_space<vmem_shared>>)
    %mul3A_420 = arith.constant 624 : i32
    %mul3A_421 = arith.muli %arg1, %mul3A_420 : i32
    %add3A_422 = arith.constant 576 : i32
    %add3A_423 = arith.addi %mul3A_421, %add3A_422 : i32
    %dma_wait3A_424 = arith.constant 0 : i32
    %dma_wait3A_425 = tpu.memref_slice %arg12[%add3A_423, %dma_wait3A_424] : memref<10008x128xf32, #tpu.memory_space<vmem_shared>> -> memref<24x128xf32, #tpu.memory_space<vmem_shared>>
    %dma_wait3A_426 = arith.constant 0 : i32
    %dma_wait3A_427 = tpu.memref_slice %arg12[%add3A_423, %dma_wait3A_426] : memref<10008x128xf32, #tpu.memory_space<vmem_shared>> -> memref<24x128xf32, #tpu.memory_space<vmem_shared>>
    tpu.wait_dma2 semaphore(%arg14 : memref<!tpu.dma_semaphore, #tpu.memory_space<semaphore_mem>>) src(%arg6 : memref<24x128xf32, #tpu.memory_space<vmem>>) dst(%dma_wait3A_427 : memref<24x128xf32, #tpu.memory_space<vmem_shared>>)
    %mul3A_428 = arith.constant 624 : i32
    %mul3A_429 = arith.muli %arg1, %mul3A_428 : i32
    %add3A_430 = arith.constant 600 : i32
    %add3A_431 = arith.addi %mul3A_429, %add3A_430 : i32
    %dma_wait3A_432 = arith.constant 0 : i32
    %dma_wait3A_433 = tpu.memref_slice %arg12[%add3A_431, %dma_wait3A_432] : memref<10008x128xf32, #tpu.memory_space<vmem_shared>> -> memref<24x128xf32, #tpu.memory_space<vmem_shared>>
    %dma_wait3A_434 = arith.constant 0 : i32
    %dma_wait3A_435 = tpu.memref_slice %arg12[%add3A_431, %dma_wait3A_434] : memref<10008x128xf32, #tpu.memory_space<vmem_shared>> -> memref<24x128xf32, #tpu.memory_space<vmem_shared>>
    tpu.wait_dma2 semaphore(%arg14 : memref<!tpu.dma_semaphore, #tpu.memory_space<semaphore_mem>>) src(%arg6 : memref<24x128xf32, #tpu.memory_space<vmem>>) dst(%dma_wait3A_435 : memref<24x128xf32, #tpu.memory_space<vmem_shared>>)
    %eq3A_436 = arith.constant 0 : i32
    %eq3A_437 = arith.cmpi eq, %arg1, %eq3A_436 : i32
    %convert_element_type3A_438 = arith.extui %eq3A_437 : i1 to i32
    %cond3A_439 = arith.constant 0 : i32
    %cond3A_440 = arith.cmpi ne, %convert_element_type3A_438, %cond3A_439 : i32
    scf.if %cond3A_440 {
      %dma_wait3A_472 = arith.constant 9984 : i32
      %dma_wait3A_473 = arith.constant 0 : i32
      %dma_wait3A_474 = tpu.memref_slice %arg12[%dma_wait3A_472, %dma_wait3A_473] : memref<10008x128xf32, #tpu.memory_space<vmem_shared>> -> memref<24x128xf32, #tpu.memory_space<vmem_shared>>
      %dma_wait3A_475 = arith.constant 9984 : i32
      %dma_wait3A_476 = arith.constant 0 : i32
      %dma_wait3A_477 = tpu.memref_slice %arg12[%dma_wait3A_475, %dma_wait3A_476] : memref<10008x128xf32, #tpu.memory_space<vmem_shared>> -> memref<24x128xf32, #tpu.memory_space<vmem_shared>>
      tpu.wait_dma2 semaphore(%arg14 : memref<!tpu.dma_semaphore, #tpu.memory_space<semaphore_mem>>) src(%arg6 : memref<24x128xf32, #tpu.memory_space<vmem>>) dst(%dma_wait3A_477 : memref<24x128xf32, #tpu.memory_space<vmem_shared>>)
    } else {
    }
    %dma_wait3A_441 = arith.constant 0 : i32
    %dma_wait3A_442 = tpu.memref_slice %arg3[%add3A, %dma_wait3A_441] : memref<32x10240xi32, #tpu.memory_space<hbm>> -> memref<1x10240xi32, #tpu.memory_space<hbm>>
    %dma_wait3A_443 = tpu.memref_squeeze %dma_wait3A_442 : memref<1x10240xi32, #tpu.memory_space<hbm>> -> memref<10240xi32, #tpu.memory_space<hbm>>
    %dma_wait3A_444 = arith.constant 0 : i32
    %dma_wait3A_445 = tpu.memref_slice %arg3[%add3A, %dma_wait3A_444] : memref<32x10240xi32, #tpu.memory_space<hbm>> -> memref<1x10240xi32, #tpu.memory_space<hbm>>
    %dma_wait3A_446 = tpu.memref_squeeze %dma_wait3A_445 : memref<1x10240xi32, #tpu.memory_space<hbm>> -> memref<10240xi32, #tpu.memory_space<hbm>>
    tpu.wait_dma2 semaphore(%arg13 : memref<!tpu.dma_semaphore, #tpu.memory_space<semaphore_mem>>) src(%dma_wait3A_446 : memref<10240xi32, #tpu.memory_space<hbm>>) dst(%arg7 : memref<10240xi32, #tpu.memory_space<vmem>>)
    %barrier3A = arith.constant 0 : index
    tpu.barrier barrier_id(%barrier3A)
    %dma_start3A_447 = arith.constant 0 : i32
    %dma_start3A_448 = tpu.memref_slice %arg7[%dma_start3A_447] : memref<10240xi32, #tpu.memory_space<vmem>> -> memref<128xi32, #tpu.memory_space<vmem>>
    %dma_start3A_449 = arith.constant 0 : i32
    %dma_start3A_450 = arith.constant 0 : i32
    %dma_start3A_451 = tpu.memref_slice %arg2[%arg0, %dma_start3A_449, %dma_start3A_450] : memref<2x10000x128xf32, #tpu.memory_space<hbm>> -> memref<1x10000x128xf32, #tpu.memory_space<hbm>>
    %dma_start3A_452 = tpu.memref_squeeze %dma_start3A_451 : memref<1x10000x128xf32, #tpu.memory_space<hbm>> -> memref<10000x128xf32, #tpu.memory_space<hbm>>
    %dma_start3A_453 = arith.constant 0 : i32
    %dma_start3A_454 = arith.constant 0 : i32
    %dma_start3A_455 = tpu.memref_slice %dma_start3A_452[%dma_start3A_453, %dma_start3A_454] : memref<10000x128xf32, #tpu.memory_space<hbm>> -> memref<10000x128xf32, #tpu.memory_space<hbm>>
    tpu.enqueue_indirect_dma source(%dma_start3A_455 : memref<10000x128xf32, #tpu.memory_space<hbm>>) target(%arg10 : memref<128x128xf32, #tpu.memory_space<vmem>>) offsets(%dma_start3A_448 : memref<128xi32, #tpu.memory_space<vmem>>) semaphore(%arg17 : memref<!tpu.dma_semaphore, #tpu.memory_space<semaphore_mem>>)
    %scan3A_456 = arith.constant 0 : i32
    %scan3A_457 = arith.constant 0 : i32
    %scan3A_458 = arith.constant 5 : i32
    %scan3A_459 = arith.addi %scan3A_457, %scan3A_458 : i32
    %scan3A_460 = arith.constant 1 : i32
    scf.for %scan3A_472 = %scan3A_457 to %scan3A_459 step %scan3A_460  : i32 {
      %mul3A_473 = arith.constant 2 : i32
      %mul3A_474 = arith.muli %mul3A_473, %scan3A_472 : i32
      %mul3A_475 = arith.constant 8 : i32
      %mul3A_476 = arith.muli %mul3A_474, %mul3A_475 : i32
      %add3A_477 = arith.constant 8 : i32
      %add3A_478 = arith.addi %mul3A_476, %add3A_477 : i32
      %dma_start3A_479 = arith.constant 0 : i32
      %dma_start3A_480 = tpu.memref_slice %arg4[%add3A, %add3A_478, %dma_start3A_479] : memref<32x80x128xi32, #tpu.memory_space<hbm>> -> memref<1x8x128xi32, #tpu.memory_space<hbm>>
      %dma_start3A_481 = tpu.memref_squeeze %dma_start3A_480 : memref<1x8x128xi32, #tpu.memory_space<hbm>> -> memref<8x128xi32, #tpu.memory_space<hbm>>
      %dma_start3A_482 = arith.constant 0 : i32
      %dma_start3A_483 = tpu.memref_slice %arg4[%add3A, %add3A_478, %dma_start3A_482] : memref<32x80x128xi32, #tpu.memory_space<hbm>> -> memref<1x8x128xi32, #tpu.memory_space<hbm>>
      %dma_start3A_484 = tpu.memref_squeeze %dma_start3A_483 : memref<1x8x128xi32, #tpu.memory_space<hbm>> -> memref<8x128xi32, #tpu.memory_space<hbm>>
      tpu.enqueue_dma source(%dma_start3A_484 : memref<8x128xi32, #tpu.memory_space<hbm>>) target(%arg9 : memref<8x128xi32, #tpu.memory_space<vmem>>) target_semaphore(%arg16 : memref<!tpu.dma_semaphore, #tpu.memory_space<semaphore_mem>>)
      %dma_wait3A_485 = arith.constant 0 : i32
      %dma_wait3A_486 = arith.constant 0 : i32
      %dma_wait3A_487 = tpu.memref_slice %arg4[%add3A, %dma_wait3A_485, %dma_wait3A_486] : memref<32x80x128xi32, #tpu.memory_space<hbm>> -> memref<1x8x128xi32, #tpu.memory_space<hbm>>
      %dma_wait3A_488 = tpu.memref_squeeze %dma_wait3A_487 : memref<1x8x128xi32, #tpu.memory_space<hbm>> -> memref<8x128xi32, #tpu.memory_space<hbm>>
      %dma_wait3A_489 = arith.constant 0 : i32
      %dma_wait3A_490 = arith.constant 0 : i32
      %dma_wait3A_491 = tpu.memref_slice %arg4[%add3A, %dma_wait3A_489, %dma_wait3A_490] : memref<32x80x128xi32, #tpu.memory_space<hbm>> -> memref<1x8x128xi32, #tpu.memory_space<hbm>>
      %dma_wait3A_492 = tpu.memref_squeeze %dma_wait3A_491 : memref<1x8x128xi32, #tpu.memory_space<hbm>> -> memref<8x128xi32, #tpu.memory_space<hbm>>
      tpu.wait_dma2 semaphore(%arg15 : memref<!tpu.dma_semaphore, #tpu.memory_space<semaphore_mem>>) src(%dma_wait3A_492 : memref<8x128xi32, #tpu.memory_space<hbm>>) dst(%arg8 : memref<8x128xi32, #tpu.memory_space<vmem>>)
      %add3A_493 = arith.constant 0 : i32
      %add3A_494 = arith.addi %mul3A_476, %add3A_493 : i32
      %add3A_495 = arith.constant 1 : i32
      %add3A_496 = arith.addi %add3A_494, %add3A_495 : i32
      %mul3A_497 = arith.constant 128 : i32
      %mul3A_498 = arith.muli %add3A_496, %mul3A_497 : i32
      %dma_start3A_499 = tpu.memref_slice %arg7[%mul3A_498] : memref<10240xi32, #tpu.memory_space<vmem>> -> memref<128xi32, #tpu.memory_space<vmem>>
      %dma_start3A_500 = arith.constant 0 : i32
      %dma_start3A_501 = arith.constant 0 : i32
      %dma_start3A_502 = tpu.memref_slice %arg2[%arg0, %dma_start3A_500, %dma_start3A_501] : memref<2x10000x128xf32, #tpu.memory_space<hbm>> -> memref<1x10000x128xf32, #tpu.memory_space<hbm>>
      %dma_start3A_503 = tpu.memref_squeeze %dma_start3A_502 : memref<1x10000x128xf32, #tpu.memory_space<hbm>> -> memref<10000x128xf32, #tpu.memory_space<hbm>>
      %dma_start3A_504 = arith.constant 0 : i32
      %dma_start3A_505 = arith.constant 0 : i32
      %dma_start3A_506 = tpu.memref_slice %dma_start3A_503[%dma_start3A_504, %dma_start3A_505] : memref<10000x128xf32, #tpu.memory_space<hbm>> -> memref<10000x128xf32, #tpu.memory_space<hbm>>
      tpu.enqueue_indirect_dma source(%dma_start3A_506 : memref<10000x128xf32, #tpu.memory_space<hbm>>) target(%arg11 : memref<128x128xf32, #tpu.memory_space<vmem>>) offsets(%dma_start3A_499 : memref<128xi32, #tpu.memory_space<vmem>>) semaphore(%arg18 : memref<!tpu.dma_semaphore, #tpu.memory_space<semaphore_mem>>)
      %mul3A_507 = arith.constant 128 : i32
      %mul3A_508 = arith.muli %add3A_494, %mul3A_507 : i32
      %dma_wait3A_509 = tpu.memref_slice %arg7[%mul3A_508] : memref<10240xi32, #tpu.memory_space<vmem>> -> memref<128xi32, #tpu.memory_space<vmem>>
      %dma_wait3A_510 = arith.constant 0 : i32
      %dma_wait3A_511 = arith.constant 0 : i32
      %dma_wait3A_512 = tpu.memref_slice %arg2[%arg0, %dma_wait3A_510, %dma_wait3A_511] : memref<2x10000x128xf32, #tpu.memory_space<hbm>> -> memref<1x10000x128xf32, #tpu.memory_space<hbm>>
      %dma_wait3A_513 = tpu.memref_squeeze %dma_wait3A_512 : memref<1x10000x128xf32, #tpu.memory_space<hbm>> -> memref<10000x128xf32, #tpu.memory_space<hbm>>
      %dma_wait3A_514 = arith.constant 0 : i32
      %dma_wait3A_515 = arith.constant 0 : i32
      %dma_wait3A_516 = tpu.memref_slice %dma_wait3A_513[%dma_wait3A_514, %dma_wait3A_515] : memref<10000x128xf32, #tpu.memory_space<hbm>> -> memref<10000x128xf32, #tpu.memory_space<hbm>>
      tpu.wait_indirect_dma semaphore(%arg17 : memref<!tpu.dma_semaphore, #tpu.memory_space<semaphore_mem>>) src(%dma_wait3A_516 : memref<10000x128xf32, #tpu.memory_space<hbm>>) dst(%arg10 : memref<128x128xf32, #tpu.memory_space<vmem>>)
      %run_scoped3A = arith.constant 0 : i32
      "tpu.region"() ({
        %run_scoped3A_840 = tpu.sem_alloc : memref<!tpu.dma_semaphore, #tpu.memory_space<semaphore_mem>>
        %dma_start3A_841 = arith.constant 0 : i32
        %dma_start3A_842 = tpu.memref_slice %arg8[%run_scoped3A, %dma_start3A_841] : memref<8x128xi32, #tpu.memory_space<vmem>> -> memref<1x128xi32, #tpu.memory_space<vmem>>
        %dma_start3A_843 = tpu.memref_squeeze %dma_start3A_842 : memref<1x128xi32, #tpu.memory_space<vmem>> -> memref<128xi32, #tpu.memory_space<vmem>>
        %dma_start3A_844 = arith.constant 0 : i32
        %dma_start3A_845 = arith.constant 0 : i32
        %dma_start3A_846 = tpu.memref_slice %arg12[%dma_start3A_844, %dma_start3A_845] : memref<10008x128xf32, #tpu.memory_space<vmem_shared>> -> memref<10008x128xf32, #tpu.memory_space<vmem_shared>>
        tpu.enqueue_indirect_dma source(%arg10 : memref<128x128xf32, #tpu.memory_space<vmem>>) target(%dma_start3A_846 : memref<10008x128xf32, #tpu.memory_space<vmem_shared>>) offsets(%dma_start3A_843 : memref<128xi32, #tpu.memory_space<vmem>>) semaphore(%run_scoped3A_840 : memref<!tpu.dma_semaphore, #tpu.memory_space<semaphore_mem>>) {add = true}
        %dma_wait3A_847 = arith.constant 0 : i32
        %dma_wait3A_848 = tpu.memref_slice %arg8[%run_scoped3A, %dma_wait3A_847] : memref<8x128xi32, #tpu.memory_space<vmem>> -> memref<1x128xi32, #tpu.memory_space<vmem>>
        %dma_wait3A_849 = tpu.memref_squeeze %dma_wait3A_848 : memref<1x128xi32, #tpu.memory_space<vmem>> -> memref<128xi32, #tpu.memory_space<vmem>>
        %dma_wait3A_850 = arith.constant 0 : i32
        %dma_wait3A_851 = arith.constant 0 : i32
        %dma_wait3A_852 = tpu.memref_slice %arg12[%dma_wait3A_850, %dma_wait3A_851] : memref<10008x128xf32, #tpu.memory_space<vmem_shared>> -> memref<10008x128xf32, #tpu.memory_space<vmem_shared>>
        tpu.wait_indirect_dma semaphore(%run_scoped3A_840 : memref<!tpu.dma_semaphore, #tpu.memory_space<semaphore_mem>>) src(%arg10 : memref<128x128xf32, #tpu.memory_space<vmem>>) dst(%dma_wait3A_852 : memref<10008x128xf32, #tpu.memory_space<vmem_shared>>)
        tpu.yield
      }) : () -> ()
      %add3A_517 = arith.constant 2 : i32
      %add3A_518 = arith.addi %add3A_494, %add3A_517 : i32
      %lt3A = arith.constant 80 : i32
      %lt3A_519 = arith.cmpi slt, %add3A_518, %lt3A : i32
      %convert_element_type3A_520 = arith.extui %lt3A_519 : i1 to i32
      %cond3A_521 = arith.constant 0 : i32
      %cond3A_522 = arith.cmpi ne, %convert_element_type3A_520, %cond3A_521 : i32
      scf.if %cond3A_522 {
        %add3A_840 = arith.constant 2 : i32
        %add3A_841 = arith.addi %add3A_494, %add3A_840 : i32
        %mul3A_842 = arith.constant 128 : i32
        %mul3A_843 = arith.muli %add3A_841, %mul3A_842 : i32
        %dma_start3A_844 = tpu.memref_slice %arg7[%mul3A_843] : memref<10240xi32, #tpu.memory_space<vmem>> -> memref<128xi32, #tpu.memory_space<vmem>>
        %dma_start3A_845 = arith.constant 0 : i32
        %dma_start3A_846 = arith.constant 0 : i32
        %dma_start3A_847 = tpu.memref_slice %arg2[%arg0, %dma_start3A_845, %dma_start3A_846] : memref<2x10000x128xf32, #tpu.memory_space<hbm>> -> memref<1x10000x128xf32, #tpu.memory_space<hbm>>
        %dma_start3A_848 = tpu.memref_squeeze %dma_start3A_847 : memref<1x10000x128xf32, #tpu.memory_space<hbm>> -> memref<10000x128xf32, #tpu.memory_space<hbm>>
        %dma_start3A_849 = arith.constant 0 : i32
        %dma_start3A_850 = arith.constant 0 : i32
        %dma_start3A_851 = tpu.memref_slice %dma_start3A_848[%dma_start3A_849, %dma_start3A_850] : memref<10000x128xf32, #tpu.memory_space<hbm>> -> memref<10000x128xf32, #tpu.memory_space<hbm>>
        tpu.enqueue_indirect_dma source(%dma_start3A_851 : memref<10000x128xf32, #tpu.memory_space<hbm>>) target(%arg10 : memref<128x128xf32, #tpu.memory_space<vmem>>) offsets(%dma_start3A_844 : memref<128xi32, #tpu.memory_space<vmem>>) semaphore(%arg17 : memref<!tpu.dma_semaphore, #tpu.memory_space<semaphore_mem>>)
      } else {
      }
      %dma_wait3A_523 = tpu.memref_slice %arg7[%mul3A_498] : memref<10240xi32, #tpu.memory_space<vmem>> -> memref<128xi32, #tpu.memory_space<vmem>>
      %dma_wait3A_524 = arith.constant 0 : i32
      %dma_wait3A_525 = arith.constant 0 : i32
      %dma_wait3A_526 = tpu.memref_slice %arg2[%arg0, %dma_wait3A_524, %dma_wait3A_525] : memref<2x10000x128xf32, #tpu.memory_space<hbm>> -> memref<1x10000x128xf32, #tpu.memory_space<hbm>>
      %dma_wait3A_527 = tpu.memref_squeeze %dma_wait3A_526 : memref<1x10000x128xf32, #tpu.memory_space<hbm>> -> memref<10000x128xf32, #tpu.memory_space<hbm>>
      %dma_wait3A_528 = arith.constant 0 : i32
      %dma_wait3A_529 = arith.constant 0 : i32
      %dma_wait3A_530 = tpu.memref_slice %dma_wait3A_527[%dma_wait3A_528, %dma_wait3A_529] : memref<10000x128xf32, #tpu.memory_space<hbm>> -> memref<10000x128xf32, #tpu.memory_space<hbm>>
      tpu.wait_indirect_dma semaphore(%arg18 : memref<!tpu.dma_semaphore, #tpu.memory_space<semaphore_mem>>) src(%dma_wait3A_530 : memref<10000x128xf32, #tpu.memory_space<hbm>>) dst(%arg11 : memref<128x128xf32, #tpu.memory_space<vmem>>)
      %run_scoped3A_531 = arith.constant 1 : i32
      "tpu.region"() ({
        %run_scoped3A_840 = tpu.sem_alloc : memref<!tpu.dma_semaphore, #tpu.memory_space<semaphore_mem>>
        %dma_start3A_841 = arith.constant 0 : i32
        %dma_start3A_842 = tpu.memref_slice %arg8[%run_scoped3A_531, %dma_start3A_841] : memref<8x128xi32, #tpu.memory_space<vmem>> -> memref<1x128xi32, #tpu.memory_space<vmem>>
        %dma_start3A_843 = tpu.memref_squeeze %dma_start3A_842 : memref<1x128xi32, #tpu.memory_space<vmem>> -> memref<128xi32, #tpu.memory_space<vmem>>
        %dma_start3A_844 = arith.constant 0 : i32
        %dma_start3A_845 = arith.constant 0 : i32
        %dma_start3A_846 = tpu.memref_slice %arg12[%dma_start3A_844, %dma_start3A_845] : memref<10008x128xf32, #tpu.memory_space<vmem_shared>> -> memref<10008x128xf32, #tpu.memory_space<vmem_shared>>
        tpu.enqueue_indirect_dma source(%arg11 : memref<128x128xf32, #tpu.memory_space<vmem>>) target(%dma_start3A_846 : memref<10008x128xf32, #tpu.memory_space<vmem_shared>>) offsets(%dma_start3A_843 : memref<128xi32, #tpu.memory_space<vmem>>) semaphore(%run_scoped3A_840 : memref<!tpu.dma_semaphore, #tpu.memory_space<semaphore_mem>>) {add = true}
        %dma_wait3A_847 = arith.constant 0 : i32
        %dma_wait3A_848 = tpu.memref_slice %arg8[%run_scoped3A_531, %dma_wait3A_847] : memref<8x128xi32, #tpu.memory_space<vmem>> -> memref<1x128xi32, #tpu.memory_space<vmem>>
        %dma_wait3A_849 = tpu.memref_squeeze %dma_wait3A_848 : memref<1x128xi32, #tpu.memory_space<vmem>> -> memref<128xi32, #tpu.memory_space<vmem>>
        %dma_wait3A_850 = arith.constant 0 : i32
        %dma_wait3A_851 = arith.constant 0 : i32
        %dma_wait3A_852 = tpu.memref_slice %arg12[%dma_wait3A_850, %dma_wait3A_851] : memref<10008x128xf32, #tpu.memory_space<vmem_shared>> -> memref<10008x128xf32, #tpu.memory_space<vmem_shared>>
        tpu.wait_indirect_dma semaphore(%run_scoped3A_840 : memref<!tpu.dma_semaphore, #tpu.memory_space<semaphore_mem>>) src(%arg11 : memref<128x128xf32, #tpu.memory_space<vmem>>) dst(%dma_wait3A_852 : memref<10008x128xf32, #tpu.memory_space<vmem_shared>>)
        tpu.yield
      }) : () -> ()
      %add3A_532 = arith.constant 2 : i32
      %add3A_533 = arith.addi %mul3A_476, %add3A_532 : i32
      %add3A_534 = arith.constant 1 : i32
      %add3A_535 = arith.addi %add3A_533, %add3A_534 : i32
      %mul3A_536 = arith.constant 128 : i32
      %mul3A_537 = arith.muli %add3A_535, %mul3A_536 : i32
      %dma_start3A_538 = tpu.memref_slice %arg7[%mul3A_537] : memref<10240xi32, #tpu.memory_space<vmem>> -> memref<128xi32, #tpu.memory_space<vmem>>
      %dma_start3A_539 = arith.constant 0 : i32
      %dma_start3A_540 = arith.constant 0 : i32
      %dma_start3A_541 = tpu.memref_slice %arg2[%arg0, %dma_start3A_539, %dma_start3A_540] : memref<2x10000x128xf32, #tpu.memory_space<hbm>> -> memref<1x10000x128xf32, #tpu.memory_space<hbm>>
      %dma_start3A_542 = tpu.memref_squeeze %dma_start3A_541 : memref<1x10000x128xf32, #tpu.memory_space<hbm>> -> memref<10000x128xf32, #tpu.memory_space<hbm>>
      %dma_start3A_543 = arith.constant 0 : i32
      %dma_start3A_544 = arith.constant 0 : i32
      %dma_start3A_545 = tpu.memref_slice %dma_start3A_542[%dma_start3A_543, %dma_start3A_544] : memref<10000x128xf32, #tpu.memory_space<hbm>> -> memref<10000x128xf32, #tpu.memory_space<hbm>>
      tpu.enqueue_indirect_dma source(%dma_start3A_545 : memref<10000x128xf32, #tpu.memory_space<hbm>>) target(%arg11 : memref<128x128xf32, #tpu.memory_space<vmem>>) offsets(%dma_start3A_538 : memref<128xi32, #tpu.memory_space<vmem>>) semaphore(%arg18 : memref<!tpu.dma_semaphore, #tpu.memory_space<semaphore_mem>>)
      %mul3A_546 = arith.constant 128 : i32
      %mul3A_547 = arith.muli %add3A_533, %mul3A_546 : i32
      %dma_wait3A_548 = tpu.memref_slice %arg7[%mul3A_547] : memref<10240xi32, #tpu.memory_space<vmem>> -> memref<128xi32, #tpu.memory_space<vmem>>
      %dma_wait3A_549 = arith.constant 0 : i32
      %dma_wait3A_550 = arith.constant 0 : i32
      %dma_wait3A_551 = tpu.memref_slice %arg2[%arg0, %dma_wait3A_549, %dma_wait3A_550] : memref<2x10000x128xf32, #tpu.memory_space<hbm>> -> memref<1x10000x128xf32, #tpu.memory_space<hbm>>
      %dma_wait3A_552 = tpu.memref_squeeze %dma_wait3A_551 : memref<1x10000x128xf32, #tpu.memory_space<hbm>> -> memref<10000x128xf32, #tpu.memory_space<hbm>>
      %dma_wait3A_553 = arith.constant 0 : i32
      %dma_wait3A_554 = arith.constant 0 : i32
      %dma_wait3A_555 = tpu.memref_slice %dma_wait3A_552[%dma_wait3A_553, %dma_wait3A_554] : memref<10000x128xf32, #tpu.memory_space<hbm>> -> memref<10000x128xf32, #tpu.memory_space<hbm>>
      tpu.wait_indirect_dma semaphore(%arg17 : memref<!tpu.dma_semaphore, #tpu.memory_space<semaphore_mem>>) src(%dma_wait3A_555 : memref<10000x128xf32, #tpu.memory_space<hbm>>) dst(%arg10 : memref<128x128xf32, #tpu.memory_space<vmem>>)
      %run_scoped3A_556 = arith.constant 2 : i32
      "tpu.region"() ({
        %run_scoped3A_840 = tpu.sem_alloc : memref<!tpu.dma_semaphore, #tpu.memory_space<semaphore_mem>>
        %dma_start3A_841 = arith.constant 0 : i32
        %dma_start3A_842 = tpu.memref_slice %arg8[%run_scoped3A_556, %dma_start3A_841] : memref<8x128xi32, #tpu.memory_space<vmem>> -> memref<1x128xi32, #tpu.memory_space<vmem>>
        %dma_start3A_843 = tpu.memref_squeeze %dma_start3A_842 : memref<1x128xi32, #tpu.memory_space<vmem>> -> memref<128xi32, #tpu.memory_space<vmem>>
        %dma_start3A_844 = arith.constant 0 : i32
        %dma_start3A_845 = arith.constant 0 : i32
        %dma_start3A_846 = tpu.memref_slice %arg12[%dma_start3A_844, %dma_start3A_845] : memref<10008x128xf32, #tpu.memory_space<vmem_shared>> -> memref<10008x128xf32, #tpu.memory_space<vmem_shared>>
        tpu.enqueue_indirect_dma source(%arg10 : memref<128x128xf32, #tpu.memory_space<vmem>>) target(%dma_start3A_846 : memref<10008x128xf32, #tpu.memory_space<vmem_shared>>) offsets(%dma_start3A_843 : memref<128xi32, #tpu.memory_space<vmem>>) semaphore(%run_scoped3A_840 : memref<!tpu.dma_semaphore, #tpu.memory_space<semaphore_mem>>) {add = true}
        %dma_wait3A_847 = arith.constant 0 : i32
        %dma_wait3A_848 = tpu.memref_slice %arg8[%run_scoped3A_556, %dma_wait3A_847] : memref<8x128xi32, #tpu.memory_space<vmem>> -> memref<1x128xi32, #tpu.memory_space<vmem>>
        %dma_wait3A_849 = tpu.memref_squeeze %dma_wait3A_848 : memref<1x128xi32, #tpu.memory_space<vmem>> -> memref<128xi32, #tpu.memory_space<vmem>>
        %dma_wait3A_850 = arith.constant 0 : i32
        %dma_wait3A_851 = arith.constant 0 : i32
        %dma_wait3A_852 = tpu.memref_slice %arg12[%dma_wait3A_850, %dma_wait3A_851] : memref<10008x128xf32, #tpu.memory_space<vmem_shared>> -> memref<10008x128xf32, #tpu.memory_space<vmem_shared>>
        tpu.wait_indirect_dma semaphore(%run_scoped3A_840 : memref<!tpu.dma_semaphore, #tpu.memory_space<semaphore_mem>>) src(%arg10 : memref<128x128xf32, #tpu.memory_space<vmem>>) dst(%dma_wait3A_852 : memref<10008x128xf32, #tpu.memory_space<vmem_shared>>)
        tpu.yield
      }) : () -> ()
      %add3A_557 = arith.constant 2 : i32
      %add3A_558 = arith.addi %add3A_533, %add3A_557 : i32
      %lt3A_559 = arith.constant 80 : i32
      %lt3A_560 = arith.cmpi slt, %add3A_558, %lt3A_559 : i32
      %convert_element_type3A_561 = arith.extui %lt3A_560 : i1 to i32
      %cond3A_562 = arith.constant 0 : i32
      %cond3A_563 = arith.cmpi ne, %convert_element_type3A_561, %cond3A_562 : i32
      scf.if %cond3A_563 {
        %add3A_840 = arith.constant 2 : i32
        %add3A_841 = arith.addi %add3A_533, %add3A_840 : i32
        %mul3A_842 = arith.constant 128 : i32
        %mul3A_843 = arith.muli %add3A_841, %mul3A_842 : i32
        %dma_start3A_844 = tpu.memref_slice %arg7[%mul3A_843] : memref<10240xi32, #tpu.memory_space<vmem>> -> memref<128xi32, #tpu.memory_space<vmem>>
        %dma_start3A_845 = arith.constant 0 : i32
        %dma_start3A_846 = arith.constant 0 : i32
        %dma_start3A_847 = tpu.memref_slice %arg2[%arg0, %dma_start3A_845, %dma_start3A_846] : memref<2x10000x128xf32, #tpu.memory_space<hbm>> -> memref<1x10000x128xf32, #tpu.memory_space<hbm>>
        %dma_start3A_848 = tpu.memref_squeeze %dma_start3A_847 : memref<1x10000x128xf32, #tpu.memory_space<hbm>> -> memref<10000x128xf32, #tpu.memory_space<hbm>>
        %dma_start3A_849 = arith.constant 0 : i32
        %dma_start3A_850 = arith.constant 0 : i32
        %dma_start3A_851 = tpu.memref_slice %dma_start3A_848[%dma_start3A_849, %dma_start3A_850] : memref<10000x128xf32, #tpu.memory_space<hbm>> -> memref<10000x128xf32, #tpu.memory_space<hbm>>
        tpu.enqueue_indirect_dma source(%dma_start3A_851 : memref<10000x128xf32, #tpu.memory_space<hbm>>) target(%arg10 : memref<128x128xf32, #tpu.memory_space<vmem>>) offsets(%dma_start3A_844 : memref<128xi32, #tpu.memory_space<vmem>>) semaphore(%arg17 : memref<!tpu.dma_semaphore, #tpu.memory_space<semaphore_mem>>)
      } else {
      }
      %dma_wait3A_564 = tpu.memref_slice %arg7[%mul3A_537] : memref<10240xi32, #tpu.memory_space<vmem>> -> memref<128xi32, #tpu.memory_space<vmem>>
      %dma_wait3A_565 = arith.constant 0 : i32
      %dma_wait3A_566 = arith.constant 0 : i32
      %dma_wait3A_567 = tpu.memref_slice %arg2[%arg0, %dma_wait3A_565, %dma_wait3A_566] : memref<2x10000x128xf32, #tpu.memory_space<hbm>> -> memref<1x10000x128xf32, #tpu.memory_space<hbm>>
      %dma_wait3A_568 = tpu.memref_squeeze %dma_wait3A_567 : memref<1x10000x128xf32, #tpu.memory_space<hbm>> -> memref<10000x128xf32, #tpu.memory_space<hbm>>
      %dma_wait3A_569 = arith.constant 0 : i32
      %dma_wait3A_570 = arith.constant 0 : i32
      %dma_wait3A_571 = tpu.memref_slice %dma_wait3A_568[%dma_wait3A_569, %dma_wait3A_570] : memref<10000x128xf32, #tpu.memory_space<hbm>> -> memref<10000x128xf32, #tpu.memory_space<hbm>>
      tpu.wait_indirect_dma semaphore(%arg18 : memref<!tpu.dma_semaphore, #tpu.memory_space<semaphore_mem>>) src(%dma_wait3A_571 : memref<10000x128xf32, #tpu.memory_space<hbm>>) dst(%arg11 : memref<128x128xf32, #tpu.memory_space<vmem>>)
      %run_scoped3A_572 = arith.constant 3 : i32
      "tpu.region"() ({
        %run_scoped3A_840 = tpu.sem_alloc : memref<!tpu.dma_semaphore, #tpu.memory_space<semaphore_mem>>
        %dma_start3A_841 = arith.constant 0 : i32
        %dma_start3A_842 = tpu.memref_slice %arg8[%run_scoped3A_572, %dma_start3A_841] : memref<8x128xi32, #tpu.memory_space<vmem>> -> memref<1x128xi32, #tpu.memory_space<vmem>>
        %dma_start3A_843 = tpu.memref_squeeze %dma_start3A_842 : memref<1x128xi32, #tpu.memory_space<vmem>> -> memref<128xi32, #tpu.memory_space<vmem>>
        %dma_start3A_844 = arith.constant 0 : i32
        %dma_start3A_845 = arith.constant 0 : i32
        %dma_start3A_846 = tpu.memref_slice %arg12[%dma_start3A_844, %dma_start3A_845] : memref<10008x128xf32, #tpu.memory_space<vmem_shared>> -> memref<10008x128xf32, #tpu.memory_space<vmem_shared>>
        tpu.enqueue_indirect_dma source(%arg11 : memref<128x128xf32, #tpu.memory_space<vmem>>) target(%dma_start3A_846 : memref<10008x128xf32, #tpu.memory_space<vmem_shared>>) offsets(%dma_start3A_843 : memref<128xi32, #tpu.memory_space<vmem>>) semaphore(%run_scoped3A_840 : memref<!tpu.dma_semaphore, #tpu.memory_space<semaphore_mem>>) {add = true}
        %dma_wait3A_847 = arith.constant 0 : i32
        %dma_wait3A_848 = tpu.memref_slice %arg8[%run_scoped3A_572, %dma_wait3A_847] : memref<8x128xi32, #tpu.memory_space<vmem>> -> memref<1x128xi32, #tpu.memory_space<vmem>>
        %dma_wait3A_849 = tpu.memref_squeeze %dma_wait3A_848 : memref<1x128xi32, #tpu.memory_space<vmem>> -> memref<128xi32, #tpu.memory_space<vmem>>
        %dma_wait3A_850 = arith.constant 0 : i32
        %dma_wait3A_851 = arith.constant 0 : i32
        %dma_wait3A_852 = tpu.memref_slice %arg12[%dma_wait3A_850, %dma_wait3A_851] : memref<10008x128xf32, #tpu.memory_space<vmem_shared>> -> memref<10008x128xf32, #tpu.memory_space<vmem_shared>>
        tpu.wait_indirect_dma semaphore(%run_scoped3A_840 : memref<!tpu.dma_semaphore, #tpu.memory_space<semaphore_mem>>) src(%arg11 : memref<128x128xf32, #tpu.memory_space<vmem>>) dst(%dma_wait3A_852 : memref<10008x128xf32, #tpu.memory_space<vmem_shared>>)
        tpu.yield
      }) : () -> ()
      %add3A_573 = arith.constant 4 : i32
      %add3A_574 = arith.addi %mul3A_476, %add3A_573 : i32
      %add3A_575 = arith.constant 1 : i32
      %add3A_576 = arith.addi %add3A_574, %add3A_575 : i32
      %mul3A_577 = arith.constant 128 : i32
      %mul3A_578 = arith.muli %add3A_576, %mul3A_577 : i32
      %dma_start3A_579 = tpu.memref_slice %arg7[%mul3A_578] : memref<10240xi32, #tpu.memory_space<vmem>> -> memref<128xi32, #tpu.memory_space<vmem>>
      %dma_start3A_580 = arith.constant 0 : i32
      %dma_start3A_581 = arith.constant 0 : i32
      %dma_start3A_582 = tpu.memref_slice %arg2[%arg0, %dma_start3A_580, %dma_start3A_581] : memref<2x10000x128xf32, #tpu.memory_space<hbm>> -> memref<1x10000x128xf32, #tpu.memory_space<hbm>>
      %dma_start3A_583 = tpu.memref_squeeze %dma_start3A_582 : memref<1x10000x128xf32, #tpu.memory_space<hbm>> -> memref<10000x128xf32, #tpu.memory_space<hbm>>
      %dma_start3A_584 = arith.constant 0 : i32
      %dma_start3A_585 = arith.constant 0 : i32
      %dma_start3A_586 = tpu.memref_slice %dma_start3A_583[%dma_start3A_584, %dma_start3A_585] : memref<10000x128xf32, #tpu.memory_space<hbm>> -> memref<10000x128xf32, #tpu.memory_space<hbm>>
      tpu.enqueue_indirect_dma source(%dma_start3A_586 : memref<10000x128xf32, #tpu.memory_space<hbm>>) target(%arg11 : memref<128x128xf32, #tpu.memory_space<vmem>>) offsets(%dma_start3A_579 : memref<128xi32, #tpu.memory_space<vmem>>) semaphore(%arg18 : memref<!tpu.dma_semaphore, #tpu.memory_space<semaphore_mem>>)
      %mul3A_587 = arith.constant 128 : i32
      %mul3A_588 = arith.muli %add3A_574, %mul3A_587 : i32
      %dma_wait3A_589 = tpu.memref_slice %arg7[%mul3A_588] : memref<10240xi32, #tpu.memory_space<vmem>> -> memref<128xi32, #tpu.memory_space<vmem>>
      %dma_wait3A_590 = arith.constant 0 : i32
      %dma_wait3A_591 = arith.constant 0 : i32
      %dma_wait3A_592 = tpu.memref_slice %arg2[%arg0, %dma_wait3A_590, %dma_wait3A_591] : memref<2x10000x128xf32, #tpu.memory_space<hbm>> -> memref<1x10000x128xf32, #tpu.memory_space<hbm>>
      %dma_wait3A_593 = tpu.memref_squeeze %dma_wait3A_592 : memref<1x10000x128xf32, #tpu.memory_space<hbm>> -> memref<10000x128xf32, #tpu.memory_space<hbm>>
      %dma_wait3A_594 = arith.constant 0 : i32
      %dma_wait3A_595 = arith.constant 0 : i32
      %dma_wait3A_596 = tpu.memref_slice %dma_wait3A_593[%dma_wait3A_594, %dma_wait3A_595] : memref<10000x128xf32, #tpu.memory_space<hbm>> -> memref<10000x128xf32, #tpu.memory_space<hbm>>
      tpu.wait_indirect_dma semaphore(%arg17 : memref<!tpu.dma_semaphore, #tpu.memory_space<semaphore_mem>>) src(%dma_wait3A_596 : memref<10000x128xf32, #tpu.memory_space<hbm>>) dst(%arg10 : memref<128x128xf32, #tpu.memory_space<vmem>>)
      %run_scoped3A_597 = arith.constant 4 : i32
      "tpu.region"() ({
        %run_scoped3A_840 = tpu.sem_alloc : memref<!tpu.dma_semaphore, #tpu.memory_space<semaphore_mem>>
        %dma_start3A_841 = arith.constant 0 : i32
        %dma_start3A_842 = tpu.memref_slice %arg8[%run_scoped3A_597, %dma_start3A_841] : memref<8x128xi32, #tpu.memory_space<vmem>> -> memref<1x128xi32, #tpu.memory_space<vmem>>
        %dma_start3A_843 = tpu.memref_squeeze %dma_start3A_842 : memref<1x128xi32, #tpu.memory_space<vmem>> -> memref<128xi32, #tpu.memory_space<vmem>>
        %dma_start3A_844 = arith.constant 0 : i32
        %dma_start3A_845 = arith.constant 0 : i32
        %dma_start3A_846 = tpu.memref_slice %arg12[%dma_start3A_844, %dma_start3A_845] : memref<10008x128xf32, #tpu.memory_space<vmem_shared>> -> memref<10008x128xf32, #tpu.memory_space<vmem_shared>>
        tpu.enqueue_indirect_dma source(%arg10 : memref<128x128xf32, #tpu.memory_space<vmem>>) target(%dma_start3A_846 : memref<10008x128xf32, #tpu.memory_space<vmem_shared>>) offsets(%dma_start3A_843 : memref<128xi32, #tpu.memory_space<vmem>>) semaphore(%run_scoped3A_840 : memref<!tpu.dma_semaphore, #tpu.memory_space<semaphore_mem>>) {add = true}
        %dma_wait3A_847 = arith.constant 0 : i32
        %dma_wait3A_848 = tpu.memref_slice %arg8[%run_scoped3A_597, %dma_wait3A_847] : memref<8x128xi32, #tpu.memory_space<vmem>> -> memref<1x128xi32, #tpu.memory_space<vmem>>
        %dma_wait3A_849 = tpu.memref_squeeze %dma_wait3A_848 : memref<1x128xi32, #tpu.memory_space<vmem>> -> memref<128xi32, #tpu.memory_space<vmem>>
        %dma_wait3A_850 = arith.constant 0 : i32
        %dma_wait3A_851 = arith.constant 0 : i32
        %dma_wait3A_852 = tpu.memref_slice %arg12[%dma_wait3A_850, %dma_wait3A_851] : memref<10008x128xf32, #tpu.memory_space<vmem_shared>> -> memref<10008x128xf32, #tpu.memory_space<vmem_shared>>
        tpu.wait_indirect_dma semaphore(%run_scoped3A_840 : memref<!tpu.dma_semaphore, #tpu.memory_space<semaphore_mem>>) src(%arg10 : memref<128x128xf32, #tpu.memory_space<vmem>>) dst(%dma_wait3A_852 : memref<10008x128xf32, #tpu.memory_space<vmem_shared>>)
        tpu.yield
      }) : () -> ()
      %add3A_598 = arith.constant 2 : i32
      %add3A_599 = arith.addi %add3A_574, %add3A_598 : i32
      %lt3A_600 = arith.constant 80 : i32
      %lt3A_601 = arith.cmpi slt, %add3A_599, %lt3A_600 : i32
      %convert_element_type3A_602 = arith.extui %lt3A_601 : i1 to i32
      %cond3A_603 = arith.constant 0 : i32
      %cond3A_604 = arith.cmpi ne, %convert_element_type3A_602, %cond3A_603 : i32
      scf.if %cond3A_604 {
        %add3A_840 = arith.constant 2 : i32
        %add3A_841 = arith.addi %add3A_574, %add3A_840 : i32
        %mul3A_842 = arith.constant 128 : i32
        %mul3A_843 = arith.muli %add3A_841, %mul3A_842 : i32
        %dma_start3A_844 = tpu.memref_slice %arg7[%mul3A_843] : memref<10240xi32, #tpu.memory_space<vmem>> -> memref<128xi32, #tpu.memory_space<vmem>>
        %dma_start3A_845 = arith.constant 0 : i32
        %dma_start3A_846 = arith.constant 0 : i32
        %dma_start3A_847 = tpu.memref_slice %arg2[%arg0, %dma_start3A_845, %dma_start3A_846] : memref<2x10000x128xf32, #tpu.memory_space<hbm>> -> memref<1x10000x128xf32, #tpu.memory_space<hbm>>
        %dma_start3A_848 = tpu.memref_squeeze %dma_start3A_847 : memref<1x10000x128xf32, #tpu.memory_space<hbm>> -> memref<10000x128xf32, #tpu.memory_space<hbm>>
        %dma_start3A_849 = arith.constant 0 : i32
        %dma_start3A_850 = arith.constant 0 : i32
        %dma_start3A_851 = tpu.memref_slice %dma_start3A_848[%dma_start3A_849, %dma_start3A_850] : memref<10000x128xf32, #tpu.memory_space<hbm>> -> memref<10000x128xf32, #tpu.memory_space<hbm>>
        tpu.enqueue_indirect_dma source(%dma_start3A_851 : memref<10000x128xf32, #tpu.memory_space<hbm>>) target(%arg10 : memref<128x128xf32, #tpu.memory_space<vmem>>) offsets(%dma_start3A_844 : memref<128xi32, #tpu.memory_space<vmem>>) semaphore(%arg17 : memref<!tpu.dma_semaphore, #tpu.memory_space<semaphore_mem>>)
      } else {
      }
      %dma_wait3A_605 = tpu.memref_slice %arg7[%mul3A_578] : memref<10240xi32, #tpu.memory_space<vmem>> -> memref<128xi32, #tpu.memory_space<vmem>>
      %dma_wait3A_606 = arith.constant 0 : i32
      %dma_wait3A_607 = arith.constant 0 : i32
      %dma_wait3A_608 = tpu.memref_slice %arg2[%arg0, %dma_wait3A_606, %dma_wait3A_607] : memref<2x10000x128xf32, #tpu.memory_space<hbm>> -> memref<1x10000x128xf32, #tpu.memory_space<hbm>>
      %dma_wait3A_609 = tpu.memref_squeeze %dma_wait3A_608 : memref<1x10000x128xf32, #tpu.memory_space<hbm>> -> memref<10000x128xf32, #tpu.memory_space<hbm>>
      %dma_wait3A_610 = arith.constant 0 : i32
      %dma_wait3A_611 = arith.constant 0 : i32
      %dma_wait3A_612 = tpu.memref_slice %dma_wait3A_609[%dma_wait3A_610, %dma_wait3A_611] : memref<10000x128xf32, #tpu.memory_space<hbm>> -> memref<10000x128xf32, #tpu.memory_space<hbm>>
      tpu.wait_indirect_dma semaphore(%arg18 : memref<!tpu.dma_semaphore, #tpu.memory_space<semaphore_mem>>) src(%dma_wait3A_612 : memref<10000x128xf32, #tpu.memory_space<hbm>>) dst(%arg11 : memref<128x128xf32, #tpu.memory_space<vmem>>)
      %run_scoped3A_613 = arith.constant 5 : i32
      "tpu.region"() ({
        %run_scoped3A_840 = tpu.sem_alloc : memref<!tpu.dma_semaphore, #tpu.memory_space<semaphore_mem>>
        %dma_start3A_841 = arith.constant 0 : i32
        %dma_start3A_842 = tpu.memref_slice %arg8[%run_scoped3A_613, %dma_start3A_841] : memref<8x128xi32, #tpu.memory_space<vmem>> -> memref<1x128xi32, #tpu.memory_space<vmem>>
        %dma_start3A_843 = tpu.memref_squeeze %dma_start3A_842 : memref<1x128xi32, #tpu.memory_space<vmem>> -> memref<128xi32, #tpu.memory_space<vmem>>
        %dma_start3A_844 = arith.constant 0 : i32
        %dma_start3A_845 = arith.constant 0 : i32
        %dma_start3A_846 = tpu.memref_slice %arg12[%dma_start3A_844, %dma_start3A_845] : memref<10008x128xf32, #tpu.memory_space<vmem_shared>> -> memref<10008x128xf32, #tpu.memory_space<vmem_shared>>
        tpu.enqueue_indirect_dma source(%arg11 : memref<128x128xf32, #tpu.memory_space<vmem>>) target(%dma_start3A_846 : memref<10008x128xf32, #tpu.memory_space<vmem_shared>>) offsets(%dma_start3A_843 : memref<128xi32, #tpu.memory_space<vmem>>) semaphore(%run_scoped3A_840 : memref<!tpu.dma_semaphore, #tpu.memory_space<semaphore_mem>>) {add = true}
        %dma_wait3A_847 = arith.constant 0 : i32
        %dma_wait3A_848 = tpu.memref_slice %arg8[%run_scoped3A_613, %dma_wait3A_847] : memref<8x128xi32, #tpu.memory_space<vmem>> -> memref<1x128xi32, #tpu.memory_space<vmem>>
        %dma_wait3A_849 = tpu.memref_squeeze %dma_wait3A_848 : memref<1x128xi32, #tpu.memory_space<vmem>> -> memref<128xi32, #tpu.memory_space<vmem>>
        %dma_wait3A_850 = arith.constant 0 : i32
        %dma_wait3A_851 = arith.constant 0 : i32
        %dma_wait3A_852 = tpu.memref_slice %arg12[%dma_wait3A_850, %dma_wait3A_851] : memref<10008x128xf32, #tpu.memory_space<vmem_shared>> -> memref<10008x128xf32, #tpu.memory_space<vmem_shared>>
        tpu.wait_indirect_dma semaphore(%run_scoped3A_840 : memref<!tpu.dma_semaphore, #tpu.memory_space<semaphore_mem>>) src(%arg11 : memref<128x128xf32, #tpu.memory_space<vmem>>) dst(%dma_wait3A_852 : memref<10008x128xf32, #tpu.memory_space<vmem_shared>>)
        tpu.yield
      }) : () -> ()
      %add3A_614 = arith.constant 6 : i32
      %add3A_615 = arith.addi %mul3A_476, %add3A_614 : i32
      %add3A_616 = arith.constant 1 : i32
      %add3A_617 = arith.addi %add3A_615, %add3A_616 : i32
      %mul3A_618 = arith.constant 128 : i32
      %mul3A_619 = arith.muli %add3A_617, %mul3A_618 : i32
      %dma_start3A_620 = tpu.memref_slice %arg7[%mul3A_619] : memref<10240xi32, #tpu.memory_space<vmem>> -> memref<128xi32, #tpu.memory_space<vmem>>
      %dma_start3A_621 = arith.constant 0 : i32
      %dma_start3A_622 = arith.constant 0 : i32
      %dma_start3A_623 = tpu.memref_slice %arg2[%arg0, %dma_start3A_621, %dma_start3A_622] : memref<2x10000x128xf32, #tpu.memory_space<hbm>> -> memref<1x10000x128xf32, #tpu.memory_space<hbm>>
      %dma_start3A_624 = tpu.memref_squeeze %dma_start3A_623 : memref<1x10000x128xf32, #tpu.memory_space<hbm>> -> memref<10000x128xf32, #tpu.memory_space<hbm>>
      %dma_start3A_625 = arith.constant 0 : i32
      %dma_start3A_626 = arith.constant 0 : i32
      %dma_start3A_627 = tpu.memref_slice %dma_start3A_624[%dma_start3A_625, %dma_start3A_626] : memref<10000x128xf32, #tpu.memory_space<hbm>> -> memref<10000x128xf32, #tpu.memory_space<hbm>>
      tpu.enqueue_indirect_dma source(%dma_start3A_627 : memref<10000x128xf32, #tpu.memory_space<hbm>>) target(%arg11 : memref<128x128xf32, #tpu.memory_space<vmem>>) offsets(%dma_start3A_620 : memref<128xi32, #tpu.memory_space<vmem>>) semaphore(%arg18 : memref<!tpu.dma_semaphore, #tpu.memory_space<semaphore_mem>>)
      %mul3A_628 = arith.constant 128 : i32
      %mul3A_629 = arith.muli %add3A_615, %mul3A_628 : i32
      %dma_wait3A_630 = tpu.memref_slice %arg7[%mul3A_629] : memref<10240xi32, #tpu.memory_space<vmem>> -> memref<128xi32, #tpu.memory_space<vmem>>
      %dma_wait3A_631 = arith.constant 0 : i32
      %dma_wait3A_632 = arith.constant 0 : i32
      %dma_wait3A_633 = tpu.memref_slice %arg2[%arg0, %dma_wait3A_631, %dma_wait3A_632] : memref<2x10000x128xf32, #tpu.memory_space<hbm>> -> memref<1x10000x128xf32, #tpu.memory_space<hbm>>
      %dma_wait3A_634 = tpu.memref_squeeze %dma_wait3A_633 : memref<1x10000x128xf32, #tpu.memory_space<hbm>> -> memref<10000x128xf32, #tpu.memory_space<hbm>>
      %dma_wait3A_635 = arith.constant 0 : i32
      %dma_wait3A_636 = arith.constant 0 : i32
      %dma_wait3A_637 = tpu.memref_slice %dma_wait3A_634[%dma_wait3A_635, %dma_wait3A_636] : memref<10000x128xf32, #tpu.memory_space<hbm>> -> memref<10000x128xf32, #tpu.memory_space<hbm>>
      tpu.wait_indirect_dma semaphore(%arg17 : memref<!tpu.dma_semaphore, #tpu.memory_space<semaphore_mem>>) src(%dma_wait3A_637 : memref<10000x128xf32, #tpu.memory_space<hbm>>) dst(%arg10 : memref<128x128xf32, #tpu.memory_space<vmem>>)
      %run_scoped3A_638 = arith.constant 6 : i32
      "tpu.region"() ({
        %run_scoped3A_840 = tpu.sem_alloc : memref<!tpu.dma_semaphore, #tpu.memory_space<semaphore_mem>>
        %dma_start3A_841 = arith.constant 0 : i32
        %dma_start3A_842 = tpu.memref_slice %arg8[%run_scoped3A_638, %dma_start3A_841] : memref<8x128xi32, #tpu.memory_space<vmem>> -> memref<1x128xi32, #tpu.memory_space<vmem>>
        %dma_start3A_843 = tpu.memref_squeeze %dma_start3A_842 : memref<1x128xi32, #tpu.memory_space<vmem>> -> memref<128xi32, #tpu.memory_space<vmem>>
        %dma_start3A_844 = arith.constant 0 : i32
        %dma_start3A_845 = arith.constant 0 : i32
        %dma_start3A_846 = tpu.memref_slice %arg12[%dma_start3A_844, %dma_start3A_845] : memref<10008x128xf32, #tpu.memory_space<vmem_shared>> -> memref<10008x128xf32, #tpu.memory_space<vmem_shared>>
        tpu.enqueue_indirect_dma source(%arg10 : memref<128x128xf32, #tpu.memory_space<vmem>>) target(%dma_start3A_846 : memref<10008x128xf32, #tpu.memory_space<vmem_shared>>) offsets(%dma_start3A_843 : memref<128xi32, #tpu.memory_space<vmem>>) semaphore(%run_scoped3A_840 : memref<!tpu.dma_semaphore, #tpu.memory_space<semaphore_mem>>) {add = true}
        %dma_wait3A_847 = arith.constant 0 : i32
        %dma_wait3A_848 = tpu.memref_slice %arg8[%run_scoped3A_638, %dma_wait3A_847] : memref<8x128xi32, #tpu.memory_space<vmem>> -> memref<1x128xi32, #tpu.memory_space<vmem>>
        %dma_wait3A_849 = tpu.memref_squeeze %dma_wait3A_848 : memref<1x128xi32, #tpu.memory_space<vmem>> -> memref<128xi32, #tpu.memory_space<vmem>>
        %dma_wait3A_850 = arith.constant 0 : i32
        %dma_wait3A_851 = arith.constant 0 : i32
        %dma_wait3A_852 = tpu.memref_slice %arg12[%dma_wait3A_850, %dma_wait3A_851] : memref<10008x128xf32, #tpu.memory_space<vmem_shared>> -> memref<10008x128xf32, #tpu.memory_space<vmem_shared>>
        tpu.wait_indirect_dma semaphore(%run_scoped3A_840 : memref<!tpu.dma_semaphore, #tpu.memory_space<semaphore_mem>>) src(%arg10 : memref<128x128xf32, #tpu.memory_space<vmem>>) dst(%dma_wait3A_852 : memref<10008x128xf32, #tpu.memory_space<vmem_shared>>)
        tpu.yield
      }) : () -> ()
      %add3A_639 = arith.constant 2 : i32
      %add3A_640 = arith.addi %add3A_615, %add3A_639 : i32
      %lt3A_641 = arith.constant 80 : i32
      %lt3A_642 = arith.cmpi slt, %add3A_640, %lt3A_641 : i32
      %convert_element_type3A_643 = arith.extui %lt3A_642 : i1 to i32
      %cond3A_644 = arith.constant 0 : i32
      %cond3A_645 = arith.cmpi ne, %convert_element_type3A_643, %cond3A_644 : i32
      scf.if %cond3A_645 {
        %add3A_840 = arith.constant 2 : i32
        %add3A_841 = arith.addi %add3A_615, %add3A_840 : i32
        %mul3A_842 = arith.constant 128 : i32
        %mul3A_843 = arith.muli %add3A_841, %mul3A_842 : i32
        %dma_start3A_844 = tpu.memref_slice %arg7[%mul3A_843] : memref<10240xi32, #tpu.memory_space<vmem>> -> memref<128xi32, #tpu.memory_space<vmem>>
        %dma_start3A_845 = arith.constant 0 : i32
        %dma_start3A_846 = arith.constant 0 : i32
        %dma_start3A_847 = tpu.memref_slice %arg2[%arg0, %dma_start3A_845, %dma_start3A_846] : memref<2x10000x128xf32, #tpu.memory_space<hbm>> -> memref<1x10000x128xf32, #tpu.memory_space<hbm>>
        %dma_start3A_848 = tpu.memref_squeeze %dma_start3A_847 : memref<1x10000x128xf32, #tpu.memory_space<hbm>> -> memref<10000x128xf32, #tpu.memory_space<hbm>>
        %dma_start3A_849 = arith.constant 0 : i32
        %dma_start3A_850 = arith.constant 0 : i32
        %dma_start3A_851 = tpu.memref_slice %dma_start3A_848[%dma_start3A_849, %dma_start3A_850] : memref<10000x128xf32, #tpu.memory_space<hbm>> -> memref<10000x128xf32, #tpu.memory_space<hbm>>
        tpu.enqueue_indirect_dma source(%dma_start3A_851 : memref<10000x128xf32, #tpu.memory_space<hbm>>) target(%arg10 : memref<128x128xf32, #tpu.memory_space<vmem>>) offsets(%dma_start3A_844 : memref<128xi32, #tpu.memory_space<vmem>>) semaphore(%arg17 : memref<!tpu.dma_semaphore, #tpu.memory_space<semaphore_mem>>)
      } else {
      }
      %dma_wait3A_646 = tpu.memref_slice %arg7[%mul3A_619] : memref<10240xi32, #tpu.memory_space<vmem>> -> memref<128xi32, #tpu.memory_space<vmem>>
      %dma_wait3A_647 = arith.constant 0 : i32
      %dma_wait3A_648 = arith.constant 0 : i32
      %dma_wait3A_649 = tpu.memref_slice %arg2[%arg0, %dma_wait3A_647, %dma_wait3A_648] : memref<2x10000x128xf32, #tpu.memory_space<hbm>> -> memref<1x10000x128xf32, #tpu.memory_space<hbm>>
      %dma_wait3A_650 = tpu.memref_squeeze %dma_wait3A_649 : memref<1x10000x128xf32, #tpu.memory_space<hbm>> -> memref<10000x128xf32, #tpu.memory_space<hbm>>
      %dma_wait3A_651 = arith.constant 0 : i32
      %dma_wait3A_652 = arith.constant 0 : i32
      %dma_wait3A_653 = tpu.memref_slice %dma_wait3A_650[%dma_wait3A_651, %dma_wait3A_652] : memref<10000x128xf32, #tpu.memory_space<hbm>> -> memref<10000x128xf32, #tpu.memory_space<hbm>>
      tpu.wait_indirect_dma semaphore(%arg18 : memref<!tpu.dma_semaphore, #tpu.memory_space<semaphore_mem>>) src(%dma_wait3A_653 : memref<10000x128xf32, #tpu.memory_space<hbm>>) dst(%arg11 : memref<128x128xf32, #tpu.memory_space<vmem>>)
      %run_scoped3A_654 = arith.constant 7 : i32
      "tpu.region"() ({
        %run_scoped3A_840 = tpu.sem_alloc : memref<!tpu.dma_semaphore, #tpu.memory_space<semaphore_mem>>
        %dma_start3A_841 = arith.constant 0 : i32
        %dma_start3A_842 = tpu.memref_slice %arg8[%run_scoped3A_654, %dma_start3A_841] : memref<8x128xi32, #tpu.memory_space<vmem>> -> memref<1x128xi32, #tpu.memory_space<vmem>>
        %dma_start3A_843 = tpu.memref_squeeze %dma_start3A_842 : memref<1x128xi32, #tpu.memory_space<vmem>> -> memref<128xi32, #tpu.memory_space<vmem>>
        %dma_start3A_844 = arith.constant 0 : i32
        %dma_start3A_845 = arith.constant 0 : i32
        %dma_start3A_846 = tpu.memref_slice %arg12[%dma_start3A_844, %dma_start3A_845] : memref<10008x128xf32, #tpu.memory_space<vmem_shared>> -> memref<10008x128xf32, #tpu.memory_space<vmem_shared>>
        tpu.enqueue_indirect_dma source(%arg11 : memref<128x128xf32, #tpu.memory_space<vmem>>) target(%dma_start3A_846 : memref<10008x128xf32, #tpu.memory_space<vmem_shared>>) offsets(%dma_start3A_843 : memref<128xi32, #tpu.memory_space<vmem>>) semaphore(%run_scoped3A_840 : memref<!tpu.dma_semaphore, #tpu.memory_space<semaphore_mem>>) {add = true}
        %dma_wait3A_847 = arith.constant 0 : i32
        %dma_wait3A_848 = tpu.memref_slice %arg8[%run_scoped3A_654, %dma_wait3A_847] : memref<8x128xi32, #tpu.memory_space<vmem>> -> memref<1x128xi32, #tpu.memory_space<vmem>>
        %dma_wait3A_849 = tpu.memref_squeeze %dma_wait3A_848 : memref<1x128xi32, #tpu.memory_space<vmem>> -> memref<128xi32, #tpu.memory_space<vmem>>
        %dma_wait3A_850 = arith.constant 0 : i32
        %dma_wait3A_851 = arith.constant 0 : i32
        %dma_wait3A_852 = tpu.memref_slice %arg12[%dma_wait3A_850, %dma_wait3A_851] : memref<10008x128xf32, #tpu.memory_space<vmem_shared>> -> memref<10008x128xf32, #tpu.memory_space<vmem_shared>>
        tpu.wait_indirect_dma semaphore(%run_scoped3A_840 : memref<!tpu.dma_semaphore, #tpu.memory_space<semaphore_mem>>) src(%arg11 : memref<128x128xf32, #tpu.memory_space<vmem>>) dst(%dma_wait3A_852 : memref<10008x128xf32, #tpu.memory_space<vmem_shared>>)
        tpu.yield
      }) : () -> ()
      %lt3A_655 = arith.constant 4 : i32
      %lt3A_656 = arith.cmpi slt, %scan3A_472, %lt3A_655 : i32
      %convert_element_type3A_657 = arith.extui %lt3A_656 : i1 to i32
      %cond3A_658 = arith.constant 0 : i32
      %cond3A_659 = arith.cmpi ne, %convert_element_type3A_657, %cond3A_658 : i32
      scf.if %cond3A_659 {
        %add3A_840 = arith.constant 16 : i32
        %add3A_841 = arith.addi %mul3A_476, %add3A_840 : i32
        %dma_start3A_842 = arith.constant 0 : i32
        %dma_start3A_843 = tpu.memref_slice %arg4[%add3A, %add3A_841, %dma_start3A_842] : memref<32x80x128xi32, #tpu.memory_space<hbm>> -> memref<1x8x128xi32, #tpu.memory_space<hbm>>
        %dma_start3A_844 = tpu.memref_squeeze %dma_start3A_843 : memref<1x8x128xi32, #tpu.memory_space<hbm>> -> memref<8x128xi32, #tpu.memory_space<hbm>>
        %dma_start3A_845 = arith.constant 0 : i32
        %dma_start3A_846 = tpu.memref_slice %arg4[%add3A, %add3A_841, %dma_start3A_845] : memref<32x80x128xi32, #tpu.memory_space<hbm>> -> memref<1x8x128xi32, #tpu.memory_space<hbm>>
        %dma_start3A_847 = tpu.memref_squeeze %dma_start3A_846 : memref<1x8x128xi32, #tpu.memory_space<hbm>> -> memref<8x128xi32, #tpu.memory_space<hbm>>
        tpu.enqueue_dma source(%dma_start3A_847 : memref<8x128xi32, #tpu.memory_space<hbm>>) target(%arg8 : memref<8x128xi32, #tpu.memory_space<vmem>>) target_semaphore(%arg15 : memref<!tpu.dma_semaphore, #tpu.memory_space<semaphore_mem>>)
      } else {
      }
      %dma_wait3A_660 = arith.constant 0 : i32
      %dma_wait3A_661 = arith.constant 0 : i32
      %dma_wait3A_662 = tpu.memref_slice %arg4[%add3A, %dma_wait3A_660, %dma_wait3A_661] : memref<32x80x128xi32, #tpu.memory_space<hbm>> -> memref<1x8x128xi32, #tpu.memory_space<hbm>>
      %dma_wait3A_663 = tpu.memref_squeeze %dma_wait3A_662 : memref<1x8x128xi32, #tpu.memory_space<hbm>> -> memref<8x128xi32, #tpu.memory_space<hbm>>
      %dma_wait3A_664 = arith.constant 0 : i32
      %dma_wait3A_665 = arith.constant 0 : i32
      %dma_wait3A_666 = tpu.memref_slice %arg4[%add3A, %dma_wait3A_664, %dma_wait3A_665] : memref<32x80x128xi32, #tpu.memory_space<hbm>> -> memref<1x8x128xi32, #tpu.memory_space<hbm>>
      %dma_wait3A_667 = tpu.memref_squeeze %dma_wait3A_666 : memref<1x8x128xi32, #tpu.memory_space<hbm>> -> memref<8x128xi32, #tpu.memory_space<hbm>>
      tpu.wait_dma2 semaphore(%arg16 : memref<!tpu.dma_semaphore, #tpu.memory_space<semaphore_mem>>) src(%dma_wait3A_667 : memref<8x128xi32, #tpu.memory_space<hbm>>) dst(%arg9 : memref<8x128xi32, #tpu.memory_space<vmem>>)
      %add3A_668 = arith.constant 8 : i32
      %add3A_669 = arith.addi %mul3A_476, %add3A_668 : i32
      %add3A_670 = arith.constant 0 : i32
      %add3A_671 = arith.addi %add3A_669, %add3A_670 : i32
      %add3A_672 = arith.constant 1 : i32
      %add3A_673 = arith.addi %add3A_671, %add3A_672 : i32
      %mul3A_674 = arith.constant 128 : i32
      %mul3A_675 = arith.muli %add3A_673, %mul3A_674 : i32
      %dma_start3A_676 = tpu.memref_slice %arg7[%mul3A_675] : memref<10240xi32, #tpu.memory_space<vmem>> -> memref<128xi32, #tpu.memory_space<vmem>>
      %dma_start3A_677 = arith.constant 0 : i32
      %dma_start3A_678 = arith.constant 0 : i32
      %dma_start3A_679 = tpu.memref_slice %arg2[%arg0, %dma_start3A_677, %dma_start3A_678] : memref<2x10000x128xf32, #tpu.memory_space<hbm>> -> memref<1x10000x128xf32, #tpu.memory_space<hbm>>
      %dma_start3A_680 = tpu.memref_squeeze %dma_start3A_679 : memref<1x10000x128xf32, #tpu.memory_space<hbm>> -> memref<10000x128xf32, #tpu.memory_space<hbm>>
      %dma_start3A_681 = arith.constant 0 : i32
      %dma_start3A_682 = arith.constant 0 : i32
      %dma_start3A_683 = tpu.memref_slice %dma_start3A_680[%dma_start3A_681, %dma_start3A_682] : memref<10000x128xf32, #tpu.memory_space<hbm>> -> memref<10000x128xf32, #tpu.memory_space<hbm>>
      tpu.enqueue_indirect_dma source(%dma_start3A_683 : memref<10000x128xf32, #tpu.memory_space<hbm>>) target(%arg11 : memref<128x128xf32, #tpu.memory_space<vmem>>) offsets(%dma_start3A_676 : memref<128xi32, #tpu.memory_space<vmem>>) semaphore(%arg18 : memref<!tpu.dma_semaphore, #tpu.memory_space<semaphore_mem>>)
      %mul3A_684 = arith.constant 128 : i32
      %mul3A_685 = arith.muli %add3A_671, %mul3A_684 : i32
      %dma_wait3A_686 = tpu.memref_slice %arg7[%mul3A_685] : memref<10240xi32, #tpu.memory_space<vmem>> -> memref<128xi32, #tpu.memory_space<vmem>>
      %dma_wait3A_687 = arith.constant 0 : i32
      %dma_wait3A_688 = arith.constant 0 : i32
      %dma_wait3A_689 = tpu.memref_slice %arg2[%arg0, %dma_wait3A_687, %dma_wait3A_688] : memref<2x10000x128xf32, #tpu.memory_space<hbm>> -> memref<1x10000x128xf32, #tpu.memory_space<hbm>>
      %dma_wait3A_690 = tpu.memref_squeeze %dma_wait3A_689 : memref<1x10000x128xf32, #tpu.memory_space<hbm>> -> memref<10000x128xf32, #tpu.memory_space<hbm>>
      %dma_wait3A_691 = arith.constant 0 : i32
      %dma_wait3A_692 = arith.constant 0 : i32
      %dma_wait3A_693 = tpu.memref_slice %dma_wait3A_690[%dma_wait3A_691, %dma_wait3A_692] : memref<10000x128xf32, #tpu.memory_space<hbm>> -> memref<10000x128xf32, #tpu.memory_space<hbm>>
      tpu.wait_indirect_dma semaphore(%arg17 : memref<!tpu.dma_semaphore, #tpu.memory_space<semaphore_mem>>) src(%dma_wait3A_693 : memref<10000x128xf32, #tpu.memory_space<hbm>>) dst(%arg10 : memref<128x128xf32, #tpu.memory_space<vmem>>)
      %run_scoped3A_694 = arith.constant 0 : i32
      "tpu.region"() ({
        %run_scoped3A_840 = tpu.sem_alloc : memref<!tpu.dma_semaphore, #tpu.memory_space<semaphore_mem>>
        %dma_start3A_841 = arith.constant 0 : i32
        %dma_start3A_842 = tpu.memref_slice %arg9[%run_scoped3A_694, %dma_start3A_841] : memref<8x128xi32, #tpu.memory_space<vmem>> -> memref<1x128xi32, #tpu.memory_space<vmem>>
        %dma_start3A_843 = tpu.memref_squeeze %dma_start3A_842 : memref<1x128xi32, #tpu.memory_space<vmem>> -> memref<128xi32, #tpu.memory_space<vmem>>
        %dma_start3A_844 = arith.constant 0 : i32
        %dma_start3A_845 = arith.constant 0 : i32
        %dma_start3A_846 = tpu.memref_slice %arg12[%dma_start3A_844, %dma_start3A_845] : memref<10008x128xf32, #tpu.memory_space<vmem_shared>> -> memref<10008x128xf32, #tpu.memory_space<vmem_shared>>
        tpu.enqueue_indirect_dma source(%arg10 : memref<128x128xf32, #tpu.memory_space<vmem>>) target(%dma_start3A_846 : memref<10008x128xf32, #tpu.memory_space<vmem_shared>>) offsets(%dma_start3A_843 : memref<128xi32, #tpu.memory_space<vmem>>) semaphore(%run_scoped3A_840 : memref<!tpu.dma_semaphore, #tpu.memory_space<semaphore_mem>>) {add = true}
        %dma_wait3A_847 = arith.constant 0 : i32
        %dma_wait3A_848 = tpu.memref_slice %arg9[%run_scoped3A_694, %dma_wait3A_847] : memref<8x128xi32, #tpu.memory_space<vmem>> -> memref<1x128xi32, #tpu.memory_space<vmem>>
        %dma_wait3A_849 = tpu.memref_squeeze %dma_wait3A_848 : memref<1x128xi32, #tpu.memory_space<vmem>> -> memref<128xi32, #tpu.memory_space<vmem>>
        %dma_wait3A_850 = arith.constant 0 : i32
        %dma_wait3A_851 = arith.constant 0 : i32
        %dma_wait3A_852 = tpu.memref_slice %arg12[%dma_wait3A_850, %dma_wait3A_851] : memref<10008x128xf32, #tpu.memory_space<vmem_shared>> -> memref<10008x128xf32, #tpu.memory_space<vmem_shared>>
        tpu.wait_indirect_dma semaphore(%run_scoped3A_840 : memref<!tpu.dma_semaphore, #tpu.memory_space<semaphore_mem>>) src(%arg10 : memref<128x128xf32, #tpu.memory_space<vmem>>) dst(%dma_wait3A_852 : memref<10008x128xf32, #tpu.memory_space<vmem_shared>>)
        tpu.yield
      }) : () -> ()
      %add3A_695 = arith.constant 2 : i32
      %add3A_696 = arith.addi %add3A_671, %add3A_695 : i32
      %lt3A_697 = arith.constant 80 : i32
      %lt3A_698 = arith.cmpi slt, %add3A_696, %lt3A_697 : i32
      %convert_element_type3A_699 = arith.extui %lt3A_698 : i1 to i32
      %cond3A_700 = arith.constant 0 : i32
      %cond3A_701 = arith.cmpi ne, %convert_element_type3A_699, %cond3A_700 : i32
      scf.if %cond3A_701 {
        %add3A_840 = arith.constant 2 : i32
        %add3A_841 = arith.addi %add3A_671, %add3A_840 : i32
        %mul3A_842 = arith.constant 128 : i32
        %mul3A_843 = arith.muli %add3A_841, %mul3A_842 : i32
        %dma_start3A_844 = tpu.memref_slice %arg7[%mul3A_843] : memref<10240xi32, #tpu.memory_space<vmem>> -> memref<128xi32, #tpu.memory_space<vmem>>
        %dma_start3A_845 = arith.constant 0 : i32
        %dma_start3A_846 = arith.constant 0 : i32
        %dma_start3A_847 = tpu.memref_slice %arg2[%arg0, %dma_start3A_845, %dma_start3A_846] : memref<2x10000x128xf32, #tpu.memory_space<hbm>> -> memref<1x10000x128xf32, #tpu.memory_space<hbm>>
        %dma_start3A_848 = tpu.memref_squeeze %dma_start3A_847 : memref<1x10000x128xf32, #tpu.memory_space<hbm>> -> memref<10000x128xf32, #tpu.memory_space<hbm>>
        %dma_start3A_849 = arith.constant 0 : i32
        %dma_start3A_850 = arith.constant 0 : i32
        %dma_start3A_851 = tpu.memref_slice %dma_start3A_848[%dma_start3A_849, %dma_start3A_850] : memref<10000x128xf32, #tpu.memory_space<hbm>> -> memref<10000x128xf32, #tpu.memory_space<hbm>>
        tpu.enqueue_indirect_dma source(%dma_start3A_851 : memref<10000x128xf32, #tpu.memory_space<hbm>>) target(%arg10 : memref<128x128xf32, #tpu.memory_space<vmem>>) offsets(%dma_start3A_844 : memref<128xi32, #tpu.memory_space<vmem>>) semaphore(%arg17 : memref<!tpu.dma_semaphore, #tpu.memory_space<semaphore_mem>>)
      } else {
      }
      %dma_wait3A_702 = tpu.memref_slice %arg7[%mul3A_675] : memref<10240xi32, #tpu.memory_space<vmem>> -> memref<128xi32, #tpu.memory_space<vmem>>
      %dma_wait3A_703 = arith.constant 0 : i32
      %dma_wait3A_704 = arith.constant 0 : i32
      %dma_wait3A_705 = tpu.memref_slice %arg2[%arg0, %dma_wait3A_703, %dma_wait3A_704] : memref<2x10000x128xf32, #tpu.memory_space<hbm>> -> memref<1x10000x128xf32, #tpu.memory_space<hbm>>
      %dma_wait3A_706 = tpu.memref_squeeze %dma_wait3A_705 : memref<1x10000x128xf32, #tpu.memory_space<hbm>> -> memref<10000x128xf32, #tpu.memory_space<hbm>>
      %dma_wait3A_707 = arith.constant 0 : i32
      %dma_wait3A_708 = arith.constant 0 : i32
      %dma_wait3A_709 = tpu.memref_slice %dma_wait3A_706[%dma_wait3A_707, %dma_wait3A_708] : memref<10000x128xf32, #tpu.memory_space<hbm>> -> memref<10000x128xf32, #tpu.memory_space<hbm>>
      tpu.wait_indirect_dma semaphore(%arg18 : memref<!tpu.dma_semaphore, #tpu.memory_space<semaphore_mem>>) src(%dma_wait3A_709 : memref<10000x128xf32, #tpu.memory_space<hbm>>) dst(%arg11 : memref<128x128xf32, #tpu.memory_space<vmem>>)
      %run_scoped3A_710 = arith.constant 1 : i32
      "tpu.region"() ({
        %run_scoped3A_840 = tpu.sem_alloc : memref<!tpu.dma_semaphore, #tpu.memory_space<semaphore_mem>>
        %dma_start3A_841 = arith.constant 0 : i32
        %dma_start3A_842 = tpu.memref_slice %arg9[%run_scoped3A_710, %dma_start3A_841] : memref<8x128xi32, #tpu.memory_space<vmem>> -> memref<1x128xi32, #tpu.memory_space<vmem>>
        %dma_start3A_843 = tpu.memref_squeeze %dma_start3A_842 : memref<1x128xi32, #tpu.memory_space<vmem>> -> memref<128xi32, #tpu.memory_space<vmem>>
        %dma_start3A_844 = arith.constant 0 : i32
        %dma_start3A_845 = arith.constant 0 : i32
        %dma_start3A_846 = tpu.memref_slice %arg12[%dma_start3A_844, %dma_start3A_845] : memref<10008x128xf32, #tpu.memory_space<vmem_shared>> -> memref<10008x128xf32, #tpu.memory_space<vmem_shared>>
        tpu.enqueue_indirect_dma source(%arg11 : memref<128x128xf32, #tpu.memory_space<vmem>>) target(%dma_start3A_846 : memref<10008x128xf32, #tpu.memory_space<vmem_shared>>) offsets(%dma_start3A_843 : memref<128xi32, #tpu.memory_space<vmem>>) semaphore(%run_scoped3A_840 : memref<!tpu.dma_semaphore, #tpu.memory_space<semaphore_mem>>) {add = true}
        %dma_wait3A_847 = arith.constant 0 : i32
        %dma_wait3A_848 = tpu.memref_slice %arg9[%run_scoped3A_710, %dma_wait3A_847] : memref<8x128xi32, #tpu.memory_space<vmem>> -> memref<1x128xi32, #tpu.memory_space<vmem>>
        %dma_wait3A_849 = tpu.memref_squeeze %dma_wait3A_848 : memref<1x128xi32, #tpu.memory_space<vmem>> -> memref<128xi32, #tpu.memory_space<vmem>>
        %dma_wait3A_850 = arith.constant 0 : i32
        %dma_wait3A_851 = arith.constant 0 : i32
        %dma_wait3A_852 = tpu.memref_slice %arg12[%dma_wait3A_850, %dma_wait3A_851] : memref<10008x128xf32, #tpu.memory_space<vmem_shared>> -> memref<10008x128xf32, #tpu.memory_space<vmem_shared>>
        tpu.wait_indirect_dma semaphore(%run_scoped3A_840 : memref<!tpu.dma_semaphore, #tpu.memory_space<semaphore_mem>>) src(%arg11 : memref<128x128xf32, #tpu.memory_space<vmem>>) dst(%dma_wait3A_852 : memref<10008x128xf32, #tpu.memory_space<vmem_shared>>)
        tpu.yield
      }) : () -> ()
      %add3A_711 = arith.constant 8 : i32
      %add3A_712 = arith.addi %mul3A_476, %add3A_711 : i32
      %add3A_713 = arith.constant 2 : i32
      %add3A_714 = arith.addi %add3A_712, %add3A_713 : i32
      %add3A_715 = arith.constant 1 : i32
      %add3A_716 = arith.addi %add3A_714, %add3A_715 : i32
      %mul3A_717 = arith.constant 128 : i32
      %mul3A_718 = arith.muli %add3A_716, %mul3A_717 : i32
      %dma_start3A_719 = tpu.memref_slice %arg7[%mul3A_718] : memref<10240xi32, #tpu.memory_space<vmem>> -> memref<128xi32, #tpu.memory_space<vmem>>
      %dma_start3A_720 = arith.constant 0 : i32
      %dma_start3A_721 = arith.constant 0 : i32
      %dma_start3A_722 = tpu.memref_slice %arg2[%arg0, %dma_start3A_720, %dma_start3A_721] : memref<2x10000x128xf32, #tpu.memory_space<hbm>> -> memref<1x10000x128xf32, #tpu.memory_space<hbm>>
      %dma_start3A_723 = tpu.memref_squeeze %dma_start3A_722 : memref<1x10000x128xf32, #tpu.memory_space<hbm>> -> memref<10000x128xf32, #tpu.memory_space<hbm>>
      %dma_start3A_724 = arith.constant 0 : i32
      %dma_start3A_725 = arith.constant 0 : i32
      %dma_start3A_726 = tpu.memref_slice %dma_start3A_723[%dma_start3A_724, %dma_start3A_725] : memref<10000x128xf32, #tpu.memory_space<hbm>> -> memref<10000x128xf32, #tpu.memory_space<hbm>>
      tpu.enqueue_indirect_dma source(%dma_start3A_726 : memref<10000x128xf32, #tpu.memory_space<hbm>>) target(%arg11 : memref<128x128xf32, #tpu.memory_space<vmem>>) offsets(%dma_start3A_719 : memref<128xi32, #tpu.memory_space<vmem>>) semaphore(%arg18 : memref<!tpu.dma_semaphore, #tpu.memory_space<semaphore_mem>>)
      %mul3A_727 = arith.constant 128 : i32
      %mul3A_728 = arith.muli %add3A_714, %mul3A_727 : i32
      %dma_wait3A_729 = tpu.memref_slice %arg7[%mul3A_728] : memref<10240xi32, #tpu.memory_space<vmem>> -> memref<128xi32, #tpu.memory_space<vmem>>
      %dma_wait3A_730 = arith.constant 0 : i32
      %dma_wait3A_731 = arith.constant 0 : i32
      %dma_wait3A_732 = tpu.memref_slice %arg2[%arg0, %dma_wait3A_730, %dma_wait3A_731] : memref<2x10000x128xf32, #tpu.memory_space<hbm>> -> memref<1x10000x128xf32, #tpu.memory_space<hbm>>
      %dma_wait3A_733 = tpu.memref_squeeze %dma_wait3A_732 : memref<1x10000x128xf32, #tpu.memory_space<hbm>> -> memref<10000x128xf32, #tpu.memory_space<hbm>>
      %dma_wait3A_734 = arith.constant 0 : i32
      %dma_wait3A_735 = arith.constant 0 : i32
      %dma_wait3A_736 = tpu.memref_slice %dma_wait3A_733[%dma_wait3A_734, %dma_wait3A_735] : memref<10000x128xf32, #tpu.memory_space<hbm>> -> memref<10000x128xf32, #tpu.memory_space<hbm>>
      tpu.wait_indirect_dma semaphore(%arg17 : memref<!tpu.dma_semaphore, #tpu.memory_space<semaphore_mem>>) src(%dma_wait3A_736 : memref<10000x128xf32, #tpu.memory_space<hbm>>) dst(%arg10 : memref<128x128xf32, #tpu.memory_space<vmem>>)
      %run_scoped3A_737 = arith.constant 2 : i32
      "tpu.region"() ({
        %run_scoped3A_840 = tpu.sem_alloc : memref<!tpu.dma_semaphore, #tpu.memory_space<semaphore_mem>>
        %dma_start3A_841 = arith.constant 0 : i32
        %dma_start3A_842 = tpu.memref_slice %arg9[%run_scoped3A_737, %dma_start3A_841] : memref<8x128xi32, #tpu.memory_space<vmem>> -> memref<1x128xi32, #tpu.memory_space<vmem>>
        %dma_start3A_843 = tpu.memref_squeeze %dma_start3A_842 : memref<1x128xi32, #tpu.memory_space<vmem>> -> memref<128xi32, #tpu.memory_space<vmem>>
        %dma_start3A_844 = arith.constant 0 : i32
        %dma_start3A_845 = arith.constant 0 : i32
        %dma_start3A_846 = tpu.memref_slice %arg12[%dma_start3A_844, %dma_start3A_845] : memref<10008x128xf32, #tpu.memory_space<vmem_shared>> -> memref<10008x128xf32, #tpu.memory_space<vmem_shared>>
        tpu.enqueue_indirect_dma source(%arg10 : memref<128x128xf32, #tpu.memory_space<vmem>>) target(%dma_start3A_846 : memref<10008x128xf32, #tpu.memory_space<vmem_shared>>) offsets(%dma_start3A_843 : memref<128xi32, #tpu.memory_space<vmem>>) semaphore(%run_scoped3A_840 : memref<!tpu.dma_semaphore, #tpu.memory_space<semaphore_mem>>) {add = true}
        %dma_wait3A_847 = arith.constant 0 : i32
        %dma_wait3A_848 = tpu.memref_slice %arg9[%run_scoped3A_737, %dma_wait3A_847] : memref<8x128xi32, #tpu.memory_space<vmem>> -> memref<1x128xi32, #tpu.memory_space<vmem>>
        %dma_wait3A_849 = tpu.memref_squeeze %dma_wait3A_848 : memref<1x128xi32, #tpu.memory_space<vmem>> -> memref<128xi32, #tpu.memory_space<vmem>>
        %dma_wait3A_850 = arith.constant 0 : i32
        %dma_wait3A_851 = arith.constant 0 : i32
        %dma_wait3A_852 = tpu.memref_slice %arg12[%dma_wait3A_850, %dma_wait3A_851] : memref<10008x128xf32, #tpu.memory_space<vmem_shared>> -> memref<10008x128xf32, #tpu.memory_space<vmem_shared>>
        tpu.wait_indirect_dma semaphore(%run_scoped3A_840 : memref<!tpu.dma_semaphore, #tpu.memory_space<semaphore_mem>>) src(%arg10 : memref<128x128xf32, #tpu.memory_space<vmem>>) dst(%dma_wait3A_852 : memref<10008x128xf32, #tpu.memory_space<vmem_shared>>)
        tpu.yield
      }) : () -> ()
      %add3A_738 = arith.constant 2 : i32
      %add3A_739 = arith.addi %add3A_714, %add3A_738 : i32
      %lt3A_740 = arith.constant 80 : i32
      %lt3A_741 = arith.cmpi slt, %add3A_739, %lt3A_740 : i32
      %convert_element_type3A_742 = arith.extui %lt3A_741 : i1 to i32
      %cond3A_743 = arith.constant 0 : i32
      %cond3A_744 = arith.cmpi ne, %convert_element_type3A_742, %cond3A_743 : i32
      scf.if %cond3A_744 {
        %add3A_840 = arith.constant 2 : i32
        %add3A_841 = arith.addi %add3A_714, %add3A_840 : i32
        %mul3A_842 = arith.constant 128 : i32
        %mul3A_843 = arith.muli %add3A_841, %mul3A_842 : i32
        %dma_start3A_844 = tpu.memref_slice %arg7[%mul3A_843] : memref<10240xi32, #tpu.memory_space<vmem>> -> memref<128xi32, #tpu.memory_space<vmem>>
        %dma_start3A_845 = arith.constant 0 : i32
        %dma_start3A_846 = arith.constant 0 : i32
        %dma_start3A_847 = tpu.memref_slice %arg2[%arg0, %dma_start3A_845, %dma_start3A_846] : memref<2x10000x128xf32, #tpu.memory_space<hbm>> -> memref<1x10000x128xf32, #tpu.memory_space<hbm>>
        %dma_start3A_848 = tpu.memref_squeeze %dma_start3A_847 : memref<1x10000x128xf32, #tpu.memory_space<hbm>> -> memref<10000x128xf32, #tpu.memory_space<hbm>>
        %dma_start3A_849 = arith.constant 0 : i32
        %dma_start3A_850 = arith.constant 0 : i32
        %dma_start3A_851 = tpu.memref_slice %dma_start3A_848[%dma_start3A_849, %dma_start3A_850] : memref<10000x128xf32, #tpu.memory_space<hbm>> -> memref<10000x128xf32, #tpu.memory_space<hbm>>
        tpu.enqueue_indirect_dma source(%dma_start3A_851 : memref<10000x128xf32, #tpu.memory_space<hbm>>) target(%arg10 : memref<128x128xf32, #tpu.memory_space<vmem>>) offsets(%dma_start3A_844 : memref<128xi32, #tpu.memory_space<vmem>>) semaphore(%arg17 : memref<!tpu.dma_semaphore, #tpu.memory_space<semaphore_mem>>)
      } else {
      }
      %dma_wait3A_745 = tpu.memref_slice %arg7[%mul3A_718] : memref<10240xi32, #tpu.memory_space<vmem>> -> memref<128xi32, #tpu.memory_space<vmem>>
      %dma_wait3A_746 = arith.constant 0 : i32
      %dma_wait3A_747 = arith.constant 0 : i32
      %dma_wait3A_748 = tpu.memref_slice %arg2[%arg0, %dma_wait3A_746, %dma_wait3A_747] : memref<2x10000x128xf32, #tpu.memory_space<hbm>> -> memref<1x10000x128xf32, #tpu.memory_space<hbm>>
      %dma_wait3A_749 = tpu.memref_squeeze %dma_wait3A_748 : memref<1x10000x128xf32, #tpu.memory_space<hbm>> -> memref<10000x128xf32, #tpu.memory_space<hbm>>
      %dma_wait3A_750 = arith.constant 0 : i32
      %dma_wait3A_751 = arith.constant 0 : i32
      %dma_wait3A_752 = tpu.memref_slice %dma_wait3A_749[%dma_wait3A_750, %dma_wait3A_751] : memref<10000x128xf32, #tpu.memory_space<hbm>> -> memref<10000x128xf32, #tpu.memory_space<hbm>>
      tpu.wait_indirect_dma semaphore(%arg18 : memref<!tpu.dma_semaphore, #tpu.memory_space<semaphore_mem>>) src(%dma_wait3A_752 : memref<10000x128xf32, #tpu.memory_space<hbm>>) dst(%arg11 : memref<128x128xf32, #tpu.memory_space<vmem>>)
      %run_scoped3A_753 = arith.constant 3 : i32
      "tpu.region"() ({
        %run_scoped3A_840 = tpu.sem_alloc : memref<!tpu.dma_semaphore, #tpu.memory_space<semaphore_mem>>
        %dma_start3A_841 = arith.constant 0 : i32
        %dma_start3A_842 = tpu.memref_slice %arg9[%run_scoped3A_753, %dma_start3A_841] : memref<8x128xi32, #tpu.memory_space<vmem>> -> memref<1x128xi32, #tpu.memory_space<vmem>>
        %dma_start3A_843 = tpu.memref_squeeze %dma_start3A_842 : memref<1x128xi32, #tpu.memory_space<vmem>> -> memref<128xi32, #tpu.memory_space<vmem>>
        %dma_start3A_844 = arith.constant 0 : i32
        %dma_start3A_845 = arith.constant 0 : i32
        %dma_start3A_846 = tpu.memref_slice %arg12[%dma_start3A_844, %dma_start3A_845] : memref<10008x128xf32, #tpu.memory_space<vmem_shared>> -> memref<10008x128xf32, #tpu.memory_space<vmem_shared>>
        tpu.enqueue_indirect_dma source(%arg11 : memref<128x128xf32, #tpu.memory_space<vmem>>) target(%dma_start3A_846 : memref<10008x128xf32, #tpu.memory_space<vmem_shared>>) offsets(%dma_start3A_843 : memref<128xi32, #tpu.memory_space<vmem>>) semaphore(%run_scoped3A_840 : memref<!tpu.dma_semaphore, #tpu.memory_space<semaphore_mem>>) {add = true}
        %dma_wait3A_847 = arith.constant 0 : i32
        %dma_wait3A_848 = tpu.memref_slice %arg9[%run_scoped3A_753, %dma_wait3A_847] : memref<8x128xi32, #tpu.memory_space<vmem>> -> memref<1x128xi32, #tpu.memory_space<vmem>>
        %dma_wait3A_849 = tpu.memref_squeeze %dma_wait3A_848 : memref<1x128xi32, #tpu.memory_space<vmem>> -> memref<128xi32, #tpu.memory_space<vmem>>
        %dma_wait3A_850 = arith.constant 0 : i32
        %dma_wait3A_851 = arith.constant 0 : i32
        %dma_wait3A_852 = tpu.memref_slice %arg12[%dma_wait3A_850, %dma_wait3A_851] : memref<10008x128xf32, #tpu.memory_space<vmem_shared>> -> memref<10008x128xf32, #tpu.memory_space<vmem_shared>>
        tpu.wait_indirect_dma semaphore(%run_scoped3A_840 : memref<!tpu.dma_semaphore, #tpu.memory_space<semaphore_mem>>) src(%arg11 : memref<128x128xf32, #tpu.memory_space<vmem>>) dst(%dma_wait3A_852 : memref<10008x128xf32, #tpu.memory_space<vmem_shared>>)
        tpu.yield
      }) : () -> ()
      %add3A_754 = arith.constant 8 : i32
      %add3A_755 = arith.addi %mul3A_476, %add3A_754 : i32
      %add3A_756 = arith.constant 4 : i32
      %add3A_757 = arith.addi %add3A_755, %add3A_756 : i32
      %add3A_758 = arith.constant 1 : i32
      %add3A_759 = arith.addi %add3A_757, %add3A_758 : i32
      %mul3A_760 = arith.constant 128 : i32
      %mul3A_761 = arith.muli %add3A_759, %mul3A_760 : i32
      %dma_start3A_762 = tpu.memref_slice %arg7[%mul3A_761] : memref<10240xi32, #tpu.memory_space<vmem>> -> memref<128xi32, #tpu.memory_space<vmem>>
      %dma_start3A_763 = arith.constant 0 : i32
      %dma_start3A_764 = arith.constant 0 : i32
      %dma_start3A_765 = tpu.memref_slice %arg2[%arg0, %dma_start3A_763, %dma_start3A_764] : memref<2x10000x128xf32, #tpu.memory_space<hbm>> -> memref<1x10000x128xf32, #tpu.memory_space<hbm>>
      %dma_start3A_766 = tpu.memref_squeeze %dma_start3A_765 : memref<1x10000x128xf32, #tpu.memory_space<hbm>> -> memref<10000x128xf32, #tpu.memory_space<hbm>>
      %dma_start3A_767 = arith.constant 0 : i32
      %dma_start3A_768 = arith.constant 0 : i32
      %dma_start3A_769 = tpu.memref_slice %dma_start3A_766[%dma_start3A_767, %dma_start3A_768] : memref<10000x128xf32, #tpu.memory_space<hbm>> -> memref<10000x128xf32, #tpu.memory_space<hbm>>
      tpu.enqueue_indirect_dma source(%dma_start3A_769 : memref<10000x128xf32, #tpu.memory_space<hbm>>) target(%arg11 : memref<128x128xf32, #tpu.memory_space<vmem>>) offsets(%dma_start3A_762 : memref<128xi32, #tpu.memory_space<vmem>>) semaphore(%arg18 : memref<!tpu.dma_semaphore, #tpu.memory_space<semaphore_mem>>)
      %mul3A_770 = arith.constant 128 : i32
      %mul3A_771 = arith.muli %add3A_757, %mul3A_770 : i32
      %dma_wait3A_772 = tpu.memref_slice %arg7[%mul3A_771] : memref<10240xi32, #tpu.memory_space<vmem>> -> memref<128xi32, #tpu.memory_space<vmem>>
      %dma_wait3A_773 = arith.constant 0 : i32
      %dma_wait3A_774 = arith.constant 0 : i32
      %dma_wait3A_775 = tpu.memref_slice %arg2[%arg0, %dma_wait3A_773, %dma_wait3A_774] : memref<2x10000x128xf32, #tpu.memory_space<hbm>> -> memref<1x10000x128xf32, #tpu.memory_space<hbm>>
      %dma_wait3A_776 = tpu.memref_squeeze %dma_wait3A_775 : memref<1x10000x128xf32, #tpu.memory_space<hbm>> -> memref<10000x128xf32, #tpu.memory_space<hbm>>
      %dma_wait3A_777 = arith.constant 0 : i32
      %dma_wait3A_778 = arith.constant 0 : i32
      %dma_wait3A_779 = tpu.memref_slice %dma_wait3A_776[%dma_wait3A_777, %dma_wait3A_778] : memref<10000x128xf32, #tpu.memory_space<hbm>> -> memref<10000x128xf32, #tpu.memory_space<hbm>>
      tpu.wait_indirect_dma semaphore(%arg17 : memref<!tpu.dma_semaphore, #tpu.memory_space<semaphore_mem>>) src(%dma_wait3A_779 : memref<10000x128xf32, #tpu.memory_space<hbm>>) dst(%arg10 : memref<128x128xf32, #tpu.memory_space<vmem>>)
      %run_scoped3A_780 = arith.constant 4 : i32
      "tpu.region"() ({
        %run_scoped3A_840 = tpu.sem_alloc : memref<!tpu.dma_semaphore, #tpu.memory_space<semaphore_mem>>
        %dma_start3A_841 = arith.constant 0 : i32
        %dma_start3A_842 = tpu.memref_slice %arg9[%run_scoped3A_780, %dma_start3A_841] : memref<8x128xi32, #tpu.memory_space<vmem>> -> memref<1x128xi32, #tpu.memory_space<vmem>>
        %dma_start3A_843 = tpu.memref_squeeze %dma_start3A_842 : memref<1x128xi32, #tpu.memory_space<vmem>> -> memref<128xi32, #tpu.memory_space<vmem>>
        %dma_start3A_844 = arith.constant 0 : i32
        %dma_start3A_845 = arith.constant 0 : i32
        %dma_start3A_846 = tpu.memref_slice %arg12[%dma_start3A_844, %dma_start3A_845] : memref<10008x128xf32, #tpu.memory_space<vmem_shared>> -> memref<10008x128xf32, #tpu.memory_space<vmem_shared>>
        tpu.enqueue_indirect_dma source(%arg10 : memref<128x128xf32, #tpu.memory_space<vmem>>) target(%dma_start3A_846 : memref<10008x128xf32, #tpu.memory_space<vmem_shared>>) offsets(%dma_start3A_843 : memref<128xi32, #tpu.memory_space<vmem>>) semaphore(%run_scoped3A_840 : memref<!tpu.dma_semaphore, #tpu.memory_space<semaphore_mem>>) {add = true}
        %dma_wait3A_847 = arith.constant 0 : i32
        %dma_wait3A_848 = tpu.memref_slice %arg9[%run_scoped3A_780, %dma_wait3A_847] : memref<8x128xi32, #tpu.memory_space<vmem>> -> memref<1x128xi32, #tpu.memory_space<vmem>>
        %dma_wait3A_849 = tpu.memref_squeeze %dma_wait3A_848 : memref<1x128xi32, #tpu.memory_space<vmem>> -> memref<128xi32, #tpu.memory_space<vmem>>
        %dma_wait3A_850 = arith.constant 0 : i32
        %dma_wait3A_851 = arith.constant 0 : i32
        %dma_wait3A_852 = tpu.memref_slice %arg12[%dma_wait3A_850, %dma_wait3A_851] : memref<10008x128xf32, #tpu.memory_space<vmem_shared>> -> memref<10008x128xf32, #tpu.memory_space<vmem_shared>>
        tpu.wait_indirect_dma semaphore(%run_scoped3A_840 : memref<!tpu.dma_semaphore, #tpu.memory_space<semaphore_mem>>) src(%arg10 : memref<128x128xf32, #tpu.memory_space<vmem>>) dst(%dma_wait3A_852 : memref<10008x128xf32, #tpu.memory_space<vmem_shared>>)
        tpu.yield
      }) : () -> ()
      %add3A_781 = arith.constant 2 : i32
      %add3A_782 = arith.addi %add3A_757, %add3A_781 : i32
      %lt3A_783 = arith.constant 80 : i32
      %lt3A_784 = arith.cmpi slt, %add3A_782, %lt3A_783 : i32
      %convert_element_type3A_785 = arith.extui %lt3A_784 : i1 to i32
      %cond3A_786 = arith.constant 0 : i32
      %cond3A_787 = arith.cmpi ne, %convert_element_type3A_785, %cond3A_786 : i32
      scf.if %cond3A_787 {
        %add3A_840 = arith.constant 2 : i32
        %add3A_841 = arith.addi %add3A_757, %add3A_840 : i32
        %mul3A_842 = arith.constant 128 : i32
        %mul3A_843 = arith.muli %add3A_841, %mul3A_842 : i32
        %dma_start3A_844 = tpu.memref_slice %arg7[%mul3A_843] : memref<10240xi32, #tpu.memory_space<vmem>> -> memref<128xi32, #tpu.memory_space<vmem>>
        %dma_start3A_845 = arith.constant 0 : i32
        %dma_start3A_846 = arith.constant 0 : i32
        %dma_start3A_847 = tpu.memref_slice %arg2[%arg0, %dma_start3A_845, %dma_start3A_846] : memref<2x10000x128xf32, #tpu.memory_space<hbm>> -> memref<1x10000x128xf32, #tpu.memory_space<hbm>>
        %dma_start3A_848 = tpu.memref_squeeze %dma_start3A_847 : memref<1x10000x128xf32, #tpu.memory_space<hbm>> -> memref<10000x128xf32, #tpu.memory_space<hbm>>
        %dma_start3A_849 = arith.constant 0 : i32
        %dma_start3A_850 = arith.constant 0 : i32
        %dma_start3A_851 = tpu.memref_slice %dma_start3A_848[%dma_start3A_849, %dma_start3A_850] : memref<10000x128xf32, #tpu.memory_space<hbm>> -> memref<10000x128xf32, #tpu.memory_space<hbm>>
        tpu.enqueue_indirect_dma source(%dma_start3A_851 : memref<10000x128xf32, #tpu.memory_space<hbm>>) target(%arg10 : memref<128x128xf32, #tpu.memory_space<vmem>>) offsets(%dma_start3A_844 : memref<128xi32, #tpu.memory_space<vmem>>) semaphore(%arg17 : memref<!tpu.dma_semaphore, #tpu.memory_space<semaphore_mem>>)
      } else {
      }
      %dma_wait3A_788 = tpu.memref_slice %arg7[%mul3A_761] : memref<10240xi32, #tpu.memory_space<vmem>> -> memref<128xi32, #tpu.memory_space<vmem>>
      %dma_wait3A_789 = arith.constant 0 : i32
      %dma_wait3A_790 = arith.constant 0 : i32
      %dma_wait3A_791 = tpu.memref_slice %arg2[%arg0, %dma_wait3A_789, %dma_wait3A_790] : memref<2x10000x128xf32, #tpu.memory_space<hbm>> -> memref<1x10000x128xf32, #tpu.memory_space<hbm>>
      %dma_wait3A_792 = tpu.memref_squeeze %dma_wait3A_791 : memref<1x10000x128xf32, #tpu.memory_space<hbm>> -> memref<10000x128xf32, #tpu.memory_space<hbm>>
      %dma_wait3A_793 = arith.constant 0 : i32
      %dma_wait3A_794 = arith.constant 0 : i32
      %dma_wait3A_795 = tpu.memref_slice %dma_wait3A_792[%dma_wait3A_793, %dma_wait3A_794] : memref<10000x128xf32, #tpu.memory_space<hbm>> -> memref<10000x128xf32, #tpu.memory_space<hbm>>
      tpu.wait_indirect_dma semaphore(%arg18 : memref<!tpu.dma_semaphore, #tpu.memory_space<semaphore_mem>>) src(%dma_wait3A_795 : memref<10000x128xf32, #tpu.memory_space<hbm>>) dst(%arg11 : memref<128x128xf32, #tpu.memory_space<vmem>>)
      %run_scoped3A_796 = arith.constant 5 : i32
      "tpu.region"() ({
        %run_scoped3A_840 = tpu.sem_alloc : memref<!tpu.dma_semaphore, #tpu.memory_space<semaphore_mem>>
        %dma_start3A_841 = arith.constant 0 : i32
        %dma_start3A_842 = tpu.memref_slice %arg9[%run_scoped3A_796, %dma_start3A_841] : memref<8x128xi32, #tpu.memory_space<vmem>> -> memref<1x128xi32, #tpu.memory_space<vmem>>
        %dma_start3A_843 = tpu.memref_squeeze %dma_start3A_842 : memref<1x128xi32, #tpu.memory_space<vmem>> -> memref<128xi32, #tpu.memory_space<vmem>>
        %dma_start3A_844 = arith.constant 0 : i32
        %dma_start3A_845 = arith.constant 0 : i32
        %dma_start3A_846 = tpu.memref_slice %arg12[%dma_start3A_844, %dma_start3A_845] : memref<10008x128xf32, #tpu.memory_space<vmem_shared>> -> memref<10008x128xf32, #tpu.memory_space<vmem_shared>>
        tpu.enqueue_indirect_dma source(%arg11 : memref<128x128xf32, #tpu.memory_space<vmem>>) target(%dma_start3A_846 : memref<10008x128xf32, #tpu.memory_space<vmem_shared>>) offsets(%dma_start3A_843 : memref<128xi32, #tpu.memory_space<vmem>>) semaphore(%run_scoped3A_840 : memref<!tpu.dma_semaphore, #tpu.memory_space<semaphore_mem>>) {add = true}
        %dma_wait3A_847 = arith.constant 0 : i32
        %dma_wait3A_848 = tpu.memref_slice %arg9[%run_scoped3A_796, %dma_wait3A_847] : memref<8x128xi32, #tpu.memory_space<vmem>> -> memref<1x128xi32, #tpu.memory_space<vmem>>
        %dma_wait3A_849 = tpu.memref_squeeze %dma_wait3A_848 : memref<1x128xi32, #tpu.memory_space<vmem>> -> memref<128xi32, #tpu.memory_space<vmem>>
        %dma_wait3A_850 = arith.constant 0 : i32
        %dma_wait3A_851 = arith.constant 0 : i32
        %dma_wait3A_852 = tpu.memref_slice %arg12[%dma_wait3A_850, %dma_wait3A_851] : memref<10008x128xf32, #tpu.memory_space<vmem_shared>> -> memref<10008x128xf32, #tpu.memory_space<vmem_shared>>
        tpu.wait_indirect_dma semaphore(%run_scoped3A_840 : memref<!tpu.dma_semaphore, #tpu.memory_space<semaphore_mem>>) src(%arg11 : memref<128x128xf32, #tpu.memory_space<vmem>>) dst(%dma_wait3A_852 : memref<10008x128xf32, #tpu.memory_space<vmem_shared>>)
        tpu.yield
      }) : () -> ()
      %add3A_797 = arith.constant 8 : i32
      %add3A_798 = arith.addi %mul3A_476, %add3A_797 : i32
      %add3A_799 = arith.constant 6 : i32
      %add3A_800 = arith.addi %add3A_798, %add3A_799 : i32
      %add3A_801 = arith.constant 1 : i32
      %add3A_802 = arith.addi %add3A_800, %add3A_801 : i32
      %mul3A_803 = arith.constant 128 : i32
      %mul3A_804 = arith.muli %add3A_802, %mul3A_803 : i32
      %dma_start3A_805 = tpu.memref_slice %arg7[%mul3A_804] : memref<10240xi32, #tpu.memory_space<vmem>> -> memref<128xi32, #tpu.memory_space<vmem>>
      %dma_start3A_806 = arith.constant 0 : i32
      %dma_start3A_807 = arith.constant 0 : i32
      %dma_start3A_808 = tpu.memref_slice %arg2[%arg0, %dma_start3A_806, %dma_start3A_807] : memref<2x10000x128xf32, #tpu.memory_space<hbm>> -> memref<1x10000x128xf32, #tpu.memory_space<hbm>>
      %dma_start3A_809 = tpu.memref_squeeze %dma_start3A_808 : memref<1x10000x128xf32, #tpu.memory_space<hbm>> -> memref<10000x128xf32, #tpu.memory_space<hbm>>
      %dma_start3A_810 = arith.constant 0 : i32
      %dma_start3A_811 = arith.constant 0 : i32
      %dma_start3A_812 = tpu.memref_slice %dma_start3A_809[%dma_start3A_810, %dma_start3A_811] : memref<10000x128xf32, #tpu.memory_space<hbm>> -> memref<10000x128xf32, #tpu.memory_space<hbm>>
      tpu.enqueue_indirect_dma source(%dma_start3A_812 : memref<10000x128xf32, #tpu.memory_space<hbm>>) target(%arg11 : memref<128x128xf32, #tpu.memory_space<vmem>>) offsets(%dma_start3A_805 : memref<128xi32, #tpu.memory_space<vmem>>) semaphore(%arg18 : memref<!tpu.dma_semaphore, #tpu.memory_space<semaphore_mem>>)
      %mul3A_813 = arith.constant 128 : i32
      %mul3A_814 = arith.muli %add3A_800, %mul3A_813 : i32
      %dma_wait3A_815 = tpu.memref_slice %arg7[%mul3A_814] : memref<10240xi32, #tpu.memory_space<vmem>> -> memref<128xi32, #tpu.memory_space<vmem>>
      %dma_wait3A_816 = arith.constant 0 : i32
      %dma_wait3A_817 = arith.constant 0 : i32
      %dma_wait3A_818 = tpu.memref_slice %arg2[%arg0, %dma_wait3A_816, %dma_wait3A_817] : memref<2x10000x128xf32, #tpu.memory_space<hbm>> -> memref<1x10000x128xf32, #tpu.memory_space<hbm>>
      %dma_wait3A_819 = tpu.memref_squeeze %dma_wait3A_818 : memref<1x10000x128xf32, #tpu.memory_space<hbm>> -> memref<10000x128xf32, #tpu.memory_space<hbm>>
      %dma_wait3A_820 = arith.constant 0 : i32
      %dma_wait3A_821 = arith.constant 0 : i32
      %dma_wait3A_822 = tpu.memref_slice %dma_wait3A_819[%dma_wait3A_820, %dma_wait3A_821] : memref<10000x128xf32, #tpu.memory_space<hbm>> -> memref<10000x128xf32, #tpu.memory_space<hbm>>
      tpu.wait_indirect_dma semaphore(%arg17 : memref<!tpu.dma_semaphore, #tpu.memory_space<semaphore_mem>>) src(%dma_wait3A_822 : memref<10000x128xf32, #tpu.memory_space<hbm>>) dst(%arg10 : memref<128x128xf32, #tpu.memory_space<vmem>>)
      %run_scoped3A_823 = arith.constant 6 : i32
      "tpu.region"() ({
        %run_scoped3A_840 = tpu.sem_alloc : memref<!tpu.dma_semaphore, #tpu.memory_space<semaphore_mem>>
        %dma_start3A_841 = arith.constant 0 : i32
        %dma_start3A_842 = tpu.memref_slice %arg9[%run_scoped3A_823, %dma_start3A_841] : memref<8x128xi32, #tpu.memory_space<vmem>> -> memref<1x128xi32, #tpu.memory_space<vmem>>
        %dma_start3A_843 = tpu.memref_squeeze %dma_start3A_842 : memref<1x128xi32, #tpu.memory_space<vmem>> -> memref<128xi32, #tpu.memory_space<vmem>>
        %dma_start3A_844 = arith.constant 0 : i32
        %dma_start3A_845 = arith.constant 0 : i32
        %dma_start3A_846 = tpu.memref_slice %arg12[%dma_start3A_844, %dma_start3A_845] : memref<10008x128xf32, #tpu.memory_space<vmem_shared>> -> memref<10008x128xf32, #tpu.memory_space<vmem_shared>>
        tpu.enqueue_indirect_dma source(%arg10 : memref<128x128xf32, #tpu.memory_space<vmem>>) target(%dma_start3A_846 : memref<10008x128xf32, #tpu.memory_space<vmem_shared>>) offsets(%dma_start3A_843 : memref<128xi32, #tpu.memory_space<vmem>>) semaphore(%run_scoped3A_840 : memref<!tpu.dma_semaphore, #tpu.memory_space<semaphore_mem>>) {add = true}
        %dma_wait3A_847 = arith.constant 0 : i32
        %dma_wait3A_848 = tpu.memref_slice %arg9[%run_scoped3A_823, %dma_wait3A_847] : memref<8x128xi32, #tpu.memory_space<vmem>> -> memref<1x128xi32, #tpu.memory_space<vmem>>
        %dma_wait3A_849 = tpu.memref_squeeze %dma_wait3A_848 : memref<1x128xi32, #tpu.memory_space<vmem>> -> memref<128xi32, #tpu.memory_space<vmem>>
        %dma_wait3A_850 = arith.constant 0 : i32
        %dma_wait3A_851 = arith.constant 0 : i32
        %dma_wait3A_852 = tpu.memref_slice %arg12[%dma_wait3A_850, %dma_wait3A_851] : memref<10008x128xf32, #tpu.memory_space<vmem_shared>> -> memref<10008x128xf32, #tpu.memory_space<vmem_shared>>
        tpu.wait_indirect_dma semaphore(%run_scoped3A_840 : memref<!tpu.dma_semaphore, #tpu.memory_space<semaphore_mem>>) src(%arg10 : memref<128x128xf32, #tpu.memory_space<vmem>>) dst(%dma_wait3A_852 : memref<10008x128xf32, #tpu.memory_space<vmem_shared>>)
        tpu.yield
      }) : () -> ()
      %add3A_824 = arith.constant 2 : i32
      %add3A_825 = arith.addi %add3A_800, %add3A_824 : i32
      %lt3A_826 = arith.constant 80 : i32
      %lt3A_827 = arith.cmpi slt, %add3A_825, %lt3A_826 : i32
      %convert_element_type3A_828 = arith.extui %lt3A_827 : i1 to i32
      %cond3A_829 = arith.constant 0 : i32
      %cond3A_830 = arith.cmpi ne, %convert_element_type3A_828, %cond3A_829 : i32
      scf.if %cond3A_830 {
        %add3A_840 = arith.constant 2 : i32
        %add3A_841 = arith.addi %add3A_800, %add3A_840 : i32
        %mul3A_842 = arith.constant 128 : i32
        %mul3A_843 = arith.muli %add3A_841, %mul3A_842 : i32
        %dma_start3A_844 = tpu.memref_slice %arg7[%mul3A_843] : memref<10240xi32, #tpu.memory_space<vmem>> -> memref<128xi32, #tpu.memory_space<vmem>>
        %dma_start3A_845 = arith.constant 0 : i32
        %dma_start3A_846 = arith.constant 0 : i32
        %dma_start3A_847 = tpu.memref_slice %arg2[%arg0, %dma_start3A_845, %dma_start3A_846] : memref<2x10000x128xf32, #tpu.memory_space<hbm>> -> memref<1x10000x128xf32, #tpu.memory_space<hbm>>
        %dma_start3A_848 = tpu.memref_squeeze %dma_start3A_847 : memref<1x10000x128xf32, #tpu.memory_space<hbm>> -> memref<10000x128xf32, #tpu.memory_space<hbm>>
        %dma_start3A_849 = arith.constant 0 : i32
        %dma_start3A_850 = arith.constant 0 : i32
        %dma_start3A_851 = tpu.memref_slice %dma_start3A_848[%dma_start3A_849, %dma_start3A_850] : memref<10000x128xf32, #tpu.memory_space<hbm>> -> memref<10000x128xf32, #tpu.memory_space<hbm>>
        tpu.enqueue_indirect_dma source(%dma_start3A_851 : memref<10000x128xf32, #tpu.memory_space<hbm>>) target(%arg10 : memref<128x128xf32, #tpu.memory_space<vmem>>) offsets(%dma_start3A_844 : memref<128xi32, #tpu.memory_space<vmem>>) semaphore(%arg17 : memref<!tpu.dma_semaphore, #tpu.memory_space<semaphore_mem>>)
      } else {
      }
      %dma_wait3A_831 = tpu.memref_slice %arg7[%mul3A_804] : memref<10240xi32, #tpu.memory_space<vmem>> -> memref<128xi32, #tpu.memory_space<vmem>>
      %dma_wait3A_832 = arith.constant 0 : i32
      %dma_wait3A_833 = arith.constant 0 : i32
      %dma_wait3A_834 = tpu.memref_slice %arg2[%arg0, %dma_wait3A_832, %dma_wait3A_833] : memref<2x10000x128xf32, #tpu.memory_space<hbm>> -> memref<1x10000x128xf32, #tpu.memory_space<hbm>>
      %dma_wait3A_835 = tpu.memref_squeeze %dma_wait3A_834 : memref<1x10000x128xf32, #tpu.memory_space<hbm>> -> memref<10000x128xf32, #tpu.memory_space<hbm>>
      %dma_wait3A_836 = arith.constant 0 : i32
      %dma_wait3A_837 = arith.constant 0 : i32
      %dma_wait3A_838 = tpu.memref_slice %dma_wait3A_835[%dma_wait3A_836, %dma_wait3A_837] : memref<10000x128xf32, #tpu.memory_space<hbm>> -> memref<10000x128xf32, #tpu.memory_space<hbm>>
      tpu.wait_indirect_dma semaphore(%arg18 : memref<!tpu.dma_semaphore, #tpu.memory_space<semaphore_mem>>) src(%dma_wait3A_838 : memref<10000x128xf32, #tpu.memory_space<hbm>>) dst(%arg11 : memref<128x128xf32, #tpu.memory_space<vmem>>)
      %run_scoped3A_839 = arith.constant 7 : i32
      "tpu.region"() ({
        %run_scoped3A_840 = tpu.sem_alloc : memref<!tpu.dma_semaphore, #tpu.memory_space<semaphore_mem>>
        %dma_start3A_841 = arith.constant 0 : i32
        %dma_start3A_842 = tpu.memref_slice %arg9[%run_scoped3A_839, %dma_start3A_841] : memref<8x128xi32, #tpu.memory_space<vmem>> -> memref<1x128xi32, #tpu.memory_space<vmem>>
        %dma_start3A_843 = tpu.memref_squeeze %dma_start3A_842 : memref<1x128xi32, #tpu.memory_space<vmem>> -> memref<128xi32, #tpu.memory_space<vmem>>
        %dma_start3A_844 = arith.constant 0 : i32
        %dma_start3A_845 = arith.constant 0 : i32
        %dma_start3A_846 = tpu.memref_slice %arg12[%dma_start3A_844, %dma_start3A_845] : memref<10008x128xf32, #tpu.memory_space<vmem_shared>> -> memref<10008x128xf32, #tpu.memory_space<vmem_shared>>
        tpu.enqueue_indirect_dma source(%arg11 : memref<128x128xf32, #tpu.memory_space<vmem>>) target(%dma_start3A_846 : memref<10008x128xf32, #tpu.memory_space<vmem_shared>>) offsets(%dma_start3A_843 : memref<128xi32, #tpu.memory_space<vmem>>) semaphore(%run_scoped3A_840 : memref<!tpu.dma_semaphore, #tpu.memory_space<semaphore_mem>>) {add = true}
        %dma_wait3A_847 = arith.constant 0 : i32
        %dma_wait3A_848 = tpu.memref_slice %arg9[%run_scoped3A_839, %dma_wait3A_847] : memref<8x128xi32, #tpu.memory_space<vmem>> -> memref<1x128xi32, #tpu.memory_space<vmem>>
        %dma_wait3A_849 = tpu.memref_squeeze %dma_wait3A_848 : memref<1x128xi32, #tpu.memory_space<vmem>> -> memref<128xi32, #tpu.memory_space<vmem>>
        %dma_wait3A_850 = arith.constant 0 : i32
        %dma_wait3A_851 = arith.constant 0 : i32
        %dma_wait3A_852 = tpu.memref_slice %arg12[%dma_wait3A_850, %dma_wait3A_851] : memref<10008x128xf32, #tpu.memory_space<vmem_shared>> -> memref<10008x128xf32, #tpu.memory_space<vmem_shared>>
        tpu.wait_indirect_dma semaphore(%run_scoped3A_840 : memref<!tpu.dma_semaphore, #tpu.memory_space<semaphore_mem>>) src(%arg11 : memref<128x128xf32, #tpu.memory_space<vmem>>) dst(%dma_wait3A_852 : memref<10008x128xf32, #tpu.memory_space<vmem_shared>>)
        tpu.yield
      }) : () -> ()
    }
    %scan3A_461 = arith.constant 5 : i32
    %barrier3A_462 = arith.constant 0 : index
    tpu.barrier barrier_id(%barrier3A_462)
    %mul3A_463 = arith.constant 624 : i32
    %mul3A_464 = arith.muli %arg1, %mul3A_463 : i32
    %mul3A_465 = arith.constant 624 : i32
    %mul3A_466 = arith.muli %arg1, %mul3A_465 : i32
    "tpu.region"() ({
      %run_scoped3A = tpu.sem_alloc : memref<!tpu.dma_semaphore, #tpu.memory_space<semaphore_mem>>
      %dma_start3A_472 = arith.constant 0 : i32
      %dma_start3A_473 = tpu.memref_slice %arg5[%arg0, %mul3A_466, %dma_start3A_472] : memref<2x10000x128xf32, #tpu.memory_space<hbm>> -> memref<1x624x128xf32, #tpu.memory_space<hbm>>
      %dma_start3A_474 = tpu.memref_squeeze %dma_start3A_473 : memref<1x624x128xf32, #tpu.memory_space<hbm>> -> memref<624x128xf32, #tpu.memory_space<hbm>>
      %dma_start3A_475 = arith.constant 0 : i32
      %dma_start3A_476 = tpu.memref_slice %arg12[%mul3A_464, %dma_start3A_475] : memref<10008x128xf32, #tpu.memory_space<vmem_shared>> -> memref<624x128xf32, #tpu.memory_space<vmem_shared>>
      tpu.enqueue_dma source(%dma_start3A_476 : memref<624x128xf32, #tpu.memory_space<vmem_shared>>) target(%dma_start3A_474 : memref<624x128xf32, #tpu.memory_space<hbm>>) target_semaphore(%run_scoped3A : memref<!tpu.dma_semaphore, #tpu.memory_space<semaphore_mem>>)
      %dma_wait3A_477 = arith.constant 0 : i32
      %dma_wait3A_478 = tpu.memref_slice %arg5[%arg0, %mul3A_466, %dma_wait3A_477] : memref<2x10000x128xf32, #tpu.memory_space<hbm>> -> memref<1x624x128xf32, #tpu.memory_space<hbm>>
      %dma_wait3A_479 = tpu.memref_squeeze %dma_wait3A_478 : memref<1x624x128xf32, #tpu.memory_space<hbm>> -> memref<624x128xf32, #tpu.memory_space<hbm>>
      %dma_wait3A_480 = arith.constant 0 : i32
      %dma_wait3A_481 = tpu.memref_slice %arg12[%mul3A_464, %dma_wait3A_480] : memref<10008x128xf32, #tpu.memory_space<vmem_shared>> -> memref<624x128xf32, #tpu.memory_space<vmem_shared>>
      tpu.wait_dma2 semaphore(%run_scoped3A : memref<!tpu.dma_semaphore, #tpu.memory_space<semaphore_mem>>) src(%dma_wait3A_481 : memref<624x128xf32, #tpu.memory_space<vmem_shared>>) dst(%dma_wait3A_479 : memref<624x128xf32, #tpu.memory_space<hbm>>)
      tpu.yield
    }) : () -> ()
    %eq3A_467 = arith.constant 0 : i32
    %eq3A_468 = arith.cmpi eq, %arg1, %eq3A_467 : i32
    %convert_element_type3A_469 = arith.extui %eq3A_468 : i1 to i32
    %cond3A_470 = arith.constant 0 : i32
    %cond3A_471 = arith.cmpi ne, %convert_element_type3A_469, %cond3A_470 : i32
    scf.if %cond3A_471 {
      "tpu.region"() ({
        %run_scoped3A = tpu.sem_alloc : memref<!tpu.dma_semaphore, #tpu.memory_space<semaphore_mem>>
        %dma_start3A_472 = arith.constant 9984 : i32
        %dma_start3A_473 = arith.constant 0 : i32
        %dma_start3A_474 = tpu.memref_slice %arg5[%arg0, %dma_start3A_472, %dma_start3A_473] : memref<2x10000x128xf32, #tpu.memory_space<hbm>> -> memref<1x16x128xf32, #tpu.memory_space<hbm>>
        %dma_start3A_475 = tpu.memref_squeeze %dma_start3A_474 : memref<1x16x128xf32, #tpu.memory_space<hbm>> -> memref<16x128xf32, #tpu.memory_space<hbm>>
        %dma_start3A_476 = arith.constant 9984 : i32
        %dma_start3A_477 = arith.constant 0 : i32
        %dma_start3A_478 = tpu.memref_slice %arg12[%dma_start3A_476, %dma_start3A_477] : memref<10008x128xf32, #tpu.memory_space<vmem_shared>> -> memref<16x128xf32, #tpu.memory_space<vmem_shared>>
        tpu.enqueue_dma source(%dma_start3A_478 : memref<16x128xf32, #tpu.memory_space<vmem_shared>>) target(%dma_start3A_475 : memref<16x128xf32, #tpu.memory_space<hbm>>) target_semaphore(%run_scoped3A : memref<!tpu.dma_semaphore, #tpu.memory_space<semaphore_mem>>)
        %dma_wait3A_479 = arith.constant 9984 : i32
        %dma_wait3A_480 = arith.constant 0 : i32
        %dma_wait3A_481 = tpu.memref_slice %arg5[%arg0, %dma_wait3A_479, %dma_wait3A_480] : memref<2x10000x128xf32, #tpu.memory_space<hbm>> -> memref<1x16x128xf32, #tpu.memory_space<hbm>>
        %dma_wait3A_482 = tpu.memref_squeeze %dma_wait3A_481 : memref<1x16x128xf32, #tpu.memory_space<hbm>> -> memref<16x128xf32, #tpu.memory_space<hbm>>
        %dma_wait3A_483 = arith.constant 9984 : i32
        %dma_wait3A_484 = arith.constant 0 : i32
        %dma_wait3A_485 = tpu.memref_slice %arg12[%dma_wait3A_483, %dma_wait3A_484] : memref<10008x128xf32, #tpu.memory_space<vmem_shared>> -> memref<16x128xf32, #tpu.memory_space<vmem_shared>>
        tpu.wait_dma2 semaphore(%run_scoped3A : memref<!tpu.dma_semaphore, #tpu.memory_space<semaphore_mem>>) src(%dma_wait3A_485 : memref<16x128xf32, #tpu.memory_space<vmem_shared>>) dst(%dma_wait3A_482 : memref<16x128xf32, #tpu.memory_space<hbm>>)
        tpu.yield
      }) : () -> ()
    } else {
    }
    return
  }
}

#map = affine_map<(d0, d1) -> (0, 0, 0)>
module attributes {stable_mosaic.version = 14 : i64} {
  func.func @_deg_body(%arg0: i32, %arg1: i32, %arg2: memref<32x80x128xi32, #tpu.memory_space<hbm>>, %arg3: memref<2x10000x16xf32, #tpu.memory_space<hbm>>, %arg4: memref<104x16xf32, #tpu.memory_space<vmem>>, %arg5: memref<128x16xf32, #tpu.memory_space<vmem>>, %arg6: memref<80x128xi32, #tpu.memory_space<vmem>>, %arg7: memref<10008x16xf32, #tpu.memory_space<vmem_shared>>, %arg8: memref<!tpu.dma_semaphore, #tpu.memory_space<semaphore_mem>>, %arg9: memref<!tpu.dma_semaphore, #tpu.memory_space<semaphore_mem>>) attributes {dimension_semantics = [#tpu.dimension_semantics<core_parallel>, #tpu.dimension_semantics<subcore_parallel>], iteration_bounds = array<i64: 2, 16>, scalar_prefetch = 0 : i64, scratch_operands = 6 : i64, tpu.core_type = #tpu.core_type<sc_vector_subcore>, window_params = [{transform_indices = #map}, {transform_indices = #map}]} {
    %mul3A = arith.constant 2 : i32
    %mul3A_0 = arith.muli %arg1, %mul3A : i32
    %add3A = arith.addi %mul3A_0, %arg0 : i32
    %dma_start3A = arith.constant 0 : i32
    %dma_start3A_1 = arith.constant 0 : i32
    %dma_start3A_2 = tpu.memref_slice %arg2[%add3A, %dma_start3A, %dma_start3A_1] : memref<32x80x128xi32, #tpu.memory_space<hbm>> -> memref<1x80x128xi32, #tpu.memory_space<hbm>>
    %dma_start3A_3 = tpu.memref_squeeze %dma_start3A_2 : memref<1x80x128xi32, #tpu.memory_space<hbm>> -> memref<80x128xi32, #tpu.memory_space<hbm>>
    %dma_start3A_4 = arith.constant 0 : i32
    %dma_start3A_5 = arith.constant 0 : i32
    %dma_start3A_6 = tpu.memref_slice %arg2[%add3A, %dma_start3A_4, %dma_start3A_5] : memref<32x80x128xi32, #tpu.memory_space<hbm>> -> memref<1x80x128xi32, #tpu.memory_space<hbm>>
    %dma_start3A_7 = tpu.memref_squeeze %dma_start3A_6 : memref<1x80x128xi32, #tpu.memory_space<hbm>> -> memref<80x128xi32, #tpu.memory_space<hbm>>
    tpu.enqueue_dma source(%dma_start3A_7 : memref<80x128xi32, #tpu.memory_space<hbm>>) target(%arg6 : memref<80x128xi32, #tpu.memory_space<vmem>>) target_semaphore(%arg8 : memref<!tpu.dma_semaphore, #tpu.memory_space<semaphore_mem>>)
    %scan3A = arith.constant 0 : i32
    %scan3A_8 = arith.constant 0 : i32
    %scan3A_9 = arith.constant 104 : i32
    %scan3A_10 = arith.addi %scan3A_8, %scan3A_9 : i32
    %scan3A_11 = arith.constant 1 : i32
    scf.for %scan3A_74 = %scan3A_8 to %scan3A_10 step %scan3A_11  : i32 {
      %broadcast_in_dim3A = arith.constant 0.000000e+00 : f32
      %broadcast_in_dim3A_75 = vector.broadcast %broadcast_in_dim3A : f32 to vector<16xf32>
      %swap3A = arith.index_cast %scan3A_74 : i32 to index
      %swap3A_76 = arith.constant 0 : index
      %swap3A_77 = tpu.vector_load %arg4[%swap3A, %swap3A_76] {strides = array<i32>} : memref<104x16xf32, #tpu.memory_space<vmem>>, vector<1x16xf32>,
      %swap3A_78 = vector.shape_cast %swap3A_77 : vector<1x16xf32> to vector<16xf32>
      %swap3A_79 = vector.shape_cast %broadcast_in_dim3A_75 : vector<16xf32> to vector<1x16xf32>
      tpu.vector_store %arg4[%swap3A, %swap3A_76], %swap3A_79 {strides = array<i32>} : memref<104x16xf32, #tpu.memory_space<vmem>>, vector<1x16xf32>,
    }
    %scan3A_12 = arith.constant 104 : i32
    %scan3A_13 = arith.constant 0 : i32
    %scan3A_14 = arith.constant 0 : i32
    %scan3A_15 = arith.constant 128 : i32
    %scan3A_16 = arith.addi %scan3A_14, %scan3A_15 : i32
    %scan3A_17 = arith.constant 1 : i32
    scf.for %scan3A_74 = %scan3A_14 to %scan3A_16 step %scan3A_17  : i32 {
      %broadcast_in_dim3A = arith.constant 1.000000e+00 : f32
      %broadcast_in_dim3A_75 = vector.broadcast %broadcast_in_dim3A : f32 to vector<16xf32>
      %swap3A = arith.index_cast %scan3A_74 : i32 to index
      %swap3A_76 = arith.constant 0 : index
      %swap3A_77 = tpu.vector_load %arg5[%swap3A, %swap3A_76] {strides = array<i32>} : memref<128x16xf32, #tpu.memory_space<vmem>>, vector<1x16xf32>,
      %swap3A_78 = vector.shape_cast %swap3A_77 : vector<1x16xf32> to vector<16xf32>
      %swap3A_79 = vector.shape_cast %broadcast_in_dim3A_75 : vector<16xf32> to vector<1x16xf32>
      tpu.vector_store %arg5[%swap3A, %swap3A_76], %swap3A_79 {strides = array<i32>} : memref<128x16xf32, #tpu.memory_space<vmem>>, vector<1x16xf32>,
    }
    %scan3A_18 = arith.constant 128 : i32
    %mul3A_19 = arith.constant 624 : i32
    %mul3A_20 = arith.muli %arg1, %mul3A_19 : i32
    %add3A_21 = arith.constant 0 : i32
    %add3A_22 = arith.addi %mul3A_20, %add3A_21 : i32
    "tpu.region"() ({
      %run_scoped3A = tpu.sem_alloc : memref<!tpu.dma_semaphore, #tpu.memory_space<semaphore_mem>>
      %dma_start3A_74 = arith.constant 0 : i32
      %dma_start3A_75 = tpu.memref_slice %arg7[%add3A_22, %dma_start3A_74] : memref<10008x16xf32, #tpu.memory_space<vmem_shared>> -> memref<104x16xf32, #tpu.memory_space<vmem_shared>>
      %dma_start3A_76 = arith.constant 0 : i32
      %dma_start3A_77 = tpu.memref_slice %arg7[%add3A_22, %dma_start3A_76] : memref<10008x16xf32, #tpu.memory_space<vmem_shared>> -> memref<104x16xf32, #tpu.memory_space<vmem_shared>>
      tpu.enqueue_dma source(%arg4 : memref<104x16xf32, #tpu.memory_space<vmem>>) target(%dma_start3A_77 : memref<104x16xf32, #tpu.memory_space<vmem_shared>>) target_semaphore(%run_scoped3A : memref<!tpu.dma_semaphore, #tpu.memory_space<semaphore_mem>>)
      %dma_wait3A_78 = arith.constant 0 : i32
      %dma_wait3A_79 = tpu.memref_slice %arg7[%add3A_22, %dma_wait3A_78] : memref<10008x16xf32, #tpu.memory_space<vmem_shared>> -> memref<104x16xf32, #tpu.memory_space<vmem_shared>>
      %dma_wait3A_80 = arith.constant 0 : i32
      %dma_wait3A_81 = tpu.memref_slice %arg7[%add3A_22, %dma_wait3A_80] : memref<10008x16xf32, #tpu.memory_space<vmem_shared>> -> memref<104x16xf32, #tpu.memory_space<vmem_shared>>
      tpu.wait_dma2 semaphore(%run_scoped3A : memref<!tpu.dma_semaphore, #tpu.memory_space<semaphore_mem>>) src(%arg4 : memref<104x16xf32, #tpu.memory_space<vmem>>) dst(%dma_wait3A_81 : memref<104x16xf32, #tpu.memory_space<vmem_shared>>)
      tpu.yield
    }) : () -> ()
    %mul3A_23 = arith.constant 624 : i32
    %mul3A_24 = arith.muli %arg1, %mul3A_23 : i32
    %add3A_25 = arith.constant 104 : i32
    %add3A_26 = arith.addi %mul3A_24, %add3A_25 : i32
    "tpu.region"() ({
      %run_scoped3A = tpu.sem_alloc : memref<!tpu.dma_semaphore, #tpu.memory_space<semaphore_mem>>
      %dma_start3A_74 = arith.constant 0 : i32
      %dma_start3A_75 = tpu.memref_slice %arg7[%add3A_26, %dma_start3A_74] : memref<10008x16xf32, #tpu.memory_space<vmem_shared>> -> memref<104x16xf32, #tpu.memory_space<vmem_shared>>
      %dma_start3A_76 = arith.constant 0 : i32
      %dma_start3A_77 = tpu.memref_slice %arg7[%add3A_26, %dma_start3A_76] : memref<10008x16xf32, #tpu.memory_space<vmem_shared>> -> memref<104x16xf32, #tpu.memory_space<vmem_shared>>
      tpu.enqueue_dma source(%arg4 : memref<104x16xf32, #tpu.memory_space<vmem>>) target(%dma_start3A_77 : memref<104x16xf32, #tpu.memory_space<vmem_shared>>) target_semaphore(%run_scoped3A : memref<!tpu.dma_semaphore, #tpu.memory_space<semaphore_mem>>)
      %dma_wait3A_78 = arith.constant 0 : i32
      %dma_wait3A_79 = tpu.memref_slice %arg7[%add3A_26, %dma_wait3A_78] : memref<10008x16xf32, #tpu.memory_space<vmem_shared>> -> memref<104x16xf32, #tpu.memory_space<vmem_shared>>
      %dma_wait3A_80 = arith.constant 0 : i32
      %dma_wait3A_81 = tpu.memref_slice %arg7[%add3A_26, %dma_wait3A_80] : memref<10008x16xf32, #tpu.memory_space<vmem_shared>> -> memref<104x16xf32, #tpu.memory_space<vmem_shared>>
      tpu.wait_dma2 semaphore(%run_scoped3A : memref<!tpu.dma_semaphore, #tpu.memory_space<semaphore_mem>>) src(%arg4 : memref<104x16xf32, #tpu.memory_space<vmem>>) dst(%dma_wait3A_81 : memref<104x16xf32, #tpu.memory_space<vmem_shared>>)
      tpu.yield
    }) : () -> ()
    %mul3A_27 = arith.constant 624 : i32
    %mul3A_28 = arith.muli %arg1, %mul3A_27 : i32
    %add3A_29 = arith.constant 208 : i32
    %add3A_30 = arith.addi %mul3A_28, %add3A_29 : i32
    "tpu.region"() ({
      %run_scoped3A = tpu.sem_alloc : memref<!tpu.dma_semaphore, #tpu.memory_space<semaphore_mem>>
      %dma_start3A_74 = arith.constant 0 : i32
      %dma_start3A_75 = tpu.memref_slice %arg7[%add3A_30, %dma_start3A_74] : memref<10008x16xf32, #tpu.memory_space<vmem_shared>> -> memref<104x16xf32, #tpu.memory_space<vmem_shared>>
      %dma_start3A_76 = arith.constant 0 : i32
      %dma_start3A_77 = tpu.memref_slice %arg7[%add3A_30, %dma_start3A_76] : memref<10008x16xf32, #tpu.memory_space<vmem_shared>> -> memref<104x16xf32, #tpu.memory_space<vmem_shared>>
      tpu.enqueue_dma source(%arg4 : memref<104x16xf32, #tpu.memory_space<vmem>>) target(%dma_start3A_77 : memref<104x16xf32, #tpu.memory_space<vmem_shared>>) target_semaphore(%run_scoped3A : memref<!tpu.dma_semaphore, #tpu.memory_space<semaphore_mem>>)
      %dma_wait3A_78 = arith.constant 0 : i32
      %dma_wait3A_79 = tpu.memref_slice %arg7[%add3A_30, %dma_wait3A_78] : memref<10008x16xf32, #tpu.memory_space<vmem_shared>> -> memref<104x16xf32, #tpu.memory_space<vmem_shared>>
      %dma_wait3A_80 = arith.constant 0 : i32
      %dma_wait3A_81 = tpu.memref_slice %arg7[%add3A_30, %dma_wait3A_80] : memref<10008x16xf32, #tpu.memory_space<vmem_shared>> -> memref<104x16xf32, #tpu.memory_space<vmem_shared>>
      tpu.wait_dma2 semaphore(%run_scoped3A : memref<!tpu.dma_semaphore, #tpu.memory_space<semaphore_mem>>) src(%arg4 : memref<104x16xf32, #tpu.memory_space<vmem>>) dst(%dma_wait3A_81 : memref<104x16xf32, #tpu.memory_space<vmem_shared>>)
      tpu.yield
    }) : () -> ()
    %mul3A_31 = arith.constant 624 : i32
    %mul3A_32 = arith.muli %arg1, %mul3A_31 : i32
    %add3A_33 = arith.constant 312 : i32
    %add3A_34 = arith.addi %mul3A_32, %add3A_33 : i32
    "tpu.region"() ({
      %run_scoped3A = tpu.sem_alloc : memref<!tpu.dma_semaphore, #tpu.memory_space<semaphore_mem>>
      %dma_start3A_74 = arith.constant 0 : i32
      %dma_start3A_75 = tpu.memref_slice %arg7[%add3A_34, %dma_start3A_74] : memref<10008x16xf32, #tpu.memory_space<vmem_shared>> -> memref<104x16xf32, #tpu.memory_space<vmem_shared>>
      %dma_start3A_76 = arith.constant 0 : i32
      %dma_start3A_77 = tpu.memref_slice %arg7[%add3A_34, %dma_start3A_76] : memref<10008x16xf32, #tpu.memory_space<vmem_shared>> -> memref<104x16xf32, #tpu.memory_space<vmem_shared>>
      tpu.enqueue_dma source(%arg4 : memref<104x16xf32, #tpu.memory_space<vmem>>) target(%dma_start3A_77 : memref<104x16xf32, #tpu.memory_space<vmem_shared>>) target_semaphore(%run_scoped3A : memref<!tpu.dma_semaphore, #tpu.memory_space<semaphore_mem>>)
      %dma_wait3A_78 = arith.constant 0 : i32
      %dma_wait3A_79 = tpu.memref_slice %arg7[%add3A_34, %dma_wait3A_78] : memref<10008x16xf32, #tpu.memory_space<vmem_shared>> -> memref<104x16xf32, #tpu.memory_space<vmem_shared>>
      %dma_wait3A_80 = arith.constant 0 : i32
      %dma_wait3A_81 = tpu.memref_slice %arg7[%add3A_34, %dma_wait3A_80] : memref<10008x16xf32, #tpu.memory_space<vmem_shared>> -> memref<104x16xf32, #tpu.memory_space<vmem_shared>>
      tpu.wait_dma2 semaphore(%run_scoped3A : memref<!tpu.dma_semaphore, #tpu.memory_space<semaphore_mem>>) src(%arg4 : memref<104x16xf32, #tpu.memory_space<vmem>>) dst(%dma_wait3A_81 : memref<104x16xf32, #tpu.memory_space<vmem_shared>>)
      tpu.yield
    }) : () -> ()
    %mul3A_35 = arith.constant 624 : i32
    %mul3A_36 = arith.muli %arg1, %mul3A_35 : i32
    %add3A_37 = arith.constant 416 : i32
    %add3A_38 = arith.addi %mul3A_36, %add3A_37 : i32
    "tpu.region"() ({
      %run_scoped3A = tpu.sem_alloc : memref<!tpu.dma_semaphore, #tpu.memory_space<semaphore_mem>>
      %dma_start3A_74 = arith.constant 0 : i32
      %dma_start3A_75 = tpu.memref_slice %arg7[%add3A_38, %dma_start3A_74] : memref<10008x16xf32, #tpu.memory_space<vmem_shared>> -> memref<104x16xf32, #tpu.memory_space<vmem_shared>>
      %dma_start3A_76 = arith.constant 0 : i32
      %dma_start3A_77 = tpu.memref_slice %arg7[%add3A_38, %dma_start3A_76] : memref<10008x16xf32, #tpu.memory_space<vmem_shared>> -> memref<104x16xf32, #tpu.memory_space<vmem_shared>>
      tpu.enqueue_dma source(%arg4 : memref<104x16xf32, #tpu.memory_space<vmem>>) target(%dma_start3A_77 : memref<104x16xf32, #tpu.memory_space<vmem_shared>>) target_semaphore(%run_scoped3A : memref<!tpu.dma_semaphore, #tpu.memory_space<semaphore_mem>>)
      %dma_wait3A_78 = arith.constant 0 : i32
      %dma_wait3A_79 = tpu.memref_slice %arg7[%add3A_38, %dma_wait3A_78] : memref<10008x16xf32, #tpu.memory_space<vmem_shared>> -> memref<104x16xf32, #tpu.memory_space<vmem_shared>>
      %dma_wait3A_80 = arith.constant 0 : i32
      %dma_wait3A_81 = tpu.memref_slice %arg7[%add3A_38, %dma_wait3A_80] : memref<10008x16xf32, #tpu.memory_space<vmem_shared>> -> memref<104x16xf32, #tpu.memory_space<vmem_shared>>
      tpu.wait_dma2 semaphore(%run_scoped3A : memref<!tpu.dma_semaphore, #tpu.memory_space<semaphore_mem>>) src(%arg4 : memref<104x16xf32, #tpu.memory_space<vmem>>) dst(%dma_wait3A_81 : memref<104x16xf32, #tpu.memory_space<vmem_shared>>)
      tpu.yield
    }) : () -> ()
    %mul3A_39 = arith.constant 624 : i32
    %mul3A_40 = arith.muli %arg1, %mul3A_39 : i32
    %add3A_41 = arith.constant 520 : i32
    %add3A_42 = arith.addi %mul3A_40, %add3A_41 : i32
    "tpu.region"() ({
      %run_scoped3A = tpu.sem_alloc : memref<!tpu.dma_semaphore, #tpu.memory_space<semaphore_mem>>
      %dma_start3A_74 = arith.constant 0 : i32
      %dma_start3A_75 = tpu.memref_slice %arg7[%add3A_42, %dma_start3A_74] : memref<10008x16xf32, #tpu.memory_space<vmem_shared>> -> memref<104x16xf32, #tpu.memory_space<vmem_shared>>
      %dma_start3A_76 = arith.constant 0 : i32
      %dma_start3A_77 = tpu.memref_slice %arg7[%add3A_42, %dma_start3A_76] : memref<10008x16xf32, #tpu.memory_space<vmem_shared>> -> memref<104x16xf32, #tpu.memory_space<vmem_shared>>
      tpu.enqueue_dma source(%arg4 : memref<104x16xf32, #tpu.memory_space<vmem>>) target(%dma_start3A_77 : memref<104x16xf32, #tpu.memory_space<vmem_shared>>) target_semaphore(%run_scoped3A : memref<!tpu.dma_semaphore, #tpu.memory_space<semaphore_mem>>)
      %dma_wait3A_78 = arith.constant 0 : i32
      %dma_wait3A_79 = tpu.memref_slice %arg7[%add3A_42, %dma_wait3A_78] : memref<10008x16xf32, #tpu.memory_space<vmem_shared>> -> memref<104x16xf32, #tpu.memory_space<vmem_shared>>
      %dma_wait3A_80 = arith.constant 0 : i32
      %dma_wait3A_81 = tpu.memref_slice %arg7[%add3A_42, %dma_wait3A_80] : memref<10008x16xf32, #tpu.memory_space<vmem_shared>> -> memref<104x16xf32, #tpu.memory_space<vmem_shared>>
      tpu.wait_dma2 semaphore(%run_scoped3A : memref<!tpu.dma_semaphore, #tpu.memory_space<semaphore_mem>>) src(%arg4 : memref<104x16xf32, #tpu.memory_space<vmem>>) dst(%dma_wait3A_81 : memref<104x16xf32, #tpu.memory_space<vmem_shared>>)
      tpu.yield
    }) : () -> ()
    %eq3A = arith.constant 0 : i32
    %eq3A_43 = arith.cmpi eq, %arg1, %eq3A : i32
    %convert_element_type3A = arith.extui %eq3A_43 : i1 to i32
    %cond3A = arith.constant 0 : i32
    %cond3A_44 = arith.cmpi ne, %convert_element_type3A, %cond3A : i32
    scf.if %cond3A_44 {
      "tpu.region"() ({
        %run_scoped3A = tpu.sem_alloc : memref<!tpu.dma_semaphore, #tpu.memory_space<semaphore_mem>>
        %dma_start3A_74 = arith.constant 0 : i32
        %dma_start3A_75 = arith.constant 0 : i32
        %dma_start3A_76 = tpu.memref_slice %arg4[%dma_start3A_74, %dma_start3A_75] : memref<104x16xf32, #tpu.memory_space<vmem>> -> memref<16x16xf32, #tpu.memory_space<vmem>>
        %dma_start3A_77 = arith.constant 9984 : i32
        %dma_start3A_78 = arith.constant 0 : i32
        %dma_start3A_79 = tpu.memref_slice %arg7[%dma_start3A_77, %dma_start3A_78] : memref<10008x16xf32, #tpu.memory_space<vmem_shared>> -> memref<16x16xf32, #tpu.memory_space<vmem_shared>>
        %dma_start3A_80 = arith.constant 9984 : i32
        %dma_start3A_81 = arith.constant 0 : i32
        %dma_start3A_82 = tpu.memref_slice %arg7[%dma_start3A_80, %dma_start3A_81] : memref<10008x16xf32, #tpu.memory_space<vmem_shared>> -> memref<16x16xf32, #tpu.memory_space<vmem_shared>>
        %dma_start3A_83 = arith.constant 0 : i32
        %dma_start3A_84 = arith.constant 0 : i32
        %dma_start3A_85 = tpu.memref_slice %arg4[%dma_start3A_83, %dma_start3A_84] : memref<104x16xf32, #tpu.memory_space<vmem>> -> memref<16x16xf32, #tpu.memory_space<vmem>>
        tpu.enqueue_dma source(%dma_start3A_85 : memref<16x16xf32, #tpu.memory_space<vmem>>) target(%dma_start3A_82 : memref<16x16xf32, #tpu.memory_space<vmem_shared>>) target_semaphore(%run_scoped3A : memref<!tpu.dma_semaphore, #tpu.memory_space<semaphore_mem>>)
        %dma_wait3A_86 = arith.constant 0 : i32
        %dma_wait3A_87 = arith.constant 0 : i32
        %dma_wait3A_88 = tpu.memref_slice %arg4[%dma_wait3A_86, %dma_wait3A_87] : memref<104x16xf32, #tpu.memory_space<vmem>> -> memref<16x16xf32, #tpu.memory_space<vmem>>
        %dma_wait3A_89 = arith.constant 9984 : i32
        %dma_wait3A_90 = arith.constant 0 : i32
        %dma_wait3A_91 = tpu.memref_slice %arg7[%dma_wait3A_89, %dma_wait3A_90] : memref<10008x16xf32, #tpu.memory_space<vmem_shared>> -> memref<16x16xf32, #tpu.memory_space<vmem_shared>>
        %dma_wait3A_92 = arith.constant 9984 : i32
        %dma_wait3A_93 = arith.constant 0 : i32
        %dma_wait3A_94 = tpu.memref_slice %arg7[%dma_wait3A_92, %dma_wait3A_93] : memref<10008x16xf32, #tpu.memory_space<vmem_shared>> -> memref<16x16xf32, #tpu.memory_space<vmem_shared>>
        %dma_wait3A_95 = arith.constant 0 : i32
        %dma_wait3A_96 = arith.constant 0 : i32
        %dma_wait3A_97 = tpu.memref_slice %arg4[%dma_wait3A_95, %dma_wait3A_96] : memref<104x16xf32, #tpu.memory_space<vmem>> -> memref<16x16xf32, #tpu.memory_space<vmem>>
        tpu.wait_dma2 semaphore(%run_scoped3A : memref<!tpu.dma_semaphore, #tpu.memory_space<semaphore_mem>>) src(%dma_wait3A_97 : memref<16x16xf32, #tpu.memory_space<vmem>>) dst(%dma_wait3A_94 : memref<16x16xf32, #tpu.memory_space<vmem_shared>>)
        tpu.yield
      }) : () -> ()
      "tpu.region"() ({
        %run_scoped3A = tpu.sem_alloc : memref<!tpu.dma_semaphore, #tpu.memory_space<semaphore_mem>>
        %dma_start3A_74 = arith.constant 0 : i32
        %dma_start3A_75 = arith.constant 0 : i32
        %dma_start3A_76 = tpu.memref_slice %arg4[%dma_start3A_74, %dma_start3A_75] : memref<104x16xf32, #tpu.memory_space<vmem>> -> memref<8x16xf32, #tpu.memory_space<vmem>>
        %dma_start3A_77 = arith.constant 10000 : i32
        %dma_start3A_78 = arith.constant 0 : i32
        %dma_start3A_79 = tpu.memref_slice %arg7[%dma_start3A_77, %dma_start3A_78] : memref<10008x16xf32, #tpu.memory_space<vmem_shared>> -> memref<8x16xf32, #tpu.memory_space<vmem_shared>>
        %dma_start3A_80 = arith.constant 10000 : i32
        %dma_start3A_81 = arith.constant 0 : i32
        %dma_start3A_82 = tpu.memref_slice %arg7[%dma_start3A_80, %dma_start3A_81] : memref<10008x16xf32, #tpu.memory_space<vmem_shared>> -> memref<8x16xf32, #tpu.memory_space<vmem_shared>>
        %dma_start3A_83 = arith.constant 0 : i32
        %dma_start3A_84 = arith.constant 0 : i32
        %dma_start3A_85 = tpu.memref_slice %arg4[%dma_start3A_83, %dma_start3A_84] : memref<104x16xf32, #tpu.memory_space<vmem>> -> memref<8x16xf32, #tpu.memory_space<vmem>>
        tpu.enqueue_dma source(%dma_start3A_85 : memref<8x16xf32, #tpu.memory_space<vmem>>) target(%dma_start3A_82 : memref<8x16xf32, #tpu.memory_space<vmem_shared>>) target_semaphore(%run_scoped3A : memref<!tpu.dma_semaphore, #tpu.memory_space<semaphore_mem>>)
        %dma_wait3A_86 = arith.constant 0 : i32
        %dma_wait3A_87 = arith.constant 0 : i32
        %dma_wait3A_88 = tpu.memref_slice %arg4[%dma_wait3A_86, %dma_wait3A_87] : memref<104x16xf32, #tpu.memory_space<vmem>> -> memref<8x16xf32, #tpu.memory_space<vmem>>
        %dma_wait3A_89 = arith.constant 10000 : i32
        %dma_wait3A_90 = arith.constant 0 : i32
        %dma_wait3A_91 = tpu.memref_slice %arg7[%dma_wait3A_89, %dma_wait3A_90] : memref<10008x16xf32, #tpu.memory_space<vmem_shared>> -> memref<8x16xf32, #tpu.memory_space<vmem_shared>>
        %dma_wait3A_92 = arith.constant 10000 : i32
        %dma_wait3A_93 = arith.constant 0 : i32
        %dma_wait3A_94 = tpu.memref_slice %arg7[%dma_wait3A_92, %dma_wait3A_93] : memref<10008x16xf32, #tpu.memory_space<vmem_shared>> -> memref<8x16xf32, #tpu.memory_space<vmem_shared>>
        %dma_wait3A_95 = arith.constant 0 : i32
        %dma_wait3A_96 = arith.constant 0 : i32
        %dma_wait3A_97 = tpu.memref_slice %arg4[%dma_wait3A_95, %dma_wait3A_96] : memref<104x16xf32, #tpu.memory_space<vmem>> -> memref<8x16xf32, #tpu.memory_space<vmem>>
        tpu.wait_dma2 semaphore(%run_scoped3A : memref<!tpu.dma_semaphore, #tpu.memory_space<semaphore_mem>>) src(%dma_wait3A_97 : memref<8x16xf32, #tpu.memory_space<vmem>>) dst(%dma_wait3A_94 : memref<8x16xf32, #tpu.memory_space<vmem_shared>>)
        tpu.yield
      }) : () -> ()
    } else {
    }
    %dma_wait3A = arith.constant 0 : i32
    %dma_wait3A_45 = arith.constant 0 : i32
    %dma_wait3A_46 = tpu.memref_slice %arg2[%add3A, %dma_wait3A, %dma_wait3A_45] : memref<32x80x128xi32, #tpu.memory_space<hbm>> -> memref<1x80x128xi32, #tpu.memory_space<hbm>>
    %dma_wait3A_47 = tpu.memref_squeeze %dma_wait3A_46 : memref<1x80x128xi32, #tpu.memory_space<hbm>> -> memref<80x128xi32, #tpu.memory_space<hbm>>
    %dma_wait3A_48 = arith.constant 0 : i32
    %dma_wait3A_49 = arith.constant 0 : i32
    %dma_wait3A_50 = tpu.memref_slice %arg2[%add3A, %dma_wait3A_48, %dma_wait3A_49] : memref<32x80x128xi32, #tpu.memory_space<hbm>> -> memref<1x80x128xi32, #tpu.memory_space<hbm>>
    %dma_wait3A_51 = tpu.memref_squeeze %dma_wait3A_50 : memref<1x80x128xi32, #tpu.memory_space<hbm>> -> memref<80x128xi32, #tpu.memory_space<hbm>>
    tpu.wait_dma2 semaphore(%arg8 : memref<!tpu.dma_semaphore, #tpu.memory_space<semaphore_mem>>) src(%dma_wait3A_51 : memref<80x128xi32, #tpu.memory_space<hbm>>) dst(%arg6 : memref<80x128xi32, #tpu.memory_space<vmem>>)
    %barrier3A = arith.constant 0 : index
    tpu.barrier barrier_id(%barrier3A)
    %scan3A_52 = arith.constant 0 : i32
    %scan3A_53 = arith.constant 0 : i32
    %scan3A_54 = arith.constant 80 : i32
    %scan3A_55 = arith.addi %scan3A_53, %scan3A_54 : i32
    %scan3A_56 = arith.constant 1 : i32
    scf.for %scan3A_74 = %scan3A_53 to %scan3A_55 step %scan3A_56  : i32 {
      %dma_start3A_75 = arith.constant 0 : i32
      %dma_start3A_76 = tpu.memref_slice %arg6[%scan3A_74, %dma_start3A_75] : memref<80x128xi32, #tpu.memory_space<vmem>> -> memref<1x128xi32, #tpu.memory_space<vmem>>
      %dma_start3A_77 = tpu.memref_squeeze %dma_start3A_76 : memref<1x128xi32, #tpu.memory_space<vmem>> -> memref<128xi32, #tpu.memory_space<vmem>>
      %dma_start3A_78 = arith.constant 0 : i32
      %dma_start3A_79 = arith.constant 0 : i32
      %dma_start3A_80 = tpu.memref_slice %arg7[%dma_start3A_78, %dma_start3A_79] : memref<10008x16xf32, #tpu.memory_space<vmem_shared>> -> memref<10008x16xf32, #tpu.memory_space<vmem_shared>>
      tpu.enqueue_indirect_dma source(%arg5 : memref<128x16xf32, #tpu.memory_space<vmem>>) target(%dma_start3A_80 : memref<10008x16xf32, #tpu.memory_space<vmem_shared>>) offsets(%dma_start3A_77 : memref<128xi32, #tpu.memory_space<vmem>>) semaphore(%arg9 : memref<!tpu.dma_semaphore, #tpu.memory_space<semaphore_mem>>) {add = true}
    }
    %scan3A_57 = arith.constant 80 : i32
    %scan3A_58 = arith.constant 0 : i32
    %scan3A_59 = arith.constant 0 : i32
    %scan3A_60 = arith.constant 80 : i32
    %scan3A_61 = arith.addi %scan3A_59, %scan3A_60 : i32
    %scan3A_62 = arith.constant 1 : i32
    scf.for %scan3A_74 = %scan3A_59 to %scan3A_61 step %scan3A_62  : i32 {
      %dma_wait3A_75 = arith.constant 0 : i32
      %dma_wait3A_76 = tpu.memref_slice %arg6[%scan3A_74, %dma_wait3A_75] : memref<80x128xi32, #tpu.memory_space<vmem>> -> memref<1x128xi32, #tpu.memory_space<vmem>>
      %dma_wait3A_77 = tpu.memref_squeeze %dma_wait3A_76 : memref<1x128xi32, #tpu.memory_space<vmem>> -> memref<128xi32, #tpu.memory_space<vmem>>
      %dma_wait3A_78 = arith.constant 0 : i32
      %dma_wait3A_79 = arith.constant 0 : i32
      %dma_wait3A_80 = tpu.memref_slice %arg7[%dma_wait3A_78, %dma_wait3A_79] : memref<10008x16xf32, #tpu.memory_space<vmem_shared>> -> memref<10008x16xf32, #tpu.memory_space<vmem_shared>>
      tpu.wait_indirect_dma semaphore(%arg9 : memref<!tpu.dma_semaphore, #tpu.memory_space<semaphore_mem>>) src(%arg5 : memref<128x16xf32, #tpu.memory_space<vmem>>) dst(%dma_wait3A_80 : memref<10008x16xf32, #tpu.memory_space<vmem_shared>>)
    }
    %scan3A_63 = arith.constant 80 : i32
    %barrier3A_64 = arith.constant 0 : index
    tpu.barrier barrier_id(%barrier3A_64)
    %mul3A_65 = arith.constant 624 : i32
    %mul3A_66 = arith.muli %arg1, %mul3A_65 : i32
    %mul3A_67 = arith.constant 624 : i32
    %mul3A_68 = arith.muli %arg1, %mul3A_67 : i32
    "tpu.region"() ({
      %run_scoped3A = tpu.sem_alloc : memref<!tpu.dma_semaphore, #tpu.memory_space<semaphore_mem>>
      %dma_start3A_74 = arith.constant 0 : i32
      %dma_start3A_75 = tpu.memref_slice %arg3[%arg0, %mul3A_68, %dma_start3A_74] : memref<2x10000x16xf32, #tpu.memory_space<hbm>> -> memref<1x624x16xf32, #tpu.memory_space<hbm>>
      %dma_start3A_76 = tpu.memref_squeeze %dma_start3A_75 : memref<1x624x16xf32, #tpu.memory_space<hbm>> -> memref<624x16xf32, #tpu.memory_space<hbm>>
      %dma_start3A_77 = arith.constant 0 : i32
      %dma_start3A_78 = tpu.memref_slice %arg7[%mul3A_66, %dma_start3A_77] : memref<10008x16xf32, #tpu.memory_space<vmem_shared>> -> memref<624x16xf32, #tpu.memory_space<vmem_shared>>
      tpu.enqueue_dma source(%dma_start3A_78 : memref<624x16xf32, #tpu.memory_space<vmem_shared>>) target(%dma_start3A_76 : memref<624x16xf32, #tpu.memory_space<hbm>>) target_semaphore(%run_scoped3A : memref<!tpu.dma_semaphore, #tpu.memory_space<semaphore_mem>>)
      %dma_wait3A_79 = arith.constant 0 : i32
      %dma_wait3A_80 = tpu.memref_slice %arg3[%arg0, %mul3A_68, %dma_wait3A_79] : memref<2x10000x16xf32, #tpu.memory_space<hbm>> -> memref<1x624x16xf32, #tpu.memory_space<hbm>>
      %dma_wait3A_81 = tpu.memref_squeeze %dma_wait3A_80 : memref<1x624x16xf32, #tpu.memory_space<hbm>> -> memref<624x16xf32, #tpu.memory_space<hbm>>
      %dma_wait3A_82 = arith.constant 0 : i32
      %dma_wait3A_83 = tpu.memref_slice %arg7[%mul3A_66, %dma_wait3A_82] : memref<10008x16xf32, #tpu.memory_space<vmem_shared>> -> memref<624x16xf32, #tpu.memory_space<vmem_shared>>
      tpu.wait_dma2 semaphore(%run_scoped3A : memref<!tpu.dma_semaphore, #tpu.memory_space<semaphore_mem>>) src(%dma_wait3A_83 : memref<624x16xf32, #tpu.memory_space<vmem_shared>>) dst(%dma_wait3A_81 : memref<624x16xf32, #tpu.memory_space<hbm>>)
      tpu.yield
    }) : () -> ()
    %eq3A_69 = arith.constant 0 : i32
    %eq3A_70 = arith.cmpi eq, %arg1, %eq3A_69 : i32
    %convert_element_type3A_71 = arith.extui %eq3A_70 : i1 to i32
    %cond3A_72 = arith.constant 0 : i32
    %cond3A_73 = arith.cmpi ne, %convert_element_type3A_71, %cond3A_72 : i32
    scf.if %cond3A_73 {
      "tpu.region"() ({
        %run_scoped3A = tpu.sem_alloc : memref<!tpu.dma_semaphore, #tpu.memory_space<semaphore_mem>>
        %dma_start3A_74 = arith.constant 9984 : i32
        %dma_start3A_75 = arith.constant 0 : i32
        %dma_start3A_76 = tpu.memref_slice %arg3[%arg0, %dma_start3A_74, %dma_start3A_75] : memref<2x10000x16xf32, #tpu.memory_space<hbm>> -> memref<1x16x16xf32, #tpu.memory_space<hbm>>
        %dma_start3A_77 = tpu.memref_squeeze %dma_start3A_76 : memref<1x16x16xf32, #tpu.memory_space<hbm>> -> memref<16x16xf32, #tpu.memory_space<hbm>>
        %dma_start3A_78 = arith.constant 9984 : i32
        %dma_start3A_79 = arith.constant 0 : i32
        %dma_start3A_80 = tpu.memref_slice %arg7[%dma_start3A_78, %dma_start3A_79] : memref<10008x16xf32, #tpu.memory_space<vmem_shared>> -> memref<16x16xf32, #tpu.memory_space<vmem_shared>>
        tpu.enqueue_dma source(%dma_start3A_80 : memref<16x16xf32, #tpu.memory_space<vmem_shared>>) target(%dma_start3A_77 : memref<16x16xf32, #tpu.memory_space<hbm>>) target_semaphore(%run_scoped3A : memref<!tpu.dma_semaphore, #tpu.memory_space<semaphore_mem>>)
        %dma_wait3A_81 = arith.constant 9984 : i32
        %dma_wait3A_82 = arith.constant 0 : i32
        %dma_wait3A_83 = tpu.memref_slice %arg3[%arg0, %dma_wait3A_81, %dma_wait3A_82] : memref<2x10000x16xf32, #tpu.memory_space<hbm>> -> memref<1x16x16xf32, #tpu.memory_space<hbm>>
        %dma_wait3A_84 = tpu.memref_squeeze %dma_wait3A_83 : memref<1x16x16xf32, #tpu.memory_space<hbm>> -> memref<16x16xf32, #tpu.memory_space<hbm>>
        %dma_wait3A_85 = arith.constant 9984 : i32
        %dma_wait3A_86 = arith.constant 0 : i32
        %dma_wait3A_87 = tpu.memref_slice %arg7[%dma_wait3A_85, %dma_wait3A_86] : memref<10008x16xf32, #tpu.memory_space<vmem_shared>> -> memref<16x16xf32, #tpu.memory_space<vmem_shared>>
        tpu.wait_dma2 semaphore(%run_scoped3A : memref<!tpu.dma_semaphore, #tpu.memory_space<semaphore_mem>>) src(%dma_wait3A_87 : memref<16x16xf32, #tpu.memory_space<vmem_shared>>) dst(%dma_wait3A_84 : memref<16x16xf32, #tpu.memory_space<hbm>>)
        tpu.yield
      }) : () -> ()
    } else {
    }
    return
  }
}

#map = affine_map<(d0, d1) -> (0, 0, 0)>
#map1 = affine_map<(d0, d1) -> (0, 0)>
module attributes {stable_mosaic.version = 14 : i64} {
  func.func @_agg_body(%arg0: i32, %arg1: i32, %arg2: memref<2x10000x128xf32, #tpu.memory_space<hbm>>, %arg3: memref<32x10240xi32, #tpu.memory_space<hbm>>, %arg4: memref<32x80x128xi32, #tpu.memory_space<hbm>>, %arg5: memref<2x10000x128xf32, #tpu.memory_space<hbm>>, %arg6: memref<24x128xf32, #tpu.memory_space<vmem>>, %arg7: memref<10240xi32, #tpu.memory_space<vmem>>, %arg8: memref<8x128xi32, #tpu.memory_space<vmem>>, %arg9: memref<8x128xi32, #tpu.memory_space<vmem>>, %arg10: memref<128x128xf32, #tpu.memory_space<vmem>>, %arg11: memref<128x128xf32, #tpu.memory_space<vmem>>, %arg12: memref<10008x128xf32, #tpu.memory_space<vmem_shared>>, %arg13: memref<!tpu.dma_semaphore, #tpu.memory_space<semaphore_mem>>, %arg14: memref<!tpu.dma_semaphore, #tpu.memory_space<semaphore_mem>>, %arg15: memref<!tpu.dma_semaphore, #tpu.memory_space<semaphore_mem>>, %arg16: memref<!tpu.dma_semaphore, #tpu.memory_space<semaphore_mem>>, %arg17: memref<!tpu.dma_semaphore, #tpu.memory_space<semaphore_mem>>, %arg18: memref<!tpu.dma_semaphore, #tpu.memory_space<semaphore_mem>>) attributes {dimension_semantics = [#tpu.dimension_semantics<core_parallel>, #tpu.dimension_semantics<subcore_parallel>], iteration_bounds = array<i64: 2, 16>, scalar_prefetch = 0 : i64, scratch_operands = 13 : i64, tpu.core_type = #tpu.core_type<sc_vector_subcore>, window_params = [{transform_indices = #map}, {transform_indices = #map1}, {transform_indices = #map}, {transform_indices = #map}]} {
    %mul3A = arith.constant 2 : i32
    %mul3A_0 = arith.muli %arg1, %mul3A : i32
    %add3A = arith.addi %mul3A_0, %arg0 : i32
    %dma_start3A = arith.constant 0 : i32
    %dma_start3A_1 = tpu.memref_slice %arg3[%add3A, %dma_start3A] : memref<32x10240xi32, #tpu.memory_space<hbm>> -> memref<1x10240xi32, #tpu.memory_space<hbm>>
    %dma_start3A_2 = tpu.memref_squeeze %dma_start3A_1 : memref<1x10240xi32, #tpu.memory_space<hbm>> -> memref<10240xi32, #tpu.memory_space<hbm>>
    %dma_start3A_3 = arith.constant 0 : i32
    %dma_start3A_4 = tpu.memref_slice %arg3[%add3A, %dma_start3A_3] : memref<32x10240xi32, #tpu.memory_space<hbm>> -> memref<1x10240xi32, #tpu.memory_space<hbm>>
    %dma_start3A_5 = tpu.memref_squeeze %dma_start3A_4 : memref<1x10240xi32, #tpu.memory_space<hbm>> -> memref<10240xi32, #tpu.memory_space<hbm>>
    tpu.enqueue_dma source(%dma_start3A_5 : memref<10240xi32, #tpu.memory_space<hbm>>) target(%arg7 : memref<10240xi32, #tpu.memory_space<vmem>>) target_semaphore(%arg13 : memref<!tpu.dma_semaphore, #tpu.memory_space<semaphore_mem>>)
    %dma_start3A_6 = arith.constant 0 : i32
    %dma_start3A_7 = arith.constant 0 : i32
    %dma_start3A_8 = tpu.memref_slice %arg4[%add3A, %dma_start3A_6, %dma_start3A_7] : memref<32x80x128xi32, #tpu.memory_space<hbm>> -> memref<1x8x128xi32, #tpu.memory_space<hbm>>
    %dma_start3A_9 = tpu.memref_squeeze %dma_start3A_8 : memref<1x8x128xi32, #tpu.memory_space<hbm>> -> memref<8x128xi32, #tpu.memory_space<hbm>>
    %dma_start3A_10 = arith.constant 0 : i32
    %dma_start3A_11 = arith.constant 0 : i32
    %dma_start3A_12 = tpu.memref_slice %arg4[%add3A, %dma_start3A_10, %dma_start3A_11] : memref<32x80x128xi32, #tpu.memory_space<hbm>> -> memref<1x8x128xi32, #tpu.memory_space<hbm>>
    %dma_start3A_13 = tpu.memref_squeeze %dma_start3A_12 : memref<1x8x128xi32, #tpu.memory_space<hbm>> -> memref<8x128xi32, #tpu.memory_space<hbm>>
    tpu.enqueue_dma source(%dma_start3A_13 : memref<8x128xi32, #tpu.memory_space<hbm>>) target(%arg8 : memref<8x128xi32, #tpu.memory_space<vmem>>) target_semaphore(%arg15 : memref<!tpu.dma_semaphore, #tpu.memory_space<semaphore_mem>>)
    %scan3A = arith.constant 0 : i32
    %scan3A_14 = arith.constant 0 : i32
    %scan3A_15 = arith.constant 24 : i32
    %scan3A_16 = arith.addi %scan3A_14, %scan3A_15 : i32
    %scan3A_17 = arith.constant 1 : i32
    scf.for %scan3A_472 = %scan3A_14 to %scan3A_16 step %scan3A_17  : i32 {
      %broadcast_in_dim3A = arith.constant 0.000000e+00 : f32
      %broadcast_in_dim3A_473 = vector.broadcast %broadcast_in_dim3A : f32 to vector<16xf32>
      %swap3A = arith.index_cast %scan3A_472 : i32 to index
      %swap3A_474 = arith.constant 0 : index
      %swap3A_475 = tpu.vector_load %arg6[%swap3A, %swap3A_474] {strides = array<i32>} : memref<24x128xf32, #tpu.memory_space<vmem>>, vector<1x16xf32>,
      %swap3A_476 = vector.shape_cast %swap3A_475 : vector<1x16xf32> to vector<16xf32>
      %swap3A_477 = vector.shape_cast %broadcast_in_dim3A_473 : vector<16xf32> to vector<1x16xf32>
      tpu.vector_store %arg6[%swap3A, %swap3A_474], %swap3A_477 {strides = array<i32>} : memref<24x128xf32, #tpu.memory_space<vmem>>, vector<1x16xf32>,
      %broadcast_in_dim3A_478 = arith.constant 0.000000e+00 : f32
      %broadcast_in_dim3A_479 = vector.broadcast %broadcast_in_dim3A_478 : f32 to vector<16xf32>
      %swap3A_480 = arith.index_cast %scan3A_472 : i32 to index
      %swap3A_481 = arith.constant 16 : index
      %swap3A_482 = tpu.vector_load %arg6[%swap3A_480, %swap3A_481] {strides = array<i32>} : memref<24x128xf32, #tpu.memory_space<vmem>>, vector<1x16xf32>,
      %swap3A_483 = vector.shape_cast %swap3A_482 : vector<1x16xf32> to vector<16xf32>
      %swap3A_484 = vector.shape_cast %broadcast_in_dim3A_479 : vector<16xf32> to vector<1x16xf32>
      tpu.vector_store %arg6[%swap3A_480, %swap3A_481], %swap3A_484 {strides = array<i32>} : memref<24x128xf32, #tpu.memory_space<vmem>>, vector<1x16xf32>,
      %broadcast_in_dim3A_485 = arith.constant 0.000000e+00 : f32
      %broadcast_in_dim3A_486 = vector.broadcast %broadcast_in_dim3A_485 : f32 to vector<16xf32>
      %swap3A_487 = arith.index_cast %scan3A_472 : i32 to index
      %swap3A_488 = arith.constant 32 : index
      %swap3A_489 = tpu.vector_load %arg6[%swap3A_487, %swap3A_488] {strides = array<i32>} : memref<24x128xf32, #tpu.memory_space<vmem>>, vector<1x16xf32>,
      %swap3A_490 = vector.shape_cast %swap3A_489 : vector<1x16xf32> to vector<16xf32>
      %swap3A_491 = vector.shape_cast %broadcast_in_dim3A_486 : vector<16xf32> to vector<1x16xf32>
      tpu.vector_store %arg6[%swap3A_487, %swap3A_488], %swap3A_491 {strides = array<i32>} : memref<24x128xf32, #tpu.memory_space<vmem>>, vector<1x16xf32>,
      %broadcast_in_dim3A_492 = arith.constant 0.000000e+00 : f32
      %broadcast_in_dim3A_493 = vector.broadcast %broadcast_in_dim3A_492 : f32 to vector<16xf32>
      %swap3A_494 = arith.index_cast %scan3A_472 : i32 to index
      %swap3A_495 = arith.constant 48 : index
      %swap3A_496 = tpu.vector_load %arg6[%swap3A_494, %swap3A_495] {strides = array<i32>} : memref<24x128xf32, #tpu.memory_space<vmem>>, vector<1x16xf32>,
      %swap3A_497 = vector.shape_cast %swap3A_496 : vector<1x16xf32> to vector<16xf32>
      %swap3A_498 = vector.shape_cast %broadcast_in_dim3A_493 : vector<16xf32> to vector<1x16xf32>
      tpu.vector_store %arg6[%swap3A_494, %swap3A_495], %swap3A_498 {strides = array<i32>} : memref<24x128xf32, #tpu.memory_space<vmem>>, vector<1x16xf32>,
      %broadcast_in_dim3A_499 = arith.constant 0.000000e+00 : f32
      %broadcast_in_dim3A_500 = vector.broadcast %broadcast_in_dim3A_499 : f32 to vector<16xf32>
      %swap3A_501 = arith.index_cast %scan3A_472 : i32 to index
      %swap3A_502 = arith.constant 64 : index
      %swap3A_503 = tpu.vector_load %arg6[%swap3A_501, %swap3A_502] {strides = array<i32>} : memref<24x128xf32, #tpu.memory_space<vmem>>, vector<1x16xf32>,
      %swap3A_504 = vector.shape_cast %swap3A_503 : vector<1x16xf32> to vector<16xf32>
      %swap3A_505 = vector.shape_cast %broadcast_in_dim3A_500 : vector<16xf32> to vector<1x16xf32>
      tpu.vector_store %arg6[%swap3A_501, %swap3A_502], %swap3A_505 {strides = array<i32>} : memref<24x128xf32, #tpu.memory_space<vmem>>, vector<1x16xf32>,
      %broadcast_in_dim3A_506 = arith.constant 0.000000e+00 : f32
      %broadcast_in_dim3A_507 = vector.broadcast %broadcast_in_dim3A_506 : f32 to vector<16xf32>
      %swap3A_508 = arith.index_cast %scan3A_472 : i32 to index
      %swap3A_509 = arith.constant 80 : index
      %swap3A_510 = tpu.vector_load %arg6[%swap3A_508, %swap3A_509] {strides = array<i32>} : memref<24x128xf32, #tpu.memory_space<vmem>>, vector<1x16xf32>,
      %swap3A_511 = vector.shape_cast %swap3A_510 : vector<1x16xf32> to vector<16xf32>
      %swap3A_512 = vector.shape_cast %broadcast_in_dim3A_507 : vector<16xf32> to vector<1x16xf32>
      tpu.vector_store %arg6[%swap3A_508, %swap3A_509], %swap3A_512 {strides = array<i32>} : memref<24x128xf32, #tpu.memory_space<vmem>>, vector<1x16xf32>,
      %broadcast_in_dim3A_513 = arith.constant 0.000000e+00 : f32
      %broadcast_in_dim3A_514 = vector.broadcast %broadcast_in_dim3A_513 : f32 to vector<16xf32>
      %swap3A_515 = arith.index_cast %scan3A_472 : i32 to index
      %swap3A_516 = arith.constant 96 : index
      %swap3A_517 = tpu.vector_load %arg6[%swap3A_515, %swap3A_516] {strides = array<i32>} : memref<24x128xf32, #tpu.memory_space<vmem>>, vector<1x16xf32>,
      %swap3A_518 = vector.shape_cast %swap3A_517 : vector<1x16xf32> to vector<16xf32>
      %swap3A_519 = vector.shape_cast %broadcast_in_dim3A_514 : vector<16xf32> to vector<1x16xf32>
      tpu.vector_store %arg6[%swap3A_515, %swap3A_516], %swap3A_519 {strides = array<i32>} : memref<24x128xf32, #tpu.memory_space<vmem>>, vector<1x16xf32>,
      %broadcast_in_dim3A_520 = arith.constant 0.000000e+00 : f32
      %broadcast_in_dim3A_521 = vector.broadcast %broadcast_in_dim3A_520 : f32 to vector<16xf32>
      %swap3A_522 = arith.index_cast %scan3A_472 : i32 to index
      %swap3A_523 = arith.constant 112 : index
      %swap3A_524 = tpu.vector_load %arg6[%swap3A_522, %swap3A_523] {strides = array<i32>} : memref<24x128xf32, #tpu.memory_space<vmem>>, vector<1x16xf32>,
      %swap3A_525 = vector.shape_cast %swap3A_524 : vector<1x16xf32> to vector<16xf32>
      %swap3A_526 = vector.shape_cast %broadcast_in_dim3A_521 : vector<16xf32> to vector<1x16xf32>
      tpu.vector_store %arg6[%swap3A_522, %swap3A_523], %swap3A_526 {strides = array<i32>} : memref<24x128xf32, #tpu.memory_space<vmem>>, vector<1x16xf32>,
    }
    %scan3A_18 = arith.constant 24 : i32
    %mul3A_19 = arith.constant 624 : i32
    %mul3A_20 = arith.muli %arg1, %mul3A_19 : i32
    %add3A_21 = arith.constant 0 : i32
    %add3A_22 = arith.addi %mul3A_20, %add3A_21 : i32
    %dma_start3A_23 = arith.constant 0 : i32
    %dma_start3A_24 = tpu.memref_slice %arg12[%add3A_22, %dma_start3A_23] : memref<10008x128xf32, #tpu.memory_space<vmem_shared>> -> memref<24x128xf32, #tpu.memory_space<vmem_shared>>
    %dma_start3A_25 = arith.constant 0 : i32
    %dma_start3A_26 = tpu.memref_slice %arg12[%add3A_22, %dma_start3A_25] : memref<10008x128xf32, #tpu.memory_space<vmem_shared>> -> memref<24x128xf32, #tpu.memory_space<vmem_shared>>
    tpu.enqueue_dma source(%arg6 : memref<24x128xf32, #tpu.memory_space<vmem>>) target(%dma_start3A_26 : memref<24x128xf32, #tpu.memory_space<vmem_shared>>) target_semaphore(%arg14 : memref<!tpu.dma_semaphore, #tpu.memory_space<semaphore_mem>>)
    %mul3A_27 = arith.constant 624 : i32
    %mul3A_28 = arith.muli %arg1, %mul3A_27 : i32
    %add3A_29 = arith.constant 24 : i32
    %add3A_30 = arith.addi %mul3A_28, %add3A_29 : i32
    %dma_start3A_31 = arith.constant 0 : i32
    %dma_start3A_32 = tpu.memref_slice %arg12[%add3A_30, %dma_start3A_31] : memref<10008x128xf32, #tpu.memory_space<vmem_shared>> -> memref<24x128xf32, #tpu.memory_space<vmem_shared>>
    %dma_start3A_33 = arith.constant 0 : i32
    %dma_start3A_34 = tpu.memref_slice %arg12[%add3A_30, %dma_start3A_33] : memref<10008x128xf32, #tpu.memory_space<vmem_shared>> -> memref<24x128xf32, #tpu.memory_space<vmem_shared>>
    tpu.enqueue_dma source(%arg6 : memref<24x128xf32, #tpu.memory_space<vmem>>) target(%dma_start3A_34 : memref<24x128xf32, #tpu.memory_space<vmem_shared>>) target_semaphore(%arg14 : memref<!tpu.dma_semaphore, #tpu.memory_space<semaphore_mem>>)
    %mul3A_35 = arith.constant 624 : i32
    %mul3A_36 = arith.muli %arg1, %mul3A_35 : i32
    %add3A_37 = arith.constant 48 : i32
    %add3A_38 = arith.addi %mul3A_36, %add3A_37 : i32
    %dma_start3A_39 = arith.constant 0 : i32
    %dma_start3A_40 = tpu.memref_slice %arg12[%add3A_38, %dma_start3A_39] : memref<10008x128xf32, #tpu.memory_space<vmem_shared>> -> memref<24x128xf32, #tpu.memory_space<vmem_shared>>
    %dma_start3A_41 = arith.constant 0 : i32
    %dma_start3A_42 = tpu.memref_slice %arg12[%add3A_38, %dma_start3A_41] : memref<10008x128xf32, #tpu.memory_space<vmem_shared>> -> memref<24x128xf32, #tpu.memory_space<vmem_shared>>
    tpu.enqueue_dma source(%arg6 : memref<24x128xf32, #tpu.memory_space<vmem>>) target(%dma_start3A_42 : memref<24x128xf32, #tpu.memory_space<vmem_shared>>) target_semaphore(%arg14 : memref<!tpu.dma_semaphore, #tpu.memory_space<semaphore_mem>>)
    %mul3A_43 = arith.constant 624 : i32
    %mul3A_44 = arith.muli %arg1, %mul3A_43 : i32
    %add3A_45 = arith.constant 72 : i32
    %add3A_46 = arith.addi %mul3A_44, %add3A_45 : i32
    %dma_start3A_47 = arith.constant 0 : i32
    %dma_start3A_48 = tpu.memref_slice %arg12[%add3A_46, %dma_start3A_47] : memref<10008x128xf32, #tpu.memory_space<vmem_shared>> -> memref<24x128xf32, #tpu.memory_space<vmem_shared>>
    %dma_start3A_49 = arith.constant 0 : i32
    %dma_start3A_50 = tpu.memref_slice %arg12[%add3A_46, %dma_start3A_49] : memref<10008x128xf32, #tpu.memory_space<vmem_shared>> -> memref<24x128xf32, #tpu.memory_space<vmem_shared>>
    tpu.enqueue_dma source(%arg6 : memref<24x128xf32, #tpu.memory_space<vmem>>) target(%dma_start3A_50 : memref<24x128xf32, #tpu.memory_space<vmem_shared>>) target_semaphore(%arg14 : memref<!tpu.dma_semaphore, #tpu.memory_space<semaphore_mem>>)
    %mul3A_51 = arith.constant 624 : i32
    %mul3A_52 = arith.muli %arg1, %mul3A_51 : i32
    %add3A_53 = arith.constant 96 : i32
    %add3A_54 = arith.addi %mul3A_52, %add3A_53 : i32
    %dma_start3A_55 = arith.constant 0 : i32
    %dma_start3A_56 = tpu.memref_slice %arg12[%add3A_54, %dma_start3A_55] : memref<10008x128xf32, #tpu.memory_space<vmem_shared>> -> memref<24x128xf32, #tpu.memory_space<vmem_shared>>
    %dma_start3A_57 = arith.constant 0 : i32
    %dma_start3A_58 = tpu.memref_slice %arg12[%add3A_54, %dma_start3A_57] : memref<10008x128xf32, #tpu.memory_space<vmem_shared>> -> memref<24x128xf32, #tpu.memory_space<vmem_shared>>
    tpu.enqueue_dma source(%arg6 : memref<24x128xf32, #tpu.memory_space<vmem>>) target(%dma_start3A_58 : memref<24x128xf32, #tpu.memory_space<vmem_shared>>) target_semaphore(%arg14 : memref<!tpu.dma_semaphore, #tpu.memory_space<semaphore_mem>>)
    %mul3A_59 = arith.constant 624 : i32
    %mul3A_60 = arith.muli %arg1, %mul3A_59 : i32
    %add3A_61 = arith.constant 120 : i32
    %add3A_62 = arith.addi %mul3A_60, %add3A_61 : i32
    %dma_start3A_63 = arith.constant 0 : i32
    %dma_start3A_64 = tpu.memref_slice %arg12[%add3A_62, %dma_start3A_63] : memref<10008x128xf32, #tpu.memory_space<vmem_shared>> -> memref<24x128xf32, #tpu.memory_space<vmem_shared>>
    %dma_start3A_65 = arith.constant 0 : i32
    %dma_start3A_66 = tpu.memref_slice %arg12[%add3A_62, %dma_start3A_65] : memref<10008x128xf32, #tpu.memory_space<vmem_shared>> -> memref<24x128xf32, #tpu.memory_space<vmem_shared>>
    tpu.enqueue_dma source(%arg6 : memref<24x128xf32, #tpu.memory_space<vmem>>) target(%dma_start3A_66 : memref<24x128xf32, #tpu.memory_space<vmem_shared>>) target_semaphore(%arg14 : memref<!tpu.dma_semaphore, #tpu.memory_space<semaphore_mem>>)
    %mul3A_67 = arith.constant 624 : i32
    %mul3A_68 = arith.muli %arg1, %mul3A_67 : i32
    %add3A_69 = arith.constant 144 : i32
    %add3A_70 = arith.addi %mul3A_68, %add3A_69 : i32
    %dma_start3A_71 = arith.constant 0 : i32
    %dma_start3A_72 = tpu.memref_slice %arg12[%add3A_70, %dma_start3A_71] : memref<10008x128xf32, #tpu.memory_space<vmem_shared>> -> memref<24x128xf32, #tpu.memory_space<vmem_shared>>
    %dma_start3A_73 = arith.constant 0 : i32
    %dma_start3A_74 = tpu.memref_slice %arg12[%add3A_70, %dma_start3A_73] : memref<10008x128xf32, #tpu.memory_space<vmem_shared>> -> memref<24x128xf32, #tpu.memory_space<vmem_shared>>
    tpu.enqueue_dma source(%arg6 : memref<24x128xf32, #tpu.memory_space<vmem>>) target(%dma_start3A_74 : memref<24x128xf32, #tpu.memory_space<vmem_shared>>) target_semaphore(%arg14 : memref<!tpu.dma_semaphore, #tpu.memory_space<semaphore_mem>>)
    %mul3A_75 = arith.constant 624 : i32
    %mul3A_76 = arith.muli %arg1, %mul3A_75 : i32
    %add3A_77 = arith.constant 168 : i32
    %add3A_78 = arith.addi %mul3A_76, %add3A_77 : i32
    %dma_start3A_79 = arith.constant 0 : i32
    %dma_start3A_80 = tpu.memref_slice %arg12[%add3A_78, %dma_start3A_79] : memref<10008x128xf32, #tpu.memory_space<vmem_shared>> -> memref<24x128xf32, #tpu.memory_space<vmem_shared>>
    %dma_start3A_81 = arith.constant 0 : i32
    %dma_start3A_82 = tpu.memref_slice %arg12[%add3A_78, %dma_start3A_81] : memref<10008x128xf32, #tpu.memory_space<vmem_shared>> -> memref<24x128xf32, #tpu.memory_space<vmem_shared>>
    tpu.enqueue_dma source(%arg6 : memref<24x128xf32, #tpu.memory_space<vmem>>) target(%dma_start3A_82 : memref<24x128xf32, #tpu.memory_space<vmem_shared>>) target_semaphore(%arg14 : memref<!tpu.dma_semaphore, #tpu.memory_space<semaphore_mem>>)
    %mul3A_83 = arith.constant 624 : i32
    %mul3A_84 = arith.muli %arg1, %mul3A_83 : i32
    %add3A_85 = arith.constant 192 : i32
    %add3A_86 = arith.addi %mul3A_84, %add3A_85 : i32
    %dma_start3A_87 = arith.constant 0 : i32
    %dma_start3A_88 = tpu.memref_slice %arg12[%add3A_86, %dma_start3A_87] : memref<10008x128xf32, #tpu.memory_space<vmem_shared>> -> memref<24x128xf32, #tpu.memory_space<vmem_shared>>
    %dma_start3A_89 = arith.constant 0 : i32
    %dma_start3A_90 = tpu.memref_slice %arg12[%add3A_86, %dma_start3A_89] : memref<10008x128xf32, #tpu.memory_space<vmem_shared>> -> memref<24x128xf32, #tpu.memory_space<vmem_shared>>
    tpu.enqueue_dma source(%arg6 : memref<24x128xf32, #tpu.memory_space<vmem>>) target(%dma_start3A_90 : memref<24x128xf32, #tpu.memory_space<vmem_shared>>) target_semaphore(%arg14 : memref<!tpu.dma_semaphore, #tpu.memory_space<semaphore_mem>>)
    %mul3A_91 = arith.constant 624 : i32
    %mul3A_92 = arith.muli %arg1, %mul3A_91 : i32
    %add3A_93 = arith.constant 216 : i32
    %add3A_94 = arith.addi %mul3A_92, %add3A_93 : i32
    %dma_start3A_95 = arith.constant 0 : i32
    %dma_start3A_96 = tpu.memref_slice %arg12[%add3A_94, %dma_start3A_95] : memref<10008x128xf32, #tpu.memory_space<vmem_shared>> -> memref<24x128xf32, #tpu.memory_space<vmem_shared>>
    %dma_start3A_97 = arith.constant 0 : i32
    %dma_start3A_98 = tpu.memref_slice %arg12[%add3A_94, %dma_start3A_97] : memref<10008x128xf32, #tpu.memory_space<vmem_shared>> -> memref<24x128xf32, #tpu.memory_space<vmem_shared>>
    tpu.enqueue_dma source(%arg6 : memref<24x128xf32, #tpu.memory_space<vmem>>) target(%dma_start3A_98 : memref<24x128xf32, #tpu.memory_space<vmem_shared>>) target_semaphore(%arg14 : memref<!tpu.dma_semaphore, #tpu.memory_space<semaphore_mem>>)
    %mul3A_99 = arith.constant 624 : i32
    %mul3A_100 = arith.muli %arg1, %mul3A_99 : i32
    %add3A_101 = arith.constant 240 : i32
    %add3A_102 = arith.addi %mul3A_100, %add3A_101 : i32
    %dma_start3A_103 = arith.constant 0 : i32
    %dma_start3A_104 = tpu.memref_slice %arg12[%add3A_102, %dma_start3A_103] : memref<10008x128xf32, #tpu.memory_space<vmem_shared>> -> memref<24x128xf32, #tpu.memory_space<vmem_shared>>
    %dma_start3A_105 = arith.constant 0 : i32
    %dma_start3A_106 = tpu.memref_slice %arg12[%add3A_102, %dma_start3A_105] : memref<10008x128xf32, #tpu.memory_space<vmem_shared>> -> memref<24x128xf32, #tpu.memory_space<vmem_shared>>
    tpu.enqueue_dma source(%arg6 : memref<24x128xf32, #tpu.memory_space<vmem>>) target(%dma_start3A_106 : memref<24x128xf32, #tpu.memory_space<vmem_shared>>) target_semaphore(%arg14 : memref<!tpu.dma_semaphore, #tpu.memory_space<semaphore_mem>>)
    %mul3A_107 = arith.constant 624 : i32
    %mul3A_108 = arith.muli %arg1, %mul3A_107 : i32
    %add3A_109 = arith.constant 264 : i32
    %add3A_110 = arith.addi %mul3A_108, %add3A_109 : i32
    %dma_start3A_111 = arith.constant 0 : i32
    %dma_start3A_112 = tpu.memref_slice %arg12[%add3A_110, %dma_start3A_111] : memref<10008x128xf32, #tpu.memory_space<vmem_shared>> -> memref<24x128xf32, #tpu.memory_space<vmem_shared>>
    %dma_start3A_113 = arith.constant 0 : i32
    %dma_start3A_114 = tpu.memref_slice %arg12[%add3A_110, %dma_start3A_113] : memref<10008x128xf32, #tpu.memory_space<vmem_shared>> -> memref<24x128xf32, #tpu.memory_space<vmem_shared>>
    tpu.enqueue_dma source(%arg6 : memref<24x128xf32, #tpu.memory_space<vmem>>) target(%dma_start3A_114 : memref<24x128xf32, #tpu.memory_space<vmem_shared>>) target_semaphore(%arg14 : memref<!tpu.dma_semaphore, #tpu.memory_space<semaphore_mem>>)
    %mul3A_115 = arith.constant 624 : i32
    %mul3A_116 = arith.muli %arg1, %mul3A_115 : i32
    %add3A_117 = arith.constant 288 : i32
    %add3A_118 = arith.addi %mul3A_116, %add3A_117 : i32
    %dma_start3A_119 = arith.constant 0 : i32
    %dma_start3A_120 = tpu.memref_slice %arg12[%add3A_118, %dma_start3A_119] : memref<10008x128xf32, #tpu.memory_space<vmem_shared>> -> memref<24x128xf32, #tpu.memory_space<vmem_shared>>
    %dma_start3A_121 = arith.constant 0 : i32
    %dma_start3A_122 = tpu.memref_slice %arg12[%add3A_118, %dma_start3A_121] : memref<10008x128xf32, #tpu.memory_space<vmem_shared>> -> memref<24x128xf32, #tpu.memory_space<vmem_shared>>
    tpu.enqueue_dma source(%arg6 : memref<24x128xf32, #tpu.memory_space<vmem>>) target(%dma_start3A_122 : memref<24x128xf32, #tpu.memory_space<vmem_shared>>) target_semaphore(%arg14 : memref<!tpu.dma_semaphore, #tpu.memory_space<semaphore_mem>>)
    %mul3A_123 = arith.constant 624 : i32
    %mul3A_124 = arith.muli %arg1, %mul3A_123 : i32
    %add3A_125 = arith.constant 312 : i32
    %add3A_126 = arith.addi %mul3A_124, %add3A_125 : i32
    %dma_start3A_127 = arith.constant 0 : i32
    %dma_start3A_128 = tpu.memref_slice %arg12[%add3A_126, %dma_start3A_127] : memref<10008x128xf32, #tpu.memory_space<vmem_shared>> -> memref<24x128xf32, #tpu.memory_space<vmem_shared>>
    %dma_start3A_129 = arith.constant 0 : i32
    %dma_start3A_130 = tpu.memref_slice %arg12[%add3A_126, %dma_start3A_129] : memref<10008x128xf32, #tpu.memory_space<vmem_shared>> -> memref<24x128xf32, #tpu.memory_space<vmem_shared>>
    tpu.enqueue_dma source(%arg6 : memref<24x128xf32, #tpu.memory_space<vmem>>) target(%dma_start3A_130 : memref<24x128xf32, #tpu.memory_space<vmem_shared>>) target_semaphore(%arg14 : memref<!tpu.dma_semaphore, #tpu.memory_space<semaphore_mem>>)
    %mul3A_131 = arith.constant 624 : i32
    %mul3A_132 = arith.muli %arg1, %mul3A_131 : i32
    %add3A_133 = arith.constant 336 : i32
    %add3A_134 = arith.addi %mul3A_132, %add3A_133 : i32
    %dma_start3A_135 = arith.constant 0 : i32
    %dma_start3A_136 = tpu.memref_slice %arg12[%add3A_134, %dma_start3A_135] : memref<10008x128xf32, #tpu.memory_space<vmem_shared>> -> memref<24x128xf32, #tpu.memory_space<vmem_shared>>
    %dma_start3A_137 = arith.constant 0 : i32
    %dma_start3A_138 = tpu.memref_slice %arg12[%add3A_134, %dma_start3A_137] : memref<10008x128xf32, #tpu.memory_space<vmem_shared>> -> memref<24x128xf32, #tpu.memory_space<vmem_shared>>
    tpu.enqueue_dma source(%arg6 : memref<24x128xf32, #tpu.memory_space<vmem>>) target(%dma_start3A_138 : memref<24x128xf32, #tpu.memory_space<vmem_shared>>) target_semaphore(%arg14 : memref<!tpu.dma_semaphore, #tpu.memory_space<semaphore_mem>>)
    %mul3A_139 = arith.constant 624 : i32
    %mul3A_140 = arith.muli %arg1, %mul3A_139 : i32
    %add3A_141 = arith.constant 360 : i32
    %add3A_142 = arith.addi %mul3A_140, %add3A_141 : i32
    %dma_start3A_143 = arith.constant 0 : i32
    %dma_start3A_144 = tpu.memref_slice %arg12[%add3A_142, %dma_start3A_143] : memref<10008x128xf32, #tpu.memory_space<vmem_shared>> -> memref<24x128xf32, #tpu.memory_space<vmem_shared>>
    %dma_start3A_145 = arith.constant 0 : i32
    %dma_start3A_146 = tpu.memref_slice %arg12[%add3A_142, %dma_start3A_145] : memref<10008x128xf32, #tpu.memory_space<vmem_shared>> -> memref<24x128xf32, #tpu.memory_space<vmem_shared>>
    tpu.enqueue_dma source(%arg6 : memref<24x128xf32, #tpu.memory_space<vmem>>) target(%dma_start3A_146 : memref<24x128xf32, #tpu.memory_space<vmem_shared>>) target_semaphore(%arg14 : memref<!tpu.dma_semaphore, #tpu.memory_space<semaphore_mem>>)
    %mul3A_147 = arith.constant 624 : i32
    %mul3A_148 = arith.muli %arg1, %mul3A_147 : i32
    %add3A_149 = arith.constant 384 : i32
    %add3A_150 = arith.addi %mul3A_148, %add3A_149 : i32
    %dma_start3A_151 = arith.constant 0 : i32
    %dma_start3A_152 = tpu.memref_slice %arg12[%add3A_150, %dma_start3A_151] : memref<10008x128xf32, #tpu.memory_space<vmem_shared>> -> memref<24x128xf32, #tpu.memory_space<vmem_shared>>
    %dma_start3A_153 = arith.constant 0 : i32
    %dma_start3A_154 = tpu.memref_slice %arg12[%add3A_150, %dma_start3A_153] : memref<10008x128xf32, #tpu.memory_space<vmem_shared>> -> memref<24x128xf32, #tpu.memory_space<vmem_shared>>
    tpu.enqueue_dma source(%arg6 : memref<24x128xf32, #tpu.memory_space<vmem>>) target(%dma_start3A_154 : memref<24x128xf32, #tpu.memory_space<vmem_shared>>) target_semaphore(%arg14 : memref<!tpu.dma_semaphore, #tpu.memory_space<semaphore_mem>>)
    %mul3A_155 = arith.constant 624 : i32
    %mul3A_156 = arith.muli %arg1, %mul3A_155 : i32
    %add3A_157 = arith.constant 408 : i32
    %add3A_158 = arith.addi %mul3A_156, %add3A_157 : i32
    %dma_start3A_159 = arith.constant 0 : i32
    %dma_start3A_160 = tpu.memref_slice %arg12[%add3A_158, %dma_start3A_159] : memref<10008x128xf32, #tpu.memory_space<vmem_shared>> -> memref<24x128xf32, #tpu.memory_space<vmem_shared>>
    %dma_start3A_161 = arith.constant 0 : i32
    %dma_start3A_162 = tpu.memref_slice %arg12[%add3A_158, %dma_start3A_161] : memref<10008x128xf32, #tpu.memory_space<vmem_shared>> -> memref<24x128xf32, #tpu.memory_space<vmem_shared>>
    tpu.enqueue_dma source(%arg6 : memref<24x128xf32, #tpu.memory_space<vmem>>) target(%dma_start3A_162 : memref<24x128xf32, #tpu.memory_space<vmem_shared>>) target_semaphore(%arg14 : memref<!tpu.dma_semaphore, #tpu.memory_space<semaphore_mem>>)
    %mul3A_163 = arith.constant 624 : i32
    %mul3A_164 = arith.muli %arg1, %mul3A_163 : i32
    %add3A_165 = arith.constant 432 : i32
    %add3A_166 = arith.addi %mul3A_164, %add3A_165 : i32
    %dma_start3A_167 = arith.constant 0 : i32
    %dma_start3A_168 = tpu.memref_slice %arg12[%add3A_166, %dma_start3A_167] : memref<10008x128xf32, #tpu.memory_space<vmem_shared>> -> memref<24x128xf32, #tpu.memory_space<vmem_shared>>
    %dma_start3A_169 = arith.constant 0 : i32
    %dma_start3A_170 = tpu.memref_slice %arg12[%add3A_166, %dma_start3A_169] : memref<10008x128xf32, #tpu.memory_space<vmem_shared>> -> memref<24x128xf32, #tpu.memory_space<vmem_shared>>
    tpu.enqueue_dma source(%arg6 : memref<24x128xf32, #tpu.memory_space<vmem>>) target(%dma_start3A_170 : memref<24x128xf32, #tpu.memory_space<vmem_shared>>) target_semaphore(%arg14 : memref<!tpu.dma_semaphore, #tpu.memory_space<semaphore_mem>>)
    %mul3A_171 = arith.constant 624 : i32
    %mul3A_172 = arith.muli %arg1, %mul3A_171 : i32
    %add3A_173 = arith.constant 456 : i32
    %add3A_174 = arith.addi %mul3A_172, %add3A_173 : i32
    %dma_start3A_175 = arith.constant 0 : i32
    %dma_start3A_176 = tpu.memref_slice %arg12[%add3A_174, %dma_start3A_175] : memref<10008x128xf32, #tpu.memory_space<vmem_shared>> -> memref<24x128xf32, #tpu.memory_space<vmem_shared>>
    %dma_start3A_177 = arith.constant 0 : i32
    %dma_start3A_178 = tpu.memref_slice %arg12[%add3A_174, %dma_start3A_177] : memref<10008x128xf32, #tpu.memory_space<vmem_shared>> -> memref<24x128xf32, #tpu.memory_space<vmem_shared>>
    tpu.enqueue_dma source(%arg6 : memref<24x128xf32, #tpu.memory_space<vmem>>) target(%dma_start3A_178 : memref<24x128xf32, #tpu.memory_space<vmem_shared>>) target_semaphore(%arg14 : memref<!tpu.dma_semaphore, #tpu.memory_space<semaphore_mem>>)
    %mul3A_179 = arith.constant 624 : i32
    %mul3A_180 = arith.muli %arg1, %mul3A_179 : i32
    %add3A_181 = arith.constant 480 : i32
    %add3A_182 = arith.addi %mul3A_180, %add3A_181 : i32
    %dma_start3A_183 = arith.constant 0 : i32
    %dma_start3A_184 = tpu.memref_slice %arg12[%add3A_182, %dma_start3A_183] : memref<10008x128xf32, #tpu.memory_space<vmem_shared>> -> memref<24x128xf32, #tpu.memory_space<vmem_shared>>
    %dma_start3A_185 = arith.constant 0 : i32
    %dma_start3A_186 = tpu.memref_slice %arg12[%add3A_182, %dma_start3A_185] : memref<10008x128xf32, #tpu.memory_space<vmem_shared>> -> memref<24x128xf32, #tpu.memory_space<vmem_shared>>
    tpu.enqueue_dma source(%arg6 : memref<24x128xf32, #tpu.memory_space<vmem>>) target(%dma_start3A_186 : memref<24x128xf32, #tpu.memory_space<vmem_shared>>) target_semaphore(%arg14 : memref<!tpu.dma_semaphore, #tpu.memory_space<semaphore_mem>>)
    %mul3A_187 = arith.constant 624 : i32
    %mul3A_188 = arith.muli %arg1, %mul3A_187 : i32
    %add3A_189 = arith.constant 504 : i32
    %add3A_190 = arith.addi %mul3A_188, %add3A_189 : i32
    %dma_start3A_191 = arith.constant 0 : i32
    %dma_start3A_192 = tpu.memref_slice %arg12[%add3A_190, %dma_start3A_191] : memref<10008x128xf32, #tpu.memory_space<vmem_shared>> -> memref<24x128xf32, #tpu.memory_space<vmem_shared>>
    %dma_start3A_193 = arith.constant 0 : i32
    %dma_start3A_194 = tpu.memref_slice %arg12[%add3A_190, %dma_start3A_193] : memref<10008x128xf32, #tpu.memory_space<vmem_shared>> -> memref<24x128xf32, #tpu.memory_space<vmem_shared>>
    tpu.enqueue_dma source(%arg6 : memref<24x128xf32, #tpu.memory_space<vmem>>) target(%dma_start3A_194 : memref<24x128xf32, #tpu.memory_space<vmem_shared>>) target_semaphore(%arg14 : memref<!tpu.dma_semaphore, #tpu.memory_space<semaphore_mem>>)
    %mul3A_195 = arith.constant 624 : i32
    %mul3A_196 = arith.muli %arg1, %mul3A_195 : i32
    %add3A_197 = arith.constant 528 : i32
    %add3A_198 = arith.addi %mul3A_196, %add3A_197 : i32
    %dma_start3A_199 = arith.constant 0 : i32
    %dma_start3A_200 = tpu.memref_slice %arg12[%add3A_198, %dma_start3A_199] : memref<10008x128xf32, #tpu.memory_space<vmem_shared>> -> memref<24x128xf32, #tpu.memory_space<vmem_shared>>
    %dma_start3A_201 = arith.constant 0 : i32
    %dma_start3A_202 = tpu.memref_slice %arg12[%add3A_198, %dma_start3A_201] : memref<10008x128xf32, #tpu.memory_space<vmem_shared>> -> memref<24x128xf32, #tpu.memory_space<vmem_shared>>
    tpu.enqueue_dma source(%arg6 : memref<24x128xf32, #tpu.memory_space<vmem>>) target(%dma_start3A_202 : memref<24x128xf32, #tpu.memory_space<vmem_shared>>) target_semaphore(%arg14 : memref<!tpu.dma_semaphore, #tpu.memory_space<semaphore_mem>>)
    %mul3A_203 = arith.constant 624 : i32
    %mul3A_204 = arith.muli %arg1, %mul3A_203 : i32
    %add3A_205 = arith.constant 552 : i32
    %add3A_206 = arith.addi %mul3A_204, %add3A_205 : i32
    %dma_start3A_207 = arith.constant 0 : i32
    %dma_start3A_208 = tpu.memref_slice %arg12[%add3A_206, %dma_start3A_207] : memref<10008x128xf32, #tpu.memory_space<vmem_shared>> -> memref<24x128xf32, #tpu.memory_space<vmem_shared>>
    %dma_start3A_209 = arith.constant 0 : i32
    %dma_start3A_210 = tpu.memref_slice %arg12[%add3A_206, %dma_start3A_209] : memref<10008x128xf32, #tpu.memory_space<vmem_shared>> -> memref<24x128xf32, #tpu.memory_space<vmem_shared>>
    tpu.enqueue_dma source(%arg6 : memref<24x128xf32, #tpu.memory_space<vmem>>) target(%dma_start3A_210 : memref<24x128xf32, #tpu.memory_space<vmem_shared>>) target_semaphore(%arg14 : memref<!tpu.dma_semaphore, #tpu.memory_space<semaphore_mem>>)
    %mul3A_211 = arith.constant 624 : i32
    %mul3A_212 = arith.muli %arg1, %mul3A_211 : i32
    %add3A_213 = arith.constant 576 : i32
    %add3A_214 = arith.addi %mul3A_212, %add3A_213 : i32
    %dma_start3A_215 = arith.constant 0 : i32
    %dma_start3A_216 = tpu.memref_slice %arg12[%add3A_214, %dma_start3A_215] : memref<10008x128xf32, #tpu.memory_space<vmem_shared>> -> memref<24x128xf32, #tpu.memory_space<vmem_shared>>
    %dma_start3A_217 = arith.constant 0 : i32
    %dma_start3A_218 = tpu.memref_slice %arg12[%add3A_214, %dma_start3A_217] : memref<10008x128xf32, #tpu.memory_space<vmem_shared>> -> memref<24x128xf32, #tpu.memory_space<vmem_shared>>
    tpu.enqueue_dma source(%arg6 : memref<24x128xf32, #tpu.memory_space<vmem>>) target(%dma_start3A_218 : memref<24x128xf32, #tpu.memory_space<vmem_shared>>) target_semaphore(%arg14 : memref<!tpu.dma_semaphore, #tpu.memory_space<semaphore_mem>>)
    %mul3A_219 = arith.constant 624 : i32
    %mul3A_220 = arith.muli %arg1, %mul3A_219 : i32
    %add3A_221 = arith.constant 600 : i32
    %add3A_222 = arith.addi %mul3A_220, %add3A_221 : i32
    %dma_start3A_223 = arith.constant 0 : i32
    %dma_start3A_224 = tpu.memref_slice %arg12[%add3A_222, %dma_start3A_223] : memref<10008x128xf32, #tpu.memory_space<vmem_shared>> -> memref<24x128xf32, #tpu.memory_space<vmem_shared>>
    %dma_start3A_225 = arith.constant 0 : i32
    %dma_start3A_226 = tpu.memref_slice %arg12[%add3A_222, %dma_start3A_225] : memref<10008x128xf32, #tpu.memory_space<vmem_shared>> -> memref<24x128xf32, #tpu.memory_space<vmem_shared>>
    tpu.enqueue_dma source(%arg6 : memref<24x128xf32, #tpu.memory_space<vmem>>) target(%dma_start3A_226 : memref<24x128xf32, #tpu.memory_space<vmem_shared>>) target_semaphore(%arg14 : memref<!tpu.dma_semaphore, #tpu.memory_space<semaphore_mem>>)
    %eq3A = arith.constant 0 : i32
    %eq3A_227 = arith.cmpi eq, %arg1, %eq3A : i32
    %convert_element_type3A = arith.extui %eq3A_227 : i1 to i32
    %cond3A = arith.constant 0 : i32
    %cond3A_228 = arith.cmpi ne, %convert_element_type3A, %cond3A : i32
    scf.if %cond3A_228 {
      %dma_start3A_472 = arith.constant 9984 : i32
      %dma_start3A_473 = arith.constant 0 : i32
      %dma_start3A_474 = tpu.memref_slice %arg12[%dma_start3A_472, %dma_start3A_473] : memref<10008x128xf32, #tpu.memory_space<vmem_shared>> -> memref<24x128xf32, #tpu.memory_space<vmem_shared>>
      %dma_start3A_475 = arith.constant 9984 : i32
      %dma_start3A_476 = arith.constant 0 : i32
      %dma_start3A_477 = tpu.memref_slice %arg12[%dma_start3A_475, %dma_start3A_476] : memref<10008x128xf32, #tpu.memory_space<vmem_shared>> -> memref<24x128xf32, #tpu.memory_space<vmem_shared>>
      tpu.enqueue_dma source(%arg6 : memref<24x128xf32, #tpu.memory_space<vmem>>) target(%dma_start3A_477 : memref<24x128xf32, #tpu.memory_space<vmem_shared>>) target_semaphore(%arg14 : memref<!tpu.dma_semaphore, #tpu.memory_space<semaphore_mem>>)
    } else {
    }
    %mul3A_229 = arith.constant 624 : i32
    %mul3A_230 = arith.muli %arg1, %mul3A_229 : i32
    %add3A_231 = arith.constant 0 : i32
    %add3A_232 = arith.addi %mul3A_230, %add3A_231 : i32
    %dma_wait3A = arith.constant 0 : i32
    %dma_wait3A_233 = tpu.memref_slice %arg12[%add3A_232, %dma_wait3A] : memref<10008x128xf32, #tpu.memory_space<vmem_shared>> -> memref<24x128xf32, #tpu.memory_space<vmem_shared>>
    %dma_wait3A_234 = arith.constant 0 : i32
    %dma_wait3A_235 = tpu.memref_slice %arg12[%add3A_232, %dma_wait3A_234] : memref<10008x128xf32, #tpu.memory_space<vmem_shared>> -> memref<24x128xf32, #tpu.memory_space<vmem_shared>>
    tpu.wait_dma2 semaphore(%arg14 : memref<!tpu.dma_semaphore, #tpu.memory_space<semaphore_mem>>) src(%arg6 : memref<24x128xf32, #tpu.memory_space<vmem>>) dst(%dma_wait3A_235 : memref<24x128xf32, #tpu.memory_space<vmem_shared>>)
    %mul3A_236 = arith.constant 624 : i32
    %mul3A_237 = arith.muli %arg1, %mul3A_236 : i32
    %add3A_238 = arith.constant 24 : i32
    %add3A_239 = arith.addi %mul3A_237, %add3A_238 : i32
    %dma_wait3A_240 = arith.constant 0 : i32
    %dma_wait3A_241 = tpu.memref_slice %arg12[%add3A_239, %dma_wait3A_240] : memref<10008x128xf32, #tpu.memory_space<vmem_shared>> -> memref<24x128xf32, #tpu.memory_space<vmem_shared>>
    %dma_wait3A_242 = arith.constant 0 : i32
    %dma_wait3A_243 = tpu.memref_slice %arg12[%add3A_239, %dma_wait3A_242] : memref<10008x128xf32, #tpu.memory_space<vmem_shared>> -> memref<24x128xf32, #tpu.memory_space<vmem_shared>>
    tpu.wait_dma2 semaphore(%arg14 : memref<!tpu.dma_semaphore, #tpu.memory_space<semaphore_mem>>) src(%arg6 : memref<24x128xf32, #tpu.memory_space<vmem>>) dst(%dma_wait3A_243 : memref<24x128xf32, #tpu.memory_space<vmem_shared>>)
    %mul3A_244 = arith.constant 624 : i32
    %mul3A_245 = arith.muli %arg1, %mul3A_244 : i32
    %add3A_246 = arith.constant 48 : i32
    %add3A_247 = arith.addi %mul3A_245, %add3A_246 : i32
    %dma_wait3A_248 = arith.constant 0 : i32
    %dma_wait3A_249 = tpu.memref_slice %arg12[%add3A_247, %dma_wait3A_248] : memref<10008x128xf32, #tpu.memory_space<vmem_shared>> -> memref<24x128xf32, #tpu.memory_space<vmem_shared>>
    %dma_wait3A_250 = arith.constant 0 : i32
    %dma_wait3A_251 = tpu.memref_slice %arg12[%add3A_247, %dma_wait3A_250] : memref<10008x128xf32, #tpu.memory_space<vmem_shared>> -> memref<24x128xf32, #tpu.memory_space<vmem_shared>>
    tpu.wait_dma2 semaphore(%arg14 : memref<!tpu.dma_semaphore, #tpu.memory_space<semaphore_mem>>) src(%arg6 : memref<24x128xf32, #tpu.memory_space<vmem>>) dst(%dma_wait3A_251 : memref<24x128xf32, #tpu.memory_space<vmem_shared>>)
    %mul3A_252 = arith.constant 624 : i32
    %mul3A_253 = arith.muli %arg1, %mul3A_252 : i32
    %add3A_254 = arith.constant 72 : i32
    %add3A_255 = arith.addi %mul3A_253, %add3A_254 : i32
    %dma_wait3A_256 = arith.constant 0 : i32
    %dma_wait3A_257 = tpu.memref_slice %arg12[%add3A_255, %dma_wait3A_256] : memref<10008x128xf32, #tpu.memory_space<vmem_shared>> -> memref<24x128xf32, #tpu.memory_space<vmem_shared>>
    %dma_wait3A_258 = arith.constant 0 : i32
    %dma_wait3A_259 = tpu.memref_slice %arg12[%add3A_255, %dma_wait3A_258] : memref<10008x128xf32, #tpu.memory_space<vmem_shared>> -> memref<24x128xf32, #tpu.memory_space<vmem_shared>>
    tpu.wait_dma2 semaphore(%arg14 : memref<!tpu.dma_semaphore, #tpu.memory_space<semaphore_mem>>) src(%arg6 : memref<24x128xf32, #tpu.memory_space<vmem>>) dst(%dma_wait3A_259 : memref<24x128xf32, #tpu.memory_space<vmem_shared>>)
    %mul3A_260 = arith.constant 624 : i32
    %mul3A_261 = arith.muli %arg1, %mul3A_260 : i32
    %add3A_262 = arith.constant 96 : i32
    %add3A_263 = arith.addi %mul3A_261, %add3A_262 : i32
    %dma_wait3A_264 = arith.constant 0 : i32
    %dma_wait3A_265 = tpu.memref_slice %arg12[%add3A_263, %dma_wait3A_264] : memref<10008x128xf32, #tpu.memory_space<vmem_shared>> -> memref<24x128xf32, #tpu.memory_space<vmem_shared>>
    %dma_wait3A_266 = arith.constant 0 : i32
    %dma_wait3A_267 = tpu.memref_slice %arg12[%add3A_263, %dma_wait3A_266] : memref<10008x128xf32, #tpu.memory_space<vmem_shared>> -> memref<24x128xf32, #tpu.memory_space<vmem_shared>>
    tpu.wait_dma2 semaphore(%arg14 : memref<!tpu.dma_semaphore, #tpu.memory_space<semaphore_mem>>) src(%arg6 : memref<24x128xf32, #tpu.memory_space<vmem>>) dst(%dma_wait3A_267 : memref<24x128xf32, #tpu.memory_space<vmem_shared>>)
    %mul3A_268 = arith.constant 624 : i32
    %mul3A_269 = arith.muli %arg1, %mul3A_268 : i32
    %add3A_270 = arith.constant 120 : i32
    %add3A_271 = arith.addi %mul3A_269, %add3A_270 : i32
    %dma_wait3A_272 = arith.constant 0 : i32
    %dma_wait3A_273 = tpu.memref_slice %arg12[%add3A_271, %dma_wait3A_272] : memref<10008x128xf32, #tpu.memory_space<vmem_shared>> -> memref<24x128xf32, #tpu.memory_space<vmem_shared>>
    %dma_wait3A_274 = arith.constant 0 : i32
    %dma_wait3A_275 = tpu.memref_slice %arg12[%add3A_271, %dma_wait3A_274] : memref<10008x128xf32, #tpu.memory_space<vmem_shared>> -> memref<24x128xf32, #tpu.memory_space<vmem_shared>>
    tpu.wait_dma2 semaphore(%arg14 : memref<!tpu.dma_semaphore, #tpu.memory_space<semaphore_mem>>) src(%arg6 : memref<24x128xf32, #tpu.memory_space<vmem>>) dst(%dma_wait3A_275 : memref<24x128xf32, #tpu.memory_space<vmem_shared>>)
    %mul3A_276 = arith.constant 624 : i32
    %mul3A_277 = arith.muli %arg1, %mul3A_276 : i32
    %add3A_278 = arith.constant 144 : i32
    %add3A_279 = arith.addi %mul3A_277, %add3A_278 : i32
    %dma_wait3A_280 = arith.constant 0 : i32
    %dma_wait3A_281 = tpu.memref_slice %arg12[%add3A_279, %dma_wait3A_280] : memref<10008x128xf32, #tpu.memory_space<vmem_shared>> -> memref<24x128xf32, #tpu.memory_space<vmem_shared>>
    %dma_wait3A_282 = arith.constant 0 : i32
    %dma_wait3A_283 = tpu.memref_slice %arg12[%add3A_279, %dma_wait3A_282] : memref<10008x128xf32, #tpu.memory_space<vmem_shared>> -> memref<24x128xf32, #tpu.memory_space<vmem_shared>>
    tpu.wait_dma2 semaphore(%arg14 : memref<!tpu.dma_semaphore, #tpu.memory_space<semaphore_mem>>) src(%arg6 : memref<24x128xf32, #tpu.memory_space<vmem>>) dst(%dma_wait3A_283 : memref<24x128xf32, #tpu.memory_space<vmem_shared>>)
    %mul3A_284 = arith.constant 624 : i32
    %mul3A_285 = arith.muli %arg1, %mul3A_284 : i32
    %add3A_286 = arith.constant 168 : i32
    %add3A_287 = arith.addi %mul3A_285, %add3A_286 : i32
    %dma_wait3A_288 = arith.constant 0 : i32
    %dma_wait3A_289 = tpu.memref_slice %arg12[%add3A_287, %dma_wait3A_288] : memref<10008x128xf32, #tpu.memory_space<vmem_shared>> -> memref<24x128xf32, #tpu.memory_space<vmem_shared>>
    %dma_wait3A_290 = arith.constant 0 : i32
    %dma_wait3A_291 = tpu.memref_slice %arg12[%add3A_287, %dma_wait3A_290] : memref<10008x128xf32, #tpu.memory_space<vmem_shared>> -> memref<24x128xf32, #tpu.memory_space<vmem_shared>>
    tpu.wait_dma2 semaphore(%arg14 : memref<!tpu.dma_semaphore, #tpu.memory_space<semaphore_mem>>) src(%arg6 : memref<24x128xf32, #tpu.memory_space<vmem>>) dst(%dma_wait3A_291 : memref<24x128xf32, #tpu.memory_space<vmem_shared>>)
    %mul3A_292 = arith.constant 624 : i32
    %mul3A_293 = arith.muli %arg1, %mul3A_292 : i32
    %add3A_294 = arith.constant 192 : i32
    %add3A_295 = arith.addi %mul3A_293, %add3A_294 : i32
    %dma_wait3A_296 = arith.constant 0 : i32
    %dma_wait3A_297 = tpu.memref_slice %arg12[%add3A_295, %dma_wait3A_296] : memref<10008x128xf32, #tpu.memory_space<vmem_shared>> -> memref<24x128xf32, #tpu.memory_space<vmem_shared>>
    %dma_wait3A_298 = arith.constant 0 : i32
    %dma_wait3A_299 = tpu.memref_slice %arg12[%add3A_295, %dma_wait3A_298] : memref<10008x128xf32, #tpu.memory_space<vmem_shared>> -> memref<24x128xf32, #tpu.memory_space<vmem_shared>>
    tpu.wait_dma2 semaphore(%arg14 : memref<!tpu.dma_semaphore, #tpu.memory_space<semaphore_mem>>) src(%arg6 : memref<24x128xf32, #tpu.memory_space<vmem>>) dst(%dma_wait3A_299 : memref<24x128xf32, #tpu.memory_space<vmem_shared>>)
    %mul3A_300 = arith.constant 624 : i32
    %mul3A_301 = arith.muli %arg1, %mul3A_300 : i32
    %add3A_302 = arith.constant 216 : i32
    %add3A_303 = arith.addi %mul3A_301, %add3A_302 : i32
    %dma_wait3A_304 = arith.constant 0 : i32
    %dma_wait3A_305 = tpu.memref_slice %arg12[%add3A_303, %dma_wait3A_304] : memref<10008x128xf32, #tpu.memory_space<vmem_shared>> -> memref<24x128xf32, #tpu.memory_space<vmem_shared>>
    %dma_wait3A_306 = arith.constant 0 : i32
    %dma_wait3A_307 = tpu.memref_slice %arg12[%add3A_303, %dma_wait3A_306] : memref<10008x128xf32, #tpu.memory_space<vmem_shared>> -> memref<24x128xf32, #tpu.memory_space<vmem_shared>>
    tpu.wait_dma2 semaphore(%arg14 : memref<!tpu.dma_semaphore, #tpu.memory_space<semaphore_mem>>) src(%arg6 : memref<24x128xf32, #tpu.memory_space<vmem>>) dst(%dma_wait3A_307 : memref<24x128xf32, #tpu.memory_space<vmem_shared>>)
    %mul3A_308 = arith.constant 624 : i32
    %mul3A_309 = arith.muli %arg1, %mul3A_308 : i32
    %add3A_310 = arith.constant 240 : i32
    %add3A_311 = arith.addi %mul3A_309, %add3A_310 : i32
    %dma_wait3A_312 = arith.constant 0 : i32
    %dma_wait3A_313 = tpu.memref_slice %arg12[%add3A_311, %dma_wait3A_312] : memref<10008x128xf32, #tpu.memory_space<vmem_shared>> -> memref<24x128xf32, #tpu.memory_space<vmem_shared>>
    %dma_wait3A_314 = arith.constant 0 : i32
    %dma_wait3A_315 = tpu.memref_slice %arg12[%add3A_311, %dma_wait3A_314] : memref<10008x128xf32, #tpu.memory_space<vmem_shared>> -> memref<24x128xf32, #tpu.memory_space<vmem_shared>>
    tpu.wait_dma2 semaphore(%arg14 : memref<!tpu.dma_semaphore, #tpu.memory_space<semaphore_mem>>) src(%arg6 : memref<24x128xf32, #tpu.memory_space<vmem>>) dst(%dma_wait3A_315 : memref<24x128xf32, #tpu.memory_space<vmem_shared>>)
    %mul3A_316 = arith.constant 624 : i32
    %mul3A_317 = arith.muli %arg1, %mul3A_316 : i32
    %add3A_318 = arith.constant 264 : i32
    %add3A_319 = arith.addi %mul3A_317, %add3A_318 : i32
    %dma_wait3A_320 = arith.constant 0 : i32
    %dma_wait3A_321 = tpu.memref_slice %arg12[%add3A_319, %dma_wait3A_320] : memref<10008x128xf32, #tpu.memory_space<vmem_shared>> -> memref<24x128xf32, #tpu.memory_space<vmem_shared>>
    %dma_wait3A_322 = arith.constant 0 : i32
    %dma_wait3A_323 = tpu.memref_slice %arg12[%add3A_319, %dma_wait3A_322] : memref<10008x128xf32, #tpu.memory_space<vmem_shared>> -> memref<24x128xf32, #tpu.memory_space<vmem_shared>>
    tpu.wait_dma2 semaphore(%arg14 : memref<!tpu.dma_semaphore, #tpu.memory_space<semaphore_mem>>) src(%arg6 : memref<24x128xf32, #tpu.memory_space<vmem>>) dst(%dma_wait3A_323 : memref<24x128xf32, #tpu.memory_space<vmem_shared>>)
    %mul3A_324 = arith.constant 624 : i32
    %mul3A_325 = arith.muli %arg1, %mul3A_324 : i32
    %add3A_326 = arith.constant 288 : i32
    %add3A_327 = arith.addi %mul3A_325, %add3A_326 : i32
    %dma_wait3A_328 = arith.constant 0 : i32
    %dma_wait3A_329 = tpu.memref_slice %arg12[%add3A_327, %dma_wait3A_328] : memref<10008x128xf32, #tpu.memory_space<vmem_shared>> -> memref<24x128xf32, #tpu.memory_space<vmem_shared>>
    %dma_wait3A_330 = arith.constant 0 : i32
    %dma_wait3A_331 = tpu.memref_slice %arg12[%add3A_327, %dma_wait3A_330] : memref<10008x128xf32, #tpu.memory_space<vmem_shared>> -> memref<24x128xf32, #tpu.memory_space<vmem_shared>>
    tpu.wait_dma2 semaphore(%arg14 : memref<!tpu.dma_semaphore, #tpu.memory_space<semaphore_mem>>) src(%arg6 : memref<24x128xf32, #tpu.memory_space<vmem>>) dst(%dma_wait3A_331 : memref<24x128xf32, #tpu.memory_space<vmem_shared>>)
    %mul3A_332 = arith.constant 624 : i32
    %mul3A_333 = arith.muli %arg1, %mul3A_332 : i32
    %add3A_334 = arith.constant 312 : i32
    %add3A_335 = arith.addi %mul3A_333, %add3A_334 : i32
    %dma_wait3A_336 = arith.constant 0 : i32
    %dma_wait3A_337 = tpu.memref_slice %arg12[%add3A_335, %dma_wait3A_336] : memref<10008x128xf32, #tpu.memory_space<vmem_shared>> -> memref<24x128xf32, #tpu.memory_space<vmem_shared>>
    %dma_wait3A_338 = arith.constant 0 : i32
    %dma_wait3A_339 = tpu.memref_slice %arg12[%add3A_335, %dma_wait3A_338] : memref<10008x128xf32, #tpu.memory_space<vmem_shared>> -> memref<24x128xf32, #tpu.memory_space<vmem_shared>>
    tpu.wait_dma2 semaphore(%arg14 : memref<!tpu.dma_semaphore, #tpu.memory_space<semaphore_mem>>) src(%arg6 : memref<24x128xf32, #tpu.memory_space<vmem>>) dst(%dma_wait3A_339 : memref<24x128xf32, #tpu.memory_space<vmem_shared>>)
    %mul3A_340 = arith.constant 624 : i32
    %mul3A_341 = arith.muli %arg1, %mul3A_340 : i32
    %add3A_342 = arith.constant 336 : i32
    %add3A_343 = arith.addi %mul3A_341, %add3A_342 : i32
    %dma_wait3A_344 = arith.constant 0 : i32
    %dma_wait3A_345 = tpu.memref_slice %arg12[%add3A_343, %dma_wait3A_344] : memref<10008x128xf32, #tpu.memory_space<vmem_shared>> -> memref<24x128xf32, #tpu.memory_space<vmem_shared>>
    %dma_wait3A_346 = arith.constant 0 : i32
    %dma_wait3A_347 = tpu.memref_slice %arg12[%add3A_343, %dma_wait3A_346] : memref<10008x128xf32, #tpu.memory_space<vmem_shared>> -> memref<24x128xf32, #tpu.memory_space<vmem_shared>>
    tpu.wait_dma2 semaphore(%arg14 : memref<!tpu.dma_semaphore, #tpu.memory_space<semaphore_mem>>) src(%arg6 : memref<24x128xf32, #tpu.memory_space<vmem>>) dst(%dma_wait3A_347 : memref<24x128xf32, #tpu.memory_space<vmem_shared>>)
    %mul3A_348 = arith.constant 624 : i32
    %mul3A_349 = arith.muli %arg1, %mul3A_348 : i32
    %add3A_350 = arith.constant 360 : i32
    %add3A_351 = arith.addi %mul3A_349, %add3A_350 : i32
    %dma_wait3A_352 = arith.constant 0 : i32
    %dma_wait3A_353 = tpu.memref_slice %arg12[%add3A_351, %dma_wait3A_352] : memref<10008x128xf32, #tpu.memory_space<vmem_shared>> -> memref<24x128xf32, #tpu.memory_space<vmem_shared>>
    %dma_wait3A_354 = arith.constant 0 : i32
    %dma_wait3A_355 = tpu.memref_slice %arg12[%add3A_351, %dma_wait3A_354] : memref<10008x128xf32, #tpu.memory_space<vmem_shared>> -> memref<24x128xf32, #tpu.memory_space<vmem_shared>>
    tpu.wait_dma2 semaphore(%arg14 : memref<!tpu.dma_semaphore, #tpu.memory_space<semaphore_mem>>) src(%arg6 : memref<24x128xf32, #tpu.memory_space<vmem>>) dst(%dma_wait3A_355 : memref<24x128xf32, #tpu.memory_space<vmem_shared>>)
    %mul3A_356 = arith.constant 624 : i32
    %mul3A_357 = arith.muli %arg1, %mul3A_356 : i32
    %add3A_358 = arith.constant 384 : i32
    %add3A_359 = arith.addi %mul3A_357, %add3A_358 : i32
    %dma_wait3A_360 = arith.constant 0 : i32
    %dma_wait3A_361 = tpu.memref_slice %arg12[%add3A_359, %dma_wait3A_360] : memref<10008x128xf32, #tpu.memory_space<vmem_shared>> -> memref<24x128xf32, #tpu.memory_space<vmem_shared>>
    %dma_wait3A_362 = arith.constant 0 : i32
    %dma_wait3A_363 = tpu.memref_slice %arg12[%add3A_359, %dma_wait3A_362] : memref<10008x128xf32, #tpu.memory_space<vmem_shared>> -> memref<24x128xf32, #tpu.memory_space<vmem_shared>>
    tpu.wait_dma2 semaphore(%arg14 : memref<!tpu.dma_semaphore, #tpu.memory_space<semaphore_mem>>) src(%arg6 : memref<24x128xf32, #tpu.memory_space<vmem>>) dst(%dma_wait3A_363 : memref<24x128xf32, #tpu.memory_space<vmem_shared>>)
    %mul3A_364 = arith.constant 624 : i32
    %mul3A_365 = arith.muli %arg1, %mul3A_364 : i32
    %add3A_366 = arith.constant 408 : i32
    %add3A_367 = arith.addi %mul3A_365, %add3A_366 : i32
    %dma_wait3A_368 = arith.constant 0 : i32
    %dma_wait3A_369 = tpu.memref_slice %arg12[%add3A_367, %dma_wait3A_368] : memref<10008x128xf32, #tpu.memory_space<vmem_shared>> -> memref<24x128xf32, #tpu.memory_space<vmem_shared>>
    %dma_wait3A_370 = arith.constant 0 : i32
    %dma_wait3A_371 = tpu.memref_slice %arg12[%add3A_367, %dma_wait3A_370] : memref<10008x128xf32, #tpu.memory_space<vmem_shared>> -> memref<24x128xf32, #tpu.memory_space<vmem_shared>>
    tpu.wait_dma2 semaphore(%arg14 : memref<!tpu.dma_semaphore, #tpu.memory_space<semaphore_mem>>) src(%arg6 : memref<24x128xf32, #tpu.memory_space<vmem>>) dst(%dma_wait3A_371 : memref<24x128xf32, #tpu.memory_space<vmem_shared>>)
    %mul3A_372 = arith.constant 624 : i32
    %mul3A_373 = arith.muli %arg1, %mul3A_372 : i32
    %add3A_374 = arith.constant 432 : i32
    %add3A_375 = arith.addi %mul3A_373, %add3A_374 : i32
    %dma_wait3A_376 = arith.constant 0 : i32
    %dma_wait3A_377 = tpu.memref_slice %arg12[%add3A_375, %dma_wait3A_376] : memref<10008x128xf32, #tpu.memory_space<vmem_shared>> -> memref<24x128xf32, #tpu.memory_space<vmem_shared>>
    %dma_wait3A_378 = arith.constant 0 : i32
    %dma_wait3A_379 = tpu.memref_slice %arg12[%add3A_375, %dma_wait3A_378] : memref<10008x128xf32, #tpu.memory_space<vmem_shared>> -> memref<24x128xf32, #tpu.memory_space<vmem_shared>>
    tpu.wait_dma2 semaphore(%arg14 : memref<!tpu.dma_semaphore, #tpu.memory_space<semaphore_mem>>) src(%arg6 : memref<24x128xf32, #tpu.memory_space<vmem>>) dst(%dma_wait3A_379 : memref<24x128xf32, #tpu.memory_space<vmem_shared>>)
    %mul3A_380 = arith.constant 624 : i32
    %mul3A_381 = arith.muli %arg1, %mul3A_380 : i32
    %add3A_382 = arith.constant 456 : i32
    %add3A_383 = arith.addi %mul3A_381, %add3A_382 : i32
    %dma_wait3A_384 = arith.constant 0 : i32
    %dma_wait3A_385 = tpu.memref_slice %arg12[%add3A_383, %dma_wait3A_384] : memref<10008x128xf32, #tpu.memory_space<vmem_shared>> -> memref<24x128xf32, #tpu.memory_space<vmem_shared>>
    %dma_wait3A_386 = arith.constant 0 : i32
    %dma_wait3A_387 = tpu.memref_slice %arg12[%add3A_383, %dma_wait3A_386] : memref<10008x128xf32, #tpu.memory_space<vmem_shared>> -> memref<24x128xf32, #tpu.memory_space<vmem_shared>>
    tpu.wait_dma2 semaphore(%arg14 : memref<!tpu.dma_semaphore, #tpu.memory_space<semaphore_mem>>) src(%arg6 : memref<24x128xf32, #tpu.memory_space<vmem>>) dst(%dma_wait3A_387 : memref<24x128xf32, #tpu.memory_space<vmem_shared>>)
    %mul3A_388 = arith.constant 624 : i32
    %mul3A_389 = arith.muli %arg1, %mul3A_388 : i32
    %add3A_390 = arith.constant 480 : i32
    %add3A_391 = arith.addi %mul3A_389, %add3A_390 : i32
    %dma_wait3A_392 = arith.constant 0 : i32
    %dma_wait3A_393 = tpu.memref_slice %arg12[%add3A_391, %dma_wait3A_392] : memref<10008x128xf32, #tpu.memory_space<vmem_shared>> -> memref<24x128xf32, #tpu.memory_space<vmem_shared>>
    %dma_wait3A_394 = arith.constant 0 : i32
    %dma_wait3A_395 = tpu.memref_slice %arg12[%add3A_391, %dma_wait3A_394] : memref<10008x128xf32, #tpu.memory_space<vmem_shared>> -> memref<24x128xf32, #tpu.memory_space<vmem_shared>>
    tpu.wait_dma2 semaphore(%arg14 : memref<!tpu.dma_semaphore, #tpu.memory_space<semaphore_mem>>) src(%arg6 : memref<24x128xf32, #tpu.memory_space<vmem>>) dst(%dma_wait3A_395 : memref<24x128xf32, #tpu.memory_space<vmem_shared>>)
    %mul3A_396 = arith.constant 624 : i32
    %mul3A_397 = arith.muli %arg1, %mul3A_396 : i32
    %add3A_398 = arith.constant 504 : i32
    %add3A_399 = arith.addi %mul3A_397, %add3A_398 : i32
    %dma_wait3A_400 = arith.constant 0 : i32
    %dma_wait3A_401 = tpu.memref_slice %arg12[%add3A_399, %dma_wait3A_400] : memref<10008x128xf32, #tpu.memory_space<vmem_shared>> -> memref<24x128xf32, #tpu.memory_space<vmem_shared>>
    %dma_wait3A_402 = arith.constant 0 : i32
    %dma_wait3A_403 = tpu.memref_slice %arg12[%add3A_399, %dma_wait3A_402] : memref<10008x128xf32, #tpu.memory_space<vmem_shared>> -> memref<24x128xf32, #tpu.memory_space<vmem_shared>>
    tpu.wait_dma2 semaphore(%arg14 : memref<!tpu.dma_semaphore, #tpu.memory_space<semaphore_mem>>) src(%arg6 : memref<24x128xf32, #tpu.memory_space<vmem>>) dst(%dma_wait3A_403 : memref<24x128xf32, #tpu.memory_space<vmem_shared>>)
    %mul3A_404 = arith.constant 624 : i32
    %mul3A_405 = arith.muli %arg1, %mul3A_404 : i32
    %add3A_406 = arith.constant 528 : i32
    %add3A_407 = arith.addi %mul3A_405, %add3A_406 : i32
    %dma_wait3A_408 = arith.constant 0 : i32
    %dma_wait3A_409 = tpu.memref_slice %arg12[%add3A_407, %dma_wait3A_408] : memref<10008x128xf32, #tpu.memory_space<vmem_shared>> -> memref<24x128xf32, #tpu.memory_space<vmem_shared>>
    %dma_wait3A_410 = arith.constant 0 : i32
    %dma_wait3A_411 = tpu.memref_slice %arg12[%add3A_407, %dma_wait3A_410] : memref<10008x128xf32, #tpu.memory_space<vmem_shared>> -> memref<24x128xf32, #tpu.memory_space<vmem_shared>>
    tpu.wait_dma2 semaphore(%arg14 : memref<!tpu.dma_semaphore, #tpu.memory_space<semaphore_mem>>) src(%arg6 : memref<24x128xf32, #tpu.memory_space<vmem>>) dst(%dma_wait3A_411 : memref<24x128xf32, #tpu.memory_space<vmem_shared>>)
    %mul3A_412 = arith.constant 624 : i32
    %mul3A_413 = arith.muli %arg1, %mul3A_412 : i32
    %add3A_414 = arith.constant 552 : i32
    %add3A_415 = arith.addi %mul3A_413, %add3A_414 : i32
    %dma_wait3A_416 = arith.constant 0 : i32
    %dma_wait3A_417 = tpu.memref_slice %arg12[%add3A_415, %dma_wait3A_416] : memref<10008x128xf32, #tpu.memory_space<vmem_shared>> -> memref<24x128xf32, #tpu.memory_space<vmem_shared>>
    %dma_wait3A_418 = arith.constant 0 : i32
    %dma_wait3A_419 = tpu.memref_slice %arg12[%add3A_415, %dma_wait3A_418] : memref<10008x128xf32, #tpu.memory_space<vmem_shared>> -> memref<24x128xf32, #tpu.memory_space<vmem_shared>>
    tpu.wait_dma2 semaphore(%arg14 : memref<!tpu.dma_semaphore, #tpu.memory_space<semaphore_mem>>) src(%arg6 : memref<24x128xf32, #tpu.memory_space<vmem>>) dst(%dma_wait3A_419 : memref<24x128xf32, #tpu.memory_space<vmem_shared>>)
    %mul3A_420 = arith.constant 624 : i32
    %mul3A_421 = arith.muli %arg1, %mul3A_420 : i32
    %add3A_422 = arith.constant 576 : i32
    %add3A_423 = arith.addi %mul3A_421, %add3A_422 : i32
    %dma_wait3A_424 = arith.constant 0 : i32
    %dma_wait3A_425 = tpu.memref_slice %arg12[%add3A_423, %dma_wait3A_424] : memref<10008x128xf32, #tpu.memory_space<vmem_shared>> -> memref<24x128xf32, #tpu.memory_space<vmem_shared>>
    %dma_wait3A_426 = arith.constant 0 : i32
    %dma_wait3A_427 = tpu.memref_slice %arg12[%add3A_423, %dma_wait3A_426] : memref<10008x128xf32, #tpu.memory_space<vmem_shared>> -> memref<24x128xf32, #tpu.memory_space<vmem_shared>>
    tpu.wait_dma2 semaphore(%arg14 : memref<!tpu.dma_semaphore, #tpu.memory_space<semaphore_mem>>) src(%arg6 : memref<24x128xf32, #tpu.memory_space<vmem>>) dst(%dma_wait3A_427 : memref<24x128xf32, #tpu.memory_space<vmem_shared>>)
    %mul3A_428 = arith.constant 624 : i32
    %mul3A_429 = arith.muli %arg1, %mul3A_428 : i32
    %add3A_430 = arith.constant 600 : i32
    %add3A_431 = arith.addi %mul3A_429, %add3A_430 : i32
    %dma_wait3A_432 = arith.constant 0 : i32
    %dma_wait3A_433 = tpu.memref_slice %arg12[%add3A_431, %dma_wait3A_432] : memref<10008x128xf32, #tpu.memory_space<vmem_shared>> -> memref<24x128xf32, #tpu.memory_space<vmem_shared>>
    %dma_wait3A_434 = arith.constant 0 : i32
    %dma_wait3A_435 = tpu.memref_slice %arg12[%add3A_431, %dma_wait3A_434] : memref<10008x128xf32, #tpu.memory_space<vmem_shared>> -> memref<24x128xf32, #tpu.memory_space<vmem_shared>>
    tpu.wait_dma2 semaphore(%arg14 : memref<!tpu.dma_semaphore, #tpu.memory_space<semaphore_mem>>) src(%arg6 : memref<24x128xf32, #tpu.memory_space<vmem>>) dst(%dma_wait3A_435 : memref<24x128xf32, #tpu.memory_space<vmem_shared>>)
    %eq3A_436 = arith.constant 0 : i32
    %eq3A_437 = arith.cmpi eq, %arg1, %eq3A_436 : i32
    %convert_element_type3A_438 = arith.extui %eq3A_437 : i1 to i32
    %cond3A_439 = arith.constant 0 : i32
    %cond3A_440 = arith.cmpi ne, %convert_element_type3A_438, %cond3A_439 : i32
    scf.if %cond3A_440 {
      %dma_wait3A_472 = arith.constant 9984 : i32
      %dma_wait3A_473 = arith.constant 0 : i32
      %dma_wait3A_474 = tpu.memref_slice %arg12[%dma_wait3A_472, %dma_wait3A_473] : memref<10008x128xf32, #tpu.memory_space<vmem_shared>> -> memref<24x128xf32, #tpu.memory_space<vmem_shared>>
      %dma_wait3A_475 = arith.constant 9984 : i32
      %dma_wait3A_476 = arith.constant 0 : i32
      %dma_wait3A_477 = tpu.memref_slice %arg12[%dma_wait3A_475, %dma_wait3A_476] : memref<10008x128xf32, #tpu.memory_space<vmem_shared>> -> memref<24x128xf32, #tpu.memory_space<vmem_shared>>
      tpu.wait_dma2 semaphore(%arg14 : memref<!tpu.dma_semaphore, #tpu.memory_space<semaphore_mem>>) src(%arg6 : memref<24x128xf32, #tpu.memory_space<vmem>>) dst(%dma_wait3A_477 : memref<24x128xf32, #tpu.memory_space<vmem_shared>>)
    } else {
    }
    %dma_wait3A_441 = arith.constant 0 : i32
    %dma_wait3A_442 = tpu.memref_slice %arg3[%add3A, %dma_wait3A_441] : memref<32x10240xi32, #tpu.memory_space<hbm>> -> memref<1x10240xi32, #tpu.memory_space<hbm>>
    %dma_wait3A_443 = tpu.memref_squeeze %dma_wait3A_442 : memref<1x10240xi32, #tpu.memory_space<hbm>> -> memref<10240xi32, #tpu.memory_space<hbm>>
    %dma_wait3A_444 = arith.constant 0 : i32
    %dma_wait3A_445 = tpu.memref_slice %arg3[%add3A, %dma_wait3A_444] : memref<32x10240xi32, #tpu.memory_space<hbm>> -> memref<1x10240xi32, #tpu.memory_space<hbm>>
    %dma_wait3A_446 = tpu.memref_squeeze %dma_wait3A_445 : memref<1x10240xi32, #tpu.memory_space<hbm>> -> memref<10240xi32, #tpu.memory_space<hbm>>
    tpu.wait_dma2 semaphore(%arg13 : memref<!tpu.dma_semaphore, #tpu.memory_space<semaphore_mem>>) src(%dma_wait3A_446 : memref<10240xi32, #tpu.memory_space<hbm>>) dst(%arg7 : memref<10240xi32, #tpu.memory_space<vmem>>)
    %barrier3A = arith.constant 0 : index
    tpu.barrier barrier_id(%barrier3A)
    %dma_start3A_447 = arith.constant 0 : i32
    %dma_start3A_448 = tpu.memref_slice %arg7[%dma_start3A_447] : memref<10240xi32, #tpu.memory_space<vmem>> -> memref<128xi32, #tpu.memory_space<vmem>>
    %dma_start3A_449 = arith.constant 0 : i32
    %dma_start3A_450 = arith.constant 0 : i32
    %dma_start3A_451 = tpu.memref_slice %arg2[%arg0, %dma_start3A_449, %dma_start3A_450] : memref<2x10000x128xf32, #tpu.memory_space<hbm>> -> memref<1x10000x128xf32, #tpu.memory_space<hbm>>
    %dma_start3A_452 = tpu.memref_squeeze %dma_start3A_451 : memref<1x10000x128xf32, #tpu.memory_space<hbm>> -> memref<10000x128xf32, #tpu.memory_space<hbm>>
    %dma_start3A_453 = arith.constant 0 : i32
    %dma_start3A_454 = arith.constant 0 : i32
    %dma_start3A_455 = tpu.memref_slice %dma_start3A_452[%dma_start3A_453, %dma_start3A_454] : memref<10000x128xf32, #tpu.memory_space<hbm>> -> memref<10000x128xf32, #tpu.memory_space<hbm>>
    tpu.enqueue_indirect_dma source(%dma_start3A_455 : memref<10000x128xf32, #tpu.memory_space<hbm>>) target(%arg10 : memref<128x128xf32, #tpu.memory_space<vmem>>) offsets(%dma_start3A_448 : memref<128xi32, #tpu.memory_space<vmem>>) semaphore(%arg17 : memref<!tpu.dma_semaphore, #tpu.memory_space<semaphore_mem>>)
    %scan3A_456 = arith.constant 0 : i32
    %scan3A_457 = arith.constant 0 : i32
    %scan3A_458 = arith.constant 5 : i32
    %scan3A_459 = arith.addi %scan3A_457, %scan3A_458 : i32
    %scan3A_460 = arith.constant 1 : i32
    scf.for %scan3A_472 = %scan3A_457 to %scan3A_459 step %scan3A_460  : i32 {
      %mul3A_473 = arith.constant 2 : i32
      %mul3A_474 = arith.muli %mul3A_473, %scan3A_472 : i32
      %mul3A_475 = arith.constant 8 : i32
      %mul3A_476 = arith.muli %mul3A_474, %mul3A_475 : i32
      %add3A_477 = arith.constant 8 : i32
      %add3A_478 = arith.addi %mul3A_476, %add3A_477 : i32
      %dma_start3A_479 = arith.constant 0 : i32
      %dma_start3A_480 = tpu.memref_slice %arg4[%add3A, %add3A_478, %dma_start3A_479] : memref<32x80x128xi32, #tpu.memory_space<hbm>> -> memref<1x8x128xi32, #tpu.memory_space<hbm>>
      %dma_start3A_481 = tpu.memref_squeeze %dma_start3A_480 : memref<1x8x128xi32, #tpu.memory_space<hbm>> -> memref<8x128xi32, #tpu.memory_space<hbm>>
      %dma_start3A_482 = arith.constant 0 : i32
      %dma_start3A_483 = tpu.memref_slice %arg4[%add3A, %add3A_478, %dma_start3A_482] : memref<32x80x128xi32, #tpu.memory_space<hbm>> -> memref<1x8x128xi32, #tpu.memory_space<hbm>>
      %dma_start3A_484 = tpu.memref_squeeze %dma_start3A_483 : memref<1x8x128xi32, #tpu.memory_space<hbm>> -> memref<8x128xi32, #tpu.memory_space<hbm>>
      tpu.enqueue_dma source(%dma_start3A_484 : memref<8x128xi32, #tpu.memory_space<hbm>>) target(%arg9 : memref<8x128xi32, #tpu.memory_space<vmem>>) target_semaphore(%arg16 : memref<!tpu.dma_semaphore, #tpu.memory_space<semaphore_mem>>)
      %dma_wait3A_485 = arith.constant 0 : i32
      %dma_wait3A_486 = arith.constant 0 : i32
      %dma_wait3A_487 = tpu.memref_slice %arg4[%add3A, %dma_wait3A_485, %dma_wait3A_486] : memref<32x80x128xi32, #tpu.memory_space<hbm>> -> memref<1x8x128xi32, #tpu.memory_space<hbm>>
      %dma_wait3A_488 = tpu.memref_squeeze %dma_wait3A_487 : memref<1x8x128xi32, #tpu.memory_space<hbm>> -> memref<8x128xi32, #tpu.memory_space<hbm>>
      %dma_wait3A_489 = arith.constant 0 : i32
      %dma_wait3A_490 = arith.constant 0 : i32
      %dma_wait3A_491 = tpu.memref_slice %arg4[%add3A, %dma_wait3A_489, %dma_wait3A_490] : memref<32x80x128xi32, #tpu.memory_space<hbm>> -> memref<1x8x128xi32, #tpu.memory_space<hbm>>
      %dma_wait3A_492 = tpu.memref_squeeze %dma_wait3A_491 : memref<1x8x128xi32, #tpu.memory_space<hbm>> -> memref<8x128xi32, #tpu.memory_space<hbm>>
      tpu.wait_dma2 semaphore(%arg15 : memref<!tpu.dma_semaphore, #tpu.memory_space<semaphore_mem>>) src(%dma_wait3A_492 : memref<8x128xi32, #tpu.memory_space<hbm>>) dst(%arg8 : memref<8x128xi32, #tpu.memory_space<vmem>>)
      %add3A_493 = arith.constant 0 : i32
      %add3A_494 = arith.addi %mul3A_476, %add3A_493 : i32
      %add3A_495 = arith.constant 1 : i32
      %add3A_496 = arith.addi %add3A_494, %add3A_495 : i32
      %mul3A_497 = arith.constant 128 : i32
      %mul3A_498 = arith.muli %add3A_496, %mul3A_497 : i32
      %dma_start3A_499 = tpu.memref_slice %arg7[%mul3A_498] : memref<10240xi32, #tpu.memory_space<vmem>> -> memref<128xi32, #tpu.memory_space<vmem>>
      %dma_start3A_500 = arith.constant 0 : i32
      %dma_start3A_501 = arith.constant 0 : i32
      %dma_start3A_502 = tpu.memref_slice %arg2[%arg0, %dma_start3A_500, %dma_start3A_501] : memref<2x10000x128xf32, #tpu.memory_space<hbm>> -> memref<1x10000x128xf32, #tpu.memory_space<hbm>>
      %dma_start3A_503 = tpu.memref_squeeze %dma_start3A_502 : memref<1x10000x128xf32, #tpu.memory_space<hbm>> -> memref<10000x128xf32, #tpu.memory_space<hbm>>
      %dma_start3A_504 = arith.constant 0 : i32
      %dma_start3A_505 = arith.constant 0 : i32
      %dma_start3A_506 = tpu.memref_slice %dma_start3A_503[%dma_start3A_504, %dma_start3A_505] : memref<10000x128xf32, #tpu.memory_space<hbm>> -> memref<10000x128xf32, #tpu.memory_space<hbm>>
      tpu.enqueue_indirect_dma source(%dma_start3A_506 : memref<10000x128xf32, #tpu.memory_space<hbm>>) target(%arg11 : memref<128x128xf32, #tpu.memory_space<vmem>>) offsets(%dma_start3A_499 : memref<128xi32, #tpu.memory_space<vmem>>) semaphore(%arg18 : memref<!tpu.dma_semaphore, #tpu.memory_space<semaphore_mem>>)
      %mul3A_507 = arith.constant 128 : i32
      %mul3A_508 = arith.muli %add3A_494, %mul3A_507 : i32
      %dma_wait3A_509 = tpu.memref_slice %arg7[%mul3A_508] : memref<10240xi32, #tpu.memory_space<vmem>> -> memref<128xi32, #tpu.memory_space<vmem>>
      %dma_wait3A_510 = arith.constant 0 : i32
      %dma_wait3A_511 = arith.constant 0 : i32
      %dma_wait3A_512 = tpu.memref_slice %arg2[%arg0, %dma_wait3A_510, %dma_wait3A_511] : memref<2x10000x128xf32, #tpu.memory_space<hbm>> -> memref<1x10000x128xf32, #tpu.memory_space<hbm>>
      %dma_wait3A_513 = tpu.memref_squeeze %dma_wait3A_512 : memref<1x10000x128xf32, #tpu.memory_space<hbm>> -> memref<10000x128xf32, #tpu.memory_space<hbm>>
      %dma_wait3A_514 = arith.constant 0 : i32
      %dma_wait3A_515 = arith.constant 0 : i32
      %dma_wait3A_516 = tpu.memref_slice %dma_wait3A_513[%dma_wait3A_514, %dma_wait3A_515] : memref<10000x128xf32, #tpu.memory_space<hbm>> -> memref<10000x128xf32, #tpu.memory_space<hbm>>
      tpu.wait_indirect_dma semaphore(%arg17 : memref<!tpu.dma_semaphore, #tpu.memory_space<semaphore_mem>>) src(%dma_wait3A_516 : memref<10000x128xf32, #tpu.memory_space<hbm>>) dst(%arg10 : memref<128x128xf32, #tpu.memory_space<vmem>>)
      %run_scoped3A = arith.constant 0 : i32
      "tpu.region"() ({
        %run_scoped3A_840 = tpu.sem_alloc : memref<!tpu.dma_semaphore, #tpu.memory_space<semaphore_mem>>
        %dma_start3A_841 = arith.constant 0 : i32
        %dma_start3A_842 = tpu.memref_slice %arg8[%run_scoped3A, %dma_start3A_841] : memref<8x128xi32, #tpu.memory_space<vmem>> -> memref<1x128xi32, #tpu.memory_space<vmem>>
        %dma_start3A_843 = tpu.memref_squeeze %dma_start3A_842 : memref<1x128xi32, #tpu.memory_space<vmem>> -> memref<128xi32, #tpu.memory_space<vmem>>
        %dma_start3A_844 = arith.constant 0 : i32
        %dma_start3A_845 = arith.constant 0 : i32
        %dma_start3A_846 = tpu.memref_slice %arg12[%dma_start3A_844, %dma_start3A_845] : memref<10008x128xf32, #tpu.memory_space<vmem_shared>> -> memref<10008x128xf32, #tpu.memory_space<vmem_shared>>
        tpu.enqueue_indirect_dma source(%arg10 : memref<128x128xf32, #tpu.memory_space<vmem>>) target(%dma_start3A_846 : memref<10008x128xf32, #tpu.memory_space<vmem_shared>>) offsets(%dma_start3A_843 : memref<128xi32, #tpu.memory_space<vmem>>) semaphore(%run_scoped3A_840 : memref<!tpu.dma_semaphore, #tpu.memory_space<semaphore_mem>>) {add = true}
        %dma_wait3A_847 = arith.constant 0 : i32
        %dma_wait3A_848 = tpu.memref_slice %arg8[%run_scoped3A, %dma_wait3A_847] : memref<8x128xi32, #tpu.memory_space<vmem>> -> memref<1x128xi32, #tpu.memory_space<vmem>>
        %dma_wait3A_849 = tpu.memref_squeeze %dma_wait3A_848 : memref<1x128xi32, #tpu.memory_space<vmem>> -> memref<128xi32, #tpu.memory_space<vmem>>
        %dma_wait3A_850 = arith.constant 0 : i32
        %dma_wait3A_851 = arith.constant 0 : i32
        %dma_wait3A_852 = tpu.memref_slice %arg12[%dma_wait3A_850, %dma_wait3A_851] : memref<10008x128xf32, #tpu.memory_space<vmem_shared>> -> memref<10008x128xf32, #tpu.memory_space<vmem_shared>>
        tpu.wait_indirect_dma semaphore(%run_scoped3A_840 : memref<!tpu.dma_semaphore, #tpu.memory_space<semaphore_mem>>) src(%arg10 : memref<128x128xf32, #tpu.memory_space<vmem>>) dst(%dma_wait3A_852 : memref<10008x128xf32, #tpu.memory_space<vmem_shared>>)
        tpu.yield
      }) : () -> ()
      %add3A_517 = arith.constant 2 : i32
      %add3A_518 = arith.addi %add3A_494, %add3A_517 : i32
      %lt3A = arith.constant 80 : i32
      %lt3A_519 = arith.cmpi slt, %add3A_518, %lt3A : i32
      %convert_element_type3A_520 = arith.extui %lt3A_519 : i1 to i32
      %cond3A_521 = arith.constant 0 : i32
      %cond3A_522 = arith.cmpi ne, %convert_element_type3A_520, %cond3A_521 : i32
      scf.if %cond3A_522 {
        %add3A_840 = arith.constant 2 : i32
        %add3A_841 = arith.addi %add3A_494, %add3A_840 : i32
        %mul3A_842 = arith.constant 128 : i32
        %mul3A_843 = arith.muli %add3A_841, %mul3A_842 : i32
        %dma_start3A_844 = tpu.memref_slice %arg7[%mul3A_843] : memref<10240xi32, #tpu.memory_space<vmem>> -> memref<128xi32, #tpu.memory_space<vmem>>
        %dma_start3A_845 = arith.constant 0 : i32
        %dma_start3A_846 = arith.constant 0 : i32
        %dma_start3A_847 = tpu.memref_slice %arg2[%arg0, %dma_start3A_845, %dma_start3A_846] : memref<2x10000x128xf32, #tpu.memory_space<hbm>> -> memref<1x10000x128xf32, #tpu.memory_space<hbm>>
        %dma_start3A_848 = tpu.memref_squeeze %dma_start3A_847 : memref<1x10000x128xf32, #tpu.memory_space<hbm>> -> memref<10000x128xf32, #tpu.memory_space<hbm>>
        %dma_start3A_849 = arith.constant 0 : i32
        %dma_start3A_850 = arith.constant 0 : i32
        %dma_start3A_851 = tpu.memref_slice %dma_start3A_848[%dma_start3A_849, %dma_start3A_850] : memref<10000x128xf32, #tpu.memory_space<hbm>> -> memref<10000x128xf32, #tpu.memory_space<hbm>>
        tpu.enqueue_indirect_dma source(%dma_start3A_851 : memref<10000x128xf32, #tpu.memory_space<hbm>>) target(%arg10 : memref<128x128xf32, #tpu.memory_space<vmem>>) offsets(%dma_start3A_844 : memref<128xi32, #tpu.memory_space<vmem>>) semaphore(%arg17 : memref<!tpu.dma_semaphore, #tpu.memory_space<semaphore_mem>>)
      } else {
      }
      %dma_wait3A_523 = tpu.memref_slice %arg7[%mul3A_498] : memref<10240xi32, #tpu.memory_space<vmem>> -> memref<128xi32, #tpu.memory_space<vmem>>
      %dma_wait3A_524 = arith.constant 0 : i32
      %dma_wait3A_525 = arith.constant 0 : i32
      %dma_wait3A_526 = tpu.memref_slice %arg2[%arg0, %dma_wait3A_524, %dma_wait3A_525] : memref<2x10000x128xf32, #tpu.memory_space<hbm>> -> memref<1x10000x128xf32, #tpu.memory_space<hbm>>
      %dma_wait3A_527 = tpu.memref_squeeze %dma_wait3A_526 : memref<1x10000x128xf32, #tpu.memory_space<hbm>> -> memref<10000x128xf32, #tpu.memory_space<hbm>>
      %dma_wait3A_528 = arith.constant 0 : i32
      %dma_wait3A_529 = arith.constant 0 : i32
      %dma_wait3A_530 = tpu.memref_slice %dma_wait3A_527[%dma_wait3A_528, %dma_wait3A_529] : memref<10000x128xf32, #tpu.memory_space<hbm>> -> memref<10000x128xf32, #tpu.memory_space<hbm>>
      tpu.wait_indirect_dma semaphore(%arg18 : memref<!tpu.dma_semaphore, #tpu.memory_space<semaphore_mem>>) src(%dma_wait3A_530 : memref<10000x128xf32, #tpu.memory_space<hbm>>) dst(%arg11 : memref<128x128xf32, #tpu.memory_space<vmem>>)
      %run_scoped3A_531 = arith.constant 1 : i32
      "tpu.region"() ({
        %run_scoped3A_840 = tpu.sem_alloc : memref<!tpu.dma_semaphore, #tpu.memory_space<semaphore_mem>>
        %dma_start3A_841 = arith.constant 0 : i32
        %dma_start3A_842 = tpu.memref_slice %arg8[%run_scoped3A_531, %dma_start3A_841] : memref<8x128xi32, #tpu.memory_space<vmem>> -> memref<1x128xi32, #tpu.memory_space<vmem>>
        %dma_start3A_843 = tpu.memref_squeeze %dma_start3A_842 : memref<1x128xi32, #tpu.memory_space<vmem>> -> memref<128xi32, #tpu.memory_space<vmem>>
        %dma_start3A_844 = arith.constant 0 : i32
        %dma_start3A_845 = arith.constant 0 : i32
        %dma_start3A_846 = tpu.memref_slice %arg12[%dma_start3A_844, %dma_start3A_845] : memref<10008x128xf32, #tpu.memory_space<vmem_shared>> -> memref<10008x128xf32, #tpu.memory_space<vmem_shared>>
        tpu.enqueue_indirect_dma source(%arg11 : memref<128x128xf32, #tpu.memory_space<vmem>>) target(%dma_start3A_846 : memref<10008x128xf32, #tpu.memory_space<vmem_shared>>) offsets(%dma_start3A_843 : memref<128xi32, #tpu.memory_space<vmem>>) semaphore(%run_scoped3A_840 : memref<!tpu.dma_semaphore, #tpu.memory_space<semaphore_mem>>) {add = true}
        %dma_wait3A_847 = arith.constant 0 : i32
        %dma_wait3A_848 = tpu.memref_slice %arg8[%run_scoped3A_531, %dma_wait3A_847] : memref<8x128xi32, #tpu.memory_space<vmem>> -> memref<1x128xi32, #tpu.memory_space<vmem>>
        %dma_wait3A_849 = tpu.memref_squeeze %dma_wait3A_848 : memref<1x128xi32, #tpu.memory_space<vmem>> -> memref<128xi32, #tpu.memory_space<vmem>>
        %dma_wait3A_850 = arith.constant 0 : i32
        %dma_wait3A_851 = arith.constant 0 : i32
        %dma_wait3A_852 = tpu.memref_slice %arg12[%dma_wait3A_850, %dma_wait3A_851] : memref<10008x128xf32, #tpu.memory_space<vmem_shared>> -> memref<10008x128xf32, #tpu.memory_space<vmem_shared>>
        tpu.wait_indirect_dma semaphore(%run_scoped3A_840 : memref<!tpu.dma_semaphore, #tpu.memory_space<semaphore_mem>>) src(%arg11 : memref<128x128xf32, #tpu.memory_space<vmem>>) dst(%dma_wait3A_852 : memref<10008x128xf32, #tpu.memory_space<vmem_shared>>)
        tpu.yield
      }) : () -> ()
      %add3A_532 = arith.constant 2 : i32
      %add3A_533 = arith.addi %mul3A_476, %add3A_532 : i32
      %add3A_534 = arith.constant 1 : i32
      %add3A_535 = arith.addi %add3A_533, %add3A_534 : i32
      %mul3A_536 = arith.constant 128 : i32
      %mul3A_537 = arith.muli %add3A_535, %mul3A_536 : i32
      %dma_start3A_538 = tpu.memref_slice %arg7[%mul3A_537] : memref<10240xi32, #tpu.memory_space<vmem>> -> memref<128xi32, #tpu.memory_space<vmem>>
      %dma_start3A_539 = arith.constant 0 : i32
      %dma_start3A_540 = arith.constant 0 : i32
      %dma_start3A_541 = tpu.memref_slice %arg2[%arg0, %dma_start3A_539, %dma_start3A_540] : memref<2x10000x128xf32, #tpu.memory_space<hbm>> -> memref<1x10000x128xf32, #tpu.memory_space<hbm>>
      %dma_start3A_542 = tpu.memref_squeeze %dma_start3A_541 : memref<1x10000x128xf32, #tpu.memory_space<hbm>> -> memref<10000x128xf32, #tpu.memory_space<hbm>>
      %dma_start3A_543 = arith.constant 0 : i32
      %dma_start3A_544 = arith.constant 0 : i32
      %dma_start3A_545 = tpu.memref_slice %dma_start3A_542[%dma_start3A_543, %dma_start3A_544] : memref<10000x128xf32, #tpu.memory_space<hbm>> -> memref<10000x128xf32, #tpu.memory_space<hbm>>
      tpu.enqueue_indirect_dma source(%dma_start3A_545 : memref<10000x128xf32, #tpu.memory_space<hbm>>) target(%arg11 : memref<128x128xf32, #tpu.memory_space<vmem>>) offsets(%dma_start3A_538 : memref<128xi32, #tpu.memory_space<vmem>>) semaphore(%arg18 : memref<!tpu.dma_semaphore, #tpu.memory_space<semaphore_mem>>)
      %mul3A_546 = arith.constant 128 : i32
      %mul3A_547 = arith.muli %add3A_533, %mul3A_546 : i32
      %dma_wait3A_548 = tpu.memref_slice %arg7[%mul3A_547] : memref<10240xi32, #tpu.memory_space<vmem>> -> memref<128xi32, #tpu.memory_space<vmem>>
      %dma_wait3A_549 = arith.constant 0 : i32
      %dma_wait3A_550 = arith.constant 0 : i32
      %dma_wait3A_551 = tpu.memref_slice %arg2[%arg0, %dma_wait3A_549, %dma_wait3A_550] : memref<2x10000x128xf32, #tpu.memory_space<hbm>> -> memref<1x10000x128xf32, #tpu.memory_space<hbm>>
      %dma_wait3A_552 = tpu.memref_squeeze %dma_wait3A_551 : memref<1x10000x128xf32, #tpu.memory_space<hbm>> -> memref<10000x128xf32, #tpu.memory_space<hbm>>
      %dma_wait3A_553 = arith.constant 0 : i32
      %dma_wait3A_554 = arith.constant 0 : i32
      %dma_wait3A_555 = tpu.memref_slice %dma_wait3A_552[%dma_wait3A_553, %dma_wait3A_554] : memref<10000x128xf32, #tpu.memory_space<hbm>> -> memref<10000x128xf32, #tpu.memory_space<hbm>>
      tpu.wait_indirect_dma semaphore(%arg17 : memref<!tpu.dma_semaphore, #tpu.memory_space<semaphore_mem>>) src(%dma_wait3A_555 : memref<10000x128xf32, #tpu.memory_space<hbm>>) dst(%arg10 : memref<128x128xf32, #tpu.memory_space<vmem>>)
      %run_scoped3A_556 = arith.constant 2 : i32
      "tpu.region"() ({
        %run_scoped3A_840 = tpu.sem_alloc : memref<!tpu.dma_semaphore, #tpu.memory_space<semaphore_mem>>
        %dma_start3A_841 = arith.constant 0 : i32
        %dma_start3A_842 = tpu.memref_slice %arg8[%run_scoped3A_556, %dma_start3A_841] : memref<8x128xi32, #tpu.memory_space<vmem>> -> memref<1x128xi32, #tpu.memory_space<vmem>>
        %dma_start3A_843 = tpu.memref_squeeze %dma_start3A_842 : memref<1x128xi32, #tpu.memory_space<vmem>> -> memref<128xi32, #tpu.memory_space<vmem>>
        %dma_start3A_844 = arith.constant 0 : i32
        %dma_start3A_845 = arith.constant 0 : i32
        %dma_start3A_846 = tpu.memref_slice %arg12[%dma_start3A_844, %dma_start3A_845] : memref<10008x128xf32, #tpu.memory_space<vmem_shared>> -> memref<10008x128xf32, #tpu.memory_space<vmem_shared>>
        tpu.enqueue_indirect_dma source(%arg10 : memref<128x128xf32, #tpu.memory_space<vmem>>) target(%dma_start3A_846 : memref<10008x128xf32, #tpu.memory_space<vmem_shared>>) offsets(%dma_start3A_843 : memref<128xi32, #tpu.memory_space<vmem>>) semaphore(%run_scoped3A_840 : memref<!tpu.dma_semaphore, #tpu.memory_space<semaphore_mem>>) {add = true}
        %dma_wait3A_847 = arith.constant 0 : i32
        %dma_wait3A_848 = tpu.memref_slice %arg8[%run_scoped3A_556, %dma_wait3A_847] : memref<8x128xi32, #tpu.memory_space<vmem>> -> memref<1x128xi32, #tpu.memory_space<vmem>>
        %dma_wait3A_849 = tpu.memref_squeeze %dma_wait3A_848 : memref<1x128xi32, #tpu.memory_space<vmem>> -> memref<128xi32, #tpu.memory_space<vmem>>
        %dma_wait3A_850 = arith.constant 0 : i32
        %dma_wait3A_851 = arith.constant 0 : i32
        %dma_wait3A_852 = tpu.memref_slice %arg12[%dma_wait3A_850, %dma_wait3A_851] : memref<10008x128xf32, #tpu.memory_space<vmem_shared>> -> memref<10008x128xf32, #tpu.memory_space<vmem_shared>>
        tpu.wait_indirect_dma semaphore(%run_scoped3A_840 : memref<!tpu.dma_semaphore, #tpu.memory_space<semaphore_mem>>) src(%arg10 : memref<128x128xf32, #tpu.memory_space<vmem>>) dst(%dma_wait3A_852 : memref<10008x128xf32, #tpu.memory_space<vmem_shared>>)
        tpu.yield
      }) : () -> ()
      %add3A_557 = arith.constant 2 : i32
      %add3A_558 = arith.addi %add3A_533, %add3A_557 : i32
      %lt3A_559 = arith.constant 80 : i32
      %lt3A_560 = arith.cmpi slt, %add3A_558, %lt3A_559 : i32
      %convert_element_type3A_561 = arith.extui %lt3A_560 : i1 to i32
      %cond3A_562 = arith.constant 0 : i32
      %cond3A_563 = arith.cmpi ne, %convert_element_type3A_561, %cond3A_562 : i32
      scf.if %cond3A_563 {
        %add3A_840 = arith.constant 2 : i32
        %add3A_841 = arith.addi %add3A_533, %add3A_840 : i32
        %mul3A_842 = arith.constant 128 : i32
        %mul3A_843 = arith.muli %add3A_841, %mul3A_842 : i32
        %dma_start3A_844 = tpu.memref_slice %arg7[%mul3A_843] : memref<10240xi32, #tpu.memory_space<vmem>> -> memref<128xi32, #tpu.memory_space<vmem>>
        %dma_start3A_845 = arith.constant 0 : i32
        %dma_start3A_846 = arith.constant 0 : i32
        %dma_start3A_847 = tpu.memref_slice %arg2[%arg0, %dma_start3A_845, %dma_start3A_846] : memref<2x10000x128xf32, #tpu.memory_space<hbm>> -> memref<1x10000x128xf32, #tpu.memory_space<hbm>>
        %dma_start3A_848 = tpu.memref_squeeze %dma_start3A_847 : memref<1x10000x128xf32, #tpu.memory_space<hbm>> -> memref<10000x128xf32, #tpu.memory_space<hbm>>
        %dma_start3A_849 = arith.constant 0 : i32
        %dma_start3A_850 = arith.constant 0 : i32
        %dma_start3A_851 = tpu.memref_slice %dma_start3A_848[%dma_start3A_849, %dma_start3A_850] : memref<10000x128xf32, #tpu.memory_space<hbm>> -> memref<10000x128xf32, #tpu.memory_space<hbm>>
        tpu.enqueue_indirect_dma source(%dma_start3A_851 : memref<10000x128xf32, #tpu.memory_space<hbm>>) target(%arg10 : memref<128x128xf32, #tpu.memory_space<vmem>>) offsets(%dma_start3A_844 : memref<128xi32, #tpu.memory_space<vmem>>) semaphore(%arg17 : memref<!tpu.dma_semaphore, #tpu.memory_space<semaphore_mem>>)
      } else {
      }
      %dma_wait3A_564 = tpu.memref_slice %arg7[%mul3A_537] : memref<10240xi32, #tpu.memory_space<vmem>> -> memref<128xi32, #tpu.memory_space<vmem>>
      %dma_wait3A_565 = arith.constant 0 : i32
      %dma_wait3A_566 = arith.constant 0 : i32
      %dma_wait3A_567 = tpu.memref_slice %arg2[%arg0, %dma_wait3A_565, %dma_wait3A_566] : memref<2x10000x128xf32, #tpu.memory_space<hbm>> -> memref<1x10000x128xf32, #tpu.memory_space<hbm>>
      %dma_wait3A_568 = tpu.memref_squeeze %dma_wait3A_567 : memref<1x10000x128xf32, #tpu.memory_space<hbm>> -> memref<10000x128xf32, #tpu.memory_space<hbm>>
      %dma_wait3A_569 = arith.constant 0 : i32
      %dma_wait3A_570 = arith.constant 0 : i32
      %dma_wait3A_571 = tpu.memref_slice %dma_wait3A_568[%dma_wait3A_569, %dma_wait3A_570] : memref<10000x128xf32, #tpu.memory_space<hbm>> -> memref<10000x128xf32, #tpu.memory_space<hbm>>
      tpu.wait_indirect_dma semaphore(%arg18 : memref<!tpu.dma_semaphore, #tpu.memory_space<semaphore_mem>>) src(%dma_wait3A_571 : memref<10000x128xf32, #tpu.memory_space<hbm>>) dst(%arg11 : memref<128x128xf32, #tpu.memory_space<vmem>>)
      %run_scoped3A_572 = arith.constant 3 : i32
      "tpu.region"() ({
        %run_scoped3A_840 = tpu.sem_alloc : memref<!tpu.dma_semaphore, #tpu.memory_space<semaphore_mem>>
        %dma_start3A_841 = arith.constant 0 : i32
        %dma_start3A_842 = tpu.memref_slice %arg8[%run_scoped3A_572, %dma_start3A_841] : memref<8x128xi32, #tpu.memory_space<vmem>> -> memref<1x128xi32, #tpu.memory_space<vmem>>
        %dma_start3A_843 = tpu.memref_squeeze %dma_start3A_842 : memref<1x128xi32, #tpu.memory_space<vmem>> -> memref<128xi32, #tpu.memory_space<vmem>>
        %dma_start3A_844 = arith.constant 0 : i32
        %dma_start3A_845 = arith.constant 0 : i32
        %dma_start3A_846 = tpu.memref_slice %arg12[%dma_start3A_844, %dma_start3A_845] : memref<10008x128xf32, #tpu.memory_space<vmem_shared>> -> memref<10008x128xf32, #tpu.memory_space<vmem_shared>>
        tpu.enqueue_indirect_dma source(%arg11 : memref<128x128xf32, #tpu.memory_space<vmem>>) target(%dma_start3A_846 : memref<10008x128xf32, #tpu.memory_space<vmem_shared>>) offsets(%dma_start3A_843 : memref<128xi32, #tpu.memory_space<vmem>>) semaphore(%run_scoped3A_840 : memref<!tpu.dma_semaphore, #tpu.memory_space<semaphore_mem>>) {add = true}
        %dma_wait3A_847 = arith.constant 0 : i32
        %dma_wait3A_848 = tpu.memref_slice %arg8[%run_scoped3A_572, %dma_wait3A_847] : memref<8x128xi32, #tpu.memory_space<vmem>> -> memref<1x128xi32, #tpu.memory_space<vmem>>
        %dma_wait3A_849 = tpu.memref_squeeze %dma_wait3A_848 : memref<1x128xi32, #tpu.memory_space<vmem>> -> memref<128xi32, #tpu.memory_space<vmem>>
        %dma_wait3A_850 = arith.constant 0 : i32
        %dma_wait3A_851 = arith.constant 0 : i32
        %dma_wait3A_852 = tpu.memref_slice %arg12[%dma_wait3A_850, %dma_wait3A_851] : memref<10008x128xf32, #tpu.memory_space<vmem_shared>> -> memref<10008x128xf32, #tpu.memory_space<vmem_shared>>
        tpu.wait_indirect_dma semaphore(%run_scoped3A_840 : memref<!tpu.dma_semaphore, #tpu.memory_space<semaphore_mem>>) src(%arg11 : memref<128x128xf32, #tpu.memory_space<vmem>>) dst(%dma_wait3A_852 : memref<10008x128xf32, #tpu.memory_space<vmem_shared>>)
        tpu.yield
      }) : () -> ()
      %add3A_573 = arith.constant 4 : i32
      %add3A_574 = arith.addi %mul3A_476, %add3A_573 : i32
      %add3A_575 = arith.constant 1 : i32
      %add3A_576 = arith.addi %add3A_574, %add3A_575 : i32
      %mul3A_577 = arith.constant 128 : i32
      %mul3A_578 = arith.muli %add3A_576, %mul3A_577 : i32
      %dma_start3A_579 = tpu.memref_slice %arg7[%mul3A_578] : memref<10240xi32, #tpu.memory_space<vmem>> -> memref<128xi32, #tpu.memory_space<vmem>>
      %dma_start3A_580 = arith.constant 0 : i32
      %dma_start3A_581 = arith.constant 0 : i32
      %dma_start3A_582 = tpu.memref_slice %arg2[%arg0, %dma_start3A_580, %dma_start3A_581] : memref<2x10000x128xf32, #tpu.memory_space<hbm>> -> memref<1x10000x128xf32, #tpu.memory_space<hbm>>
      %dma_start3A_583 = tpu.memref_squeeze %dma_start3A_582 : memref<1x10000x128xf32, #tpu.memory_space<hbm>> -> memref<10000x128xf32, #tpu.memory_space<hbm>>
      %dma_start3A_584 = arith.constant 0 : i32
      %dma_start3A_585 = arith.constant 0 : i32
      %dma_start3A_586 = tpu.memref_slice %dma_start3A_583[%dma_start3A_584, %dma_start3A_585] : memref<10000x128xf32, #tpu.memory_space<hbm>> -> memref<10000x128xf32, #tpu.memory_space<hbm>>
      tpu.enqueue_indirect_dma source(%dma_start3A_586 : memref<10000x128xf32, #tpu.memory_space<hbm>>) target(%arg11 : memref<128x128xf32, #tpu.memory_space<vmem>>) offsets(%dma_start3A_579 : memref<128xi32, #tpu.memory_space<vmem>>) semaphore(%arg18 : memref<!tpu.dma_semaphore, #tpu.memory_space<semaphore_mem>>)
      %mul3A_587 = arith.constant 128 : i32
      %mul3A_588 = arith.muli %add3A_574, %mul3A_587 : i32
      %dma_wait3A_589 = tpu.memref_slice %arg7[%mul3A_588] : memref<10240xi32, #tpu.memory_space<vmem>> -> memref<128xi32, #tpu.memory_space<vmem>>
      %dma_wait3A_590 = arith.constant 0 : i32
      %dma_wait3A_591 = arith.constant 0 : i32
      %dma_wait3A_592 = tpu.memref_slice %arg2[%arg0, %dma_wait3A_590, %dma_wait3A_591] : memref<2x10000x128xf32, #tpu.memory_space<hbm>> -> memref<1x10000x128xf32, #tpu.memory_space<hbm>>
      %dma_wait3A_593 = tpu.memref_squeeze %dma_wait3A_592 : memref<1x10000x128xf32, #tpu.memory_space<hbm>> -> memref<10000x128xf32, #tpu.memory_space<hbm>>
      %dma_wait3A_594 = arith.constant 0 : i32
      %dma_wait3A_595 = arith.constant 0 : i32
      %dma_wait3A_596 = tpu.memref_slice %dma_wait3A_593[%dma_wait3A_594, %dma_wait3A_595] : memref<10000x128xf32, #tpu.memory_space<hbm>> -> memref<10000x128xf32, #tpu.memory_space<hbm>>
      tpu.wait_indirect_dma semaphore(%arg17 : memref<!tpu.dma_semaphore, #tpu.memory_space<semaphore_mem>>) src(%dma_wait3A_596 : memref<10000x128xf32, #tpu.memory_space<hbm>>) dst(%arg10 : memref<128x128xf32, #tpu.memory_space<vmem>>)
      %run_scoped3A_597 = arith.constant 4 : i32
      "tpu.region"() ({
        %run_scoped3A_840 = tpu.sem_alloc : memref<!tpu.dma_semaphore, #tpu.memory_space<semaphore_mem>>
        %dma_start3A_841 = arith.constant 0 : i32
        %dma_start3A_842 = tpu.memref_slice %arg8[%run_scoped3A_597, %dma_start3A_841] : memref<8x128xi32, #tpu.memory_space<vmem>> -> memref<1x128xi32, #tpu.memory_space<vmem>>
        %dma_start3A_843 = tpu.memref_squeeze %dma_start3A_842 : memref<1x128xi32, #tpu.memory_space<vmem>> -> memref<128xi32, #tpu.memory_space<vmem>>
        %dma_start3A_844 = arith.constant 0 : i32
        %dma_start3A_845 = arith.constant 0 : i32
        %dma_start3A_846 = tpu.memref_slice %arg12[%dma_start3A_844, %dma_start3A_845] : memref<10008x128xf32, #tpu.memory_space<vmem_shared>> -> memref<10008x128xf32, #tpu.memory_space<vmem_shared>>
        tpu.enqueue_indirect_dma source(%arg10 : memref<128x128xf32, #tpu.memory_space<vmem>>) target(%dma_start3A_846 : memref<10008x128xf32, #tpu.memory_space<vmem_shared>>) offsets(%dma_start3A_843 : memref<128xi32, #tpu.memory_space<vmem>>) semaphore(%run_scoped3A_840 : memref<!tpu.dma_semaphore, #tpu.memory_space<semaphore_mem>>) {add = true}
        %dma_wait3A_847 = arith.constant 0 : i32
        %dma_wait3A_848 = tpu.memref_slice %arg8[%run_scoped3A_597, %dma_wait3A_847] : memref<8x128xi32, #tpu.memory_space<vmem>> -> memref<1x128xi32, #tpu.memory_space<vmem>>
        %dma_wait3A_849 = tpu.memref_squeeze %dma_wait3A_848 : memref<1x128xi32, #tpu.memory_space<vmem>> -> memref<128xi32, #tpu.memory_space<vmem>>
        %dma_wait3A_850 = arith.constant 0 : i32
        %dma_wait3A_851 = arith.constant 0 : i32
        %dma_wait3A_852 = tpu.memref_slice %arg12[%dma_wait3A_850, %dma_wait3A_851] : memref<10008x128xf32, #tpu.memory_space<vmem_shared>> -> memref<10008x128xf32, #tpu.memory_space<vmem_shared>>
        tpu.wait_indirect_dma semaphore(%run_scoped3A_840 : memref<!tpu.dma_semaphore, #tpu.memory_space<semaphore_mem>>) src(%arg10 : memref<128x128xf32, #tpu.memory_space<vmem>>) dst(%dma_wait3A_852 : memref<10008x128xf32, #tpu.memory_space<vmem_shared>>)
        tpu.yield
      }) : () -> ()
      %add3A_598 = arith.constant 2 : i32
      %add3A_599 = arith.addi %add3A_574, %add3A_598 : i32
      %lt3A_600 = arith.constant 80 : i32
      %lt3A_601 = arith.cmpi slt, %add3A_599, %lt3A_600 : i32
      %convert_element_type3A_602 = arith.extui %lt3A_601 : i1 to i32
      %cond3A_603 = arith.constant 0 : i32
      %cond3A_604 = arith.cmpi ne, %convert_element_type3A_602, %cond3A_603 : i32
      scf.if %cond3A_604 {
        %add3A_840 = arith.constant 2 : i32
        %add3A_841 = arith.addi %add3A_574, %add3A_840 : i32
        %mul3A_842 = arith.constant 128 : i32
        %mul3A_843 = arith.muli %add3A_841, %mul3A_842 : i32
        %dma_start3A_844 = tpu.memref_slice %arg7[%mul3A_843] : memref<10240xi32, #tpu.memory_space<vmem>> -> memref<128xi32, #tpu.memory_space<vmem>>
        %dma_start3A_845 = arith.constant 0 : i32
        %dma_start3A_846 = arith.constant 0 : i32
        %dma_start3A_847 = tpu.memref_slice %arg2[%arg0, %dma_start3A_845, %dma_start3A_846] : memref<2x10000x128xf32, #tpu.memory_space<hbm>> -> memref<1x10000x128xf32, #tpu.memory_space<hbm>>
        %dma_start3A_848 = tpu.memref_squeeze %dma_start3A_847 : memref<1x10000x128xf32, #tpu.memory_space<hbm>> -> memref<10000x128xf32, #tpu.memory_space<hbm>>
        %dma_start3A_849 = arith.constant 0 : i32
        %dma_start3A_850 = arith.constant 0 : i32
        %dma_start3A_851 = tpu.memref_slice %dma_start3A_848[%dma_start3A_849, %dma_start3A_850] : memref<10000x128xf32, #tpu.memory_space<hbm>> -> memref<10000x128xf32, #tpu.memory_space<hbm>>
        tpu.enqueue_indirect_dma source(%dma_start3A_851 : memref<10000x128xf32, #tpu.memory_space<hbm>>) target(%arg10 : memref<128x128xf32, #tpu.memory_space<vmem>>) offsets(%dma_start3A_844 : memref<128xi32, #tpu.memory_space<vmem>>) semaphore(%arg17 : memref<!tpu.dma_semaphore, #tpu.memory_space<semaphore_mem>>)
      } else {
      }
      %dma_wait3A_605 = tpu.memref_slice %arg7[%mul3A_578] : memref<10240xi32, #tpu.memory_space<vmem>> -> memref<128xi32, #tpu.memory_space<vmem>>
      %dma_wait3A_606 = arith.constant 0 : i32
      %dma_wait3A_607 = arith.constant 0 : i32
      %dma_wait3A_608 = tpu.memref_slice %arg2[%arg0, %dma_wait3A_606, %dma_wait3A_607] : memref<2x10000x128xf32, #tpu.memory_space<hbm>> -> memref<1x10000x128xf32, #tpu.memory_space<hbm>>
      %dma_wait3A_609 = tpu.memref_squeeze %dma_wait3A_608 : memref<1x10000x128xf32, #tpu.memory_space<hbm>> -> memref<10000x128xf32, #tpu.memory_space<hbm>>
      %dma_wait3A_610 = arith.constant 0 : i32
      %dma_wait3A_611 = arith.constant 0 : i32
      %dma_wait3A_612 = tpu.memref_slice %dma_wait3A_609[%dma_wait3A_610, %dma_wait3A_611] : memref<10000x128xf32, #tpu.memory_space<hbm>> -> memref<10000x128xf32, #tpu.memory_space<hbm>>
      tpu.wait_indirect_dma semaphore(%arg18 : memref<!tpu.dma_semaphore, #tpu.memory_space<semaphore_mem>>) src(%dma_wait3A_612 : memref<10000x128xf32, #tpu.memory_space<hbm>>) dst(%arg11 : memref<128x128xf32, #tpu.memory_space<vmem>>)
      %run_scoped3A_613 = arith.constant 5 : i32
      "tpu.region"() ({
        %run_scoped3A_840 = tpu.sem_alloc : memref<!tpu.dma_semaphore, #tpu.memory_space<semaphore_mem>>
        %dma_start3A_841 = arith.constant 0 : i32
        %dma_start3A_842 = tpu.memref_slice %arg8[%run_scoped3A_613, %dma_start3A_841] : memref<8x128xi32, #tpu.memory_space<vmem>> -> memref<1x128xi32, #tpu.memory_space<vmem>>
        %dma_start3A_843 = tpu.memref_squeeze %dma_start3A_842 : memref<1x128xi32, #tpu.memory_space<vmem>> -> memref<128xi32, #tpu.memory_space<vmem>>
        %dma_start3A_844 = arith.constant 0 : i32
        %dma_start3A_845 = arith.constant 0 : i32
        %dma_start3A_846 = tpu.memref_slice %arg12[%dma_start3A_844, %dma_start3A_845] : memref<10008x128xf32, #tpu.memory_space<vmem_shared>> -> memref<10008x128xf32, #tpu.memory_space<vmem_shared>>
        tpu.enqueue_indirect_dma source(%arg11 : memref<128x128xf32, #tpu.memory_space<vmem>>) target(%dma_start3A_846 : memref<10008x128xf32, #tpu.memory_space<vmem_shared>>) offsets(%dma_start3A_843 : memref<128xi32, #tpu.memory_space<vmem>>) semaphore(%run_scoped3A_840 : memref<!tpu.dma_semaphore, #tpu.memory_space<semaphore_mem>>) {add = true}
        %dma_wait3A_847 = arith.constant 0 : i32
        %dma_wait3A_848 = tpu.memref_slice %arg8[%run_scoped3A_613, %dma_wait3A_847] : memref<8x128xi32, #tpu.memory_space<vmem>> -> memref<1x128xi32, #tpu.memory_space<vmem>>
        %dma_wait3A_849 = tpu.memref_squeeze %dma_wait3A_848 : memref<1x128xi32, #tpu.memory_space<vmem>> -> memref<128xi32, #tpu.memory_space<vmem>>
        %dma_wait3A_850 = arith.constant 0 : i32
        %dma_wait3A_851 = arith.constant 0 : i32
        %dma_wait3A_852 = tpu.memref_slice %arg12[%dma_wait3A_850, %dma_wait3A_851] : memref<10008x128xf32, #tpu.memory_space<vmem_shared>> -> memref<10008x128xf32, #tpu.memory_space<vmem_shared>>
        tpu.wait_indirect_dma semaphore(%run_scoped3A_840 : memref<!tpu.dma_semaphore, #tpu.memory_space<semaphore_mem>>) src(%arg11 : memref<128x128xf32, #tpu.memory_space<vmem>>) dst(%dma_wait3A_852 : memref<10008x128xf32, #tpu.memory_space<vmem_shared>>)
        tpu.yield
      }) : () -> ()
      %add3A_614 = arith.constant 6 : i32
      %add3A_615 = arith.addi %mul3A_476, %add3A_614 : i32
      %add3A_616 = arith.constant 1 : i32
      %add3A_617 = arith.addi %add3A_615, %add3A_616 : i32
      %mul3A_618 = arith.constant 128 : i32
      %mul3A_619 = arith.muli %add3A_617, %mul3A_618 : i32
      %dma_start3A_620 = tpu.memref_slice %arg7[%mul3A_619] : memref<10240xi32, #tpu.memory_space<vmem>> -> memref<128xi32, #tpu.memory_space<vmem>>
      %dma_start3A_621 = arith.constant 0 : i32
      %dma_start3A_622 = arith.constant 0 : i32
      %dma_start3A_623 = tpu.memref_slice %arg2[%arg0, %dma_start3A_621, %dma_start3A_622] : memref<2x10000x128xf32, #tpu.memory_space<hbm>> -> memref<1x10000x128xf32, #tpu.memory_space<hbm>>
      %dma_start3A_624 = tpu.memref_squeeze %dma_start3A_623 : memref<1x10000x128xf32, #tpu.memory_space<hbm>> -> memref<10000x128xf32, #tpu.memory_space<hbm>>
      %dma_start3A_625 = arith.constant 0 : i32
      %dma_start3A_626 = arith.constant 0 : i32
      %dma_start3A_627 = tpu.memref_slice %dma_start3A_624[%dma_start3A_625, %dma_start3A_626] : memref<10000x128xf32, #tpu.memory_space<hbm>> -> memref<10000x128xf32, #tpu.memory_space<hbm>>
      tpu.enqueue_indirect_dma source(%dma_start3A_627 : memref<10000x128xf32, #tpu.memory_space<hbm>>) target(%arg11 : memref<128x128xf32, #tpu.memory_space<vmem>>) offsets(%dma_start3A_620 : memref<128xi32, #tpu.memory_space<vmem>>) semaphore(%arg18 : memref<!tpu.dma_semaphore, #tpu.memory_space<semaphore_mem>>)
      %mul3A_628 = arith.constant 128 : i32
      %mul3A_629 = arith.muli %add3A_615, %mul3A_628 : i32
      %dma_wait3A_630 = tpu.memref_slice %arg7[%mul3A_629] : memref<10240xi32, #tpu.memory_space<vmem>> -> memref<128xi32, #tpu.memory_space<vmem>>
      %dma_wait3A_631 = arith.constant 0 : i32
      %dma_wait3A_632 = arith.constant 0 : i32
      %dma_wait3A_633 = tpu.memref_slice %arg2[%arg0, %dma_wait3A_631, %dma_wait3A_632] : memref<2x10000x128xf32, #tpu.memory_space<hbm>> -> memref<1x10000x128xf32, #tpu.memory_space<hbm>>
      %dma_wait3A_634 = tpu.memref_squeeze %dma_wait3A_633 : memref<1x10000x128xf32, #tpu.memory_space<hbm>> -> memref<10000x128xf32, #tpu.memory_space<hbm>>
      %dma_wait3A_635 = arith.constant 0 : i32
      %dma_wait3A_636 = arith.constant 0 : i32
      %dma_wait3A_637 = tpu.memref_slice %dma_wait3A_634[%dma_wait3A_635, %dma_wait3A_636] : memref<10000x128xf32, #tpu.memory_space<hbm>> -> memref<10000x128xf32, #tpu.memory_space<hbm>>
      tpu.wait_indirect_dma semaphore(%arg17 : memref<!tpu.dma_semaphore, #tpu.memory_space<semaphore_mem>>) src(%dma_wait3A_637 : memref<10000x128xf32, #tpu.memory_space<hbm>>) dst(%arg10 : memref<128x128xf32, #tpu.memory_space<vmem>>)
      %run_scoped3A_638 = arith.constant 6 : i32
      "tpu.region"() ({
        %run_scoped3A_840 = tpu.sem_alloc : memref<!tpu.dma_semaphore, #tpu.memory_space<semaphore_mem>>
        %dma_start3A_841 = arith.constant 0 : i32
        %dma_start3A_842 = tpu.memref_slice %arg8[%run_scoped3A_638, %dma_start3A_841] : memref<8x128xi32, #tpu.memory_space<vmem>> -> memref<1x128xi32, #tpu.memory_space<vmem>>
        %dma_start3A_843 = tpu.memref_squeeze %dma_start3A_842 : memref<1x128xi32, #tpu.memory_space<vmem>> -> memref<128xi32, #tpu.memory_space<vmem>>
        %dma_start3A_844 = arith.constant 0 : i32
        %dma_start3A_845 = arith.constant 0 : i32
        %dma_start3A_846 = tpu.memref_slice %arg12[%dma_start3A_844, %dma_start3A_845] : memref<10008x128xf32, #tpu.memory_space<vmem_shared>> -> memref<10008x128xf32, #tpu.memory_space<vmem_shared>>
        tpu.enqueue_indirect_dma source(%arg10 : memref<128x128xf32, #tpu.memory_space<vmem>>) target(%dma_start3A_846 : memref<10008x128xf32, #tpu.memory_space<vmem_shared>>) offsets(%dma_start3A_843 : memref<128xi32, #tpu.memory_space<vmem>>) semaphore(%run_scoped3A_840 : memref<!tpu.dma_semaphore, #tpu.memory_space<semaphore_mem>>) {add = true}
        %dma_wait3A_847 = arith.constant 0 : i32
        %dma_wait3A_848 = tpu.memref_slice %arg8[%run_scoped3A_638, %dma_wait3A_847] : memref<8x128xi32, #tpu.memory_space<vmem>> -> memref<1x128xi32, #tpu.memory_space<vmem>>
        %dma_wait3A_849 = tpu.memref_squeeze %dma_wait3A_848 : memref<1x128xi32, #tpu.memory_space<vmem>> -> memref<128xi32, #tpu.memory_space<vmem>>
        %dma_wait3A_850 = arith.constant 0 : i32
        %dma_wait3A_851 = arith.constant 0 : i32
        %dma_wait3A_852 = tpu.memref_slice %arg12[%dma_wait3A_850, %dma_wait3A_851] : memref<10008x128xf32, #tpu.memory_space<vmem_shared>> -> memref<10008x128xf32, #tpu.memory_space<vmem_shared>>
        tpu.wait_indirect_dma semaphore(%run_scoped3A_840 : memref<!tpu.dma_semaphore, #tpu.memory_space<semaphore_mem>>) src(%arg10 : memref<128x128xf32, #tpu.memory_space<vmem>>) dst(%dma_wait3A_852 : memref<10008x128xf32, #tpu.memory_space<vmem_shared>>)
        tpu.yield
      }) : () -> ()
      %add3A_639 = arith.constant 2 : i32
      %add3A_640 = arith.addi %add3A_615, %add3A_639 : i32
      %lt3A_641 = arith.constant 80 : i32
      %lt3A_642 = arith.cmpi slt, %add3A_640, %lt3A_641 : i32
      %convert_element_type3A_643 = arith.extui %lt3A_642 : i1 to i32
      %cond3A_644 = arith.constant 0 : i32
      %cond3A_645 = arith.cmpi ne, %convert_element_type3A_643, %cond3A_644 : i32
      scf.if %cond3A_645 {
        %add3A_840 = arith.constant 2 : i32
        %add3A_841 = arith.addi %add3A_615, %add3A_840 : i32
        %mul3A_842 = arith.constant 128 : i32
        %mul3A_843 = arith.muli %add3A_841, %mul3A_842 : i32
        %dma_start3A_844 = tpu.memref_slice %arg7[%mul3A_843] : memref<10240xi32, #tpu.memory_space<vmem>> -> memref<128xi32, #tpu.memory_space<vmem>>
        %dma_start3A_845 = arith.constant 0 : i32
        %dma_start3A_846 = arith.constant 0 : i32
        %dma_start3A_847 = tpu.memref_slice %arg2[%arg0, %dma_start3A_845, %dma_start3A_846] : memref<2x10000x128xf32, #tpu.memory_space<hbm>> -> memref<1x10000x128xf32, #tpu.memory_space<hbm>>
        %dma_start3A_848 = tpu.memref_squeeze %dma_start3A_847 : memref<1x10000x128xf32, #tpu.memory_space<hbm>> -> memref<10000x128xf32, #tpu.memory_space<hbm>>
        %dma_start3A_849 = arith.constant 0 : i32
        %dma_start3A_850 = arith.constant 0 : i32
        %dma_start3A_851 = tpu.memref_slice %dma_start3A_848[%dma_start3A_849, %dma_start3A_850] : memref<10000x128xf32, #tpu.memory_space<hbm>> -> memref<10000x128xf32, #tpu.memory_space<hbm>>
        tpu.enqueue_indirect_dma source(%dma_start3A_851 : memref<10000x128xf32, #tpu.memory_space<hbm>>) target(%arg10 : memref<128x128xf32, #tpu.memory_space<vmem>>) offsets(%dma_start3A_844 : memref<128xi32, #tpu.memory_space<vmem>>) semaphore(%arg17 : memref<!tpu.dma_semaphore, #tpu.memory_space<semaphore_mem>>)
      } else {
      }
      %dma_wait3A_646 = tpu.memref_slice %arg7[%mul3A_619] : memref<10240xi32, #tpu.memory_space<vmem>> -> memref<128xi32, #tpu.memory_space<vmem>>
      %dma_wait3A_647 = arith.constant 0 : i32
      %dma_wait3A_648 = arith.constant 0 : i32
      %dma_wait3A_649 = tpu.memref_slice %arg2[%arg0, %dma_wait3A_647, %dma_wait3A_648] : memref<2x10000x128xf32, #tpu.memory_space<hbm>> -> memref<1x10000x128xf32, #tpu.memory_space<hbm>>
      %dma_wait3A_650 = tpu.memref_squeeze %dma_wait3A_649 : memref<1x10000x128xf32, #tpu.memory_space<hbm>> -> memref<10000x128xf32, #tpu.memory_space<hbm>>
      %dma_wait3A_651 = arith.constant 0 : i32
      %dma_wait3A_652 = arith.constant 0 : i32
      %dma_wait3A_653 = tpu.memref_slice %dma_wait3A_650[%dma_wait3A_651, %dma_wait3A_652] : memref<10000x128xf32, #tpu.memory_space<hbm>> -> memref<10000x128xf32, #tpu.memory_space<hbm>>
      tpu.wait_indirect_dma semaphore(%arg18 : memref<!tpu.dma_semaphore, #tpu.memory_space<semaphore_mem>>) src(%dma_wait3A_653 : memref<10000x128xf32, #tpu.memory_space<hbm>>) dst(%arg11 : memref<128x128xf32, #tpu.memory_space<vmem>>)
      %run_scoped3A_654 = arith.constant 7 : i32
      "tpu.region"() ({
        %run_scoped3A_840 = tpu.sem_alloc : memref<!tpu.dma_semaphore, #tpu.memory_space<semaphore_mem>>
        %dma_start3A_841 = arith.constant 0 : i32
        %dma_start3A_842 = tpu.memref_slice %arg8[%run_scoped3A_654, %dma_start3A_841] : memref<8x128xi32, #tpu.memory_space<vmem>> -> memref<1x128xi32, #tpu.memory_space<vmem>>
        %dma_start3A_843 = tpu.memref_squeeze %dma_start3A_842 : memref<1x128xi32, #tpu.memory_space<vmem>> -> memref<128xi32, #tpu.memory_space<vmem>>
        %dma_start3A_844 = arith.constant 0 : i32
        %dma_start3A_845 = arith.constant 0 : i32
        %dma_start3A_846 = tpu.memref_slice %arg12[%dma_start3A_844, %dma_start3A_845] : memref<10008x128xf32, #tpu.memory_space<vmem_shared>> -> memref<10008x128xf32, #tpu.memory_space<vmem_shared>>
        tpu.enqueue_indirect_dma source(%arg11 : memref<128x128xf32, #tpu.memory_space<vmem>>) target(%dma_start3A_846 : memref<10008x128xf32, #tpu.memory_space<vmem_shared>>) offsets(%dma_start3A_843 : memref<128xi32, #tpu.memory_space<vmem>>) semaphore(%run_scoped3A_840 : memref<!tpu.dma_semaphore, #tpu.memory_space<semaphore_mem>>) {add = true}
        %dma_wait3A_847 = arith.constant 0 : i32
        %dma_wait3A_848 = tpu.memref_slice %arg8[%run_scoped3A_654, %dma_wait3A_847] : memref<8x128xi32, #tpu.memory_space<vmem>> -> memref<1x128xi32, #tpu.memory_space<vmem>>
        %dma_wait3A_849 = tpu.memref_squeeze %dma_wait3A_848 : memref<1x128xi32, #tpu.memory_space<vmem>> -> memref<128xi32, #tpu.memory_space<vmem>>
        %dma_wait3A_850 = arith.constant 0 : i32
        %dma_wait3A_851 = arith.constant 0 : i32
        %dma_wait3A_852 = tpu.memref_slice %arg12[%dma_wait3A_850, %dma_wait3A_851] : memref<10008x128xf32, #tpu.memory_space<vmem_shared>> -> memref<10008x128xf32, #tpu.memory_space<vmem_shared>>
        tpu.wait_indirect_dma semaphore(%run_scoped3A_840 : memref<!tpu.dma_semaphore, #tpu.memory_space<semaphore_mem>>) src(%arg11 : memref<128x128xf32, #tpu.memory_space<vmem>>) dst(%dma_wait3A_852 : memref<10008x128xf32, #tpu.memory_space<vmem_shared>>)
        tpu.yield
      }) : () -> ()
      %lt3A_655 = arith.constant 4 : i32
      %lt3A_656 = arith.cmpi slt, %scan3A_472, %lt3A_655 : i32
      %convert_element_type3A_657 = arith.extui %lt3A_656 : i1 to i32
      %cond3A_658 = arith.constant 0 : i32
      %cond3A_659 = arith.cmpi ne, %convert_element_type3A_657, %cond3A_658 : i32
      scf.if %cond3A_659 {
        %add3A_840 = arith.constant 16 : i32
        %add3A_841 = arith.addi %mul3A_476, %add3A_840 : i32
        %dma_start3A_842 = arith.constant 0 : i32
        %dma_start3A_843 = tpu.memref_slice %arg4[%add3A, %add3A_841, %dma_start3A_842] : memref<32x80x128xi32, #tpu.memory_space<hbm>> -> memref<1x8x128xi32, #tpu.memory_space<hbm>>
        %dma_start3A_844 = tpu.memref_squeeze %dma_start3A_843 : memref<1x8x128xi32, #tpu.memory_space<hbm>> -> memref<8x128xi32, #tpu.memory_space<hbm>>
        %dma_start3A_845 = arith.constant 0 : i32
        %dma_start3A_846 = tpu.memref_slice %arg4[%add3A, %add3A_841, %dma_start3A_845] : memref<32x80x128xi32, #tpu.memory_space<hbm>> -> memref<1x8x128xi32, #tpu.memory_space<hbm>>
        %dma_start3A_847 = tpu.memref_squeeze %dma_start3A_846 : memref<1x8x128xi32, #tpu.memory_space<hbm>> -> memref<8x128xi32, #tpu.memory_space<hbm>>
        tpu.enqueue_dma source(%dma_start3A_847 : memref<8x128xi32, #tpu.memory_space<hbm>>) target(%arg8 : memref<8x128xi32, #tpu.memory_space<vmem>>) target_semaphore(%arg15 : memref<!tpu.dma_semaphore, #tpu.memory_space<semaphore_mem>>)
      } else {
      }
      %dma_wait3A_660 = arith.constant 0 : i32
      %dma_wait3A_661 = arith.constant 0 : i32
      %dma_wait3A_662 = tpu.memref_slice %arg4[%add3A, %dma_wait3A_660, %dma_wait3A_661] : memref<32x80x128xi32, #tpu.memory_space<hbm>> -> memref<1x8x128xi32, #tpu.memory_space<hbm>>
      %dma_wait3A_663 = tpu.memref_squeeze %dma_wait3A_662 : memref<1x8x128xi32, #tpu.memory_space<hbm>> -> memref<8x128xi32, #tpu.memory_space<hbm>>
      %dma_wait3A_664 = arith.constant 0 : i32
      %dma_wait3A_665 = arith.constant 0 : i32
      %dma_wait3A_666 = tpu.memref_slice %arg4[%add3A, %dma_wait3A_664, %dma_wait3A_665] : memref<32x80x128xi32, #tpu.memory_space<hbm>> -> memref<1x8x128xi32, #tpu.memory_space<hbm>>
      %dma_wait3A_667 = tpu.memref_squeeze %dma_wait3A_666 : memref<1x8x128xi32, #tpu.memory_space<hbm>> -> memref<8x128xi32, #tpu.memory_space<hbm>>
      tpu.wait_dma2 semaphore(%arg16 : memref<!tpu.dma_semaphore, #tpu.memory_space<semaphore_mem>>) src(%dma_wait3A_667 : memref<8x128xi32, #tpu.memory_space<hbm>>) dst(%arg9 : memref<8x128xi32, #tpu.memory_space<vmem>>)
      %add3A_668 = arith.constant 8 : i32
      %add3A_669 = arith.addi %mul3A_476, %add3A_668 : i32
      %add3A_670 = arith.constant 0 : i32
      %add3A_671 = arith.addi %add3A_669, %add3A_670 : i32
      %add3A_672 = arith.constant 1 : i32
      %add3A_673 = arith.addi %add3A_671, %add3A_672 : i32
      %mul3A_674 = arith.constant 128 : i32
      %mul3A_675 = arith.muli %add3A_673, %mul3A_674 : i32
      %dma_start3A_676 = tpu.memref_slice %arg7[%mul3A_675] : memref<10240xi32, #tpu.memory_space<vmem>> -> memref<128xi32, #tpu.memory_space<vmem>>
      %dma_start3A_677 = arith.constant 0 : i32
      %dma_start3A_678 = arith.constant 0 : i32
      %dma_start3A_679 = tpu.memref_slice %arg2[%arg0, %dma_start3A_677, %dma_start3A_678] : memref<2x10000x128xf32, #tpu.memory_space<hbm>> -> memref<1x10000x128xf32, #tpu.memory_space<hbm>>
      %dma_start3A_680 = tpu.memref_squeeze %dma_start3A_679 : memref<1x10000x128xf32, #tpu.memory_space<hbm>> -> memref<10000x128xf32, #tpu.memory_space<hbm>>
      %dma_start3A_681 = arith.constant 0 : i32
      %dma_start3A_682 = arith.constant 0 : i32
      %dma_start3A_683 = tpu.memref_slice %dma_start3A_680[%dma_start3A_681, %dma_start3A_682] : memref<10000x128xf32, #tpu.memory_space<hbm>> -> memref<10000x128xf32, #tpu.memory_space<hbm>>
      tpu.enqueue_indirect_dma source(%dma_start3A_683 : memref<10000x128xf32, #tpu.memory_space<hbm>>) target(%arg11 : memref<128x128xf32, #tpu.memory_space<vmem>>) offsets(%dma_start3A_676 : memref<128xi32, #tpu.memory_space<vmem>>) semaphore(%arg18 : memref<!tpu.dma_semaphore, #tpu.memory_space<semaphore_mem>>)
      %mul3A_684 = arith.constant 128 : i32
      %mul3A_685 = arith.muli %add3A_671, %mul3A_684 : i32
      %dma_wait3A_686 = tpu.memref_slice %arg7[%mul3A_685] : memref<10240xi32, #tpu.memory_space<vmem>> -> memref<128xi32, #tpu.memory_space<vmem>>
      %dma_wait3A_687 = arith.constant 0 : i32
      %dma_wait3A_688 = arith.constant 0 : i32
      %dma_wait3A_689 = tpu.memref_slice %arg2[%arg0, %dma_wait3A_687, %dma_wait3A_688] : memref<2x10000x128xf32, #tpu.memory_space<hbm>> -> memref<1x10000x128xf32, #tpu.memory_space<hbm>>
      %dma_wait3A_690 = tpu.memref_squeeze %dma_wait3A_689 : memref<1x10000x128xf32, #tpu.memory_space<hbm>> -> memref<10000x128xf32, #tpu.memory_space<hbm>>
      %dma_wait3A_691 = arith.constant 0 : i32
      %dma_wait3A_692 = arith.constant 0 : i32
      %dma_wait3A_693 = tpu.memref_slice %dma_wait3A_690[%dma_wait3A_691, %dma_wait3A_692] : memref<10000x128xf32, #tpu.memory_space<hbm>> -> memref<10000x128xf32, #tpu.memory_space<hbm>>
      tpu.wait_indirect_dma semaphore(%arg17 : memref<!tpu.dma_semaphore, #tpu.memory_space<semaphore_mem>>) src(%dma_wait3A_693 : memref<10000x128xf32, #tpu.memory_space<hbm>>) dst(%arg10 : memref<128x128xf32, #tpu.memory_space<vmem>>)
      %run_scoped3A_694 = arith.constant 0 : i32
      "tpu.region"() ({
        %run_scoped3A_840 = tpu.sem_alloc : memref<!tpu.dma_semaphore, #tpu.memory_space<semaphore_mem>>
        %dma_start3A_841 = arith.constant 0 : i32
        %dma_start3A_842 = tpu.memref_slice %arg9[%run_scoped3A_694, %dma_start3A_841] : memref<8x128xi32, #tpu.memory_space<vmem>> -> memref<1x128xi32, #tpu.memory_space<vmem>>
        %dma_start3A_843 = tpu.memref_squeeze %dma_start3A_842 : memref<1x128xi32, #tpu.memory_space<vmem>> -> memref<128xi32, #tpu.memory_space<vmem>>
        %dma_start3A_844 = arith.constant 0 : i32
        %dma_start3A_845 = arith.constant 0 : i32
        %dma_start3A_846 = tpu.memref_slice %arg12[%dma_start3A_844, %dma_start3A_845] : memref<10008x128xf32, #tpu.memory_space<vmem_shared>> -> memref<10008x128xf32, #tpu.memory_space<vmem_shared>>
        tpu.enqueue_indirect_dma source(%arg10 : memref<128x128xf32, #tpu.memory_space<vmem>>) target(%dma_start3A_846 : memref<10008x128xf32, #tpu.memory_space<vmem_shared>>) offsets(%dma_start3A_843 : memref<128xi32, #tpu.memory_space<vmem>>) semaphore(%run_scoped3A_840 : memref<!tpu.dma_semaphore, #tpu.memory_space<semaphore_mem>>) {add = true}
        %dma_wait3A_847 = arith.constant 0 : i32
        %dma_wait3A_848 = tpu.memref_slice %arg9[%run_scoped3A_694, %dma_wait3A_847] : memref<8x128xi32, #tpu.memory_space<vmem>> -> memref<1x128xi32, #tpu.memory_space<vmem>>
        %dma_wait3A_849 = tpu.memref_squeeze %dma_wait3A_848 : memref<1x128xi32, #tpu.memory_space<vmem>> -> memref<128xi32, #tpu.memory_space<vmem>>
        %dma_wait3A_850 = arith.constant 0 : i32
        %dma_wait3A_851 = arith.constant 0 : i32
        %dma_wait3A_852 = tpu.memref_slice %arg12[%dma_wait3A_850, %dma_wait3A_851] : memref<10008x128xf32, #tpu.memory_space<vmem_shared>> -> memref<10008x128xf32, #tpu.memory_space<vmem_shared>>
        tpu.wait_indirect_dma semaphore(%run_scoped3A_840 : memref<!tpu.dma_semaphore, #tpu.memory_space<semaphore_mem>>) src(%arg10 : memref<128x128xf32, #tpu.memory_space<vmem>>) dst(%dma_wait3A_852 : memref<10008x128xf32, #tpu.memory_space<vmem_shared>>)
        tpu.yield
      }) : () -> ()
      %add3A_695 = arith.constant 2 : i32
      %add3A_696 = arith.addi %add3A_671, %add3A_695 : i32
      %lt3A_697 = arith.constant 80 : i32
      %lt3A_698 = arith.cmpi slt, %add3A_696, %lt3A_697 : i32
      %convert_element_type3A_699 = arith.extui %lt3A_698 : i1 to i32
      %cond3A_700 = arith.constant 0 : i32
      %cond3A_701 = arith.cmpi ne, %convert_element_type3A_699, %cond3A_700 : i32
      scf.if %cond3A_701 {
        %add3A_840 = arith.constant 2 : i32
        %add3A_841 = arith.addi %add3A_671, %add3A_840 : i32
        %mul3A_842 = arith.constant 128 : i32
        %mul3A_843 = arith.muli %add3A_841, %mul3A_842 : i32
        %dma_start3A_844 = tpu.memref_slice %arg7[%mul3A_843] : memref<10240xi32, #tpu.memory_space<vmem>> -> memref<128xi32, #tpu.memory_space<vmem>>
        %dma_start3A_845 = arith.constant 0 : i32
        %dma_start3A_846 = arith.constant 0 : i32
        %dma_start3A_847 = tpu.memref_slice %arg2[%arg0, %dma_start3A_845, %dma_start3A_846] : memref<2x10000x128xf32, #tpu.memory_space<hbm>> -> memref<1x10000x128xf32, #tpu.memory_space<hbm>>
        %dma_start3A_848 = tpu.memref_squeeze %dma_start3A_847 : memref<1x10000x128xf32, #tpu.memory_space<hbm>> -> memref<10000x128xf32, #tpu.memory_space<hbm>>
        %dma_start3A_849 = arith.constant 0 : i32
        %dma_start3A_850 = arith.constant 0 : i32
        %dma_start3A_851 = tpu.memref_slice %dma_start3A_848[%dma_start3A_849, %dma_start3A_850] : memref<10000x128xf32, #tpu.memory_space<hbm>> -> memref<10000x128xf32, #tpu.memory_space<hbm>>
        tpu.enqueue_indirect_dma source(%dma_start3A_851 : memref<10000x128xf32, #tpu.memory_space<hbm>>) target(%arg10 : memref<128x128xf32, #tpu.memory_space<vmem>>) offsets(%dma_start3A_844 : memref<128xi32, #tpu.memory_space<vmem>>) semaphore(%arg17 : memref<!tpu.dma_semaphore, #tpu.memory_space<semaphore_mem>>)
      } else {
      }
      %dma_wait3A_702 = tpu.memref_slice %arg7[%mul3A_675] : memref<10240xi32, #tpu.memory_space<vmem>> -> memref<128xi32, #tpu.memory_space<vmem>>
      %dma_wait3A_703 = arith.constant 0 : i32
      %dma_wait3A_704 = arith.constant 0 : i32
      %dma_wait3A_705 = tpu.memref_slice %arg2[%arg0, %dma_wait3A_703, %dma_wait3A_704] : memref<2x10000x128xf32, #tpu.memory_space<hbm>> -> memref<1x10000x128xf32, #tpu.memory_space<hbm>>
      %dma_wait3A_706 = tpu.memref_squeeze %dma_wait3A_705 : memref<1x10000x128xf32, #tpu.memory_space<hbm>> -> memref<10000x128xf32, #tpu.memory_space<hbm>>
      %dma_wait3A_707 = arith.constant 0 : i32
      %dma_wait3A_708 = arith.constant 0 : i32
      %dma_wait3A_709 = tpu.memref_slice %dma_wait3A_706[%dma_wait3A_707, %dma_wait3A_708] : memref<10000x128xf32, #tpu.memory_space<hbm>> -> memref<10000x128xf32, #tpu.memory_space<hbm>>
      tpu.wait_indirect_dma semaphore(%arg18 : memref<!tpu.dma_semaphore, #tpu.memory_space<semaphore_mem>>) src(%dma_wait3A_709 : memref<10000x128xf32, #tpu.memory_space<hbm>>) dst(%arg11 : memref<128x128xf32, #tpu.memory_space<vmem>>)
      %run_scoped3A_710 = arith.constant 1 : i32
      "tpu.region"() ({
        %run_scoped3A_840 = tpu.sem_alloc : memref<!tpu.dma_semaphore, #tpu.memory_space<semaphore_mem>>
        %dma_start3A_841 = arith.constant 0 : i32
        %dma_start3A_842 = tpu.memref_slice %arg9[%run_scoped3A_710, %dma_start3A_841] : memref<8x128xi32, #tpu.memory_space<vmem>> -> memref<1x128xi32, #tpu.memory_space<vmem>>
        %dma_start3A_843 = tpu.memref_squeeze %dma_start3A_842 : memref<1x128xi32, #tpu.memory_space<vmem>> -> memref<128xi32, #tpu.memory_space<vmem>>
        %dma_start3A_844 = arith.constant 0 : i32
        %dma_start3A_845 = arith.constant 0 : i32
        %dma_start3A_846 = tpu.memref_slice %arg12[%dma_start3A_844, %dma_start3A_845] : memref<10008x128xf32, #tpu.memory_space<vmem_shared>> -> memref<10008x128xf32, #tpu.memory_space<vmem_shared>>
        tpu.enqueue_indirect_dma source(%arg11 : memref<128x128xf32, #tpu.memory_space<vmem>>) target(%dma_start3A_846 : memref<10008x128xf32, #tpu.memory_space<vmem_shared>>) offsets(%dma_start3A_843 : memref<128xi32, #tpu.memory_space<vmem>>) semaphore(%run_scoped3A_840 : memref<!tpu.dma_semaphore, #tpu.memory_space<semaphore_mem>>) {add = true}
        %dma_wait3A_847 = arith.constant 0 : i32
        %dma_wait3A_848 = tpu.memref_slice %arg9[%run_scoped3A_710, %dma_wait3A_847] : memref<8x128xi32, #tpu.memory_space<vmem>> -> memref<1x128xi32, #tpu.memory_space<vmem>>
        %dma_wait3A_849 = tpu.memref_squeeze %dma_wait3A_848 : memref<1x128xi32, #tpu.memory_space<vmem>> -> memref<128xi32, #tpu.memory_space<vmem>>
        %dma_wait3A_850 = arith.constant 0 : i32
        %dma_wait3A_851 = arith.constant 0 : i32
        %dma_wait3A_852 = tpu.memref_slice %arg12[%dma_wait3A_850, %dma_wait3A_851] : memref<10008x128xf32, #tpu.memory_space<vmem_shared>> -> memref<10008x128xf32, #tpu.memory_space<vmem_shared>>
        tpu.wait_indirect_dma semaphore(%run_scoped3A_840 : memref<!tpu.dma_semaphore, #tpu.memory_space<semaphore_mem>>) src(%arg11 : memref<128x128xf32, #tpu.memory_space<vmem>>) dst(%dma_wait3A_852 : memref<10008x128xf32, #tpu.memory_space<vmem_shared>>)
        tpu.yield
      }) : () -> ()
      %add3A_711 = arith.constant 8 : i32
      %add3A_712 = arith.addi %mul3A_476, %add3A_711 : i32
      %add3A_713 = arith.constant 2 : i32
      %add3A_714 = arith.addi %add3A_712, %add3A_713 : i32
      %add3A_715 = arith.constant 1 : i32
      %add3A_716 = arith.addi %add3A_714, %add3A_715 : i32
      %mul3A_717 = arith.constant 128 : i32
      %mul3A_718 = arith.muli %add3A_716, %mul3A_717 : i32
      %dma_start3A_719 = tpu.memref_slice %arg7[%mul3A_718] : memref<10240xi32, #tpu.memory_space<vmem>> -> memref<128xi32, #tpu.memory_space<vmem>>
      %dma_start3A_720 = arith.constant 0 : i32
      %dma_start3A_721 = arith.constant 0 : i32
      %dma_start3A_722 = tpu.memref_slice %arg2[%arg0, %dma_start3A_720, %dma_start3A_721] : memref<2x10000x128xf32, #tpu.memory_space<hbm>> -> memref<1x10000x128xf32, #tpu.memory_space<hbm>>
      %dma_start3A_723 = tpu.memref_squeeze %dma_start3A_722 : memref<1x10000x128xf32, #tpu.memory_space<hbm>> -> memref<10000x128xf32, #tpu.memory_space<hbm>>
      %dma_start3A_724 = arith.constant 0 : i32
      %dma_start3A_725 = arith.constant 0 : i32
      %dma_start3A_726 = tpu.memref_slice %dma_start3A_723[%dma_start3A_724, %dma_start3A_725] : memref<10000x128xf32, #tpu.memory_space<hbm>> -> memref<10000x128xf32, #tpu.memory_space<hbm>>
      tpu.enqueue_indirect_dma source(%dma_start3A_726 : memref<10000x128xf32, #tpu.memory_space<hbm>>) target(%arg11 : memref<128x128xf32, #tpu.memory_space<vmem>>) offsets(%dma_start3A_719 : memref<128xi32, #tpu.memory_space<vmem>>) semaphore(%arg18 : memref<!tpu.dma_semaphore, #tpu.memory_space<semaphore_mem>>)
      %mul3A_727 = arith.constant 128 : i32
      %mul3A_728 = arith.muli %add3A_714, %mul3A_727 : i32
      %dma_wait3A_729 = tpu.memref_slice %arg7[%mul3A_728] : memref<10240xi32, #tpu.memory_space<vmem>> -> memref<128xi32, #tpu.memory_space<vmem>>
      %dma_wait3A_730 = arith.constant 0 : i32
      %dma_wait3A_731 = arith.constant 0 : i32
      %dma_wait3A_732 = tpu.memref_slice %arg2[%arg0, %dma_wait3A_730, %dma_wait3A_731] : memref<2x10000x128xf32, #tpu.memory_space<hbm>> -> memref<1x10000x128xf32, #tpu.memory_space<hbm>>
      %dma_wait3A_733 = tpu.memref_squeeze %dma_wait3A_732 : memref<1x10000x128xf32, #tpu.memory_space<hbm>> -> memref<10000x128xf32, #tpu.memory_space<hbm>>
      %dma_wait3A_734 = arith.constant 0 : i32
      %dma_wait3A_735 = arith.constant 0 : i32
      %dma_wait3A_736 = tpu.memref_slice %dma_wait3A_733[%dma_wait3A_734, %dma_wait3A_735] : memref<10000x128xf32, #tpu.memory_space<hbm>> -> memref<10000x128xf32, #tpu.memory_space<hbm>>
      tpu.wait_indirect_dma semaphore(%arg17 : memref<!tpu.dma_semaphore, #tpu.memory_space<semaphore_mem>>) src(%dma_wait3A_736 : memref<10000x128xf32, #tpu.memory_space<hbm>>) dst(%arg10 : memref<128x128xf32, #tpu.memory_space<vmem>>)
      %run_scoped3A_737 = arith.constant 2 : i32
      "tpu.region"() ({
        %run_scoped3A_840 = tpu.sem_alloc : memref<!tpu.dma_semaphore, #tpu.memory_space<semaphore_mem>>
        %dma_start3A_841 = arith.constant 0 : i32
        %dma_start3A_842 = tpu.memref_slice %arg9[%run_scoped3A_737, %dma_start3A_841] : memref<8x128xi32, #tpu.memory_space<vmem>> -> memref<1x128xi32, #tpu.memory_space<vmem>>
        %dma_start3A_843 = tpu.memref_squeeze %dma_start3A_842 : memref<1x128xi32, #tpu.memory_space<vmem>> -> memref<128xi32, #tpu.memory_space<vmem>>
        %dma_start3A_844 = arith.constant 0 : i32
        %dma_start3A_845 = arith.constant 0 : i32
        %dma_start3A_846 = tpu.memref_slice %arg12[%dma_start3A_844, %dma_start3A_845] : memref<10008x128xf32, #tpu.memory_space<vmem_shared>> -> memref<10008x128xf32, #tpu.memory_space<vmem_shared>>
        tpu.enqueue_indirect_dma source(%arg10 : memref<128x128xf32, #tpu.memory_space<vmem>>) target(%dma_start3A_846 : memref<10008x128xf32, #tpu.memory_space<vmem_shared>>) offsets(%dma_start3A_843 : memref<128xi32, #tpu.memory_space<vmem>>) semaphore(%run_scoped3A_840 : memref<!tpu.dma_semaphore, #tpu.memory_space<semaphore_mem>>) {add = true}
        %dma_wait3A_847 = arith.constant 0 : i32
        %dma_wait3A_848 = tpu.memref_slice %arg9[%run_scoped3A_737, %dma_wait3A_847] : memref<8x128xi32, #tpu.memory_space<vmem>> -> memref<1x128xi32, #tpu.memory_space<vmem>>
        %dma_wait3A_849 = tpu.memref_squeeze %dma_wait3A_848 : memref<1x128xi32, #tpu.memory_space<vmem>> -> memref<128xi32, #tpu.memory_space<vmem>>
        %dma_wait3A_850 = arith.constant 0 : i32
        %dma_wait3A_851 = arith.constant 0 : i32
        %dma_wait3A_852 = tpu.memref_slice %arg12[%dma_wait3A_850, %dma_wait3A_851] : memref<10008x128xf32, #tpu.memory_space<vmem_shared>> -> memref<10008x128xf32, #tpu.memory_space<vmem_shared>>
        tpu.wait_indirect_dma semaphore(%run_scoped3A_840 : memref<!tpu.dma_semaphore, #tpu.memory_space<semaphore_mem>>) src(%arg10 : memref<128x128xf32, #tpu.memory_space<vmem>>) dst(%dma_wait3A_852 : memref<10008x128xf32, #tpu.memory_space<vmem_shared>>)
        tpu.yield
      }) : () -> ()
      %add3A_738 = arith.constant 2 : i32
      %add3A_739 = arith.addi %add3A_714, %add3A_738 : i32
      %lt3A_740 = arith.constant 80 : i32
      %lt3A_741 = arith.cmpi slt, %add3A_739, %lt3A_740 : i32
      %convert_element_type3A_742 = arith.extui %lt3A_741 : i1 to i32
      %cond3A_743 = arith.constant 0 : i32
      %cond3A_744 = arith.cmpi ne, %convert_element_type3A_742, %cond3A_743 : i32
      scf.if %cond3A_744 {
        %add3A_840 = arith.constant 2 : i32
        %add3A_841 = arith.addi %add3A_714, %add3A_840 : i32
        %mul3A_842 = arith.constant 128 : i32
        %mul3A_843 = arith.muli %add3A_841, %mul3A_842 : i32
        %dma_start3A_844 = tpu.memref_slice %arg7[%mul3A_843] : memref<10240xi32, #tpu.memory_space<vmem>> -> memref<128xi32, #tpu.memory_space<vmem>>
        %dma_start3A_845 = arith.constant 0 : i32
        %dma_start3A_846 = arith.constant 0 : i32
        %dma_start3A_847 = tpu.memref_slice %arg2[%arg0, %dma_start3A_845, %dma_start3A_846] : memref<2x10000x128xf32, #tpu.memory_space<hbm>> -> memref<1x10000x128xf32, #tpu.memory_space<hbm>>
        %dma_start3A_848 = tpu.memref_squeeze %dma_start3A_847 : memref<1x10000x128xf32, #tpu.memory_space<hbm>> -> memref<10000x128xf32, #tpu.memory_space<hbm>>
        %dma_start3A_849 = arith.constant 0 : i32
        %dma_start3A_850 = arith.constant 0 : i32
        %dma_start3A_851 = tpu.memref_slice %dma_start3A_848[%dma_start3A_849, %dma_start3A_850] : memref<10000x128xf32, #tpu.memory_space<hbm>> -> memref<10000x128xf32, #tpu.memory_space<hbm>>
        tpu.enqueue_indirect_dma source(%dma_start3A_851 : memref<10000x128xf32, #tpu.memory_space<hbm>>) target(%arg10 : memref<128x128xf32, #tpu.memory_space<vmem>>) offsets(%dma_start3A_844 : memref<128xi32, #tpu.memory_space<vmem>>) semaphore(%arg17 : memref<!tpu.dma_semaphore, #tpu.memory_space<semaphore_mem>>)
      } else {
      }
      %dma_wait3A_745 = tpu.memref_slice %arg7[%mul3A_718] : memref<10240xi32, #tpu.memory_space<vmem>> -> memref<128xi32, #tpu.memory_space<vmem>>
      %dma_wait3A_746 = arith.constant 0 : i32
      %dma_wait3A_747 = arith.constant 0 : i32
      %dma_wait3A_748 = tpu.memref_slice %arg2[%arg0, %dma_wait3A_746, %dma_wait3A_747] : memref<2x10000x128xf32, #tpu.memory_space<hbm>> -> memref<1x10000x128xf32, #tpu.memory_space<hbm>>
      %dma_wait3A_749 = tpu.memref_squeeze %dma_wait3A_748 : memref<1x10000x128xf32, #tpu.memory_space<hbm>> -> memref<10000x128xf32, #tpu.memory_space<hbm>>
      %dma_wait3A_750 = arith.constant 0 : i32
      %dma_wait3A_751 = arith.constant 0 : i32
      %dma_wait3A_752 = tpu.memref_slice %dma_wait3A_749[%dma_wait3A_750, %dma_wait3A_751] : memref<10000x128xf32, #tpu.memory_space<hbm>> -> memref<10000x128xf32, #tpu.memory_space<hbm>>
      tpu.wait_indirect_dma semaphore(%arg18 : memref<!tpu.dma_semaphore, #tpu.memory_space<semaphore_mem>>) src(%dma_wait3A_752 : memref<10000x128xf32, #tpu.memory_space<hbm>>) dst(%arg11 : memref<128x128xf32, #tpu.memory_space<vmem>>)
      %run_scoped3A_753 = arith.constant 3 : i32
      "tpu.region"() ({
        %run_scoped3A_840 = tpu.sem_alloc : memref<!tpu.dma_semaphore, #tpu.memory_space<semaphore_mem>>
        %dma_start3A_841 = arith.constant 0 : i32
        %dma_start3A_842 = tpu.memref_slice %arg9[%run_scoped3A_753, %dma_start3A_841] : memref<8x128xi32, #tpu.memory_space<vmem>> -> memref<1x128xi32, #tpu.memory_space<vmem>>
        %dma_start3A_843 = tpu.memref_squeeze %dma_start3A_842 : memref<1x128xi32, #tpu.memory_space<vmem>> -> memref<128xi32, #tpu.memory_space<vmem>>
        %dma_start3A_844 = arith.constant 0 : i32
        %dma_start3A_845 = arith.constant 0 : i32
        %dma_start3A_846 = tpu.memref_slice %arg12[%dma_start3A_844, %dma_start3A_845] : memref<10008x128xf32, #tpu.memory_space<vmem_shared>> -> memref<10008x128xf32, #tpu.memory_space<vmem_shared>>
        tpu.enqueue_indirect_dma source(%arg11 : memref<128x128xf32, #tpu.memory_space<vmem>>) target(%dma_start3A_846 : memref<10008x128xf32, #tpu.memory_space<vmem_shared>>) offsets(%dma_start3A_843 : memref<128xi32, #tpu.memory_space<vmem>>) semaphore(%run_scoped3A_840 : memref<!tpu.dma_semaphore, #tpu.memory_space<semaphore_mem>>) {add = true}
        %dma_wait3A_847 = arith.constant 0 : i32
        %dma_wait3A_848 = tpu.memref_slice %arg9[%run_scoped3A_753, %dma_wait3A_847] : memref<8x128xi32, #tpu.memory_space<vmem>> -> memref<1x128xi32, #tpu.memory_space<vmem>>
        %dma_wait3A_849 = tpu.memref_squeeze %dma_wait3A_848 : memref<1x128xi32, #tpu.memory_space<vmem>> -> memref<128xi32, #tpu.memory_space<vmem>>
        %dma_wait3A_850 = arith.constant 0 : i32
        %dma_wait3A_851 = arith.constant 0 : i32
        %dma_wait3A_852 = tpu.memref_slice %arg12[%dma_wait3A_850, %dma_wait3A_851] : memref<10008x128xf32, #tpu.memory_space<vmem_shared>> -> memref<10008x128xf32, #tpu.memory_space<vmem_shared>>
        tpu.wait_indirect_dma semaphore(%run_scoped3A_840 : memref<!tpu.dma_semaphore, #tpu.memory_space<semaphore_mem>>) src(%arg11 : memref<128x128xf32, #tpu.memory_space<vmem>>) dst(%dma_wait3A_852 : memref<10008x128xf32, #tpu.memory_space<vmem_shared>>)
        tpu.yield
      }) : () -> ()
      %add3A_754 = arith.constant 8 : i32
      %add3A_755 = arith.addi %mul3A_476, %add3A_754 : i32
      %add3A_756 = arith.constant 4 : i32
      %add3A_757 = arith.addi %add3A_755, %add3A_756 : i32
      %add3A_758 = arith.constant 1 : i32
      %add3A_759 = arith.addi %add3A_757, %add3A_758 : i32
      %mul3A_760 = arith.constant 128 : i32
      %mul3A_761 = arith.muli %add3A_759, %mul3A_760 : i32
      %dma_start3A_762 = tpu.memref_slice %arg7[%mul3A_761] : memref<10240xi32, #tpu.memory_space<vmem>> -> memref<128xi32, #tpu.memory_space<vmem>>
      %dma_start3A_763 = arith.constant 0 : i32
      %dma_start3A_764 = arith.constant 0 : i32
      %dma_start3A_765 = tpu.memref_slice %arg2[%arg0, %dma_start3A_763, %dma_start3A_764] : memref<2x10000x128xf32, #tpu.memory_space<hbm>> -> memref<1x10000x128xf32, #tpu.memory_space<hbm>>
      %dma_start3A_766 = tpu.memref_squeeze %dma_start3A_765 : memref<1x10000x128xf32, #tpu.memory_space<hbm>> -> memref<10000x128xf32, #tpu.memory_space<hbm>>
      %dma_start3A_767 = arith.constant 0 : i32
      %dma_start3A_768 = arith.constant 0 : i32
      %dma_start3A_769 = tpu.memref_slice %dma_start3A_766[%dma_start3A_767, %dma_start3A_768] : memref<10000x128xf32, #tpu.memory_space<hbm>> -> memref<10000x128xf32, #tpu.memory_space<hbm>>
      tpu.enqueue_indirect_dma source(%dma_start3A_769 : memref<10000x128xf32, #tpu.memory_space<hbm>>) target(%arg11 : memref<128x128xf32, #tpu.memory_space<vmem>>) offsets(%dma_start3A_762 : memref<128xi32, #tpu.memory_space<vmem>>) semaphore(%arg18 : memref<!tpu.dma_semaphore, #tpu.memory_space<semaphore_mem>>)
      %mul3A_770 = arith.constant 128 : i32
      %mul3A_771 = arith.muli %add3A_757, %mul3A_770 : i32
      %dma_wait3A_772 = tpu.memref_slice %arg7[%mul3A_771] : memref<10240xi32, #tpu.memory_space<vmem>> -> memref<128xi32, #tpu.memory_space<vmem>>
      %dma_wait3A_773 = arith.constant 0 : i32
      %dma_wait3A_774 = arith.constant 0 : i32
      %dma_wait3A_775 = tpu.memref_slice %arg2[%arg0, %dma_wait3A_773, %dma_wait3A_774] : memref<2x10000x128xf32, #tpu.memory_space<hbm>> -> memref<1x10000x128xf32, #tpu.memory_space<hbm>>
      %dma_wait3A_776 = tpu.memref_squeeze %dma_wait3A_775 : memref<1x10000x128xf32, #tpu.memory_space<hbm>> -> memref<10000x128xf32, #tpu.memory_space<hbm>>
      %dma_wait3A_777 = arith.constant 0 : i32
      %dma_wait3A_778 = arith.constant 0 : i32
      %dma_wait3A_779 = tpu.memref_slice %dma_wait3A_776[%dma_wait3A_777, %dma_wait3A_778] : memref<10000x128xf32, #tpu.memory_space<hbm>> -> memref<10000x128xf32, #tpu.memory_space<hbm>>
      tpu.wait_indirect_dma semaphore(%arg17 : memref<!tpu.dma_semaphore, #tpu.memory_space<semaphore_mem>>) src(%dma_wait3A_779 : memref<10000x128xf32, #tpu.memory_space<hbm>>) dst(%arg10 : memref<128x128xf32, #tpu.memory_space<vmem>>)
      %run_scoped3A_780 = arith.constant 4 : i32
      "tpu.region"() ({
        %run_scoped3A_840 = tpu.sem_alloc : memref<!tpu.dma_semaphore, #tpu.memory_space<semaphore_mem>>
        %dma_start3A_841 = arith.constant 0 : i32
        %dma_start3A_842 = tpu.memref_slice %arg9[%run_scoped3A_780, %dma_start3A_841] : memref<8x128xi32, #tpu.memory_space<vmem>> -> memref<1x128xi32, #tpu.memory_space<vmem>>
        %dma_start3A_843 = tpu.memref_squeeze %dma_start3A_842 : memref<1x128xi32, #tpu.memory_space<vmem>> -> memref<128xi32, #tpu.memory_space<vmem>>
        %dma_start3A_844 = arith.constant 0 : i32
        %dma_start3A_845 = arith.constant 0 : i32
        %dma_start3A_846 = tpu.memref_slice %arg12[%dma_start3A_844, %dma_start3A_845] : memref<10008x128xf32, #tpu.memory_space<vmem_shared>> -> memref<10008x128xf32, #tpu.memory_space<vmem_shared>>
        tpu.enqueue_indirect_dma source(%arg10 : memref<128x128xf32, #tpu.memory_space<vmem>>) target(%dma_start3A_846 : memref<10008x128xf32, #tpu.memory_space<vmem_shared>>) offsets(%dma_start3A_843 : memref<128xi32, #tpu.memory_space<vmem>>) semaphore(%run_scoped3A_840 : memref<!tpu.dma_semaphore, #tpu.memory_space<semaphore_mem>>) {add = true}
        %dma_wait3A_847 = arith.constant 0 : i32
        %dma_wait3A_848 = tpu.memref_slice %arg9[%run_scoped3A_780, %dma_wait3A_847] : memref<8x128xi32, #tpu.memory_space<vmem>> -> memref<1x128xi32, #tpu.memory_space<vmem>>
        %dma_wait3A_849 = tpu.memref_squeeze %dma_wait3A_848 : memref<1x128xi32, #tpu.memory_space<vmem>> -> memref<128xi32, #tpu.memory_space<vmem>>
        %dma_wait3A_850 = arith.constant 0 : i32
        %dma_wait3A_851 = arith.constant 0 : i32
        %dma_wait3A_852 = tpu.memref_slice %arg12[%dma_wait3A_850, %dma_wait3A_851] : memref<10008x128xf32, #tpu.memory_space<vmem_shared>> -> memref<10008x128xf32, #tpu.memory_space<vmem_shared>>
        tpu.wait_indirect_dma semaphore(%run_scoped3A_840 : memref<!tpu.dma_semaphore, #tpu.memory_space<semaphore_mem>>) src(%arg10 : memref<128x128xf32, #tpu.memory_space<vmem>>) dst(%dma_wait3A_852 : memref<10008x128xf32, #tpu.memory_space<vmem_shared>>)
        tpu.yield
      }) : () -> ()
      %add3A_781 = arith.constant 2 : i32
      %add3A_782 = arith.addi %add3A_757, %add3A_781 : i32
      %lt3A_783 = arith.constant 80 : i32
      %lt3A_784 = arith.cmpi slt, %add3A_782, %lt3A_783 : i32
      %convert_element_type3A_785 = arith.extui %lt3A_784 : i1 to i32
      %cond3A_786 = arith.constant 0 : i32
      %cond3A_787 = arith.cmpi ne, %convert_element_type3A_785, %cond3A_786 : i32
      scf.if %cond3A_787 {
        %add3A_840 = arith.constant 2 : i32
        %add3A_841 = arith.addi %add3A_757, %add3A_840 : i32
        %mul3A_842 = arith.constant 128 : i32
        %mul3A_843 = arith.muli %add3A_841, %mul3A_842 : i32
        %dma_start3A_844 = tpu.memref_slice %arg7[%mul3A_843] : memref<10240xi32, #tpu.memory_space<vmem>> -> memref<128xi32, #tpu.memory_space<vmem>>
        %dma_start3A_845 = arith.constant 0 : i32
        %dma_start3A_846 = arith.constant 0 : i32
        %dma_start3A_847 = tpu.memref_slice %arg2[%arg0, %dma_start3A_845, %dma_start3A_846] : memref<2x10000x128xf32, #tpu.memory_space<hbm>> -> memref<1x10000x128xf32, #tpu.memory_space<hbm>>
        %dma_start3A_848 = tpu.memref_squeeze %dma_start3A_847 : memref<1x10000x128xf32, #tpu.memory_space<hbm>> -> memref<10000x128xf32, #tpu.memory_space<hbm>>
        %dma_start3A_849 = arith.constant 0 : i32
        %dma_start3A_850 = arith.constant 0 : i32
        %dma_start3A_851 = tpu.memref_slice %dma_start3A_848[%dma_start3A_849, %dma_start3A_850] : memref<10000x128xf32, #tpu.memory_space<hbm>> -> memref<10000x128xf32, #tpu.memory_space<hbm>>
        tpu.enqueue_indirect_dma source(%dma_start3A_851 : memref<10000x128xf32, #tpu.memory_space<hbm>>) target(%arg10 : memref<128x128xf32, #tpu.memory_space<vmem>>) offsets(%dma_start3A_844 : memref<128xi32, #tpu.memory_space<vmem>>) semaphore(%arg17 : memref<!tpu.dma_semaphore, #tpu.memory_space<semaphore_mem>>)
      } else {
      }
      %dma_wait3A_788 = tpu.memref_slice %arg7[%mul3A_761] : memref<10240xi32, #tpu.memory_space<vmem>> -> memref<128xi32, #tpu.memory_space<vmem>>
      %dma_wait3A_789 = arith.constant 0 : i32
      %dma_wait3A_790 = arith.constant 0 : i32
      %dma_wait3A_791 = tpu.memref_slice %arg2[%arg0, %dma_wait3A_789, %dma_wait3A_790] : memref<2x10000x128xf32, #tpu.memory_space<hbm>> -> memref<1x10000x128xf32, #tpu.memory_space<hbm>>
      %dma_wait3A_792 = tpu.memref_squeeze %dma_wait3A_791 : memref<1x10000x128xf32, #tpu.memory_space<hbm>> -> memref<10000x128xf32, #tpu.memory_space<hbm>>
      %dma_wait3A_793 = arith.constant 0 : i32
      %dma_wait3A_794 = arith.constant 0 : i32
      %dma_wait3A_795 = tpu.memref_slice %dma_wait3A_792[%dma_wait3A_793, %dma_wait3A_794] : memref<10000x128xf32, #tpu.memory_space<hbm>> -> memref<10000x128xf32, #tpu.memory_space<hbm>>
      tpu.wait_indirect_dma semaphore(%arg18 : memref<!tpu.dma_semaphore, #tpu.memory_space<semaphore_mem>>) src(%dma_wait3A_795 : memref<10000x128xf32, #tpu.memory_space<hbm>>) dst(%arg11 : memref<128x128xf32, #tpu.memory_space<vmem>>)
      %run_scoped3A_796 = arith.constant 5 : i32
      "tpu.region"() ({
        %run_scoped3A_840 = tpu.sem_alloc : memref<!tpu.dma_semaphore, #tpu.memory_space<semaphore_mem>>
        %dma_start3A_841 = arith.constant 0 : i32
        %dma_start3A_842 = tpu.memref_slice %arg9[%run_scoped3A_796, %dma_start3A_841] : memref<8x128xi32, #tpu.memory_space<vmem>> -> memref<1x128xi32, #tpu.memory_space<vmem>>
        %dma_start3A_843 = tpu.memref_squeeze %dma_start3A_842 : memref<1x128xi32, #tpu.memory_space<vmem>> -> memref<128xi32, #tpu.memory_space<vmem>>
        %dma_start3A_844 = arith.constant 0 : i32
        %dma_start3A_845 = arith.constant 0 : i32
        %dma_start3A_846 = tpu.memref_slice %arg12[%dma_start3A_844, %dma_start3A_845] : memref<10008x128xf32, #tpu.memory_space<vmem_shared>> -> memref<10008x128xf32, #tpu.memory_space<vmem_shared>>
        tpu.enqueue_indirect_dma source(%arg11 : memref<128x128xf32, #tpu.memory_space<vmem>>) target(%dma_start3A_846 : memref<10008x128xf32, #tpu.memory_space<vmem_shared>>) offsets(%dma_start3A_843 : memref<128xi32, #tpu.memory_space<vmem>>) semaphore(%run_scoped3A_840 : memref<!tpu.dma_semaphore, #tpu.memory_space<semaphore_mem>>) {add = true}
        %dma_wait3A_847 = arith.constant 0 : i32
        %dma_wait3A_848 = tpu.memref_slice %arg9[%run_scoped3A_796, %dma_wait3A_847] : memref<8x128xi32, #tpu.memory_space<vmem>> -> memref<1x128xi32, #tpu.memory_space<vmem>>
        %dma_wait3A_849 = tpu.memref_squeeze %dma_wait3A_848 : memref<1x128xi32, #tpu.memory_space<vmem>> -> memref<128xi32, #tpu.memory_space<vmem>>
        %dma_wait3A_850 = arith.constant 0 : i32
        %dma_wait3A_851 = arith.constant 0 : i32
        %dma_wait3A_852 = tpu.memref_slice %arg12[%dma_wait3A_850, %dma_wait3A_851] : memref<10008x128xf32, #tpu.memory_space<vmem_shared>> -> memref<10008x128xf32, #tpu.memory_space<vmem_shared>>
        tpu.wait_indirect_dma semaphore(%run_scoped3A_840 : memref<!tpu.dma_semaphore, #tpu.memory_space<semaphore_mem>>) src(%arg11 : memref<128x128xf32, #tpu.memory_space<vmem>>) dst(%dma_wait3A_852 : memref<10008x128xf32, #tpu.memory_space<vmem_shared>>)
        tpu.yield
      }) : () -> ()
      %add3A_797 = arith.constant 8 : i32
      %add3A_798 = arith.addi %mul3A_476, %add3A_797 : i32
      %add3A_799 = arith.constant 6 : i32
      %add3A_800 = arith.addi %add3A_798, %add3A_799 : i32
      %add3A_801 = arith.constant 1 : i32
      %add3A_802 = arith.addi %add3A_800, %add3A_801 : i32
      %mul3A_803 = arith.constant 128 : i32
      %mul3A_804 = arith.muli %add3A_802, %mul3A_803 : i32
      %dma_start3A_805 = tpu.memref_slice %arg7[%mul3A_804] : memref<10240xi32, #tpu.memory_space<vmem>> -> memref<128xi32, #tpu.memory_space<vmem>>
      %dma_start3A_806 = arith.constant 0 : i32
      %dma_start3A_807 = arith.constant 0 : i32
      %dma_start3A_808 = tpu.memref_slice %arg2[%arg0, %dma_start3A_806, %dma_start3A_807] : memref<2x10000x128xf32, #tpu.memory_space<hbm>> -> memref<1x10000x128xf32, #tpu.memory_space<hbm>>
      %dma_start3A_809 = tpu.memref_squeeze %dma_start3A_808 : memref<1x10000x128xf32, #tpu.memory_space<hbm>> -> memref<10000x128xf32, #tpu.memory_space<hbm>>
      %dma_start3A_810 = arith.constant 0 : i32
      %dma_start3A_811 = arith.constant 0 : i32
      %dma_start3A_812 = tpu.memref_slice %dma_start3A_809[%dma_start3A_810, %dma_start3A_811] : memref<10000x128xf32, #tpu.memory_space<hbm>> -> memref<10000x128xf32, #tpu.memory_space<hbm>>
      tpu.enqueue_indirect_dma source(%dma_start3A_812 : memref<10000x128xf32, #tpu.memory_space<hbm>>) target(%arg11 : memref<128x128xf32, #tpu.memory_space<vmem>>) offsets(%dma_start3A_805 : memref<128xi32, #tpu.memory_space<vmem>>) semaphore(%arg18 : memref<!tpu.dma_semaphore, #tpu.memory_space<semaphore_mem>>)
      %mul3A_813 = arith.constant 128 : i32
      %mul3A_814 = arith.muli %add3A_800, %mul3A_813 : i32
      %dma_wait3A_815 = tpu.memref_slice %arg7[%mul3A_814] : memref<10240xi32, #tpu.memory_space<vmem>> -> memref<128xi32, #tpu.memory_space<vmem>>
      %dma_wait3A_816 = arith.constant 0 : i32
      %dma_wait3A_817 = arith.constant 0 : i32
      %dma_wait3A_818 = tpu.memref_slice %arg2[%arg0, %dma_wait3A_816, %dma_wait3A_817] : memref<2x10000x128xf32, #tpu.memory_space<hbm>> -> memref<1x10000x128xf32, #tpu.memory_space<hbm>>
      %dma_wait3A_819 = tpu.memref_squeeze %dma_wait3A_818 : memref<1x10000x128xf32, #tpu.memory_space<hbm>> -> memref<10000x128xf32, #tpu.memory_space<hbm>>
      %dma_wait3A_820 = arith.constant 0 : i32
      %dma_wait3A_821 = arith.constant 0 : i32
      %dma_wait3A_822 = tpu.memref_slice %dma_wait3A_819[%dma_wait3A_820, %dma_wait3A_821] : memref<10000x128xf32, #tpu.memory_space<hbm>> -> memref<10000x128xf32, #tpu.memory_space<hbm>>
      tpu.wait_indirect_dma semaphore(%arg17 : memref<!tpu.dma_semaphore, #tpu.memory_space<semaphore_mem>>) src(%dma_wait3A_822 : memref<10000x128xf32, #tpu.memory_space<hbm>>) dst(%arg10 : memref<128x128xf32, #tpu.memory_space<vmem>>)
      %run_scoped3A_823 = arith.constant 6 : i32
      "tpu.region"() ({
        %run_scoped3A_840 = tpu.sem_alloc : memref<!tpu.dma_semaphore, #tpu.memory_space<semaphore_mem>>
        %dma_start3A_841 = arith.constant 0 : i32
        %dma_start3A_842 = tpu.memref_slice %arg9[%run_scoped3A_823, %dma_start3A_841] : memref<8x128xi32, #tpu.memory_space<vmem>> -> memref<1x128xi32, #tpu.memory_space<vmem>>
        %dma_start3A_843 = tpu.memref_squeeze %dma_start3A_842 : memref<1x128xi32, #tpu.memory_space<vmem>> -> memref<128xi32, #tpu.memory_space<vmem>>
        %dma_start3A_844 = arith.constant 0 : i32
        %dma_start3A_845 = arith.constant 0 : i32
        %dma_start3A_846 = tpu.memref_slice %arg12[%dma_start3A_844, %dma_start3A_845] : memref<10008x128xf32, #tpu.memory_space<vmem_shared>> -> memref<10008x128xf32, #tpu.memory_space<vmem_shared>>
        tpu.enqueue_indirect_dma source(%arg10 : memref<128x128xf32, #tpu.memory_space<vmem>>) target(%dma_start3A_846 : memref<10008x128xf32, #tpu.memory_space<vmem_shared>>) offsets(%dma_start3A_843 : memref<128xi32, #tpu.memory_space<vmem>>) semaphore(%run_scoped3A_840 : memref<!tpu.dma_semaphore, #tpu.memory_space<semaphore_mem>>) {add = true}
        %dma_wait3A_847 = arith.constant 0 : i32
        %dma_wait3A_848 = tpu.memref_slice %arg9[%run_scoped3A_823, %dma_wait3A_847] : memref<8x128xi32, #tpu.memory_space<vmem>> -> memref<1x128xi32, #tpu.memory_space<vmem>>
        %dma_wait3A_849 = tpu.memref_squeeze %dma_wait3A_848 : memref<1x128xi32, #tpu.memory_space<vmem>> -> memref<128xi32, #tpu.memory_space<vmem>>
        %dma_wait3A_850 = arith.constant 0 : i32
        %dma_wait3A_851 = arith.constant 0 : i32
        %dma_wait3A_852 = tpu.memref_slice %arg12[%dma_wait3A_850, %dma_wait3A_851] : memref<10008x128xf32, #tpu.memory_space<vmem_shared>> -> memref<10008x128xf32, #tpu.memory_space<vmem_shared>>
        tpu.wait_indirect_dma semaphore(%run_scoped3A_840 : memref<!tpu.dma_semaphore, #tpu.memory_space<semaphore_mem>>) src(%arg10 : memref<128x128xf32, #tpu.memory_space<vmem>>) dst(%dma_wait3A_852 : memref<10008x128xf32, #tpu.memory_space<vmem_shared>>)
        tpu.yield
      }) : () -> ()
      %add3A_824 = arith.constant 2 : i32
      %add3A_825 = arith.addi %add3A_800, %add3A_824 : i32
      %lt3A_826 = arith.constant 80 : i32
      %lt3A_827 = arith.cmpi slt, %add3A_825, %lt3A_826 : i32
      %convert_element_type3A_828 = arith.extui %lt3A_827 : i1 to i32
      %cond3A_829 = arith.constant 0 : i32
      %cond3A_830 = arith.cmpi ne, %convert_element_type3A_828, %cond3A_829 : i32
      scf.if %cond3A_830 {
        %add3A_840 = arith.constant 2 : i32
        %add3A_841 = arith.addi %add3A_800, %add3A_840 : i32
        %mul3A_842 = arith.constant 128 : i32
        %mul3A_843 = arith.muli %add3A_841, %mul3A_842 : i32
        %dma_start3A_844 = tpu.memref_slice %arg7[%mul3A_843] : memref<10240xi32, #tpu.memory_space<vmem>> -> memref<128xi32, #tpu.memory_space<vmem>>
        %dma_start3A_845 = arith.constant 0 : i32
        %dma_start3A_846 = arith.constant 0 : i32
        %dma_start3A_847 = tpu.memref_slice %arg2[%arg0, %dma_start3A_845, %dma_start3A_846] : memref<2x10000x128xf32, #tpu.memory_space<hbm>> -> memref<1x10000x128xf32, #tpu.memory_space<hbm>>
        %dma_start3A_848 = tpu.memref_squeeze %dma_start3A_847 : memref<1x10000x128xf32, #tpu.memory_space<hbm>> -> memref<10000x128xf32, #tpu.memory_space<hbm>>
        %dma_start3A_849 = arith.constant 0 : i32
        %dma_start3A_850 = arith.constant 0 : i32
        %dma_start3A_851 = tpu.memref_slice %dma_start3A_848[%dma_start3A_849, %dma_start3A_850] : memref<10000x128xf32, #tpu.memory_space<hbm>> -> memref<10000x128xf32, #tpu.memory_space<hbm>>
        tpu.enqueue_indirect_dma source(%dma_start3A_851 : memref<10000x128xf32, #tpu.memory_space<hbm>>) target(%arg10 : memref<128x128xf32, #tpu.memory_space<vmem>>) offsets(%dma_start3A_844 : memref<128xi32, #tpu.memory_space<vmem>>) semaphore(%arg17 : memref<!tpu.dma_semaphore, #tpu.memory_space<semaphore_mem>>)
      } else {
      }
      %dma_wait3A_831 = tpu.memref_slice %arg7[%mul3A_804] : memref<10240xi32, #tpu.memory_space<vmem>> -> memref<128xi32, #tpu.memory_space<vmem>>
      %dma_wait3A_832 = arith.constant 0 : i32
      %dma_wait3A_833 = arith.constant 0 : i32
      %dma_wait3A_834 = tpu.memref_slice %arg2[%arg0, %dma_wait3A_832, %dma_wait3A_833] : memref<2x10000x128xf32, #tpu.memory_space<hbm>> -> memref<1x10000x128xf32, #tpu.memory_space<hbm>>
      %dma_wait3A_835 = tpu.memref_squeeze %dma_wait3A_834 : memref<1x10000x128xf32, #tpu.memory_space<hbm>> -> memref<10000x128xf32, #tpu.memory_space<hbm>>
      %dma_wait3A_836 = arith.constant 0 : i32
      %dma_wait3A_837 = arith.constant 0 : i32
      %dma_wait3A_838 = tpu.memref_slice %dma_wait3A_835[%dma_wait3A_836, %dma_wait3A_837] : memref<10000x128xf32, #tpu.memory_space<hbm>> -> memref<10000x128xf32, #tpu.memory_space<hbm>>
      tpu.wait_indirect_dma semaphore(%arg18 : memref<!tpu.dma_semaphore, #tpu.memory_space<semaphore_mem>>) src(%dma_wait3A_838 : memref<10000x128xf32, #tpu.memory_space<hbm>>) dst(%arg11 : memref<128x128xf32, #tpu.memory_space<vmem>>)
      %run_scoped3A_839 = arith.constant 7 : i32
      "tpu.region"() ({
        %run_scoped3A_840 = tpu.sem_alloc : memref<!tpu.dma_semaphore, #tpu.memory_space<semaphore_mem>>
        %dma_start3A_841 = arith.constant 0 : i32
        %dma_start3A_842 = tpu.memref_slice %arg9[%run_scoped3A_839, %dma_start3A_841] : memref<8x128xi32, #tpu.memory_space<vmem>> -> memref<1x128xi32, #tpu.memory_space<vmem>>
        %dma_start3A_843 = tpu.memref_squeeze %dma_start3A_842 : memref<1x128xi32, #tpu.memory_space<vmem>> -> memref<128xi32, #tpu.memory_space<vmem>>
        %dma_start3A_844 = arith.constant 0 : i32
        %dma_start3A_845 = arith.constant 0 : i32
        %dma_start3A_846 = tpu.memref_slice %arg12[%dma_start3A_844, %dma_start3A_845] : memref<10008x128xf32, #tpu.memory_space<vmem_shared>> -> memref<10008x128xf32, #tpu.memory_space<vmem_shared>>
        tpu.enqueue_indirect_dma source(%arg11 : memref<128x128xf32, #tpu.memory_space<vmem>>) target(%dma_start3A_846 : memref<10008x128xf32, #tpu.memory_space<vmem_shared>>) offsets(%dma_start3A_843 : memref<128xi32, #tpu.memory_space<vmem>>) semaphore(%run_scoped3A_840 : memref<!tpu.dma_semaphore, #tpu.memory_space<semaphore_mem>>) {add = true}
        %dma_wait3A_847 = arith.constant 0 : i32
        %dma_wait3A_848 = tpu.memref_slice %arg9[%run_scoped3A_839, %dma_wait3A_847] : memref<8x128xi32, #tpu.memory_space<vmem>> -> memref<1x128xi32, #tpu.memory_space<vmem>>
        %dma_wait3A_849 = tpu.memref_squeeze %dma_wait3A_848 : memref<1x128xi32, #tpu.memory_space<vmem>> -> memref<128xi32, #tpu.memory_space<vmem>>
        %dma_wait3A_850 = arith.constant 0 : i32
        %dma_wait3A_851 = arith.constant 0 : i32
        %dma_wait3A_852 = tpu.memref_slice %arg12[%dma_wait3A_850, %dma_wait3A_851] : memref<10008x128xf32, #tpu.memory_space<vmem_shared>> -> memref<10008x128xf32, #tpu.memory_space<vmem_shared>>
        tpu.wait_indirect_dma semaphore(%run_scoped3A_840 : memref<!tpu.dma_semaphore, #tpu.memory_space<semaphore_mem>>) src(%arg11 : memref<128x128xf32, #tpu.memory_space<vmem>>) dst(%dma_wait3A_852 : memref<10008x128xf32, #tpu.memory_space<vmem_shared>>)
        tpu.yield
      }) : () -> ()
    }
    %scan3A_461 = arith.constant 5 : i32
    %barrier3A_462 = arith.constant 0 : index
    tpu.barrier barrier_id(%barrier3A_462)
    %mul3A_463 = arith.constant 624 : i32
    %mul3A_464 = arith.muli %arg1, %mul3A_463 : i32
    %mul3A_465 = arith.constant 624 : i32
    %mul3A_466 = arith.muli %arg1, %mul3A_465 : i32
    "tpu.region"() ({
      %run_scoped3A = tpu.sem_alloc : memref<!tpu.dma_semaphore, #tpu.memory_space<semaphore_mem>>
      %dma_start3A_472 = arith.constant 0 : i32
      %dma_start3A_473 = tpu.memref_slice %arg5[%arg0, %mul3A_466, %dma_start3A_472] : memref<2x10000x128xf32, #tpu.memory_space<hbm>> -> memref<1x624x128xf32, #tpu.memory_space<hbm>>
      %dma_start3A_474 = tpu.memref_squeeze %dma_start3A_473 : memref<1x624x128xf32, #tpu.memory_space<hbm>> -> memref<624x128xf32, #tpu.memory_space<hbm>>
      %dma_start3A_475 = arith.constant 0 : i32
      %dma_start3A_476 = tpu.memref_slice %arg12[%mul3A_464, %dma_start3A_475] : memref<10008x128xf32, #tpu.memory_space<vmem_shared>> -> memref<624x128xf32, #tpu.memory_space<vmem_shared>>
      tpu.enqueue_dma source(%dma_start3A_476 : memref<624x128xf32, #tpu.memory_space<vmem_shared>>) target(%dma_start3A_474 : memref<624x128xf32, #tpu.memory_space<hbm>>) target_semaphore(%run_scoped3A : memref<!tpu.dma_semaphore, #tpu.memory_space<semaphore_mem>>)
      %dma_wait3A_477 = arith.constant 0 : i32
      %dma_wait3A_478 = tpu.memref_slice %arg5[%arg0, %mul3A_466, %dma_wait3A_477] : memref<2x10000x128xf32, #tpu.memory_space<hbm>> -> memref<1x624x128xf32, #tpu.memory_space<hbm>>
      %dma_wait3A_479 = tpu.memref_squeeze %dma_wait3A_478 : memref<1x624x128xf32, #tpu.memory_space<hbm>> -> memref<624x128xf32, #tpu.memory_space<hbm>>
      %dma_wait3A_480 = arith.constant 0 : i32
      %dma_wait3A_481 = tpu.memref_slice %arg12[%mul3A_464, %dma_wait3A_480] : memref<10008x128xf32, #tpu.memory_space<vmem_shared>> -> memref<624x128xf32, #tpu.memory_space<vmem_shared>>
      tpu.wait_dma2 semaphore(%run_scoped3A : memref<!tpu.dma_semaphore, #tpu.memory_space<semaphore_mem>>) src(%dma_wait3A_481 : memref<624x128xf32, #tpu.memory_space<vmem_shared>>) dst(%dma_wait3A_479 : memref<624x128xf32, #tpu.memory_space<hbm>>)
      tpu.yield
    }) : () -> ()
    %eq3A_467 = arith.constant 0 : i32
    %eq3A_468 = arith.cmpi eq, %arg1, %eq3A_467 : i32
    %convert_element_type3A_469 = arith.extui %eq3A_468 : i1 to i32
    %cond3A_470 = arith.constant 0 : i32
    %cond3A_471 = arith.cmpi ne, %convert_element_type3A_469, %cond3A_470 : i32
    scf.if %cond3A_471 {
      "tpu.region"() ({
        %run_scoped3A = tpu.sem_alloc : memref<!tpu.dma_semaphore, #tpu.memory_space<semaphore_mem>>
        %dma_start3A_472 = arith.constant 9984 : i32
        %dma_start3A_473 = arith.constant 0 : i32
        %dma_start3A_474 = tpu.memref_slice %arg5[%arg0, %dma_start3A_472, %dma_start3A_473] : memref<2x10000x128xf32, #tpu.memory_space<hbm>> -> memref<1x16x128xf32, #tpu.memory_space<hbm>>
        %dma_start3A_475 = tpu.memref_squeeze %dma_start3A_474 : memref<1x16x128xf32, #tpu.memory_space<hbm>> -> memref<16x128xf32, #tpu.memory_space<hbm>>
        %dma_start3A_476 = arith.constant 9984 : i32
        %dma_start3A_477 = arith.constant 0 : i32
        %dma_start3A_478 = tpu.memref_slice %arg12[%dma_start3A_476, %dma_start3A_477] : memref<10008x128xf32, #tpu.memory_space<vmem_shared>> -> memref<16x128xf32, #tpu.memory_space<vmem_shared>>
        tpu.enqueue_dma source(%dma_start3A_478 : memref<16x128xf32, #tpu.memory_space<vmem_shared>>) target(%dma_start3A_475 : memref<16x128xf32, #tpu.memory_space<hbm>>) target_semaphore(%run_scoped3A : memref<!tpu.dma_semaphore, #tpu.memory_space<semaphore_mem>>)
        %dma_wait3A_479 = arith.constant 9984 : i32
        %dma_wait3A_480 = arith.constant 0 : i32
        %dma_wait3A_481 = tpu.memref_slice %arg5[%arg0, %dma_wait3A_479, %dma_wait3A_480] : memref<2x10000x128xf32, #tpu.memory_space<hbm>> -> memref<1x16x128xf32, #tpu.memory_space<hbm>>
        %dma_wait3A_482 = tpu.memref_squeeze %dma_wait3A_481 : memref<1x16x128xf32, #tpu.memory_space<hbm>> -> memref<16x128xf32, #tpu.memory_space<hbm>>
        %dma_wait3A_483 = arith.constant 9984 : i32
        %dma_wait3A_484 = arith.constant 0 : i32
        %dma_wait3A_485 = tpu.memref_slice %arg12[%dma_wait3A_483, %dma_wait3A_484] : memref<10008x128xf32, #tpu.memory_space<vmem_shared>> -> memref<16x128xf32, #tpu.memory_space<vmem_shared>>
        tpu.wait_dma2 semaphore(%run_scoped3A : memref<!tpu.dma_semaphore, #tpu.memory_space<semaphore_mem>>) src(%dma_wait3A_485 : memref<16x128xf32, #tpu.memory_space<vmem_shared>>) dst(%dma_wait3A_482 : memref<16x128xf32, #tpu.memory_space<hbm>>)
        tpu.yield
      }) : () -> ()
    } else {
    }
    return
  }
}

module attributes {stable_mosaic.version = 14 : i64} {
  func.func @_tc1_body(%arg0: memref<10000x128xf32, #tpu.memory_space<vmem>>, %arg1: memref<128x128xf32, #tpu.memory_space<vmem>>, %arg2: memref<2x10000x16xf32, #tpu.memory_space<vmem>>, %arg3: memref<2x10000x128xf32, #tpu.memory_space<vmem>>, %arg4: memref<10000x1xf32, #tpu.memory_space<vmem>>) attributes {dimension_semantics = [], scalar_prefetch = 0 : i64, scratch_operands = 0 : i64, tpu.core_type = #tpu.core_type<tc>} {
    %get3A = arith.constant 0 : index
    %get3A_0 = arith.constant 0 : index
    %get3A_1 = arith.constant 0 : index
    %get3A_2 = vector.load %arg2[%get3A, %get3A_0, %get3A_1] : memref<2x10000x16xf32, #tpu.memory_space<vmem>>, vector<1x10000x1xf32>
    %get3A_3 = vector.shape_cast %get3A_2 : vector<1x10000x1xf32> to vector<10000x1xf32>
    %get3A_4 = arith.constant 1 : index
    %get3A_5 = arith.constant 0 : index
    %get3A_6 = arith.constant 0 : index
    %get3A_7 = vector.load %arg2[%get3A_4, %get3A_5, %get3A_6] : memref<2x10000x16xf32, #tpu.memory_space<vmem>>, vector<1x10000x1xf32>
    %get3A_8 = vector.shape_cast %get3A_7 : vector<1x10000x1xf32> to vector<10000x1xf32>
    %add3A = arith.addf %get3A_3, %get3A_8 : vector<10000x1xf32>
    %add3A_9 = arith.constant 1.000000e+00 : f32
    %add3A_10 = vector.broadcast %add3A_9 : f32 to vector<10000x1xf32>
    %add3A_11 = arith.addf %add3A, %add3A_10 : vector<10000x1xf32>
    %rsqrt3A = math.rsqrt %add3A_11 : vector<10000x1xf32>
    %get3A_12 = arith.constant 0 : index
    %get3A_13 = arith.constant 0 : index
    %get3A_14 = vector.load %arg0[%get3A_12, %get3A_13] : memref<10000x128xf32, #tpu.memory_space<vmem>>, vector<10000x128xf32>
    %get3A_15 = arith.constant 0 : index
    %get3A_16 = arith.constant 0 : index
    %get3A_17 = vector.load %arg1[%get3A_15, %get3A_16] : memref<128x128xf32, #tpu.memory_space<vmem>>, vector<128x128xf32>
    %dot_general3A = arith.constant dense<0.000000e+00> : vector<10000x128xf32>
    %dot_general3A_18 = tpu.matmul %get3A_14, %get3A_17, %dot_general3A {dimension_numbers = #tpu.dot_dimension_numbers<[1], [0], [0], [1], [0, 0, 1, 1], [], []>, transpose_lhs_hint = false} : vector<10000x128xf32>, vector<128x128xf32>, vector<10000x128xf32> -> vector<10000x128xf32>
    %mul3A = vector.broadcast %rsqrt3A : vector<10000x1xf32> to vector<10000x128xf32>
    %mul3A_19 = arith.mulf %dot_general3A_18, %mul3A : vector<10000x128xf32>
    %swap3A = arith.constant 0 : index
    %swap3A_20 = arith.constant 0 : index
    %swap3A_21 = arith.constant 0 : index
    %swap3A_22 = vector.load %arg3[%swap3A, %swap3A_20, %swap3A_21] : memref<2x10000x128xf32, #tpu.memory_space<vmem>>, vector<1x10000x128xf32>
    %swap3A_23 = vector.shape_cast %swap3A_22 : vector<1x10000x128xf32> to vector<10000x128xf32>
    %swap3A_24 = vector.shape_cast %mul3A_19 : vector<10000x128xf32> to vector<1x10000x128xf32>
    tpu.vector_store %arg3[%swap3A, %swap3A_20, %swap3A_21], %swap3A_24 {strides = array<i32>} : memref<2x10000x128xf32, #tpu.memory_space<vmem>>, vector<1x10000x128xf32>,
    %swap3A_25 = arith.constant 1 : index
    %swap3A_26 = arith.constant 0 : index
    %swap3A_27 = arith.constant 0 : index
    %swap3A_28 = vector.load %arg3[%swap3A_25, %swap3A_26, %swap3A_27] : memref<2x10000x128xf32, #tpu.memory_space<vmem>>, vector<1x10000x128xf32>
    %swap3A_29 = vector.shape_cast %swap3A_28 : vector<1x10000x128xf32> to vector<10000x128xf32>
    %swap3A_30 = vector.shape_cast %mul3A_19 : vector<10000x128xf32> to vector<1x10000x128xf32>
    tpu.vector_store %arg3[%swap3A_25, %swap3A_26, %swap3A_27], %swap3A_30 {strides = array<i32>} : memref<2x10000x128xf32, #tpu.memory_space<vmem>>, vector<1x10000x128xf32>,
    %swap3A_31 = arith.constant 0 : index
    %swap3A_32 = arith.constant 0 : index
    %swap3A_33 = vector.load %arg4[%swap3A_31, %swap3A_32] : memref<10000x1xf32, #tpu.memory_space<vmem>>, vector<10000x1xf32>
    tpu.vector_store %arg4[%swap3A_31, %swap3A_32], %rsqrt3A {strides = array<i32>} : memref<10000x1xf32, #tpu.memory_space<vmem>>, vector<10000x1xf32>,
    return
  }
}

module attributes {stable_mosaic.version = 14 : i64} {
  func.func @_tc2_body(%arg0: memref<2x10000x128xf32, #tpu.memory_space<vmem>>, %arg1: memref<2x10000x128xf32, #tpu.memory_space<vmem>>, %arg2: memref<10000x1xf32, #tpu.memory_space<vmem>>, %arg3: memref<1x128xf32, #tpu.memory_space<vmem>>, %arg4: memref<128x128xf32, #tpu.memory_space<vmem>>, %arg5: memref<2x10000x128xf32, #tpu.memory_space<vmem>>) attributes {dimension_semantics = [], scalar_prefetch = 0 : i64, scratch_operands = 0 : i64, tpu.core_type = #tpu.core_type<tc>} {
    %get3A = arith.constant 0 : index
    %get3A_0 = arith.constant 0 : index
    %get3A_1 = arith.constant 0 : index
    %get3A_2 = vector.load %arg0[%get3A, %get3A_0, %get3A_1] : memref<2x10000x128xf32, #tpu.memory_space<vmem>>, vector<1x10000x128xf32>
    %get3A_3 = vector.shape_cast %get3A_2 : vector<1x10000x128xf32> to vector<10000x128xf32>
    %get3A_4 = arith.constant 1 : index
    %get3A_5 = arith.constant 0 : index
    %get3A_6 = arith.constant 0 : index
    %get3A_7 = vector.load %arg0[%get3A_4, %get3A_5, %get3A_6] : memref<2x10000x128xf32, #tpu.memory_space<vmem>>, vector<1x10000x128xf32>
    %get3A_8 = vector.shape_cast %get3A_7 : vector<1x10000x128xf32> to vector<10000x128xf32>
    %add3A = arith.addf %get3A_3, %get3A_8 : vector<10000x128xf32>
    %get3A_9 = arith.constant 0 : index
    %get3A_10 = arith.constant 0 : index
    %get3A_11 = arith.constant 0 : index
    %get3A_12 = vector.load %arg1[%get3A_9, %get3A_10, %get3A_11] : memref<2x10000x128xf32, #tpu.memory_space<vmem>>, vector<1x10000x128xf32>
    %get3A_13 = vector.shape_cast %get3A_12 : vector<1x10000x128xf32> to vector<10000x128xf32>
    %add3A_14 = arith.addf %add3A, %get3A_13 : vector<10000x128xf32>
    %get3A_15 = arith.constant 0 : index
    %get3A_16 = arith.constant 0 : index
    %get3A_17 = vector.load %arg2[%get3A_15, %get3A_16] : memref<10000x1xf32, #tpu.memory_space<vmem>>, vector<10000x1xf32>
    %mul3A = vector.broadcast %get3A_17 : vector<10000x1xf32> to vector<10000x128xf32>
    %mul3A_18 = arith.mulf %add3A_14, %mul3A : vector<10000x128xf32>
    %get3A_19 = arith.constant 0 : index
    %get3A_20 = arith.constant 0 : index
    %get3A_21 = vector.load %arg3[%get3A_19, %get3A_20] : memref<1x128xf32, #tpu.memory_space<vmem>>, vector<1x128xf32>
    %add3A_22 = vector.broadcast %get3A_21 : vector<1x128xf32> to vector<10000x128xf32>
    %add3A_23 = arith.addf %mul3A_18, %add3A_22 : vector<10000x128xf32>
    %max3A = arith.constant 0.000000e+00 : f32
    %max3A_24 = vector.broadcast %max3A : f32 to vector<10000x128xf32>
    %max3A_25 = arith.maximumf %add3A_23, %max3A_24 : vector<10000x128xf32>
    %get3A_26 = arith.constant 0 : index
    %get3A_27 = arith.constant 0 : index
    %get3A_28 = vector.load %arg4[%get3A_26, %get3A_27] : memref<128x128xf32, #tpu.memory_space<vmem>>, vector<128x128xf32>
    %dot_general3A = arith.constant dense<0.000000e+00> : vector<10000x128xf32>
    %dot_general3A_29 = tpu.matmul %max3A_25, %get3A_28, %dot_general3A {dimension_numbers = #tpu.dot_dimension_numbers<[1], [0], [0], [1], [0, 0, 1, 1], [], []>, transpose_lhs_hint = false} : vector<10000x128xf32>, vector<128x128xf32>, vector<10000x128xf32> -> vector<10000x128xf32>
    %get3A_30 = arith.constant 0 : index
    %get3A_31 = arith.constant 0 : index
    %get3A_32 = vector.load %arg2[%get3A_30, %get3A_31] : memref<10000x1xf32, #tpu.memory_space<vmem>>, vector<10000x1xf32>
    %mul3A_33 = vector.broadcast %get3A_32 : vector<10000x1xf32> to vector<10000x128xf32>
    %mul3A_34 = arith.mulf %dot_general3A_29, %mul3A_33 : vector<10000x128xf32>
    %swap3A = arith.constant 0 : index
    %swap3A_35 = arith.constant 0 : index
    %swap3A_36 = arith.constant 0 : index
    %swap3A_37 = vector.load %arg5[%swap3A, %swap3A_35, %swap3A_36] : memref<2x10000x128xf32, #tpu.memory_space<vmem>>, vector<1x10000x128xf32>
    %swap3A_38 = vector.shape_cast %swap3A_37 : vector<1x10000x128xf32> to vector<10000x128xf32>
    %swap3A_39 = vector.shape_cast %mul3A_34 : vector<10000x128xf32> to vector<1x10000x128xf32>
    tpu.vector_store %arg5[%swap3A, %swap3A_35, %swap3A_36], %swap3A_39 {strides = array<i32>} : memref<2x10000x128xf32, #tpu.memory_space<vmem>>, vector<1x10000x128xf32>,
    %swap3A_40 = arith.constant 1 : index
    %swap3A_41 = arith.constant 0 : index
    %swap3A_42 = arith.constant 0 : index
    %swap3A_43 = vector.load %arg5[%swap3A_40, %swap3A_41, %swap3A_42] : memref<2x10000x128xf32, #tpu.memory_space<vmem>>, vector<1x10000x128xf32>
    %swap3A_44 = vector.shape_cast %swap3A_43 : vector<1x10000x128xf32> to vector<10000x128xf32>
    %swap3A_45 = vector.shape_cast %mul3A_34 : vector<10000x128xf32> to vector<1x10000x128xf32>
    tpu.vector_store %arg5[%swap3A_40, %swap3A_41, %swap3A_42], %swap3A_45 {strides = array<i32>} : memref<2x10000x128xf32, #tpu.memory_space<vmem>>, vector<1x10000x128xf32>,
    return
  }
}

module attributes {stable_mosaic.version = 14 : i64} {
  func.func @_tc3_body(%arg0: memref<2x10000x128xf32, #tpu.memory_space<vmem>>, %arg1: memref<2x10000x128xf32, #tpu.memory_space<vmem>>, %arg2: memref<10000x1xf32, #tpu.memory_space<vmem>>, %arg3: memref<1x128xf32, #tpu.memory_space<vmem>>, %arg4: memref<128x1xf32, #tpu.memory_space<vmem>>, %arg5: memref<1x1xf32, #tpu.memory_space<vmem>>, %arg6: memref<10000x1xf32, #tpu.memory_space<vmem>>) attributes {dimension_semantics = [], scalar_prefetch = 0 : i64, scratch_operands = 0 : i64, tpu.core_type = #tpu.core_type<tc>} {
    %get3A = arith.constant 0 : index
    %get3A_0 = arith.constant 0 : index
    %get3A_1 = arith.constant 0 : index
    %get3A_2 = vector.load %arg0[%get3A, %get3A_0, %get3A_1] : memref<2x10000x128xf32, #tpu.memory_space<vmem>>, vector<1x10000x128xf32>
    %get3A_3 = vector.shape_cast %get3A_2 : vector<1x10000x128xf32> to vector<10000x128xf32>
    %get3A_4 = arith.constant 1 : index
    %get3A_5 = arith.constant 0 : index
    %get3A_6 = arith.constant 0 : index
    %get3A_7 = vector.load %arg0[%get3A_4, %get3A_5, %get3A_6] : memref<2x10000x128xf32, #tpu.memory_space<vmem>>, vector<1x10000x128xf32>
    %get3A_8 = vector.shape_cast %get3A_7 : vector<1x10000x128xf32> to vector<10000x128xf32>
    %add3A = arith.addf %get3A_3, %get3A_8 : vector<10000x128xf32>
    %get3A_9 = arith.constant 0 : index
    %get3A_10 = arith.constant 0 : index
    %get3A_11 = arith.constant 0 : index
    %get3A_12 = vector.load %arg1[%get3A_9, %get3A_10, %get3A_11] : memref<2x10000x128xf32, #tpu.memory_space<vmem>>, vector<1x10000x128xf32>
    %get3A_13 = vector.shape_cast %get3A_12 : vector<1x10000x128xf32> to vector<10000x128xf32>
    %add3A_14 = arith.addf %add3A, %get3A_13 : vector<10000x128xf32>
    %get3A_15 = arith.constant 0 : index
    %get3A_16 = arith.constant 0 : index
    %get3A_17 = vector.load %arg2[%get3A_15, %get3A_16] : memref<10000x1xf32, #tpu.memory_space<vmem>>, vector<10000x1xf32>
    %mul3A = vector.broadcast %get3A_17 : vector<10000x1xf32> to vector<10000x128xf32>
    %mul3A_18 = arith.mulf %add3A_14, %mul3A : vector<10000x128xf32>
    %get3A_19 = arith.constant 0 : index
    %get3A_20 = arith.constant 0 : index
    %get3A_21 = vector.load %arg3[%get3A_19, %get3A_20] : memref<1x128xf32, #tpu.memory_space<vmem>>, vector<1x128xf32>
    %add3A_22 = vector.broadcast %get3A_21 : vector<1x128xf32> to vector<10000x128xf32>
    %add3A_23 = arith.addf %mul3A_18, %add3A_22 : vector<10000x128xf32>
    %max3A = arith.constant 0.000000e+00 : f32
    %max3A_24 = vector.broadcast %max3A : f32 to vector<10000x128xf32>
    %max3A_25 = arith.maximumf %add3A_23, %max3A_24 : vector<10000x128xf32>
    %get3A_26 = arith.constant 0 : index
    %get3A_27 = arith.constant 0 : index
    %get3A_28 = vector.load %arg4[%get3A_26, %get3A_27] : memref<128x1xf32, #tpu.memory_space<vmem>>, vector<128x1xf32>
    %dot_general3A = arith.constant dense<0.000000e+00> : vector<10000x1xf32>
    %dot_general3A_29 = tpu.matmul %max3A_25, %get3A_28, %dot_general3A {dimension_numbers = #tpu.dot_dimension_numbers<[1], [0], [0], [1], [0, 0, 1, 1], [], []>, transpose_lhs_hint = false} : vector<10000x128xf32>, vector<128x1xf32>, vector<10000x1xf32> -> vector<10000x1xf32>
    %get3A_30 = arith.constant 0 : index
    %get3A_31 = arith.constant 0 : index
    %get3A_32 = vector.load %arg5[%get3A_30, %get3A_31] : memref<1x1xf32, #tpu.memory_space<vmem>>, vector<1x1xf32>
    %add3A_33 = vector.broadcast %get3A_32 : vector<1x1xf32> to vector<10000x1xf32>
    %add3A_34 = arith.addf %dot_general3A_29, %add3A_33 : vector<10000x1xf32>
    %swap3A = arith.constant 0 : index
    %swap3A_35 = arith.constant 0 : index
    %swap3A_36 = vector.load %arg6[%swap3A, %swap3A_35] : memref<10000x1xf32, #tpu.memory_space<vmem>>, vector<10000x1xf32>
    tpu.vector_store %arg6[%swap3A, %swap3A_35], %add3A_34 {strides = array<i32>} : memref<10000x1xf32, #tpu.memory_space<vmem>>, vector<10000x1xf32>,
    return
  }
}

</mosaic_0001>

<sc_bundles>
// kernel: kernel.11.cloned.1.call-start
scs
__scs_entry_jumppad:
0x0: {  	(pc) =	sbr.rel $0x88, $3  }
0x1: {  	(tag) =	ssettag $0x0;
	lr =	simm.s32 $0x1  }
0x2: {  	[smem:$0x3F99] =	sst lr;
	_ =	strace $0xD0000000  }
0x3: {  	_ = 	snop  }
0x4: {  	_ = 	snop  }
0x5: {  	_ = 	snop  }
0x6: {  	_ = 	snop  }
0x7: {  	_ = 	snop  }
__scs_overlays_trampoline_lowered:
0x8: {  	[smem:$0x3FA8] =	sst s0  }
0x9: {  	[smem:$0x3FA9] =	sst s1  }
0xa: {  	[smem:$0x3FAA] =	sst s2  }
0xb: {  	[smem:$0x3FAB] =	sst s3  }
0xc: {  	[smem:$0x3FAC] =	sst s4  }
0xd: {  	[smem:$0x3FAD] =	sst s5  }
0xe: {  	[smem:$0x3FAE] =	sst s6  }
0xf: {  	[smem:$0x3FAF] =	sst s7  }
0x10: {  	[smem:$0x3FB0] =	sst s8  }
0x11: {  	[smem:$0x3FB1] =	sst s9;
	s0 =	simm.s32 @!p0 $0x0  }
0x12: {  	s1 =	sld [smem:$0x3F97];
	s0 =	simm.s32 @p0 $0x1  }
0x13: {  	[smem:$0x3FB2] =	sst s0;
	s0 =	simm.s32 @!p1 $0x0  }
0x14: {  	s2 =	sld [smem:$0x3F96];
	s0 =	simm.s32 @p1 $0x1  }
0x15: {  	[smem:$0x3FB3] =	sst s0;
	s0 =	simm.s32 @!p2 $0x0  }
0x16: {  	s3 =	sld [smem:$0x3FDB];
	s0 =	simm.s32 @p2 $0x1  }
0x17: {  	s4 =	simm.s32 $0x1BF5;
	[smem:$0x3FB5] =	sst s0  }
0x18: {  	s0 =	sld [smem:$0x3F98];
	_ =	swait.ge [sflag:s4], $0x0  }
0x19: {  	s7 =	sld [smem:$0x3F99]  }
0x1a: {  	s8 =	sadd.s32 $0xFFFFE003, lr  }
0x1b: {  	s9 =	sadd.s32 $0xFFFFFEF7, lr;
	s5 =	simm.s32 $0xFFFFFFFF;
	p2 =	slt.u32 s8, $0xFFFFF086  }
0x1c: {  	p1 =	slt.u32 s9, $0xF7A;
	s5 =	simm.s32 @!p2 $0x0  }
0x1d: {  	s5 =	simm.s32 @p1 $0x1;
	p0 =	seq.s32 s7, s2  }
0x1e: {  	s7 =	smul.u32 @!p0 $0xF7A, s2;
	p2 =	seq.s32 @!p0 s5, $0x0  }
0x1f: {  	s9 =	smul.u32 $0xF7A, s1;
	s8 =	simm.s32 @!p0 $0x1BF5;
	p2 =	por !p2, p0  }
0x20: {  	[sflag:s8] =	ssyncset.s32 @!p0 $0xFFFFF086;
	s6 =	sadd.s32 @!p0 s3, s7;
	s7 =	simm.s32 @!p0 $0x108  }
0x21: {  	s3 =	sadd.s32 s3, s9;
	s6 =	sadd.s32 @!p0 $0x88, s6;
	s7 =	simm.s32 @p2 $0x1082  }
0x22: {  	[simem:s7], [sflag:s8] =	dma.local @!p0 [hbm:s6], $0xF7A  }
0x23: {  	s9 =	sor.u32 $0xD0000000, s2;
	s6 =	simm.s32 $0x108;
	_ =	swait.ge @!p0 [sflag:s8], $0x0  }
0x24: {  	s3 =	sadd.s32 $0x88, s3;
	s6 =	simm.s32 @!p1 $0x1082;
	[sflag:s4] =	ssyncset.s32 $0xFFFFF086  }
0x25: {  	[simem:s6], [sflag:s4] =	dma.local [hbm:s3], $0xF7A  }
0x26: {  	[smem:$0x3F99] =	sst s1;
	(tag) =	ssettag s2;
	_ =	strace s9  }
0x27: {  	s1 =	sld [smem:$0x3FA9]  }
0x28: {  	s2 =	sld [smem:$0x3FAA]  }
0x29: {  	s4 =	sld [smem:$0x3FAC]  }
0x2a: {  	p0 =	seq.s32 s5, $0x0;
	s5 =	sld [smem:$0x3FAD]  }
0x2b: {  	s6 =	sld [smem:$0x3FAE]  }
0x2c: {  	s7 =	sld [smem:$0x3FAF]  }
0x2d: {  	s3 =	simm.s32 $0x108;
	s8 =	sld [smem:$0x3FB0]  }
0x2e: {  	s3 =	simm.s32 @!p0 $0x1082;
	s9 =	sld [smem:$0x3FB1]  }
0x2f: {  	lr =	sadd.s32 s0, s3;
	s0 =	sld [smem:$0x3FA8]  }
0x30: {  	s3 =	sld [smem:$0x3FAB]  }
0x31: {  	[smem:$0x3FB4] =	sst s10  }
0x32: {  	s10 =	sld [smem:$0x3FB2];
	_ =	sdelay $0x3  }
0x33: {  	p0 =	seq.s32 s10, $0x1;
	s10 =	sld [smem:$0x3FB4];
	_ =	sdelay $0x3  }
0x34: {  	[smem:$0x3FB4] =	sst s10  }
0x35: {  	s10 =	sld [smem:$0x3FB3];
	_ =	sdelay $0x3  }
0x36: {  	p1 =	seq.s32 s10, $0x1;
	s10 =	sld [smem:$0x3FB4];
	_ =	sdelay $0x3  }
0x37: {  	[smem:$0x3FB4] =	sst s10  }
0x38: {  	s10 =	sld [smem:$0x3FB5]  }
0x39: {  	_ = 	snop;
	(pc) =	sbr.ind lr, $3  }
0x3a: {  	_ = 	snop  }
0x3b: {  	_ = 	snop  }
0x3c: {  	p2 =	seq.s32 s10, $0x1;
	s10 =	sld [smem:$0x3FB4]  }
0x3d: {  	_ =	shalt  }
0x3e: {  	_ =	shalt  }
0x3f: {  	_ =	shalt  }
0x40: {  	_ =	shalt  }
0x41: {  	_ =	shalt  }
0x42: {  	_ =	shalt  }
0x43: {  	_ =	shalt  }
0x44: {  	_ =	shalt  }
0x45: {  	_ =	shalt  }
0x46: {  	_ =	shalt  }
0x47: {  	_ =	shalt  }
0x48: {  	_ =	shalt  }
0x49: {  	_ =	shalt  }
0x4a: {  	_ =	shalt  }
0x4b: {  	_ =	shalt  }
0x4c: {  	_ =	shalt  }
0x4d: {  	_ =	shalt  }
0x4e: {  	_ =	shalt  }
0x4f: {  	_ =	shalt  }
0x50: {  	_ =	shalt  }
0x51: {  	_ =	shalt  }
0x52: {  	_ =	shalt  }
0x53: {  	_ =	shalt  }
0x54: {  	_ =	shalt  }
0x55: {  	_ =	shalt  }
0x56: {  	_ =	shalt  }
0x57: {  	_ =	shalt  }
0x58: {  	_ =	shalt  }
0x59: {  	_ =	shalt  }
0x5a: {  	_ =	shalt  }
0x5b: {  	_ =	shalt  }
0x5c: {  	_ =	shalt  }
0x5d: {  	_ =	shalt  }
0x5e: {  	_ =	shalt  }
0x5f: {  	_ =	shalt  }
0x60: {  	_ =	shalt  }
0x61: {  	_ =	shalt  }
0x62: {  	_ =	shalt  }
0x63: {  	_ =	shalt  }
0x64: {  	_ =	shalt  }
0x65: {  	_ =	shalt  }
0x66: {  	_ =	shalt  }
0x67: {  	_ =	shalt  }
0x68: {  	_ =	shalt  }
0x69: {  	_ =	shalt  }
0x6a: {  	_ =	shalt  }
0x6b: {  	_ =	shalt  }
0x6c: {  	_ =	shalt  }
0x6d: {  	_ =	shalt  }
0x6e: {  	_ =	shalt  }
0x6f: {  	_ =	shalt  }
0x70: {  	_ =	shalt  }
0x71: {  	_ =	shalt  }
0x72: {  	_ =	shalt  }
0x73: {  	_ =	shalt  }
0x74: {  	_ =	shalt  }
0x75: {  	_ =	shalt  }
0x76: {  	_ =	shalt  }
0x77: {  	_ =	shalt  }
0x78: {  	_ =	shalt  }
0x79: {  	_ =	shalt  }
0x7a: {  	_ =	shalt  }
0x7b: {  	_ =	shalt  }
0x7c: {  	_ =	shalt  }
0x7d: {  	_ =	shalt  }
0x7e: {  	_ =	shalt  }
0x7f: {  	_ =	shalt  }
0x80: {  	_ =	shalt  }
0x81: {  	_ =	shalt  }
0x82: {  	_ =	shalt  }
0x83: {  	_ =	shalt  }
0x84: {  	_ =	shalt  }
0x85: {  	_ =	shalt  }
0x86: {  	_ =	shalt  }
0x87: {  	_ =	shalt  }
.Lfunc_end0:
.L_simem_size_0:
called_computation.1_lowered:
.L_overlay_start_0:
0x88: {  	s2 =	sld [smem:$0x3FD9]  }
0x89: {  	s3 =	sld [smem:$0x3FFE];
	_ =	sdelay $0x1  }
0x8a: {  	s1 =	srdreg.scid  }
0x8b: {  	s0 =	sand.u32 $0x1, s1  }
0x8c: {  	s16 =	sshll.u32 s0, $0xA;
	s2 =	sadd.s32 s3, s2  }
0x8d: {  	s2 =	sadd.s32 s2, s16  }
0x8e: {  	[smem:$0x3FC0] =	sst s2  }
0x8f: {  	_ = 	snop  }
0x90: {  	(tm) =	ssettm $0x1  }
0x91: {  	s17 =	sld [smem:$0x3FFB];
	_ =	sdelay $0x3  }
0x92: {  	_ =	strace s17  }
0x93: {  	s2 =	sld [smem:$0x3FFC];
	_ =	sdelay $0x3  }
0x94: {  	_ =	strace s2  }
0x95: {  	s2 =	sld [smem:$0x3FFD];
	_ =	sdelay $0x3  }
0x96: {  	_ =	strace s2  }
0x97: {  	_ =	strace $0x8FFFFFFF  }
0x98: {  	s18 =	sld [smem:$0x3FDB];
	_ =	sdelay $0x1  }
0x99: {  	s19 =	simm.s32 $_scs_section_size  }
0x9a: {  	s4 =	simm.s32 $_size__tile_overlayer_lowered;
	s5 =	simm.s32 $_tile_overlayer_lowered  }
0x9b: {  	s22 =	simm.s32 $0x1BFF;
	s21 =	sshll.u32 s5, $0x1;
	s2 =	sadd.s32 s19, s18  }
0x9c: {  	s6 =	simm.s32 $0x0;
	s20 =	sshll.u32 s4, $0x1;
	s4 =	sadd.s32 s21, s2  }
0x9d: {  	[timem:s6], [sflag:s22] =	dma.local [hbm:s4], s20  }
0x9e: {  	_ =	swait.ge [sflag:s22], s20  }
0x9f: {  	s3 =	ssub.s32 $0x0, s20;
	[sflag:s22] =	ssyncset.done $0x0  }
0xa0: {  	[sflag:s22] =	ssyncadd.s32 s3;
	_ =	sdelay $0x1  }
0xa1: {  	s23 =	simm.s32 $0x1B8B  }
0xa2: {  	_ =	swait.ge [sflag:s23], $0x1  }
0xa3: {  	[sflag:s23] =	ssyncset.done $0x0  }
0xa4: {  	s25 =	simm.s32 $0x1B8E;
	s24 =	sld [smem:$0x3FFE];
	[sflag:s23] =	ssyncadd.s32 $0xFFFFFFFF  }
0xa5: {  	s26 =	simm.s32 $execute0_lowered;
	[smem:$0x3FD2] =	sst s25  }
0xa6: {  	s4 =	sshll.u32 s26, $0x1;
	_ =	strace $0x80000049;
	[dreg:$0x1] =	wrdreg $0xFFFFFFFF  }
0xa7: {  	s28 =	simm.s32 $_size_execute0_lowered;
	s2 =	sadd.s32 s2, s4;
	[dreg:$0x0] =	wrdreg $0x0  }
0xa8: {  	s4 =	sshll.u32 s28, $0x1;
	[dreg:$0x2] =	wrdreg s2  }
0xa9: {  	[dreg:$0x3] =	wrdreg s4  }
0xaa: {  	[dreg:$0x4] =	wrdreg $0xC0  }
0xab: {  	_ =	task [dreg:s6], $0x5FFFF  }
0xac: {  	[dreg:$0x1] =	wrdreg $0xFFFFFFFF  }
0xad: {  	[dreg:$0x0] =	wrdreg $0x60  }
0xae: {  	[dreg:$0x2] =	wrdreg s24  }
0xaf: {  	[dreg:$0x3] =	wrdreg $0xBC000  }
0xb0: {  	[dreg:$0x4] =	wrdreg $0x9  }
0xb1: {  	_ =	task.clear_ibuf [dreg:s6], $0x5FFFF;
	_ =	strace $0x90000049  }
0xb2: {  	s29 =	simm.s32 $0x9;
	_ =	strace $0x8000004B  }
0xb3: {  	_ =	swait.ge [sflag:s29], $0x1  }
0xb4: {  	[sflag:s29] =	ssyncadd.s32 $0xFFFFFFFF  }
0xb5: {  	_ =	strace $0x9000004B  }
0xb6: {  	_ =	sfence  }
0xb7: {  	s30 =	sld [smem:$0x0];
	_ =	sdelay $0x2  }
0xb8: {  	s31 =	sshll.u32 s1, $0xD;
	s1 =	sshrl.u32 s1, $0x2  }
0xb9: {  	s3 =	sand.u32 $0x4000, s31;
	s1 =	sadd.s32 s1, s30  }
0xba: {  	s0 =	sor.u32 s3, s0;
	s1 =	sshll.u32 s1, $0x11  }
0xbb: {  	s0 =	sor.u32 s1, s0  }
0xbc: {  	s0 =	sadd.s32 $0x8F2B, s0  }
0xbd: {  	[sflag:s0] =	ssyncadd.remote.s32 $0x1  }
0xbe: {  	_ =	sfence.sel $0xFFFF  }
0xbf: {  	[dreg:$0x0] =	wrdreg $0xFFFFFFFF;
	(pc) =	sbr.abs _section_cstart, $3  }
0xc0: {  	[dreg:$0x1] =	wrdreg $0xFFFFFFFF  }
0xc1: {  	_ =	task.clear_ibuf [dreg:s6], $0x2FFFF;
	_ =	strace $0x9FFFFFFF  }
0xc2: {  	(tm) =	ssettm $0x7FFFFFFF  }
0xc3: {  	_ =	shalt  }
tec
execute0_lowered:
.L_overlay_start_1:
0x0: {  	(tag) =	ssettag $0x1  }
0x1: {  	s0 =	srdreg.scid;
	s5 =	rddreg [dreg:$0x0]  }
0x2: {  	s13 =	stileid.u32;
	s2 =	rddreg [dreg:$0x1]  }
0x3: {  	s3 =	simm.s32 $0x0;
	s22 =	simm.s32 $0x3480;
	s24 =	simm.s32 $0x3500  }
0x4: {  	s26 =	simm.s32 $0x3580;
	s0 =	sand.u32 $0x1, s0;
	s1 =	sshll.u32 s13, $0x1  }
0x5: {  	s14 =	sshrl.u32 s13, $0x2;
	[smem:$0x7FF] =	sst s3;
	s10 =	smul.u32 $0x4E000, s13  }
0x6: {  	s12 =	sadd.s32 $0x63A00, s5;
	_ =	strace $0x8000004A;
	[dreg:$0x3] =	wrdreg s22  }
0x7: {  	s6 =	sor.u32 s0, s1;
	s1 =	smul.u32 $0x14000, s14;
	[dreg:$0x4] =	wrdreg s24  }
0x8: {  	s7 =	smul.u32 $0x138800, s0;
	s11 =	ssub.s32 $0x2, s0;
	[dreg:$0x5] =	wrdreg s26  }
0x9: {  	s14 =	smul.u32 $0x13800, s13;
	s24 =	simm.s32 $0x3A80;
	s26 =	simm.s32 $0x3B00  }
0xa: {  	s4 =	sshll.u32 s6, $0x7;
	s6 =	smul.u32 $0x2800, s6;
	[dreg:$0xe] =	wrdreg s24  }
0xb: {  	s15 =	sshrl.u32 s11, $0x1;
	s10 =	sshrl.u32 s10, $0x2;
	[dreg:$0xf] =	wrdreg s26  }
0xc: {  	s4 =	sand.u32 $0x380, s4;
	s8 =	sshrl.u32 s7, $0x3;
	s11 =	ssub.s32 s11, s15  }
0xd: {  	s15 =	simm.s32 $0x3680;
	s7 =	sadd.s32 s14, s7;
	s1 =	sor.u32 s1, s4  }
0xe: {  	[dreg:$0x7] =	wrdreg s15;
	s7 =	sshrl.u32 s7, $0x3;
	s14 =	smax.u32 s11, $0x1  }
0xf: {  	s4 =	sshrl.u32 s1, $0x3;
	s1 =	sadd.s32 s8, s5;
	s7 =	sadd.s32 s12, s7  }
0x10: {  	[smem:$0x7F2] =	sst s14;
	s9 =	sadd.s32 s4, s5;
	s4 =	sadd.s32 $0x1800, s5  }
0x11: {  	s5 =	sadd.s32 s10, s2;
	s10 =	simm.s32 $0x3600;
	[dreg:$0x1d] =	wrdreg s7  }
0x12: {  	s6 =	sshrl.u32 s6, $0x3;
	s9 =	sadd.s32 $0x59A00, s9;
	[dreg:$0x6] =	wrdreg s10  }
0x13: {  	s6 =	sadd.s32 s4, s6;
	[dreg:$0x11] =	wrdreg s9  }
0x14: {  	s16 =	sadd.s32 $0xC00, s5;
	[dreg:$0x12] =	wrdreg s6  }
0x15: {  	s17 =	sadd.s32 $0x1800, s5;
	[dreg:$0x13] =	wrdreg s16  }
0x16: {  	s18 =	sadd.s32 $0x2400, s5;
	[dreg:$0x14] =	wrdreg s17  }
0x17: {  	s19 =	sadd.s32 $0x3000, s5;
	[dreg:$0x15] =	wrdreg s18  }
0x18: {  	s20 =	sadd.s32 $0x3C00, s5;
	[dreg:$0x16] =	wrdreg s19  }
0x19: {  	s21 =	sadd.s32 $0x4800, s5;
	[dreg:$0x17] =	wrdreg s20  }
0x1a: {  	s23 =	sadd.s32 $0x5400, s5;
	[dreg:$0x18] =	wrdreg s21  }
0x1b: {  	s25 =	sadd.s32 $0x6000, s5;
	[dreg:$0x19] =	wrdreg s23  }
0x1c: {  	s22 =	smul.u32 $0x5000, s13;
	s31 =	sadd.s32 $0x6C00, s5;
	[dreg:$0x1a] =	wrdreg s25  }
0x1d: {  	s0 =	smul.u32 $0x2800, s0;
	s10 =	sadd.s32 $0x7800, s5;
	[dreg:$0x1b] =	wrdreg s31  }
0x1e: {  	s15 =	sadd.s32 $0x9C00, s5;
	[dreg:$0x1c] =	wrdreg s10  }
0x1f: {  	s0 =	sadd.s32 s0, s22;
	s22 =	sadd.s32 $0xE400, s5;
	[smem:$0x7F3] =	sst s15  }
0x20: {  	s24 =	sadd.s32 $0xFC00, s5;
	[smem:$0x7F9] =	sst s22  }
0x21: {  	s26 =	sadd.s32 $0x10800, s5;
	[smem:$0x7FB] =	sst s24  }
0x22: {  	s16 =	simm.s32 $0x3700;
	[smem:$0x7FC] =	sst s26  }
0x23: {  	s28 =	simm.s32 $0x6;
	s17 =	simm.s32 $0x3780;
	[dreg:$0x8] =	wrdreg s16  }
0x24: {  	s29 =	simm.s32 $0x4;
	s18 =	simm.s32 $0x3880;
	[dreg:$0x9] =	wrdreg s17  }
0x25: {  	s30 =	simm.s32 $0x0;
	s19 =	simm.s32 $0x3900;
	[dreg:$0xa] =	wrdreg s18  }
0x26: {  	p0 =	sne.s32 s13, $0x0;
	s21 =	simm.s32 $0x3980;
	[dreg:$0xb] =	wrdreg s19  }
0x27: {  	s13 =	simm.s32 $0x80;
	s23 =	simm.s32 $0x3A00;
	[dreg:$0xc] =	wrdreg s21  }
0x28: {  	s7 =	simm.s32 $0xC00;
	s25 =	sadd.s32 $0x8400, s5;
	[dreg:$0xd] =	wrdreg s23  }
0x29: {  	s11 =	sadd.s32 $0x12C00, s5;
	s9 =	sadd.s32 $0x9000, s5;
	[dreg:$0x1e] =	wrdreg s25  }
0x2a: {  	s20 =	sadd.s32 s12, s8;
	s31 =	simm.s32 $0x3B80;
	[dreg:$0x1f] =	wrdreg s9  }
0x2b: {  	s10 =	sor.u32 $0x400, s0;
	[dreg:$0x10] =	wrdreg s31;
	s12 =	sadd.s32 $0x27000, s20  }
0x2c: {  	s15 =	simm.s32 $0x3400;
	s16 =	sadd.s32 $0xA800, s5;
	[smem:$0x7F1] =	sst s12  }
0x2d: {  	s22 =	simm.s32 $0x7C00;
	s17 =	sadd.s32 $0xB400, s5;
	[smem:$0x7F4] =	sst s16  }
0x2e: {  	s26 =	simm.s32 $0x7;
	s18 =	sadd.s32 $0xC000, s5;
	[smem:$0x7F5] =	sst s17  }
0x2f: {  	s21 =	sadd.s32 $0xB800, s1;
	s19 =	sadd.s32 $0xCC00, s5;
	[smem:$0x7F6] =	sst s18  }
0x30: {  	s6 =	sshrl.u32 s10, $0x3;
	s20 =	sadd.s32 $0xD800, s5;
	[smem:$0x7F7] =	sst s19  }
0x31: {  	s1 =	sadd.s32 $0x800, s0;
	s23 =	sadd.s32 $0xF000, s5;
	[smem:$0x7F8] =	sst s20  }
0x32: {  	s31 =	sadd.s32 $0x11400, s5;
	s10 =	sadd.s32 $0x12000, s5;
	[smem:$0x7FA] =	sst s23  }
0x33: {  	s25 =	sadd.s32 s6, s4;
	[smem:$0x7FD] =	sst s31;
	s12 =	sadd.s32 $0x138000, s2  }
0x34: {  	s16 =	simm.s32 $0x2;
	s17 =	simm.s32 $0x1;
	s18 =	simm.s32 $0x3C00  }
0x35: {  	v0 =	vimm.f32 $0.0e+00;
	s19 =	simm.s32 $0x3800;
	s20 =	simm.s32 $0x3;
	s23 =	simm.s32 $0x5  }
.LBB2_1:
0x36: {  	s0 =	rddreg [dreg:$0x11];
	s6 =	simm.s32 $0x400  }
0x37: {  	[tilespmem:s7], [sflag:$0x1] =	stream.strided.gather [hbm4b:s0+s13], $0x2800, s6, s13, $0x38;
	[tilespmem:$0x1F4C0] =	vst v63  }
0x38: {  	s31 =	rddreg [dreg:$0x12];
	s0 =	simm.s32 $0x0;
	s6 =	simm.s32 $0x200  }
0x39: {  	[tilespmem:s15], [sflag:$0x3] =	stream.linear.gather [hbm4b:s31+s3], $0x400, $0x38;
	[tilespmem:$0x1F4C0] =	vst v63  }
.LBB2_2:
0x3a: {  	p1 =	sne.s32 s6, $0x2E00;
	[tilespmem:s0+$0x70] =	vst v0  }
0x3b: {  	[tilespmem:s0+$0x0] =	vst v0  }
0x3c: {  	[tilespmem:s0+$0x10] =	vst v0  }
.Ltmp0:
0x3d: {  	[tilespmem:s0+$0x20] =	vst v0;
	(pc) =	sbr.rel @p1 .LBB2_2-.Ltmp0, $4  }
0x3e: {  	[tilespmem:s0+$0x30] =	vst v0  }
0x3f: {  	[tilespmem:s0+$0x40] =	vst v0  }
0x40: {  	[tilespmem:s0+$0x50] =	vst v0  }
0x41: {  	[tilespmem:s0+$0x60] =	vst v0;
	s0 =	sshra.s32 s6, $0x2;
	s6 =	sadd.s32 $0x200, s6  }
0x42: {  	[tilespmem:s0+$0x70] =	vst v0  }
0x43: {  	[tilespmem:s0+$0x0] =	vst v0  }
0x44: {  	[tilespmem:s0+$0x10] =	vst v0  }
0x45: {  	[tilespmem:s0+$0x20] =	vst v0  }
0x46: {  	[tilespmem:s0+$0x30] =	vst v0  }
0x47: {  	[tilespmem:s0+$0x40] =	vst v0  }
0x48: {  	[tilespmem:s0+$0x50] =	vst v0  }
0x49: {  	[tilespmem:s0+$0x60] =	vst v0;
	s14 =	rddreg [dreg:$0x13]  }
0x4a: {  	[spmem:s5] =	stream.linear.scatter [tilespmem:s3], [sflag:$0x2], $0xC00, $0x38;
	[tilespmem:$0x1F4C0] =	vst v63  }
0x4b: {  	s24 =	rddreg [dreg:$0x14]  }
0x4c: {  	[spmem:s14] =	stream.linear.scatter [tilespmem:s3], [sflag:$0x2], $0xC00, $0x38;
	[tilespmem:$0x1F4C0] =	vst v63  }
0x4d: {  	s6 =	rddreg [dreg:$0x15]  }
0x4e: {  	[spmem:s24] =	stream.linear.scatter [tilespmem:s3], [sflag:$0x2], $0xC00, $0x38;
	[tilespmem:$0x1F4C0] =	vst v63  }
0x4f: {  	s8 =	rddreg [dreg:$0x16]  }
0x50: {  	[spmem:s6] =	stream.linear.scatter [tilespmem:s3], [sflag:$0x2], $0xC00, $0x38;
	[tilespmem:$0x1F4C0] =	vst v63  }
0x51: {  	s9 =	rddreg [dreg:$0x17]  }
0x52: {  	[spmem:s8] =	stream.linear.scatter [tilespmem:s3], [sflag:$0x2], $0xC00, $0x38;
	[tilespmem:$0x1F4C0] =	vst v63  }
0x53: {  	s14 =	rddreg [dreg:$0x18]  }
0x54: {  	[spmem:s9] =	stream.linear.scatter [tilespmem:s3], [sflag:$0x2], $0xC00, $0x38;
	[tilespmem:$0x1F4C0] =	vst v63  }
0x55: {  	s24 =	rddreg [dreg:$0x19]  }
0x56: {  	[spmem:s14] =	stream.linear.scatter [tilespmem:s3], [sflag:$0x2], $0xC00, $0x38;
	[tilespmem:$0x1F4C0] =	vst v63  }
0x57: {  	s6 =	rddreg [dreg:$0x1a]  }
0x58: {  	[spmem:s24] =	stream.linear.scatter [tilespmem:s3], [sflag:$0x2], $0xC00, $0x38;
	[tilespmem:$0x1F4C0] =	vst v63  }
0x59: {  	s8 =	rddreg [dreg:$0x1b]  }
0x5a: {  	[spmem:s6] =	stream.linear.scatter [tilespmem:s3], [sflag:$0x2], $0xC00, $0x38;
	[tilespmem:$0x1F4C0] =	vst v63  }
0x5b: {  	s9 =	rddreg [dreg:$0x1c]  }
0x5c: {  	[spmem:s8] =	stream.linear.scatter [tilespmem:s3], [sflag:$0x2], $0xC00, $0x38;
	[tilespmem:$0x1F4C0] =	vst v63  }
0x5d: {  	s14 =	rddreg [dreg:$0x1e]  }
0x5e: {  	[spmem:s9] =	stream.linear.scatter [tilespmem:s3], [sflag:$0x2], $0xC00, $0x38;
	[tilespmem:$0x1F4C0] =	vst v63  }
0x5f: {  	s24 =	rddreg [dreg:$0x1f]  }
0x60: {  	[spmem:s14] =	stream.linear.scatter [tilespmem:s3], [sflag:$0x2], $0xC00, $0x38;
	[tilespmem:$0x1F4C0] =	vst v63  }
0x61: {  	s6 =	sld [smem:$0x7F3]  }
0x62: {  	[spmem:s24] =	stream.linear.scatter [tilespmem:s3], [sflag:$0x2], $0xC00, $0x38;
	[tilespmem:$0x1F4C0] =	vst v63  }
0x63: {  	s8 =	sld [smem:$0x7F4]  }
0x64: {  	[spmem:s6] =	stream.linear.scatter [tilespmem:s3], [sflag:$0x2], $0xC00, $0x38;
	[tilespmem:$0x1F4C0] =	vst v63  }
0x65: {  	s9 =	sld [smem:$0x7F5]  }
0x66: {  	[spmem:s8] =	stream.linear.scatter [tilespmem:s3], [sflag:$0x2], $0xC00, $0x38;
	[tilespmem:$0x1F4C0] =	vst v63  }
0x67: {  	s14 =	sld [smem:$0x7F6]  }
0x68: {  	[spmem:s9] =	stream.linear.scatter [tilespmem:s3], [sflag:$0x2], $0xC00, $0x38;
	[tilespmem:$0x1F4C0] =	vst v63  }
0x69: {  	s24 =	sld [smem:$0x7F7]  }
0x6a: {  	[spmem:s14] =	stream.linear.scatter [tilespmem:s3], [sflag:$0x2], $0xC00, $0x38;
	[tilespmem:$0x1F4C0] =	vst v63  }
0x6b: {  	s6 =	sld [smem:$0x7F8]  }
0x6c: {  	[spmem:s24] =	stream.linear.scatter [tilespmem:s3], [sflag:$0x2], $0xC00, $0x38;
	[tilespmem:$0x1F4C0] =	vst v63  }
0x6d: {  	s8 =	sld [smem:$0x7F9]  }
0x6e: {  	[spmem:s6] =	stream.linear.scatter [tilespmem:s3], [sflag:$0x2], $0xC00, $0x38;
	[tilespmem:$0x1F4C0] =	vst v63  }
0x6f: {  	s9 =	sld [smem:$0x7FA]  }
0x70: {  	[spmem:s8] =	stream.linear.scatter [tilespmem:s3], [sflag:$0x2], $0xC00, $0x38;
	[tilespmem:$0x1F4C0] =	vst v63  }
0x71: {  	s14 =	sld [smem:$0x7FB]  }
0x72: {  	[spmem:s9] =	stream.linear.scatter [tilespmem:s3], [sflag:$0x2], $0xC00, $0x38;
	[tilespmem:$0x1F4C0] =	vst v63  }
0x73: {  	s24 =	sld [smem:$0x7FC]  }
0x74: {  	[spmem:s14] =	stream.linear.scatter [tilespmem:s3], [sflag:$0x2], $0xC00, $0x38;
	[tilespmem:$0x1F4C0] =	vst v63  }
0x75: {  	s6 =	sld [smem:$0x7FD]  }
0x76: {  	[spmem:s24] =	stream.linear.scatter [tilespmem:s3], [sflag:$0x2], $0xC00, $0x38;
	[tilespmem:$0x1F4C0] =	vst v63  }
0x77: {  	_ = 	snop  }
0x78: {  	[spmem:s6] =	stream.linear.scatter [tilespmem:s3], [sflag:$0x2], $0xC00, $0x38;
	[tilespmem:$0x1F4C0] =	vst v63  }
0x79: {  	_ = 	snop  }
0x7a: {  	[spmem:s10] =	stream.linear.scatter [tilespmem:s3], [sflag:$0x2], $0xC00, $0x38;
	[tilespmem:$0x1F4C0] =	vst v63  }
0x7b: {  	_ = 	snop  }
0x7c: {  	[spmem:s11] =	stream.linear.scatter [tilespmem:s3], [sflag:$0x2], $0xC00, $0x38;
	[tilespmem:$0x1F4C0] =	vst v63  }
0x7d: {  	s0 =	simm.s32 @!p0 $0x0  }
0x7e: {  	[spmem:s12] =	stream.linear.scatter @!p0 [tilespmem:s0], [sflag:$0x2], $0xC00, $0x38;
	[tilespmem:$0x1F4C0] =	vst v63  }
0x7f: {  	_ =	swait.ge [sflag:s16], $0xC00  }
0x80: {  	[sflag:s16] =	ssyncset.done $0x0  }
0x81: {  	[sflag:s16] =	ssyncadd.s32 $0xFFFFF400  }
0x82: {  	_ =	swait.ge [sflag:s16], $0xC00  }
0x83: {  	[sflag:s16] =	ssyncset.done $0x0  }
0x84: {  	[sflag:s16] =	ssyncadd.s32 $0xFFFFF400  }
0x85: {  	_ =	swait.ge [sflag:s16], $0xC00  }
0x86: {  	[sflag:s16] =	ssyncset.done $0x0  }
0x87: {  	[sflag:s16] =	ssyncadd.s32 $0xFFFFF400  }
0x88: {  	_ =	swait.ge [sflag:s16], $0xC00  }
0x89: {  	[sflag:s16] =	ssyncset.done $0x0  }
0x8a: {  	[sflag:s16] =	ssyncadd.s32 $0xFFFFF400  }
0x8b: {  	_ =	swait.ge [sflag:s16], $0xC00  }
0x8c: {  	[sflag:s16] =	ssyncset.done $0x0  }
0x8d: {  	[sflag:s16] =	ssyncadd.s32 $0xFFFFF400  }
0x8e: {  	_ =	swait.ge [sflag:s16], $0xC00  }
0x8f: {  	[sflag:s16] =	ssyncset.done $0x0  }
0x90: {  	[sflag:s16] =	ssyncadd.s32 $0xFFFFF400  }
0x91: {  	_ =	swait.ge [sflag:s16], $0xC00  }
0x92: {  	[sflag:s16] =	ssyncset.done $0x0  }
0x93: {  	[sflag:s16] =	ssyncadd.s32 $0xFFFFF400  }
0x94: {  	_ =	swait.ge [sflag:s16], $0xC00  }
0x95: {  	[sflag:s16] =	ssyncset.done $0x0  }
0x96: {  	[sflag:s16] =	ssyncadd.s32 $0xFFFFF400  }
0x97: {  	_ =	swait.ge [sflag:s16], $0xC00  }
0x98: {  	[sflag:s16] =	ssyncset.done $0x0  }
0x99: {  	[sflag:s16] =	ssyncadd.s32 $0xFFFFF400  }
0x9a: {  	_ =	swait.ge [sflag:s16], $0xC00  }
0x9b: {  	[sflag:s16] =	ssyncset.done $0x0  }
0x9c: {  	[sflag:s16] =	ssyncadd.s32 $0xFFFFF400  }
0x9d: {  	_ =	swait.ge [sflag:s16], $0xC00  }
0x9e: {  	[sflag:s16] =	ssyncset.done $0x0  }
0x9f: {  	[sflag:s16] =	ssyncadd.s32 $0xFFFFF400  }
0xa0: {  	_ =	swait.ge [sflag:s16], $0xC00  }
0xa1: {  	[sflag:s16] =	ssyncset.done $0x0  }
0xa2: {  	[sflag:s16] =	ssyncadd.s32 $0xFFFFF400  }
0xa3: {  	_ =	swait.ge [sflag:s16], $0xC00  }
0xa4: {  	[sflag:s16] =	ssyncset.done $0x0  }
0xa5: {  	[sflag:s16] =	ssyncadd.s32 $0xFFFFF400  }
0xa6: {  	_ =	swait.ge [sflag:s16], $0xC00  }
0xa7: {  	[sflag:s16] =	ssyncset.done $0x0  }
0xa8: {  	[sflag:s16] =	ssyncadd.s32 $0xFFFFF400  }
0xa9: {  	_ =	swait.ge [sflag:s16], $0xC00  }
0xaa: {  	[sflag:s16] =	ssyncset.done $0x0  }
0xab: {  	[sflag:s16] =	ssyncadd.s32 $0xFFFFF400  }
0xac: {  	_ =	swait.ge [sflag:s16], $0xC00  }
0xad: {  	[sflag:s16] =	ssyncset.done $0x0  }
0xae: {  	[sflag:s16] =	ssyncadd.s32 $0xFFFFF400  }
0xaf: {  	_ =	swait.ge [sflag:s16], $0xC00  }
0xb0: {  	[sflag:s16] =	ssyncset.done $0x0  }
0xb1: {  	[sflag:s16] =	ssyncadd.s32 $0xFFFFF400  }
0xb2: {  	_ =	swait.ge [sflag:s16], $0xC00  }
0xb3: {  	[sflag:s16] =	ssyncset.done $0x0  }
0xb4: {  	[sflag:s16] =	ssyncadd.s32 $0xFFFFF400  }
0xb5: {  	_ =	swait.ge [sflag:s16], $0xC00  }
0xb6: {  	[sflag:s16] =	ssyncset.done $0x0  }
0xb7: {  	[sflag:s16] =	ssyncadd.s32 $0xFFFFF400  }
0xb8: {  	_ =	swait.ge [sflag:s16], $0xC00  }
0xb9: {  	[sflag:s16] =	ssyncset.done $0x0  }
0xba: {  	[sflag:s16] =	ssyncadd.s32 $0xFFFFF400  }
0xbb: {  	_ =	swait.ge [sflag:s16], $0xC00  }
0xbc: {  	[sflag:s16] =	ssyncset.done $0x0  }
0xbd: {  	[sflag:s16] =	ssyncadd.s32 $0xFFFFF400  }
0xbe: {  	_ =	swait.ge [sflag:s16], $0xC00  }
0xbf: {  	[sflag:s16] =	ssyncset.done $0x0  }
0xc0: {  	[sflag:s16] =	ssyncadd.s32 $0xFFFFF400  }
0xc1: {  	_ =	swait.ge [sflag:s16], $0xC00  }
0xc2: {  	[sflag:s16] =	ssyncset.done $0x0  }
0xc3: {  	[sflag:s16] =	ssyncadd.s32 $0xFFFFF400  }
0xc4: {  	_ =	swait.ge [sflag:s16], $0xC00  }
0xc5: {  	[sflag:s16] =	ssyncset.done $0x0  }
0xc6: {  	[sflag:s16] =	ssyncadd.s32 $0xFFFFF400  }
0xc7: {  	_ =	swait.ge [sflag:s16], $0xC00  }
0xc8: {  	[sflag:s16] =	ssyncset.done $0x0  }
0xc9: {  	[sflag:s16] =	ssyncadd.s32 $0xFFFFF400  }
0xca: {  	_ =	swait.ge [sflag:s16], $0xC00  }
0xcb: {  	[sflag:s16] =	ssyncset.done $0x0  }
0xcc: {  	s0 =	simm.s32 @!p0 $0x2;
	[sflag:s16] =	ssyncadd.s32 $0xFFFFF400  }
0xcd: {  	_ =	swait.ge @!p0 [sflag:s0], $0xC00  }
0xce: {  	[sflag:s0] =	ssyncset.done @!p0 $0x0  }
0xcf: {  	[sflag:s0] =	ssyncadd.s32 @!p0 $0xFFFFF400  }
0xd0: {  	_ =	swait.ge [sflag:s17], $0x2800  }
0xd1: {  	[sflag:s17] =	ssyncset.done $0x0  }
0xd2: {  	[sflag:s17] =	ssyncadd.s32 $0xFFFFD800  }
0xd3: {  	[bflag:$0x0] =	sbarrier.arrive $0xFFFF  }
0xd4: {  	[tilespmem:s18], [sflag:$0x5] =	stream.indirect.gather [hbm4b:s21+s13], $0x80, s7, s13, $0xb8;
	[tilespmem:$0x1F4C0] =	vst v63  }
0xd5: {  	_ = 	snop  }
0xd6: {  	[tilespmem:s19], [sflag:$0x4] =	stream.linear.gather [hbm4b:s25+s3], $0x400, $0x38;
	[tilespmem:$0x1F4C0] =	vst v63  }
0xd7: {  	_ =	swait.ge [sflag:s20], $0x400  }
0xd8: {  	[sflag:s20] =	ssyncset.done $0x0  }
0xd9: {  	s7 =	simm.s32 $0xC80;
	[sflag:s20] =	ssyncadd.s32 $0xFFFFFC00  }
0xda: {  	[tilespmem:s22], [sflag:$0x6] =	stream.indirect.gather [hbm4b:s21+s13], $0x80, s7, s13, $0xb8;
	[tilespmem:$0x1F4C0] =	vst v63  }
0xdb: {  	_ =	swait.ge [sflag:s23], $0x4000  }
0xdc: {  	[sflag:s23] =	ssyncset.done $0x0  }
0xdd: {  	[sflag:s23] =	ssyncadd.s32 $0xFFFFC000  }
0xde: {  	[spmem:s2] =	stream.indirect.scatter.add.f32 [tilespmem:s18], [sflag:$0x7], $0x80, s15, s13, $0xb8;
	[tilespmem:$0x1F4C0] =	vst v63  }
0xdf: {  	_ =	swait.ge [sflag:s26], $0x4000  }
0xe0: {  	[sflag:s26] =	ssyncset.done $0x0  }
0xe1: {  	s8 =	simm.s32 $0xD00;
	[sflag:s26] =	ssyncadd.s32 $0xFFFFC000  }
0xe2: {  	[tilespmem:s18], [sflag:$0x5] =	stream.indirect.gather [hbm4b:s21+s13], $0x80, s8, s13, $0xb8;
	[tilespmem:$0x1F4C0] =	vst v63  }
0xe3: {  	_ =	swait.ge [sflag:s28], $0x4000  }
0xe4: {  	[sflag:s28] =	ssyncset.done $0x0  }
0xe5: {  	s9 =	rddreg [dreg:$0x3];
	[sflag:s28] =	ssyncadd.s32 $0xFFFFC000  }
0xe6: {  	[spmem:s2] =	stream.indirect.scatter.add.f32 [tilespmem:s22], [sflag:$0x7], $0x80, s9, s13, $0xb8;
	[tilespmem:$0x1F4C0] =	vst v63  }
0xe7: {  	_ =	swait.ge [sflag:s26], $0x4000  }
0xe8: {  	[sflag:s26] =	ssyncset.done $0x0  }
0xe9: {  	s14 =	simm.s32 $0xD80;
	[sflag:s26] =	ssyncadd.s32 $0xFFFFC000  }
0xea: {  	[tilespmem:s22], [sflag:$0x6] =	stream.indirect.gather [hbm4b:s21+s13], $0x80, s14, s13, $0xb8;
	[tilespmem:$0x1F4C0] =	vst v63  }
0xeb: {  	_ =	swait.ge [sflag:s23], $0x4000  }
0xec: {  	[sflag:s23] =	ssyncset.done $0x0  }
0xed: {  	s24 =	rddreg [dreg:$0x4];
	[sflag:s23] =	ssyncadd.s32 $0xFFFFC000  }
0xee: {  	[spmem:s2] =	stream.indirect.scatter.add.f32 [tilespmem:s18], [sflag:$0x7], $0x80, s24, s13, $0xb8;
	[tilespmem:$0x1F4C0] =	vst v63  }
0xef: {  	_ =	swait.ge [sflag:s26], $0x4000  }
0xf0: {  	[sflag:s26] =	ssyncset.done $0x0  }
0xf1: {  	s6 =	simm.s32 $0xE00;
	[sflag:s26] =	ssyncadd.s32 $0xFFFFC000  }
0xf2: {  	[tilespmem:s18], [sflag:$0x5] =	stream.indirect.gather [hbm4b:s21+s13], $0x80, s6, s13, $0xb8;
	[tilespmem:$0x1F4C0] =	vst v63  }
0xf3: {  	_ =	swait.ge [sflag:s28], $0x4000  }
0xf4: {  	[sflag:s28] =	ssyncset.done $0x0  }
0xf5: {  	s7 =	rddreg [dreg:$0x5];
	[sflag:s28] =	ssyncadd.s32 $0xFFFFC000  }
0xf6: {  	[spmem:s2] =	stream.indirect.scatter.add.f32 [tilespmem:s22], [sflag:$0x7], $0x80, s7, s13, $0xb8;
	[tilespmem:$0x1F4C0] =	vst v63  }
0xf7: {  	_ =	swait.ge [sflag:s26], $0x4000  }
0xf8: {  	[sflag:s26] =	ssyncset.done $0x0  }
0xf9: {  	s8 =	simm.s32 $0xE80;
	[sflag:s26] =	ssyncadd.s32 $0xFFFFC000  }
0xfa: {  	[tilespmem:s22], [sflag:$0x6] =	stream.indirect.gather [hbm4b:s21+s13], $0x80, s8, s13, $0xb8;
	[tilespmem:$0x1F4C0] =	vst v63  }
0xfb: {  	_ =	swait.ge [sflag:s23], $0x4000  }
0xfc: {  	[sflag:s23] =	ssyncset.done $0x0  }
0xfd: {  	s9 =	rddreg [dreg:$0x6];
	[sflag:s23] =	ssyncadd.s32 $0xFFFFC000  }
0xfe: {  	[spmem:s2] =	stream.indirect.scatter.add.f32 [tilespmem:s18], [sflag:$0x7], $0x80, s9, s13, $0xb8;
	[tilespmem:$0x1F4C0] =	vst v63  }
0xff: {  	_ =	swait.ge [sflag:s26], $0x4000  }
0x100: {  	[sflag:s26] =	ssyncset.done $0x0  }
0x101: {  	s14 =	simm.s32 $0xF00;
	[sflag:s26] =	ssyncadd.s32 $0xFFFFC000  }
0x102: {  	[tilespmem:s18], [sflag:$0x5] =	stream.indirect.gather [hbm4b:s21+s13], $0x80, s14, s13, $0xb8;
	[tilespmem:$0x1F4C0] =	vst v63  }
0x103: {  	_ =	swait.ge [sflag:s28], $0x4000  }
0x104: {  	[sflag:s28] =	ssyncset.done $0x0  }
0x105: {  	s24 =	rddreg [dreg:$0x7];
	[sflag:s28] =	ssyncadd.s32 $0xFFFFC000  }
0x106: {  	[spmem:s2] =	stream.indirect.scatter.add.f32 [tilespmem:s22], [sflag:$0x7], $0x80, s24, s13, $0xb8;
	[tilespmem:$0x1F4C0] =	vst v63  }
0x107: {  	_ =	swait.ge [sflag:s26], $0x4000  }
0x108: {  	[sflag:s26] =	ssyncset.done $0x0  }
0x109: {  	s6 =	simm.s32 $0xF80;
	[sflag:s26] =	ssyncadd.s32 $0xFFFFC000  }
0x10a: {  	[tilespmem:s22], [sflag:$0x6] =	stream.indirect.gather [hbm4b:s21+s13], $0x80, s6, s13, $0xb8;
	[tilespmem:$0x1F4C0] =	vst v63  }
0x10b: {  	_ =	swait.ge [sflag:s23], $0x4000  }
0x10c: {  	[sflag:s23] =	ssyncset.done $0x0  }
0x10d: {  	s7 =	rddreg [dreg:$0x8];
	[sflag:s23] =	ssyncadd.s32 $0xFFFFC000  }
0x10e: {  	[spmem:s2] =	stream.indirect.scatter.add.f32 [tilespmem:s18], [sflag:$0x7], $0x80, s7, s13, $0xb8;
	[tilespmem:$0x1F4C0] =	vst v63  }
0x10f: {  	_ =	swait.ge [sflag:s26], $0x4000  }
0x110: {  	[sflag:s26] =	ssyncset.done $0x0  }
0x111: {  	s8 =	simm.s32 $0x1000;
	[sflag:s26] =	ssyncadd.s32 $0xFFFFC000  }
0x112: {  	[tilespmem:s18], [sflag:$0x5] =	stream.indirect.gather [hbm4b:s21+s13], $0x80, s8, s13, $0xb8;
	[tilespmem:$0x1F4C0] =	vst v63  }
0x113: {  	_ =	swait.ge [sflag:s28], $0x4000  }
0x114: {  	[sflag:s28] =	ssyncset.done $0x0  }
0x115: {  	p1 =	por $0x0, $0x0;
	s9 =	rddreg [dreg:$0x9];
	[sflag:s28] =	ssyncadd.s32 $0xFFFFC000  }
0x116: {  	[spmem:s2] =	stream.indirect.scatter.add.f32 [tilespmem:s22], [sflag:$0x7], $0x80, s9, s13, $0xb8;
	[tilespmem:$0x1F4C0] =	vst v63  }
0x117: {  	s0 =	sshrl.u32 @!p1 s1, $0x3;
	_ =	swait.ge [sflag:s26], $0x4000  }
0x118: {  	s0 =	sadd.s32 @!p1 s4, s0;
	[sflag:s26] =	ssyncset.done $0x0  }
0x119: {  	s14 =	simm.s32 @!p1 $0x0;
	s6 =	simm.s32 @!p1 $0x3400;
	[sflag:s26] =	ssyncadd.s32 $0xFFFFC000  }
0x11a: {  	[tilespmem:s6], [sflag:$0x3] =	stream.linear.gather @!p1 [hbm4b:s0+s14], $0x400, $0x38;
	[tilespmem:$0x1F4C0] =	vst v63  }
0x11b: {  	_ =	swait.ge [sflag:s29], $0x400  }
0x11c: {  	[sflag:s29] =	ssyncset.done $0x0  }
0x11d: {  	s14 =	simm.s32 $0x1080;
	[sflag:s29] =	ssyncadd.s32 $0xFFFFFC00  }
0x11e: {  	[tilespmem:s22], [sflag:$0x6] =	stream.indirect.gather [hbm4b:s21+s13], $0x80, s14, s13, $0xb8;
	[tilespmem:$0x1F4C0] =	vst v63  }
0x11f: {  	_ =	swait.ge [sflag:s23], $0x4000  }
0x120: {  	[sflag:s23] =	ssyncset.done $0x0  }
0x121: {  	[sflag:s23] =	ssyncadd.s32 $0xFFFFC000  }
0x122: {  	[spmem:s2] =	stream.indirect.scatter.add.f32 [tilespmem:s18], [sflag:$0x7], $0x80, s19, s13, $0xb8;
	[tilespmem:$0x1F4C0] =	vst v63  }
0x123: {  	_ =	swait.ge [sflag:s26], $0x4000  }
0x124: {  	[sflag:s26] =	ssyncset.done $0x0  }
0x125: {  	s24 =	simm.s32 $0x1100;
	[sflag:s26] =	ssyncadd.s32 $0xFFFFC000  }
0x126: {  	[tilespmem:s18], [sflag:$0x5] =	stream.indirect.gather [hbm4b:s21+s13], $0x80, s24, s13, $0xb8;
	[tilespmem:$0x1F4C0] =	vst v63  }
0x127: {  	_ =	swait.ge [sflag:s28], $0x4000  }
0x128: {  	[sflag:s28] =	ssyncset.done $0x0  }
0x129: {  	s6 =	rddreg [dreg:$0xa];
	[sflag:s28] =	ssyncadd.s32 $0xFFFFC000  }
0x12a: {  	[spmem:s2] =	stream.indirect.scatter.add.f32 [tilespmem:s22], [sflag:$0x7], $0x80, s6, s13, $0xb8;
	[tilespmem:$0x1F4C0] =	vst v63  }
0x12b: {  	_ =	swait.ge [sflag:s26], $0x4000  }
0x12c: {  	[sflag:s26] =	ssyncset.done $0x0  }
0x12d: {  	s7 =	simm.s32 $0x1180;
	[sflag:s26] =	ssyncadd.s32 $0xFFFFC000  }
0x12e: {  	[tilespmem:s22], [sflag:$0x6] =	stream.indirect.gather [hbm4b:s21+s13], $0x80, s7, s13, $0xb8;
	[tilespmem:$0x1F4C0] =	vst v63  }
0x12f: {  	_ =	swait.ge [sflag:s23], $0x4000  }
0x130: {  	[sflag:s23] =	ssyncset.done $0x0  }
0x131: {  	s8 =	rddreg [dreg:$0xb];
	[sflag:s23] =	ssyncadd.s32 $0xFFFFC000  }
0x132: {  	[spmem:s2] =	stream.indirect.scatter.add.f32 [tilespmem:s18], [sflag:$0x7], $0x80, s8, s13, $0xb8;
	[tilespmem:$0x1F4C0] =	vst v63  }
0x133: {  	_ =	swait.ge [sflag:s26], $0x4000  }
0x134: {  	[sflag:s26] =	ssyncset.done $0x0  }
0x135: {  	s9 =	simm.s32 $0x1200;
	[sflag:s26] =	ssyncadd.s32 $0xFFFFC000  }
0x136: {  	[tilespmem:s18], [sflag:$0x5] =	stream.indirect.gather [hbm4b:s21+s13], $0x80, s9, s13, $0xb8;
	[tilespmem:$0x1F4C0] =	vst v63  }
0x137: {  	_ =	swait.ge [sflag:s28], $0x4000  }
0x138: {  	[sflag:s28] =	ssyncset.done $0x0  }
0x139: {  	s14 =	rddreg [dreg:$0xc];
	[sflag:s28] =	ssyncadd.s32 $0xFFFFC000  }
0x13a: {  	[spmem:s2] =	stream.indirect.scatter.add.f32 [tilespmem:s22], [sflag:$0x7], $0x80, s14, s13, $0xb8;
	[tilespmem:$0x1F4C0] =	vst v63  }
0x13b: {  	_ =	swait.ge [sflag:s26], $0x4000  }
0x13c: {  	[sflag:s26] =	ssyncset.done $0x0  }
0x13d: {  	s24 =	simm.s32 $0x1280;
	[sflag:s26] =	ssyncadd.s32 $0xFFFFC000  }
0x13e: {  	[tilespmem:s22], [sflag:$0x6] =	stream.indirect.gather [hbm4b:s21+s13], $0x80, s24, s13, $0xb8;
	[tilespmem:$0x1F4C0] =	vst v63  }
0x13f: {  	_ =	swait.ge [sflag:s23], $0x4000  }
0x140: {  	[sflag:s23] =	ssyncset.done $0x0  }
0x141: {  	s6 =	rddreg [dreg:$0xd];
	[sflag:s23] =	ssyncadd.s32 $0xFFFFC000  }
0x142: {  	[spmem:s2] =	stream.indirect.scatter.add.f32 [tilespmem:s18], [sflag:$0x7], $0x80, s6, s13, $0xb8;
	[tilespmem:$0x1F4C0] =	vst v63  }
0x143: {  	_ =	swait.ge [sflag:s26], $0x4000  }
0x144: {  	[sflag:s26] =	ssyncset.done $0x0  }
0x145: {  	s7 =	simm.s32 $0x1300;
	[sflag:s26] =	ssyncadd.s32 $0xFFFFC000  }
0x146: {  	[tilespmem:s18], [sflag:$0x5] =	stream.indirect.gather [hbm4b:s21+s13], $0x80, s7, s13, $0xb8;
	[tilespmem:$0x1F4C0] =	vst v63  }
0x147: {  	_ =	swait.ge [sflag:s28], $0x4000  }
0x148: {  	[sflag:s28] =	ssyncset.done $0x0  }
0x149: {  	s8 =	rddreg [dreg:$0xe];
	[sflag:s28] =	ssyncadd.s32 $0xFFFFC000  }
0x14a: {  	[spmem:s2] =	stream.indirect.scatter.add.f32 [tilespmem:s22], [sflag:$0x7], $0x80, s8, s13, $0xb8;
	[tilespmem:$0x1F4C0] =	vst v63  }
0x14b: {  	_ =	swait.ge [sflag:s26], $0x4000  }
0x14c: {  	[sflag:s26] =	ssyncset.done $0x0  }
0x14d: {  	s9 =	simm.s32 $0x1380;
	[sflag:s26] =	ssyncadd.s32 $0xFFFFC000  }
0x14e: {  	[tilespmem:s22], [sflag:$0x6] =	stream.indirect.gather [hbm4b:s21+s13], $0x80, s9, s13, $0xb8;
	[tilespmem:$0x1F4C0] =	vst v63  }
0x14f: {  	_ =	swait.ge [sflag:s23], $0x4000  }
0x150: {  	[sflag:s23] =	ssyncset.done $0x0  }
0x151: {  	s14 =	rddreg [dreg:$0xf];
	[sflag:s23] =	ssyncadd.s32 $0xFFFFC000  }
0x152: {  	[spmem:s2] =	stream.indirect.scatter.add.f32 [tilespmem:s18], [sflag:$0x7], $0x80, s14, s13, $0xb8;
	[tilespmem:$0x1F4C0] =	vst v63  }
0x153: {  	_ =	swait.ge [sflag:s26], $0x4000  }
0x154: {  	s0 =	simm.s32 @!p1 $0x1400;
	[sflag:s26] =	ssyncset.done $0x0  }
0x155: {  	s6 =	simm.s32 @!p1 $0x80;
	s14 =	simm.s32 @!p1 $0x3C00;
	[sflag:s26] =	ssyncadd.s32 $0xFFFFC000  }
0x156: {  	[tilespmem:s14], [sflag:$0x5] =	stream.indirect.gather @!p1 [hbm4b:s21+s6], $0x80, s0, s6, $0xb8;
	[tilespmem:$0x1F4C0] =	vst v63  }
0x157: {  	_ =	swait.ge [sflag:s28], $0x4000  }
0x158: {  	[sflag:s28] =	ssyncset.done $0x0  }
0x159: {  	s24 =	rddreg [dreg:$0x10];
	[sflag:s28] =	ssyncadd.s32 $0xFFFFC000  }
0x15a: {  	[spmem:s2] =	stream.indirect.scatter.add.f32 [tilespmem:s22], [sflag:$0x7], $0x80, s24, s13, $0xb8;
	[tilespmem:$0x1F4C0] =	vst v63  }
0x15b: {  	s31 =	simm.s32 $0x2000;
	_ =	swait.ge [sflag:s26], $0x4000  }
0x15c: {  	s14 =	sadd.s32 $0x100, s25;
	s24 =	smov.u32 s1;
	[sflag:s26] =	ssyncset.done $0x0  }
.LBB2_4:
0x15d: {  	[sflag:s26] =	ssyncadd.s32 $0xFFFFC000  }
0x15e: {  	[tilespmem:s19], [sflag:$0x4] =	stream.linear.gather [hbm4b:s14+s3], $0x400, $0x38;
	[tilespmem:$0x1F4C0] =	vst v63  }
0x15f: {  	s6 =	smov.u32 s31;
	_ =	swait.ge [sflag:s20], $0x400  }
0x160: {  	s0 =	sshra.s32 s6, $0x2;
	[sflag:s20] =	ssyncset.done $0x0  }
0x161: {  	s7 =	sadd.s32 $0xC80, s0;
	[sflag:s20] =	ssyncadd.s32 $0xFFFFFC00  }
0x162: {  	[tilespmem:s22], [sflag:$0x6] =	stream.indirect.gather [hbm4b:s21+s13], $0x80, s7, s13, $0xb8;
	[tilespmem:$0x1F4C0] =	vst v63  }
0x163: {  	_ =	swait.ge [sflag:s23], $0x4000  }
0x164: {  	[sflag:s23] =	ssyncset.done $0x0  }
0x165: {  	[sflag:s23] =	ssyncadd.s32 $0xFFFFC000  }
0x166: {  	[spmem:s2] =	stream.indirect.scatter.add.f32 [tilespmem:s18], [sflag:$0x7], $0x80, s15, s13, $0xb8;
	[tilespmem:$0x1F4C0] =	vst v63  }
0x167: {  	_ =	swait.ge [sflag:s26], $0x4000  }
0x168: {  	[sflag:s26] =	ssyncset.done $0x0  }
0x169: {  	s9 =	sadd.s32 $0xD00, s0;
	[sflag:s26] =	ssyncadd.s32 $0xFFFFC000  }
0x16a: {  	[tilespmem:s18], [sflag:$0x5] =	stream.indirect.gather [hbm4b:s21+s13], $0x80, s9, s13, $0xb8;
	[tilespmem:$0x1F4C0] =	vst v63  }
0x16b: {  	_ =	swait.ge [sflag:s28], $0x4000  }
0x16c: {  	[sflag:s28] =	ssyncset.done $0x0  }
0x16d: {  	s8 =	rddreg [dreg:$0x3];
	[sflag:s28] =	ssyncadd.s32 $0xFFFFC000  }
0x16e: {  	[spmem:s2] =	stream.indirect.scatter.add.f32 [tilespmem:s22], [sflag:$0x7], $0x80, s8, s13, $0xb8;
	[tilespmem:$0x1F4C0] =	vst v63  }
0x16f: {  	_ =	swait.ge [sflag:s26], $0x4000  }
0x170: {  	[sflag:s26] =	ssyncset.done $0x0  }
0x171: {  	s9 =	sadd.s32 $0xD80, s0;
	[sflag:s26] =	ssyncadd.s32 $0xFFFFC000  }
0x172: {  	[tilespmem:s22], [sflag:$0x6] =	stream.indirect.gather [hbm4b:s21+s13], $0x80, s9, s13, $0xb8;
	[tilespmem:$0x1F4C0] =	vst v63  }
0x173: {  	_ =	swait.ge [sflag:s23], $0x4000  }
0x174: {  	[sflag:s23] =	ssyncset.done $0x0  }
0x175: {  	s8 =	rddreg [dreg:$0x4];
	[sflag:s23] =	ssyncadd.s32 $0xFFFFC000  }
0x176: {  	[spmem:s2] =	stream.indirect.scatter.add.f32 [tilespmem:s18], [sflag:$0x7], $0x80, s8, s13, $0xb8;
	[tilespmem:$0x1F4C0] =	vst v63  }
0x177: {  	_ =	swait.ge [sflag:s26], $0x4000  }
0x178: {  	[sflag:s26] =	ssyncset.done $0x0  }
0x179: {  	s9 =	sadd.s32 $0xE00, s0;
	[sflag:s26] =	ssyncadd.s32 $0xFFFFC000  }
0x17a: {  	[tilespmem:s18], [sflag:$0x5] =	stream.indirect.gather [hbm4b:s21+s13], $0x80, s9, s13, $0xb8;
	[tilespmem:$0x1F4C0] =	vst v63  }
0x17b: {  	_ =	swait.ge [sflag:s28], $0x4000  }
0x17c: {  	[sflag:s28] =	ssyncset.done $0x0  }
0x17d: {  	s8 =	rddreg [dreg:$0x5];
	[sflag:s28] =	ssyncadd.s32 $0xFFFFC000  }
0x17e: {  	[spmem:s2] =	stream.indirect.scatter.add.f32 [tilespmem:s22], [sflag:$0x7], $0x80, s8, s13, $0xb8;
	[tilespmem:$0x1F4C0] =	vst v63  }
0x17f: {  	_ =	swait.ge [sflag:s26], $0x4000  }
0x180: {  	[sflag:s26] =	ssyncset.done $0x0  }
0x181: {  	s9 =	sadd.s32 $0xE80, s0;
	[sflag:s26] =	ssyncadd.s32 $0xFFFFC000  }
0x182: {  	[tilespmem:s22], [sflag:$0x6] =	stream.indirect.gather [hbm4b:s21+s13], $0x80, s9, s13, $0xb8;
	[tilespmem:$0x1F4C0] =	vst v63  }
0x183: {  	_ =	swait.ge [sflag:s23], $0x4000  }
0x184: {  	[sflag:s23] =	ssyncset.done $0x0  }
0x185: {  	s8 =	rddreg [dreg:$0x6];
	[sflag:s23] =	ssyncadd.s32 $0xFFFFC000  }
0x186: {  	[spmem:s2] =	stream.indirect.scatter.add.f32 [tilespmem:s18], [sflag:$0x7], $0x80, s8, s13, $0xb8;
	[tilespmem:$0x1F4C0] =	vst v63  }
0x187: {  	_ =	swait.ge [sflag:s26], $0x4000  }
0x188: {  	[sflag:s26] =	ssyncset.done $0x0  }
0x189: {  	s9 =	sadd.s32 $0xF00, s0;
	[sflag:s26] =	ssyncadd.s32 $0xFFFFC000  }
0x18a: {  	[tilespmem:s18], [sflag:$0x5] =	stream.indirect.gather [hbm4b:s21+s13], $0x80, s9, s13, $0xb8;
	[tilespmem:$0x1F4C0] =	vst v63  }
0x18b: {  	_ =	swait.ge [sflag:s28], $0x4000  }
0x18c: {  	[sflag:s28] =	ssyncset.done $0x0  }
0x18d: {  	s8 =	rddreg [dreg:$0x7];
	[sflag:s28] =	ssyncadd.s32 $0xFFFFC000  }
0x18e: {  	[spmem:s2] =	stream.indirect.scatter.add.f32 [tilespmem:s22], [sflag:$0x7], $0x80, s8, s13, $0xb8;
	[tilespmem:$0x1F4C0] =	vst v63  }
0x18f: {  	_ =	swait.ge [sflag:s26], $0x4000  }
0x190: {  	[sflag:s26] =	ssyncset.done $0x0  }
0x191: {  	s9 =	sadd.s32 $0xF80, s0;
	[sflag:s26] =	ssyncadd.s32 $0xFFFFC000  }
0x192: {  	[tilespmem:s22], [sflag:$0x6] =	stream.indirect.gather [hbm4b:s21+s13], $0x80, s9, s13, $0xb8;
	[tilespmem:$0x1F4C0] =	vst v63  }
0x193: {  	_ =	swait.ge [sflag:s23], $0x4000  }
0x194: {  	[sflag:s23] =	ssyncset.done $0x0  }
0x195: {  	s8 =	rddreg [dreg:$0x8];
	[sflag:s23] =	ssyncadd.s32 $0xFFFFC000  }
0x196: {  	[spmem:s2] =	stream.indirect.scatter.add.f32 [tilespmem:s18], [sflag:$0x7], $0x80, s8, s13, $0xb8;
	[tilespmem:$0x1F4C0] =	vst v63  }
0x197: {  	_ =	swait.ge [sflag:s26], $0x4000  }
0x198: {  	[sflag:s26] =	ssyncset.done $0x0  }
0x199: {  	s9 =	sadd.s32 $0x1000, s0;
	[sflag:s26] =	ssyncadd.s32 $0xFFFFC000  }
0x19a: {  	[tilespmem:s18], [sflag:$0x5] =	stream.indirect.gather [hbm4b:s21+s13], $0x80, s9, s13, $0xb8;
	[tilespmem:$0x1F4C0] =	vst v63  }
0x19b: {  	_ =	swait.ge [sflag:s28], $0x4000  }
0x19c: {  	s24 =	sadd.s32 $0x800, s24;
	[sflag:s28] =	ssyncset.done $0x0  }
0x19d: {  	p2 =	seq.s32 s6, $0x8000;
	s8 =	rddreg [dreg:$0x9];
	[sflag:s28] =	ssyncadd.s32 $0xFFFFC000  }
0x19e: {  	[spmem:s2] =	stream.indirect.scatter.add.f32 [tilespmem:s22], [sflag:$0x7], $0x80, s8, s13, $0xb8;
	[tilespmem:$0x1F4C0] =	vst v63  }
0x19f: {  	s7 =	sshrl.u32 @!p2 s24, $0x3;
	_ =	swait.ge [sflag:s26], $0x4000  }
0x1a0: {  	s7 =	sadd.s32 @!p2 s4, s7;
	[sflag:s26] =	ssyncset.done $0x0  }
0x1a1: {  	s9 =	simm.s32 @!p2 $0x0;
	s8 =	simm.s32 @!p2 $0x3400;
	[sflag:s26] =	ssyncadd.s32 $0xFFFFC000  }
0x1a2: {  	[tilespmem:s8], [sflag:$0x3] =	stream.linear.gather @!p2 [hbm4b:s7+s9], $0x400, $0x38;
	[tilespmem:$0x1F4C0] =	vst v63  }
0x1a3: {  	_ =	swait.ge [sflag:s29], $0x400  }
0x1a4: {  	[sflag:s29] =	ssyncset.done $0x0  }
0x1a5: {  	s9 =	sadd.s32 $0x1080, s0;
	[sflag:s29] =	ssyncadd.s32 $0xFFFFFC00  }
0x1a6: {  	[tilespmem:s22], [sflag:$0x6] =	stream.indirect.gather [hbm4b:s21+s13], $0x80, s9, s13, $0xb8;
	[tilespmem:$0x1F4C0] =	vst v63  }
0x1a7: {  	_ =	swait.ge [sflag:s23], $0x4000  }
0x1a8: {  	[sflag:s23] =	ssyncset.done $0x0  }
0x1a9: {  	[sflag:s23] =	ssyncadd.s32 $0xFFFFC000  }
0x1aa: {  	[spmem:s2] =	stream.indirect.scatter.add.f32 [tilespmem:s18], [sflag:$0x7], $0x80, s19, s13, $0xb8;
	[tilespmem:$0x1F4C0] =	vst v63  }
0x1ab: {  	_ =	swait.ge [sflag:s26], $0x4000  }
0x1ac: {  	[sflag:s26] =	ssyncset.done $0x0  }
0x1ad: {  	s8 =	sadd.s32 $0x1100, s0;
	[sflag:s26] =	ssyncadd.s32 $0xFFFFC000  }
0x1ae: {  	[tilespmem:s18], [sflag:$0x5] =	stream.indirect.gather [hbm4b:s21+s13], $0x80, s8, s13, $0xb8;
	[tilespmem:$0x1F4C0] =	vst v63  }
0x1af: {  	_ =	swait.ge [sflag:s28], $0x4000  }
0x1b0: {  	[sflag:s28] =	ssyncset.done $0x0  }
0x1b1: {  	s9 =	rddreg [dreg:$0xa];
	[sflag:s28] =	ssyncadd.s32 $0xFFFFC000  }
0x1b2: {  	[spmem:s2] =	stream.indirect.scatter.add.f32 [tilespmem:s22], [sflag:$0x7], $0x80, s9, s13, $0xb8;
	[tilespmem:$0x1F4C0] =	vst v63  }
0x1b3: {  	_ =	swait.ge [sflag:s26], $0x4000  }
0x1b4: {  	[sflag:s26] =	ssyncset.done $0x0  }
0x1b5: {  	s8 =	sadd.s32 $0x1180, s0;
	[sflag:s26] =	ssyncadd.s32 $0xFFFFC000  }
0x1b6: {  	[tilespmem:s22], [sflag:$0x6] =	stream.indirect.gather [hbm4b:s21+s13], $0x80, s8, s13, $0xb8;
	[tilespmem:$0x1F4C0] =	vst v63  }
0x1b7: {  	_ =	swait.ge [sflag:s23], $0x4000  }
0x1b8: {  	[sflag:s23] =	ssyncset.done $0x0  }
0x1b9: {  	s9 =	rddreg [dreg:$0xb];
	[sflag:s23] =	ssyncadd.s32 $0xFFFFC000  }
0x1ba: {  	[spmem:s2] =	stream.indirect.scatter.add.f32 [tilespmem:s18], [sflag:$0x7], $0x80, s9, s13, $0xb8;
	[tilespmem:$0x1F4C0] =	vst v63  }
0x1bb: {  	_ =	swait.ge [sflag:s26], $0x4000  }
0x1bc: {  	[sflag:s26] =	ssyncset.done $0x0  }
0x1bd: {  	s8 =	sadd.s32 $0x1200, s0;
	[sflag:s26] =	ssyncadd.s32 $0xFFFFC000  }
0x1be: {  	[tilespmem:s18], [sflag:$0x5] =	stream.indirect.gather [hbm4b:s21+s13], $0x80, s8, s13, $0xb8;
	[tilespmem:$0x1F4C0] =	vst v63  }
0x1bf: {  	_ =	swait.ge [sflag:s28], $0x4000  }
0x1c0: {  	[sflag:s28] =	ssyncset.done $0x0  }
0x1c1: {  	s9 =	rddreg [dreg:$0xc];
	[sflag:s28] =	ssyncadd.s32 $0xFFFFC000  }
0x1c2: {  	[spmem:s2] =	stream.indirect.scatter.add.f32 [tilespmem:s22], [sflag:$0x7], $0x80, s9, s13, $0xb8;
	[tilespmem:$0x1F4C0] =	vst v63  }
0x1c3: {  	_ =	swait.ge [sflag:s26], $0x4000  }
0x1c4: {  	[sflag:s26] =	ssyncset.done $0x0  }
0x1c5: {  	s8 =	sadd.s32 $0x1280, s0;
	[sflag:s26] =	ssyncadd.s32 $0xFFFFC000  }
0x1c6: {  	[tilespmem:s22], [sflag:$0x6] =	stream.indirect.gather [hbm4b:s21+s13], $0x80, s8, s13, $0xb8;
	[tilespmem:$0x1F4C0] =	vst v63  }
0x1c7: {  	_ =	swait.ge [sflag:s23], $0x4000  }
0x1c8: {  	[sflag:s23] =	ssyncset.done $0x0  }
0x1c9: {  	s9 =	rddreg [dreg:$0xd];
	[sflag:s23] =	ssyncadd.s32 $0xFFFFC000  }
0x1ca: {  	[spmem:s2] =	stream.indirect.scatter.add.f32 [tilespmem:s18], [sflag:$0x7], $0x80, s9, s13, $0xb8;
	[tilespmem:$0x1F4C0] =	vst v63  }
0x1cb: {  	_ =	swait.ge [sflag:s26], $0x4000  }
0x1cc: {  	[sflag:s26] =	ssyncset.done $0x0  }
0x1cd: {  	s8 =	sadd.s32 $0x1300, s0;
	[sflag:s26] =	ssyncadd.s32 $0xFFFFC000  }
0x1ce: {  	[tilespmem:s18], [sflag:$0x5] =	stream.indirect.gather [hbm4b:s21+s13], $0x80, s8, s13, $0xb8;
	[tilespmem:$0x1F4C0] =	vst v63  }
0x1cf: {  	_ =	swait.ge [sflag:s28], $0x4000  }
0x1d0: {  	[sflag:s28] =	ssyncset.done $0x0  }
0x1d1: {  	s9 =	rddreg [dreg:$0xe];
	[sflag:s28] =	ssyncadd.s32 $0xFFFFC000  }
0x1d2: {  	[spmem:s2] =	stream.indirect.scatter.add.f32 [tilespmem:s22], [sflag:$0x7], $0x80, s9, s13, $0xb8;
	[tilespmem:$0x1F4C0] =	vst v63  }
0x1d3: {  	_ =	swait.ge [sflag:s26], $0x4000  }
0x1d4: {  	[sflag:s26] =	ssyncset.done $0x0  }
0x1d5: {  	s0 =	sadd.s32 $0x1380, s0;
	[sflag:s26] =	ssyncadd.s32 $0xFFFFC000  }
0x1d6: {  	[tilespmem:s22], [sflag:$0x6] =	stream.indirect.gather [hbm4b:s21+s13], $0x80, s0, s13, $0xb8;
	[tilespmem:$0x1F4C0] =	vst v63  }
0x1d7: {  	_ =	swait.ge [sflag:s23], $0x4000  }
0x1d8: {  	[sflag:s23] =	ssyncset.done $0x0  }
0x1d9: {  	s8 =	rddreg [dreg:$0xf];
	[sflag:s23] =	ssyncadd.s32 $0xFFFFC000  }
0x1da: {  	[spmem:s2] =	stream.indirect.scatter.add.f32 [tilespmem:s18], [sflag:$0x7], $0x80, s8, s13, $0xb8;
	[tilespmem:$0x1F4C0] =	vst v63  }
0x1db: {  	s6 =	sshra.s32 @!p2 s6, $0x2;
	_ =	swait.ge [sflag:s26], $0x4000  }
0x1dc: {  	s31 =	sadd.s32 $0x2000, s31;
	s6 =	sadd.s32 @!p2 $0x1400, s6;
	[sflag:s26] =	ssyncset.done $0x0  }
0x1dd: {  	s7 =	simm.s32 @!p2 $0x3C00;
	s0 =	simm.s32 @!p2 $0x80;
	[sflag:s26] =	ssyncadd.s32 $0xFFFFC000  }
0x1de: {  	[tilespmem:s7], [sflag:$0x5] =	stream.indirect.gather @!p2 [hbm4b:s21+s0], $0x80, s6, s0, $0xb8;
	[tilespmem:$0x1F4C0] =	vst v63  }
0x1df: {  	p1 =	sne.s32 s31, $0xA000;
	_ =	swait.ge [sflag:s28], $0x4000  }
.Ltmp1:
0x1e0: {  	[sflag:s28] =	ssyncset.done $0x0;
	(pc) =	sbr.rel @p1 .LBB2_4-.Ltmp1, $4  }
0x1e1: {  	s9 =	rddreg [dreg:$0x10];
	[sflag:s28] =	ssyncadd.s32 $0xFFFFC000  }
0x1e2: {  	[spmem:s2] =	stream.indirect.scatter.add.f32 [tilespmem:s22], [sflag:$0x7], $0x80, s9, s13, $0xb8;
	[tilespmem:$0x1F4C0] =	vst v63  }
0x1e3: {  	_ =	swait.ge [sflag:s26], $0x4000  }
0x1e4: {  	s14 =	sadd.s32 $0x100, s14;
	[sflag:s26] =	ssyncset.done $0x0  }
0x1e5: {  	[sflag:s26] =	ssyncadd.s32 $0xFFFFC000;
	s0 =	stileid.u32  }
0x1e6: {  	s0 =	sshll.u32 s0, $0x6;
	[bflag:$0x0] =	sbarrier.arrive $0xFFFF  }
0x1e7: {  	s6 =	sshrl.u32 s5, $0x3;
	s0 =	sor.u32 $0x1C07, s0;
	s7 =	rddreg [dreg:$0x1d]  }
0x1e8: {  	[hbm:s7], [sflag:s0] =	dma.local [spmem:s6], $0x2700  }
0x1e9: {  	_ =	swait.ge [sflag:s26], $0x2700  }
0x1ea: {  	s7 =	sld [smem:$0x7F1]  }
0x1eb: {  	[sflag:s26] =	ssyncset.done $0x0  }
0x1ec: {  	s6 =	sshrl.u32 @!p0 s12, $0x3;
	[sflag:s26] =	ssyncadd.s32 $0xFFFFD900  }
0x1ed: {  	[hbm:s7], [sflag:s0] =	dma.local @!p0 [spmem:s6], $0x100  }
0x1ee: {  	s0 =	simm.s32 @!p0 $0x7  }
0x1ef: {  	_ =	swait.ge @!p0 [sflag:s0], $0x100  }
0x1f0: {  	s31 =	sld [smem:$0x7F2];
	_ =	sdelay $0x1  }
0x1f1: {  	s30 =	sadd.s32 $0x1, s30  }
0x1f2: {  	p1 =	sne.s32 s30, s31  }
.Ltmp2:
0x1f3: {  	_ = 	snop;
	(pc) =	sbr.rel @p1 .LBB2_1-.Ltmp2, $3  }
0x1f4: {  	_ =	sdelay $0x1  }
0x1f5: {  	[sflag:s0] =	ssyncset.done @!p0 $0x0  }
0x1f6: {  	s7 =	simm.s32 $0xC00;
	[sflag:s0] =	ssyncadd.s32 @!p0 $0xFFFFFF00  }
0x1f7: {  	_ =	sfence.sel $0x180000  }
0x1f8: {  	[bflag:$0x0] =	sbarrier.arrive $0xFFFF  }
0x1f9: {  	_ =	strace $0x9000004A  }
0x1fa: {  	[bflag:$0x2] =	sbarrier.arrive $0xFFFF  }
0x1fb: {  	s0 =	rddreg [dreg:$0x2]  }
0x1fc: {  	s0 =	sadd.s32 @!p0 $0x100000, s0  }
0x1fd: {  	[sflag:s0] =	ssyncadd.tile.s32 @!p0 $0x1;
	_ =	shalt  }
.Lfunc_end2:
_tile_overlayer_lowered:
.L_overlay_start_2:
0x1fe: {  	(tag) =	ssettag $0x2  }
0x1ff: {  	s0 =	rddreg [dreg:$0x0];
	s2 =	stileid.u32  }
0x200: {  	s1 =	rddreg [dreg:$0x1];
	p0 =	sne.s32 s2, $0x0  }
0x201: {  	s3 =	rddreg [dreg:$0x2];
	[bflag:$0x3] =	sbarrier.arrive $0xFFFF;
	s2 =	simm.s32 @!p0 $0x1C07  }
0x202: {  	[timem:s3], [sflag:s2] =	dma.local @!p0 [hbm:s0], s1  }
0x203: {  	s0 =	simm.s32 @!p0 $0x7  }
0x204: {  	_ =	swait.ge @!p0 [sflag:s0], s1  }
0x205: {  	s1 =	ssub.s32 @!p0 $0x0, s1;
	[sflag:s0] =	ssyncset.done @!p0 $0x0  }
0x206: {  	[sflag:s0] =	ssyncadd.s32 @!p0 s1  }
0x207: {  	[bflag:$0x3] =	sbarrier.arrive $0xFFFF  }
0x208: {  	_ =	shalt  }

// kernel: kernel.14.cloned.1.call-start
scs
__scs_entry_jumppad:
0x0: {  	(pc) =	sbr.rel $0x88, $3  }
0x1: {  	(tag) =	ssettag $0x0;
	lr =	simm.s32 $0x1  }
0x2: {  	[smem:$0x3F99] =	sst lr;
	_ =	strace $0xD0000000  }
0x3: {  	_ = 	snop  }
0x4: {  	_ = 	snop  }
0x5: {  	_ = 	snop  }
0x6: {  	_ = 	snop  }
0x7: {  	_ = 	snop  }
__scs_overlays_trampoline_lowered:
0x8: {  	[smem:$0x3FA8] =	sst s0  }
0x9: {  	[smem:$0x3FA9] =	sst s1  }
0xa: {  	[smem:$0x3FAA] =	sst s2  }
0xb: {  	[smem:$0x3FAB] =	sst s3  }
0xc: {  	[smem:$0x3FAC] =	sst s4  }
0xd: {  	[smem:$0x3FAD] =	sst s5  }
0xe: {  	[smem:$0x3FAE] =	sst s6  }
0xf: {  	[smem:$0x3FAF] =	sst s7  }
0x10: {  	[smem:$0x3FB0] =	sst s8  }
0x11: {  	[smem:$0x3FB1] =	sst s9;
	s0 =	simm.s32 @!p0 $0x0  }
0x12: {  	s1 =	sld [smem:$0x3F97];
	s0 =	simm.s32 @p0 $0x1  }
0x13: {  	[smem:$0x3FB2] =	sst s0;
	s0 =	simm.s32 @!p1 $0x0  }
0x14: {  	s2 =	sld [smem:$0x3F96];
	s0 =	simm.s32 @p1 $0x1  }
0x15: {  	[smem:$0x3FB3] =	sst s0;
	s0 =	simm.s32 @!p2 $0x0  }
0x16: {  	s3 =	sld [smem:$0x3FDB];
	s0 =	simm.s32 @p2 $0x1  }
0x17: {  	s4 =	simm.s32 $0x1BF5;
	[smem:$0x3FB5] =	sst s0  }
0x18: {  	s0 =	sld [smem:$0x3F98];
	_ =	swait.ge [sflag:s4], $0x0  }
0x19: {  	s7 =	sld [smem:$0x3F99]  }
0x1a: {  	s8 =	sadd.s32 $0xFFFFE003, lr  }
0x1b: {  	s9 =	sadd.s32 $0xFFFFFEF7, lr;
	s5 =	simm.s32 $0xFFFFFFFF;
	p2 =	slt.u32 s8, $0xFFFFF086  }
0x1c: {  	p1 =	slt.u32 s9, $0xF7A;
	s5 =	simm.s32 @!p2 $0x0  }
0x1d: {  	s5 =	simm.s32 @p1 $0x1;
	p0 =	seq.s32 s7, s2  }
0x1e: {  	s7 =	smul.u32 @!p0 $0xF7A, s2;
	p2 =	seq.s32 @!p0 s5, $0x0  }
0x1f: {  	s9 =	smul.u32 $0xF7A, s1;
	s8 =	simm.s32 @!p0 $0x1BF5;
	p2 =	por !p2, p0  }
0x20: {  	[sflag:s8] =	ssyncset.s32 @!p0 $0xFFFFF086;
	s6 =	sadd.s32 @!p0 s3, s7;
	s7 =	simm.s32 @!p0 $0x108  }
0x21: {  	s3 =	sadd.s32 s3, s9;
	s6 =	sadd.s32 @!p0 $0x88, s6;
	s7 =	simm.s32 @p2 $0x1082  }
0x22: {  	[simem:s7], [sflag:s8] =	dma.local @!p0 [hbm:s6], $0xF7A  }
0x23: {  	s9 =	sor.u32 $0xD0000000, s2;
	s6 =	simm.s32 $0x108;
	_ =	swait.ge @!p0 [sflag:s8], $0x0  }
0x24: {  	s3 =	sadd.s32 $0x88, s3;
	s6 =	simm.s32 @!p1 $0x1082;
	[sflag:s4] =	ssyncset.s32 $0xFFFFF086  }
0x25: {  	[simem:s6], [sflag:s4] =	dma.local [hbm:s3], $0xF7A  }
0x26: {  	[smem:$0x3F99] =	sst s1;
	(tag) =	ssettag s2;
	_ =	strace s9  }
0x27: {  	s1 =	sld [smem:$0x3FA9]  }
0x28: {  	s2 =	sld [smem:$0x3FAA]  }
0x29: {  	s4 =	sld [smem:$0x3FAC]  }
0x2a: {  	p0 =	seq.s32 s5, $0x0;
	s5 =	sld [smem:$0x3FAD]  }
0x2b: {  	s6 =	sld [smem:$0x3FAE]  }
0x2c: {  	s7 =	sld [smem:$0x3FAF]  }
0x2d: {  	s3 =	simm.s32 $0x108;
	s8 =	sld [smem:$0x3FB0]  }
0x2e: {  	s3 =	simm.s32 @!p0 $0x1082;
	s9 =	sld [smem:$0x3FB1]  }
0x2f: {  	lr =	sadd.s32 s0, s3;
	s0 =	sld [smem:$0x3FA8]  }
0x30: {  	s3 =	sld [smem:$0x3FAB]  }
0x31: {  	[smem:$0x3FB4] =	sst s10  }
0x32: {  	s10 =	sld [smem:$0x3FB2];
	_ =	sdelay $0x3  }
0x33: {  	p0 =	seq.s32 s10, $0x1;
	s10 =	sld [smem:$0x3FB4];
	_ =	sdelay $0x3  }
0x34: {  	[smem:$0x3FB4] =	sst s10  }
0x35: {  	s10 =	sld [smem:$0x3FB3];
	_ =	sdelay $0x3  }
0x36: {  	p1 =	seq.s32 s10, $0x1;
	s10 =	sld [smem:$0x3FB4];
	_ =	sdelay $0x3  }
0x37: {  	[smem:$0x3FB4] =	sst s10  }
0x38: {  	s10 =	sld [smem:$0x3FB5]  }
0x39: {  	_ = 	snop;
	(pc) =	sbr.ind lr, $3  }
0x3a: {  	_ = 	snop  }
0x3b: {  	_ = 	snop  }
0x3c: {  	p2 =	seq.s32 s10, $0x1;
	s10 =	sld [smem:$0x3FB4]  }
0x3d: {  	_ =	shalt  }
0x3e: {  	_ =	shalt  }
0x3f: {  	_ =	shalt  }
0x40: {  	_ =	shalt  }
0x41: {  	_ =	shalt  }
0x42: {  	_ =	shalt  }
0x43: {  	_ =	shalt  }
0x44: {  	_ =	shalt  }
0x45: {  	_ =	shalt  }
0x46: {  	_ =	shalt  }
0x47: {  	_ =	shalt  }
0x48: {  	_ =	shalt  }
0x49: {  	_ =	shalt  }
0x4a: {  	_ =	shalt  }
0x4b: {  	_ =	shalt  }
0x4c: {  	_ =	shalt  }
0x4d: {  	_ =	shalt  }
0x4e: {  	_ =	shalt  }
0x4f: {  	_ =	shalt  }
0x50: {  	_ =	shalt  }
0x51: {  	_ =	shalt  }
0x52: {  	_ =	shalt  }
0x53: {  	_ =	shalt  }
0x54: {  	_ =	shalt  }
0x55: {  	_ =	shalt  }
0x56: {  	_ =	shalt  }
0x57: {  	_ =	shalt  }
0x58: {  	_ =	shalt  }
0x59: {  	_ =	shalt  }
0x5a: {  	_ =	shalt  }
0x5b: {  	_ =	shalt  }
0x5c: {  	_ =	shalt  }
0x5d: {  	_ =	shalt  }
0x5e: {  	_ =	shalt  }
0x5f: {  	_ =	shalt  }
0x60: {  	_ =	shalt  }
0x61: {  	_ =	shalt  }
0x62: {  	_ =	shalt  }
0x63: {  	_ =	shalt  }
0x64: {  	_ =	shalt  }
0x65: {  	_ =	shalt  }
0x66: {  	_ =	shalt  }
0x67: {  	_ =	shalt  }
0x68: {  	_ =	shalt  }
0x69: {  	_ =	shalt  }
0x6a: {  	_ =	shalt  }
0x6b: {  	_ =	shalt  }
0x6c: {  	_ =	shalt  }
0x6d: {  	_ =	shalt  }
0x6e: {  	_ =	shalt  }
0x6f: {  	_ =	shalt  }
0x70: {  	_ =	shalt  }
0x71: {  	_ =	shalt  }
0x72: {  	_ =	shalt  }
0x73: {  	_ =	shalt  }
0x74: {  	_ =	shalt  }
0x75: {  	_ =	shalt  }
0x76: {  	_ =	shalt  }
0x77: {  	_ =	shalt  }
0x78: {  	_ =	shalt  }
0x79: {  	_ =	shalt  }
0x7a: {  	_ =	shalt  }
0x7b: {  	_ =	shalt  }
0x7c: {  	_ =	shalt  }
0x7d: {  	_ =	shalt  }
0x7e: {  	_ =	shalt  }
0x7f: {  	_ =	shalt  }
0x80: {  	_ =	shalt  }
0x81: {  	_ =	shalt  }
0x82: {  	_ =	shalt  }
0x83: {  	_ =	shalt  }
0x84: {  	_ =	shalt  }
0x85: {  	_ =	shalt  }
0x86: {  	_ =	shalt  }
0x87: {  	_ =	shalt  }
.Lfunc_end0:
.L_simem_size_0:
called_computation.2_lowered:
.L_overlay_start_0:
0x88: {  	s2 =	sld [smem:$0x3FD9]  }
0x89: {  	s3 =	sld [smem:$0x3FFE];
	_ =	sdelay $0x1  }
0x8a: {  	s1 =	srdreg.scid  }
0x8b: {  	s0 =	sand.u32 $0x1, s1  }
0x8c: {  	s16 =	sshll.u32 s0, $0xA;
	s2 =	sadd.s32 s3, s2  }
0x8d: {  	s2 =	sadd.s32 s2, s16  }
0x8e: {  	[smem:$0x3FC0] =	sst s2  }
0x8f: {  	_ = 	snop  }
0x90: {  	(tm) =	ssettm $0x1  }
0x91: {  	s17 =	sld [smem:$0x3FFB];
	_ =	sdelay $0x3  }
0x92: {  	_ =	strace s17  }
0x93: {  	s2 =	sld [smem:$0x3FFC];
	_ =	sdelay $0x3  }
0x94: {  	_ =	strace s2  }
0x95: {  	s2 =	sld [smem:$0x3FFD];
	_ =	sdelay $0x3  }
0x96: {  	_ =	strace s2  }
0x97: {  	_ =	strace $0x8FFFFFFF  }
0x98: {  	s18 =	sld [smem:$0x3FDB];
	_ =	sdelay $0x1  }
0x99: {  	s19 =	simm.s32 $_scs_section_size  }
0x9a: {  	s4 =	simm.s32 $_size__tile_overlayer_lowered;
	s5 =	simm.s32 $_tile_overlayer_lowered  }
0x9b: {  	s22 =	simm.s32 $0x1BFF;
	s21 =	sshll.u32 s5, $0x1;
	s2 =	sadd.s32 s19, s18  }
0x9c: {  	s6 =	simm.s32 $0x0;
	s20 =	sshll.u32 s4, $0x1;
	s4 =	sadd.s32 s21, s2  }
0x9d: {  	[timem:s6], [sflag:s22] =	dma.local [hbm:s4], s20  }
0x9e: {  	_ =	swait.ge [sflag:s22], s20  }
0x9f: {  	s3 =	ssub.s32 $0x0, s20;
	[sflag:s22] =	ssyncset.done $0x0  }
0xa0: {  	[sflag:s22] =	ssyncadd.s32 s3;
	_ =	sdelay $0x1  }
0xa1: {  	s23 =	simm.s32 $0x1B8B  }
0xa2: {  	_ =	swait.ge [sflag:s23], $0x1  }
0xa3: {  	[sflag:s23] =	ssyncset.done $0x0  }
0xa4: {  	s25 =	simm.s32 $0x1B8E;
	s24 =	sld [smem:$0x3FFE];
	[sflag:s23] =	ssyncadd.s32 $0xFFFFFFFF  }
0xa5: {  	s26 =	simm.s32 $execute0_lowered;
	[smem:$0x3FD2] =	sst s25  }
0xa6: {  	s4 =	sshll.u32 s26, $0x1;
	_ =	strace $0x8000004C;
	[dreg:$0x1] =	wrdreg $0xFFFFFFFF  }
0xa7: {  	s28 =	simm.s32 $_size_execute0_lowered;
	s2 =	sadd.s32 s2, s4;
	[dreg:$0x0] =	wrdreg $0x0  }
0xa8: {  	s4 =	sshll.u32 s28, $0x1;
	[dreg:$0x2] =	wrdreg s2  }
0xa9: {  	[dreg:$0x3] =	wrdreg s4  }
0xaa: {  	[dreg:$0x4] =	wrdreg $0xC0  }
0xab: {  	_ =	task [dreg:s6], $0x5FFFF  }
0xac: {  	[dreg:$0x1] =	wrdreg $0xFFFFFFFF  }
0xad: {  	[dreg:$0x0] =	wrdreg $0x60  }
0xae: {  	[dreg:$0x2] =	wrdreg s24  }
0xaf: {  	[dreg:$0x3] =	wrdreg $0xBC000  }
0xb0: {  	[dreg:$0x4] =	wrdreg $0x9  }
0xb1: {  	_ =	task.clear_ibuf [dreg:s6], $0x5FFFF;
	_ =	strace $0x9000004C  }
0xb2: {  	s29 =	simm.s32 $0x9;
	_ =	strace $0x8000004E  }
0xb3: {  	_ =	swait.ge [sflag:s29], $0x1  }
0xb4: {  	[sflag:s29] =	ssyncadd.s32 $0xFFFFFFFF  }
0xb5: {  	_ =	strace $0x9000004E  }
0xb6: {  	_ =	sfence  }
0xb7: {  	s30 =	sld [smem:$0x0];
	_ =	sdelay $0x2  }
0xb8: {  	s31 =	sshll.u32 s1, $0xD;
	s1 =	sshrl.u32 s1, $0x2  }
0xb9: {  	s3 =	sand.u32 $0x4000, s31;
	s1 =	sadd.s32 s1, s30  }
0xba: {  	s0 =	sor.u32 s3, s0;
	s1 =	sshll.u32 s1, $0x11  }
0xbb: {  	s0 =	sor.u32 s1, s0  }
0xbc: {  	s0 =	sadd.s32 $0x8F2B, s0  }
0xbd: {  	[sflag:s0] =	ssyncadd.remote.s32 $0x1  }
0xbe: {  	_ =	sfence.sel $0xFFFF  }
0xbf: {  	[dreg:$0x0] =	wrdreg $0xFFFFFFFF;
	(pc) =	sbr.abs _section_cstart, $3  }
0xc0: {  	[dreg:$0x1] =	wrdreg $0xFFFFFFFF  }
0xc1: {  	_ =	task.clear_ibuf [dreg:s6], $0x2FFFF;
	_ =	strace $0x9FFFFFFF  }
0xc2: {  	(tm) =	ssettm $0x7FFFFFFF  }
0xc3: {  	_ =	shalt  }
tec
execute0_lowered:
.L_overlay_start_1:
0x0: {  	(tag) =	ssettag $0x1  }
0x1: {  	s0 =	srdreg.scid;
	s5 =	rddreg [dreg:$0x0]  }
0x2: {  	s13 =	stileid.u32;
	s2 =	rddreg [dreg:$0x1]  }
0x3: {  	s3 =	simm.s32 $0x0;
	s22 =	simm.s32 $0x3480;
	s24 =	simm.s32 $0x3500  }
0x4: {  	s26 =	simm.s32 $0x3580;
	s0 =	sand.u32 $0x1, s0;
	s1 =	sshll.u32 s13, $0x1  }
0x5: {  	s14 =	sshrl.u32 s13, $0x2;
	[smem:$0x7FF] =	sst s3;
	s10 =	smul.u32 $0x4E000, s13  }
0x6: {  	s12 =	sadd.s32 $0x63A00, s5;
	_ =	strace $0x8000004D;
	[dreg:$0x3] =	wrdreg s22  }
0x7: {  	s6 =	sor.u32 s0, s1;
	s1 =	smul.u32 $0x14000, s14;
	[dreg:$0x4] =	wrdreg s24  }
0x8: {  	s7 =	smul.u32 $0x138800, s0;
	s11 =	ssub.s32 $0x2, s0;
	[dreg:$0x5] =	wrdreg s26  }
0x9: {  	s14 =	smul.u32 $0x13800, s13;
	s24 =	simm.s32 $0x3A80;
	s26 =	simm.s32 $0x3B00  }
0xa: {  	s4 =	sshll.u32 s6, $0x7;
	s6 =	smul.u32 $0x2800, s6;
	[dreg:$0xe] =	wrdreg s24  }
0xb: {  	s15 =	sshrl.u32 s11, $0x1;
	s10 =	sshrl.u32 s10, $0x2;
	[dreg:$0xf] =	wrdreg s26  }
0xc: {  	s4 =	sand.u32 $0x380, s4;
	s8 =	sshrl.u32 s7, $0x3;
	s11 =	ssub.s32 s11, s15  }
0xd: {  	s15 =	simm.s32 $0x3680;
	s7 =	sadd.s32 s14, s7;
	s1 =	sor.u32 s1, s4  }
0xe: {  	[dreg:$0x7] =	wrdreg s15;
	s7 =	sshrl.u32 s7, $0x3;
	s14 =	smax.u32 s11, $0x1  }
0xf: {  	s4 =	sshrl.u32 s1, $0x3;
	s1 =	sadd.s32 s8, s5;
	s7 =	sadd.s32 s12, s7  }
0x10: {  	[smem:$0x7F2] =	sst s14;
	s9 =	sadd.s32 s4, s5;
	s4 =	sadd.s32 $0x1800, s5  }
0x11: {  	s5 =	sadd.s32 s10, s2;
	s10 =	simm.s32 $0x3600;
	[dreg:$0x1d] =	wrdreg s7  }
0x12: {  	s6 =	sshrl.u32 s6, $0x3;
	s9 =	sadd.s32 $0x59A00, s9;
	[dreg:$0x6] =	wrdreg s10  }
0x13: {  	s6 =	sadd.s32 s4, s6;
	[dreg:$0x11] =	wrdreg s9  }
0x14: {  	s16 =	sadd.s32 $0xC00, s5;
	[dreg:$0x12] =	wrdreg s6  }
0x15: {  	s17 =	sadd.s32 $0x1800, s5;
	[dreg:$0x13] =	wrdreg s16  }
0x16: {  	s18 =	sadd.s32 $0x2400, s5;
	[dreg:$0x14] =	wrdreg s17  }
0x17: {  	s19 =	sadd.s32 $0x3000, s5;
	[dreg:$0x15] =	wrdreg s18  }
0x18: {  	s20 =	sadd.s32 $0x3C00, s5;
	[dreg:$0x16] =	wrdreg s19  }
0x19: {  	s21 =	sadd.s32 $0x4800, s5;
	[dreg:$0x17] =	wrdreg s20  }
0x1a: {  	s23 =	sadd.s32 $0x5400, s5;
	[dreg:$0x18] =	wrdreg s21  }
0x1b: {  	s25 =	sadd.s32 $0x6000, s5;
	[dreg:$0x19] =	wrdreg s23  }
0x1c: {  	s22 =	smul.u32 $0x5000, s13;
	s31 =	sadd.s32 $0x6C00, s5;
	[dreg:$0x1a] =	wrdreg s25  }
0x1d: {  	s0 =	smul.u32 $0x2800, s0;
	s10 =	sadd.s32 $0x7800, s5;
	[dreg:$0x1b] =	wrdreg s31  }
0x1e: {  	s15 =	sadd.s32 $0x9C00, s5;
	[dreg:$0x1c] =	wrdreg s10  }
0x1f: {  	s0 =	sadd.s32 s0, s22;
	s22 =	sadd.s32 $0xE400, s5;
	[smem:$0x7F3] =	sst s15  }
0x20: {  	s24 =	sadd.s32 $0xFC00, s5;
	[smem:$0x7F9] =	sst s22  }
0x21: {  	s26 =	sadd.s32 $0x10800, s5;
	[smem:$0x7FB] =	sst s24  }
0x22: {  	s16 =	simm.s32 $0x3700;
	[smem:$0x7FC] =	sst s26  }
0x23: {  	s28 =	simm.s32 $0x6;
	s17 =	simm.s32 $0x3780;
	[dreg:$0x8] =	wrdreg s16  }
0x24: {  	s29 =	simm.s32 $0x4;
	s18 =	simm.s32 $0x3880;
	[dreg:$0x9] =	wrdreg s17  }
0x25: {  	s30 =	simm.s32 $0x0;
	s19 =	simm.s32 $0x3900;
	[dreg:$0xa] =	wrdreg s18  }
0x26: {  	p0 =	sne.s32 s13, $0x0;
	s21 =	simm.s32 $0x3980;
	[dreg:$0xb] =	wrdreg s19  }
0x27: {  	s13 =	simm.s32 $0x80;
	s23 =	simm.s32 $0x3A00;
	[dreg:$0xc] =	wrdreg s21  }
0x28: {  	s7 =	simm.s32 $0xC00;
	s25 =	sadd.s32 $0x8400, s5;
	[dreg:$0xd] =	wrdreg s23  }
0x29: {  	s11 =	sadd.s32 $0x12C00, s5;
	s9 =	sadd.s32 $0x9000, s5;
	[dreg:$0x1e] =	wrdreg s25  }
0x2a: {  	s20 =	sadd.s32 s12, s8;
	s31 =	simm.s32 $0x3B80;
	[dreg:$0x1f] =	wrdreg s9  }
0x2b: {  	s10 =	sor.u32 $0x400, s0;
	[dreg:$0x10] =	wrdreg s31;
	s12 =	sadd.s32 $0x27000, s20  }
0x2c: {  	s15 =	simm.s32 $0x3400;
	s16 =	sadd.s32 $0xA800, s5;
	[smem:$0x7F1] =	sst s12  }
0x2d: {  	s22 =	simm.s32 $0x7C00;
	s17 =	sadd.s32 $0xB400, s5;
	[smem:$0x7F4] =	sst s16  }
0x2e: {  	s26 =	simm.s32 $0x7;
	s18 =	sadd.s32 $0xC000, s5;
	[smem:$0x7F5] =	sst s17  }
0x2f: {  	s21 =	sadd.s32 $0xB800, s1;
	s19 =	sadd.s32 $0xCC00, s5;
	[smem:$0x7F6] =	sst s18  }
0x30: {  	s6 =	sshrl.u32 s10, $0x3;
	s20 =	sadd.s32 $0xD800, s5;
	[smem:$0x7F7] =	sst s19  }
0x31: {  	s1 =	sadd.s32 $0x800, s0;
	s23 =	sadd.s32 $0xF000, s5;
	[smem:$0x7F8] =	sst s20  }
0x32: {  	s31 =	sadd.s32 $0x11400, s5;
	s10 =	sadd.s32 $0x12000, s5;
	[smem:$0x7FA] =	sst s23  }
0x33: {  	s25 =	sadd.s32 s6, s4;
	[smem:$0x7FD] =	sst s31;
	s12 =	sadd.s32 $0x138000, s2  }
0x34: {  	s16 =	simm.s32 $0x2;
	s17 =	simm.s32 $0x1;
	s18 =	simm.s32 $0x3C00  }
0x35: {  	v0 =	vimm.f32 $0.0e+00;
	s19 =	simm.s32 $0x3800;
	s20 =	simm.s32 $0x3;
	s23 =	simm.s32 $0x5  }
.LBB2_1:
0x36: {  	s0 =	rddreg [dreg:$0x11];
	s6 =	simm.s32 $0x400  }
0x37: {  	[tilespmem:s7], [sflag:$0x1] =	stream.strided.gather [hbm4b:s0+s13], $0x2800, s6, s13, $0x38;
	[tilespmem:$0x1F4C0] =	vst v63  }
0x38: {  	s31 =	rddreg [dreg:$0x12];
	s0 =	simm.s32 $0x0;
	s6 =	simm.s32 $0x200  }
0x39: {  	[tilespmem:s15], [sflag:$0x3] =	stream.linear.gather [hbm4b:s31+s3], $0x400, $0x38;
	[tilespmem:$0x1F4C0] =	vst v63  }
.LBB2_2:
0x3a: {  	p1 =	sne.s32 s6, $0x2E00;
	[tilespmem:s0+$0x70] =	vst v0  }
0x3b: {  	[tilespmem:s0+$0x0] =	vst v0  }
0x3c: {  	[tilespmem:s0+$0x10] =	vst v0  }
.Ltmp0:
0x3d: {  	[tilespmem:s0+$0x20] =	vst v0;
	(pc) =	sbr.rel @p1 .LBB2_2-.Ltmp0, $4  }
0x3e: {  	[tilespmem:s0+$0x30] =	vst v0  }
0x3f: {  	[tilespmem:s0+$0x40] =	vst v0  }
0x40: {  	[tilespmem:s0+$0x50] =	vst v0  }
0x41: {  	[tilespmem:s0+$0x60] =	vst v0;
	s0 =	sshra.s32 s6, $0x2;
	s6 =	sadd.s32 $0x200, s6  }
0x42: {  	[tilespmem:s0+$0x70] =	vst v0  }
0x43: {  	[tilespmem:s0+$0x0] =	vst v0  }
0x44: {  	[tilespmem:s0+$0x10] =	vst v0  }
0x45: {  	[tilespmem:s0+$0x20] =	vst v0  }
0x46: {  	[tilespmem:s0+$0x30] =	vst v0  }
0x47: {  	[tilespmem:s0+$0x40] =	vst v0  }
0x48: {  	[tilespmem:s0+$0x50] =	vst v0  }
0x49: {  	[tilespmem:s0+$0x60] =	vst v0;
	s14 =	rddreg [dreg:$0x13]  }
0x4a: {  	[spmem:s5] =	stream.linear.scatter [tilespmem:s3], [sflag:$0x2], $0xC00, $0x38;
	[tilespmem:$0x1F4C0] =	vst v63  }
0x4b: {  	s24 =	rddreg [dreg:$0x14]  }
0x4c: {  	[spmem:s14] =	stream.linear.scatter [tilespmem:s3], [sflag:$0x2], $0xC00, $0x38;
	[tilespmem:$0x1F4C0] =	vst v63  }
0x4d: {  	s6 =	rddreg [dreg:$0x15]  }
0x4e: {  	[spmem:s24] =	stream.linear.scatter [tilespmem:s3], [sflag:$0x2], $0xC00, $0x38;
	[tilespmem:$0x1F4C0] =	vst v63  }
0x4f: {  	s8 =	rddreg [dreg:$0x16]  }
0x50: {  	[spmem:s6] =	stream.linear.scatter [tilespmem:s3], [sflag:$0x2], $0xC00, $0x38;
	[tilespmem:$0x1F4C0] =	vst v63  }
0x51: {  	s9 =	rddreg [dreg:$0x17]  }
0x52: {  	[spmem:s8] =	stream.linear.scatter [tilespmem:s3], [sflag:$0x2], $0xC00, $0x38;
	[tilespmem:$0x1F4C0] =	vst v63  }
0x53: {  	s14 =	rddreg [dreg:$0x18]  }
0x54: {  	[spmem:s9] =	stream.linear.scatter [tilespmem:s3], [sflag:$0x2], $0xC00, $0x38;
	[tilespmem:$0x1F4C0] =	vst v63  }
0x55: {  	s24 =	rddreg [dreg:$0x19]  }
0x56: {  	[spmem:s14] =	stream.linear.scatter [tilespmem:s3], [sflag:$0x2], $0xC00, $0x38;
	[tilespmem:$0x1F4C0] =	vst v63  }
0x57: {  	s6 =	rddreg [dreg:$0x1a]  }
0x58: {  	[spmem:s24] =	stream.linear.scatter [tilespmem:s3], [sflag:$0x2], $0xC00, $0x38;
	[tilespmem:$0x1F4C0] =	vst v63  }
0x59: {  	s8 =	rddreg [dreg:$0x1b]  }
0x5a: {  	[spmem:s6] =	stream.linear.scatter [tilespmem:s3], [sflag:$0x2], $0xC00, $0x38;
	[tilespmem:$0x1F4C0] =	vst v63  }
0x5b: {  	s9 =	rddreg [dreg:$0x1c]  }
0x5c: {  	[spmem:s8] =	stream.linear.scatter [tilespmem:s3], [sflag:$0x2], $0xC00, $0x38;
	[tilespmem:$0x1F4C0] =	vst v63  }
0x5d: {  	s14 =	rddreg [dreg:$0x1e]  }
0x5e: {  	[spmem:s9] =	stream.linear.scatter [tilespmem:s3], [sflag:$0x2], $0xC00, $0x38;
	[tilespmem:$0x1F4C0] =	vst v63  }
0x5f: {  	s24 =	rddreg [dreg:$0x1f]  }
0x60: {  	[spmem:s14] =	stream.linear.scatter [tilespmem:s3], [sflag:$0x2], $0xC00, $0x38;
	[tilespmem:$0x1F4C0] =	vst v63  }
0x61: {  	s6 =	sld [smem:$0x7F3]  }
0x62: {  	[spmem:s24] =	stream.linear.scatter [tilespmem:s3], [sflag:$0x2], $0xC00, $0x38;
	[tilespmem:$0x1F4C0] =	vst v63  }
0x63: {  	s8 =	sld [smem:$0x7F4]  }
0x64: {  	[spmem:s6] =	stream.linear.scatter [tilespmem:s3], [sflag:$0x2], $0xC00, $0x38;
	[tilespmem:$0x1F4C0] =	vst v63  }
0x65: {  	s9 =	sld [smem:$0x7F5]  }
0x66: {  	[spmem:s8] =	stream.linear.scatter [tilespmem:s3], [sflag:$0x2], $0xC00, $0x38;
	[tilespmem:$0x1F4C0] =	vst v63  }
0x67: {  	s14 =	sld [smem:$0x7F6]  }
0x68: {  	[spmem:s9] =	stream.linear.scatter [tilespmem:s3], [sflag:$0x2], $0xC00, $0x38;
	[tilespmem:$0x1F4C0] =	vst v63  }
0x69: {  	s24 =	sld [smem:$0x7F7]  }
0x6a: {  	[spmem:s14] =	stream.linear.scatter [tilespmem:s3], [sflag:$0x2], $0xC00, $0x38;
	[tilespmem:$0x1F4C0] =	vst v63  }
0x6b: {  	s6 =	sld [smem:$0x7F8]  }
0x6c: {  	[spmem:s24] =	stream.linear.scatter [tilespmem:s3], [sflag:$0x2], $0xC00, $0x38;
	[tilespmem:$0x1F4C0] =	vst v63  }
0x6d: {  	s8 =	sld [smem:$0x7F9]  }
0x6e: {  	[spmem:s6] =	stream.linear.scatter [tilespmem:s3], [sflag:$0x2], $0xC00, $0x38;
	[tilespmem:$0x1F4C0] =	vst v63  }
0x6f: {  	s9 =	sld [smem:$0x7FA]  }
0x70: {  	[spmem:s8] =	stream.linear.scatter [tilespmem:s3], [sflag:$0x2], $0xC00, $0x38;
	[tilespmem:$0x1F4C0] =	vst v63  }
0x71: {  	s14 =	sld [smem:$0x7FB]  }
0x72: {  	[spmem:s9] =	stream.linear.scatter [tilespmem:s3], [sflag:$0x2], $0xC00, $0x38;
	[tilespmem:$0x1F4C0] =	vst v63  }
0x73: {  	s24 =	sld [smem:$0x7FC]  }
0x74: {  	[spmem:s14] =	stream.linear.scatter [tilespmem:s3], [sflag:$0x2], $0xC00, $0x38;
	[tilespmem:$0x1F4C0] =	vst v63  }
0x75: {  	s6 =	sld [smem:$0x7FD]  }
0x76: {  	[spmem:s24] =	stream.linear.scatter [tilespmem:s3], [sflag:$0x2], $0xC00, $0x38;
	[tilespmem:$0x1F4C0] =	vst v63  }
0x77: {  	_ = 	snop  }
0x78: {  	[spmem:s6] =	stream.linear.scatter [tilespmem:s3], [sflag:$0x2], $0xC00, $0x38;
	[tilespmem:$0x1F4C0] =	vst v63  }
0x79: {  	_ = 	snop  }
0x7a: {  	[spmem:s10] =	stream.linear.scatter [tilespmem:s3], [sflag:$0x2], $0xC00, $0x38;
	[tilespmem:$0x1F4C0] =	vst v63  }
0x7b: {  	_ = 	snop  }
0x7c: {  	[spmem:s11] =	stream.linear.scatter [tilespmem:s3], [sflag:$0x2], $0xC00, $0x38;
	[tilespmem:$0x1F4C0] =	vst v63  }
0x7d: {  	s0 =	simm.s32 @!p0 $0x0  }
0x7e: {  	[spmem:s12] =	stream.linear.scatter @!p0 [tilespmem:s0], [sflag:$0x2], $0xC00, $0x38;
	[tilespmem:$0x1F4C0] =	vst v63  }
0x7f: {  	_ =	swait.ge [sflag:s16], $0xC00  }
0x80: {  	[sflag:s16] =	ssyncset.done $0x0  }
0x81: {  	[sflag:s16] =	ssyncadd.s32 $0xFFFFF400  }
0x82: {  	_ =	swait.ge [sflag:s16], $0xC00  }
0x83: {  	[sflag:s16] =	ssyncset.done $0x0  }
0x84: {  	[sflag:s16] =	ssyncadd.s32 $0xFFFFF400  }
0x85: {  	_ =	swait.ge [sflag:s16], $0xC00  }
0x86: {  	[sflag:s16] =	ssyncset.done $0x0  }
0x87: {  	[sflag:s16] =	ssyncadd.s32 $0xFFFFF400  }
0x88: {  	_ =	swait.ge [sflag:s16], $0xC00  }
0x89: {  	[sflag:s16] =	ssyncset.done $0x0  }
0x8a: {  	[sflag:s16] =	ssyncadd.s32 $0xFFFFF400  }
0x8b: {  	_ =	swait.ge [sflag:s16], $0xC00  }
0x8c: {  	[sflag:s16] =	ssyncset.done $0x0  }
0x8d: {  	[sflag:s16] =	ssyncadd.s32 $0xFFFFF400  }
0x8e: {  	_ =	swait.ge [sflag:s16], $0xC00  }
0x8f: {  	[sflag:s16] =	ssyncset.done $0x0  }
0x90: {  	[sflag:s16] =	ssyncadd.s32 $0xFFFFF400  }
0x91: {  	_ =	swait.ge [sflag:s16], $0xC00  }
0x92: {  	[sflag:s16] =	ssyncset.done $0x0  }
0x93: {  	[sflag:s16] =	ssyncadd.s32 $0xFFFFF400  }
0x94: {  	_ =	swait.ge [sflag:s16], $0xC00  }
0x95: {  	[sflag:s16] =	ssyncset.done $0x0  }
0x96: {  	[sflag:s16] =	ssyncadd.s32 $0xFFFFF400  }
0x97: {  	_ =	swait.ge [sflag:s16], $0xC00  }
0x98: {  	[sflag:s16] =	ssyncset.done $0x0  }
0x99: {  	[sflag:s16] =	ssyncadd.s32 $0xFFFFF400  }
0x9a: {  	_ =	swait.ge [sflag:s16], $0xC00  }
0x9b: {  	[sflag:s16] =	ssyncset.done $0x0  }
0x9c: {  	[sflag:s16] =	ssyncadd.s32 $0xFFFFF400  }
0x9d: {  	_ =	swait.ge [sflag:s16], $0xC00  }
0x9e: {  	[sflag:s16] =	ssyncset.done $0x0  }
0x9f: {  	[sflag:s16] =	ssyncadd.s32 $0xFFFFF400  }
0xa0: {  	_ =	swait.ge [sflag:s16], $0xC00  }
0xa1: {  	[sflag:s16] =	ssyncset.done $0x0  }
0xa2: {  	[sflag:s16] =	ssyncadd.s32 $0xFFFFF400  }
0xa3: {  	_ =	swait.ge [sflag:s16], $0xC00  }
0xa4: {  	[sflag:s16] =	ssyncset.done $0x0  }
0xa5: {  	[sflag:s16] =	ssyncadd.s32 $0xFFFFF400  }
0xa6: {  	_ =	swait.ge [sflag:s16], $0xC00  }
0xa7: {  	[sflag:s16] =	ssyncset.done $0x0  }
0xa8: {  	[sflag:s16] =	ssyncadd.s32 $0xFFFFF400  }
0xa9: {  	_ =	swait.ge [sflag:s16], $0xC00  }
0xaa: {  	[sflag:s16] =	ssyncset.done $0x0  }
0xab: {  	[sflag:s16] =	ssyncadd.s32 $0xFFFFF400  }
0xac: {  	_ =	swait.ge [sflag:s16], $0xC00  }
0xad: {  	[sflag:s16] =	ssyncset.done $0x0  }
0xae: {  	[sflag:s16] =	ssyncadd.s32 $0xFFFFF400  }
0xaf: {  	_ =	swait.ge [sflag:s16], $0xC00  }
0xb0: {  	[sflag:s16] =	ssyncset.done $0x0  }
0xb1: {  	[sflag:s16] =	ssyncadd.s32 $0xFFFFF400  }
0xb2: {  	_ =	swait.ge [sflag:s16], $0xC00  }
0xb3: {  	[sflag:s16] =	ssyncset.done $0x0  }
0xb4: {  	[sflag:s16] =	ssyncadd.s32 $0xFFFFF400  }
0xb5: {  	_ =	swait.ge [sflag:s16], $0xC00  }
0xb6: {  	[sflag:s16] =	ssyncset.done $0x0  }
0xb7: {  	[sflag:s16] =	ssyncadd.s32 $0xFFFFF400  }
0xb8: {  	_ =	swait.ge [sflag:s16], $0xC00  }
0xb9: {  	[sflag:s16] =	ssyncset.done $0x0  }
0xba: {  	[sflag:s16] =	ssyncadd.s32 $0xFFFFF400  }
0xbb: {  	_ =	swait.ge [sflag:s16], $0xC00  }
0xbc: {  	[sflag:s16] =	ssyncset.done $0x0  }
0xbd: {  	[sflag:s16] =	ssyncadd.s32 $0xFFFFF400  }
0xbe: {  	_ =	swait.ge [sflag:s16], $0xC00  }
0xbf: {  	[sflag:s16] =	ssyncset.done $0x0  }
0xc0: {  	[sflag:s16] =	ssyncadd.s32 $0xFFFFF400  }
0xc1: {  	_ =	swait.ge [sflag:s16], $0xC00  }
0xc2: {  	[sflag:s16] =	ssyncset.done $0x0  }
0xc3: {  	[sflag:s16] =	ssyncadd.s32 $0xFFFFF400  }
0xc4: {  	_ =	swait.ge [sflag:s16], $0xC00  }
0xc5: {  	[sflag:s16] =	ssyncset.done $0x0  }
0xc6: {  	[sflag:s16] =	ssyncadd.s32 $0xFFFFF400  }
0xc7: {  	_ =	swait.ge [sflag:s16], $0xC00  }
0xc8: {  	[sflag:s16] =	ssyncset.done $0x0  }
0xc9: {  	[sflag:s16] =	ssyncadd.s32 $0xFFFFF400  }
0xca: {  	_ =	swait.ge [sflag:s16], $0xC00  }
0xcb: {  	[sflag:s16] =	ssyncset.done $0x0  }
0xcc: {  	s0 =	simm.s32 @!p0 $0x2;
	[sflag:s16] =	ssyncadd.s32 $0xFFFFF400  }
0xcd: {  	_ =	swait.ge @!p0 [sflag:s0], $0xC00  }
0xce: {  	[sflag:s0] =	ssyncset.done @!p0 $0x0  }
0xcf: {  	[sflag:s0] =	ssyncadd.s32 @!p0 $0xFFFFF400  }
0xd0: {  	_ =	swait.ge [sflag:s17], $0x2800  }
0xd1: {  	[sflag:s17] =	ssyncset.done $0x0  }
0xd2: {  	[sflag:s17] =	ssyncadd.s32 $0xFFFFD800  }
0xd3: {  	[bflag:$0x0] =	sbarrier.arrive $0xFFFF  }
0xd4: {  	[tilespmem:s18], [sflag:$0x5] =	stream.indirect.gather [hbm4b:s21+s13], $0x80, s7, s13, $0xb8;
	[tilespmem:$0x1F4C0] =	vst v63  }
0xd5: {  	_ = 	snop  }
0xd6: {  	[tilespmem:s19], [sflag:$0x4] =	stream.linear.gather [hbm4b:s25+s3], $0x400, $0x38;
	[tilespmem:$0x1F4C0] =	vst v63  }
0xd7: {  	_ =	swait.ge [sflag:s20], $0x400  }
0xd8: {  	[sflag:s20] =	ssyncset.done $0x0  }
0xd9: {  	s7 =	simm.s32 $0xC80;
	[sflag:s20] =	ssyncadd.s32 $0xFFFFFC00  }
0xda: {  	[tilespmem:s22], [sflag:$0x6] =	stream.indirect.gather [hbm4b:s21+s13], $0x80, s7, s13, $0xb8;
	[tilespmem:$0x1F4C0] =	vst v63  }
0xdb: {  	_ =	swait.ge [sflag:s23], $0x4000  }
0xdc: {  	[sflag:s23] =	ssyncset.done $0x0  }
0xdd: {  	[sflag:s23] =	ssyncadd.s32 $0xFFFFC000  }
0xde: {  	[spmem:s2] =	stream.indirect.scatter.add.f32 [tilespmem:s18], [sflag:$0x7], $0x80, s15, s13, $0xb8;
	[tilespmem:$0x1F4C0] =	vst v63  }
0xdf: {  	_ =	swait.ge [sflag:s26], $0x4000  }
0xe0: {  	[sflag:s26] =	ssyncset.done $0x0  }
0xe1: {  	s8 =	simm.s32 $0xD00;
	[sflag:s26] =	ssyncadd.s32 $0xFFFFC000  }
0xe2: {  	[tilespmem:s18], [sflag:$0x5] =	stream.indirect.gather [hbm4b:s21+s13], $0x80, s8, s13, $0xb8;
	[tilespmem:$0x1F4C0] =	vst v63  }
0xe3: {  	_ =	swait.ge [sflag:s28], $0x4000  }
0xe4: {  	[sflag:s28] =	ssyncset.done $0x0  }
0xe5: {  	s9 =	rddreg [dreg:$0x3];
	[sflag:s28] =	ssyncadd.s32 $0xFFFFC000  }
0xe6: {  	[spmem:s2] =	stream.indirect.scatter.add.f32 [tilespmem:s22], [sflag:$0x7], $0x80, s9, s13, $0xb8;
	[tilespmem:$0x1F4C0] =	vst v63  }
0xe7: {  	_ =	swait.ge [sflag:s26], $0x4000  }
0xe8: {  	[sflag:s26] =	ssyncset.done $0x0  }
0xe9: {  	s14 =	simm.s32 $0xD80;
	[sflag:s26] =	ssyncadd.s32 $0xFFFFC000  }
0xea: {  	[tilespmem:s22], [sflag:$0x6] =	stream.indirect.gather [hbm4b:s21+s13], $0x80, s14, s13, $0xb8;
	[tilespmem:$0x1F4C0] =	vst v63  }
0xeb: {  	_ =	swait.ge [sflag:s23], $0x4000  }
0xec: {  	[sflag:s23] =	ssyncset.done $0x0  }
0xed: {  	s24 =	rddreg [dreg:$0x4];
	[sflag:s23] =	ssyncadd.s32 $0xFFFFC000  }
0xee: {  	[spmem:s2] =	stream.indirect.scatter.add.f32 [tilespmem:s18], [sflag:$0x7], $0x80, s24, s13, $0xb8;
	[tilespmem:$0x1F4C0] =	vst v63  }
0xef: {  	_ =	swait.ge [sflag:s26], $0x4000  }
0xf0: {  	[sflag:s26] =	ssyncset.done $0x0  }
0xf1: {  	s6 =	simm.s32 $0xE00;
	[sflag:s26] =	ssyncadd.s32 $0xFFFFC000  }
0xf2: {  	[tilespmem:s18], [sflag:$0x5] =	stream.indirect.gather [hbm4b:s21+s13], $0x80, s6, s13, $0xb8;
	[tilespmem:$0x1F4C0] =	vst v63  }
0xf3: {  	_ =	swait.ge [sflag:s28], $0x4000  }
0xf4: {  	[sflag:s28] =	ssyncset.done $0x0  }
0xf5: {  	s7 =	rddreg [dreg:$0x5];
	[sflag:s28] =	ssyncadd.s32 $0xFFFFC000  }
0xf6: {  	[spmem:s2] =	stream.indirect.scatter.add.f32 [tilespmem:s22], [sflag:$0x7], $0x80, s7, s13, $0xb8;
	[tilespmem:$0x1F4C0] =	vst v63  }
0xf7: {  	_ =	swait.ge [sflag:s26], $0x4000  }
0xf8: {  	[sflag:s26] =	ssyncset.done $0x0  }
0xf9: {  	s8 =	simm.s32 $0xE80;
	[sflag:s26] =	ssyncadd.s32 $0xFFFFC000  }
0xfa: {  	[tilespmem:s22], [sflag:$0x6] =	stream.indirect.gather [hbm4b:s21+s13], $0x80, s8, s13, $0xb8;
	[tilespmem:$0x1F4C0] =	vst v63  }
0xfb: {  	_ =	swait.ge [sflag:s23], $0x4000  }
0xfc: {  	[sflag:s23] =	ssyncset.done $0x0  }
0xfd: {  	s9 =	rddreg [dreg:$0x6];
	[sflag:s23] =	ssyncadd.s32 $0xFFFFC000  }
0xfe: {  	[spmem:s2] =	stream.indirect.scatter.add.f32 [tilespmem:s18], [sflag:$0x7], $0x80, s9, s13, $0xb8;
	[tilespmem:$0x1F4C0] =	vst v63  }
0xff: {  	_ =	swait.ge [sflag:s26], $0x4000  }
0x100: {  	[sflag:s26] =	ssyncset.done $0x0  }
0x101: {  	s14 =	simm.s32 $0xF00;
	[sflag:s26] =	ssyncadd.s32 $0xFFFFC000  }
0x102: {  	[tilespmem:s18], [sflag:$0x5] =	stream.indirect.gather [hbm4b:s21+s13], $0x80, s14, s13, $0xb8;
	[tilespmem:$0x1F4C0] =	vst v63  }
0x103: {  	_ =	swait.ge [sflag:s28], $0x4000  }
0x104: {  	[sflag:s28] =	ssyncset.done $0x0  }
0x105: {  	s24 =	rddreg [dreg:$0x7];
	[sflag:s28] =	ssyncadd.s32 $0xFFFFC000  }
0x106: {  	[spmem:s2] =	stream.indirect.scatter.add.f32 [tilespmem:s22], [sflag:$0x7], $0x80, s24, s13, $0xb8;
	[tilespmem:$0x1F4C0] =	vst v63  }
0x107: {  	_ =	swait.ge [sflag:s26], $0x4000  }
0x108: {  	[sflag:s26] =	ssyncset.done $0x0  }
0x109: {  	s6 =	simm.s32 $0xF80;
	[sflag:s26] =	ssyncadd.s32 $0xFFFFC000  }
0x10a: {  	[tilespmem:s22], [sflag:$0x6] =	stream.indirect.gather [hbm4b:s21+s13], $0x80, s6, s13, $0xb8;
	[tilespmem:$0x1F4C0] =	vst v63  }
0x10b: {  	_ =	swait.ge [sflag:s23], $0x4000  }
0x10c: {  	[sflag:s23] =	ssyncset.done $0x0  }
0x10d: {  	s7 =	rddreg [dreg:$0x8];
	[sflag:s23] =	ssyncadd.s32 $0xFFFFC000  }
0x10e: {  	[spmem:s2] =	stream.indirect.scatter.add.f32 [tilespmem:s18], [sflag:$0x7], $0x80, s7, s13, $0xb8;
	[tilespmem:$0x1F4C0] =	vst v63  }
0x10f: {  	_ =	swait.ge [sflag:s26], $0x4000  }
0x110: {  	[sflag:s26] =	ssyncset.done $0x0  }
0x111: {  	s8 =	simm.s32 $0x1000;
	[sflag:s26] =	ssyncadd.s32 $0xFFFFC000  }
0x112: {  	[tilespmem:s18], [sflag:$0x5] =	stream.indirect.gather [hbm4b:s21+s13], $0x80, s8, s13, $0xb8;
	[tilespmem:$0x1F4C0] =	vst v63  }
0x113: {  	_ =	swait.ge [sflag:s28], $0x4000  }
0x114: {  	[sflag:s28] =	ssyncset.done $0x0  }
0x115: {  	p1 =	por $0x0, $0x0;
	s9 =	rddreg [dreg:$0x9];
	[sflag:s28] =	ssyncadd.s32 $0xFFFFC000  }
0x116: {  	[spmem:s2] =	stream.indirect.scatter.add.f32 [tilespmem:s22], [sflag:$0x7], $0x80, s9, s13, $0xb8;
	[tilespmem:$0x1F4C0] =	vst v63  }
0x117: {  	s0 =	sshrl.u32 @!p1 s1, $0x3;
	_ =	swait.ge [sflag:s26], $0x4000  }
0x118: {  	s0 =	sadd.s32 @!p1 s4, s0;
	[sflag:s26] =	ssyncset.done $0x0  }
0x119: {  	s14 =	simm.s32 @!p1 $0x0;
	s6 =	simm.s32 @!p1 $0x3400;
	[sflag:s26] =	ssyncadd.s32 $0xFFFFC000  }
0x11a: {  	[tilespmem:s6], [sflag:$0x3] =	stream.linear.gather @!p1 [hbm4b:s0+s14], $0x400, $0x38;
	[tilespmem:$0x1F4C0] =	vst v63  }
0x11b: {  	_ =	swait.ge [sflag:s29], $0x400  }
0x11c: {  	[sflag:s29] =	ssyncset.done $0x0  }
0x11d: {  	s14 =	simm.s32 $0x1080;
	[sflag:s29] =	ssyncadd.s32 $0xFFFFFC00  }
0x11e: {  	[tilespmem:s22], [sflag:$0x6] =	stream.indirect.gather [hbm4b:s21+s13], $0x80, s14, s13, $0xb8;
	[tilespmem:$0x1F4C0] =	vst v63  }
0x11f: {  	_ =	swait.ge [sflag:s23], $0x4000  }
0x120: {  	[sflag:s23] =	ssyncset.done $0x0  }
0x121: {  	[sflag:s23] =	ssyncadd.s32 $0xFFFFC000  }
0x122: {  	[spmem:s2] =	stream.indirect.scatter.add.f32 [tilespmem:s18], [sflag:$0x7], $0x80, s19, s13, $0xb8;
	[tilespmem:$0x1F4C0] =	vst v63  }
0x123: {  	_ =	swait.ge [sflag:s26], $0x4000  }
0x124: {  	[sflag:s26] =	ssyncset.done $0x0  }
0x125: {  	s24 =	simm.s32 $0x1100;
	[sflag:s26] =	ssyncadd.s32 $0xFFFFC000  }
0x126: {  	[tilespmem:s18], [sflag:$0x5] =	stream.indirect.gather [hbm4b:s21+s13], $0x80, s24, s13, $0xb8;
	[tilespmem:$0x1F4C0] =	vst v63  }
0x127: {  	_ =	swait.ge [sflag:s28], $0x4000  }
0x128: {  	[sflag:s28] =	ssyncset.done $0x0  }
0x129: {  	s6 =	rddreg [dreg:$0xa];
	[sflag:s28] =	ssyncadd.s32 $0xFFFFC000  }
0x12a: {  	[spmem:s2] =	stream.indirect.scatter.add.f32 [tilespmem:s22], [sflag:$0x7], $0x80, s6, s13, $0xb8;
	[tilespmem:$0x1F4C0] =	vst v63  }
0x12b: {  	_ =	swait.ge [sflag:s26], $0x4000  }
0x12c: {  	[sflag:s26] =	ssyncset.done $0x0  }
0x12d: {  	s7 =	simm.s32 $0x1180;
	[sflag:s26] =	ssyncadd.s32 $0xFFFFC000  }
0x12e: {  	[tilespmem:s22], [sflag:$0x6] =	stream.indirect.gather [hbm4b:s21+s13], $0x80, s7, s13, $0xb8;
	[tilespmem:$0x1F4C0] =	vst v63  }
0x12f: {  	_ =	swait.ge [sflag:s23], $0x4000  }
0x130: {  	[sflag:s23] =	ssyncset.done $0x0  }
0x131: {  	s8 =	rddreg [dreg:$0xb];
	[sflag:s23] =	ssyncadd.s32 $0xFFFFC000  }
0x132: {  	[spmem:s2] =	stream.indirect.scatter.add.f32 [tilespmem:s18], [sflag:$0x7], $0x80, s8, s13, $0xb8;
	[tilespmem:$0x1F4C0] =	vst v63  }
0x133: {  	_ =	swait.ge [sflag:s26], $0x4000  }
0x134: {  	[sflag:s26] =	ssyncset.done $0x0  }
0x135: {  	s9 =	simm.s32 $0x1200;
	[sflag:s26] =	ssyncadd.s32 $0xFFFFC000  }
0x136: {  	[tilespmem:s18], [sflag:$0x5] =	stream.indirect.gather [hbm4b:s21+s13], $0x80, s9, s13, $0xb8;
	[tilespmem:$0x1F4C0] =	vst v63  }
0x137: {  	_ =	swait.ge [sflag:s28], $0x4000  }
0x138: {  	[sflag:s28] =	ssyncset.done $0x0  }
0x139: {  	s14 =	rddreg [dreg:$0xc];
	[sflag:s28] =	ssyncadd.s32 $0xFFFFC000  }
0x13a: {  	[spmem:s2] =	stream.indirect.scatter.add.f32 [tilespmem:s22], [sflag:$0x7], $0x80, s14, s13, $0xb8;
	[tilespmem:$0x1F4C0] =	vst v63  }
0x13b: {  	_ =	swait.ge [sflag:s26], $0x4000  }
0x13c: {  	[sflag:s26] =	ssyncset.done $0x0  }
0x13d: {  	s24 =	simm.s32 $0x1280;
	[sflag:s26] =	ssyncadd.s32 $0xFFFFC000  }
0x13e: {  	[tilespmem:s22], [sflag:$0x6] =	stream.indirect.gather [hbm4b:s21+s13], $0x80, s24, s13, $0xb8;
	[tilespmem:$0x1F4C0] =	vst v63  }
0x13f: {  	_ =	swait.ge [sflag:s23], $0x4000  }
0x140: {  	[sflag:s23] =	ssyncset.done $0x0  }
0x141: {  	s6 =	rddreg [dreg:$0xd];
	[sflag:s23] =	ssyncadd.s32 $0xFFFFC000  }
0x142: {  	[spmem:s2] =	stream.indirect.scatter.add.f32 [tilespmem:s18], [sflag:$0x7], $0x80, s6, s13, $0xb8;
	[tilespmem:$0x1F4C0] =	vst v63  }
0x143: {  	_ =	swait.ge [sflag:s26], $0x4000  }
0x144: {  	[sflag:s26] =	ssyncset.done $0x0  }
0x145: {  	s7 =	simm.s32 $0x1300;
	[sflag:s26] =	ssyncadd.s32 $0xFFFFC000  }
0x146: {  	[tilespmem:s18], [sflag:$0x5] =	stream.indirect.gather [hbm4b:s21+s13], $0x80, s7, s13, $0xb8;
	[tilespmem:$0x1F4C0] =	vst v63  }
0x147: {  	_ =	swait.ge [sflag:s28], $0x4000  }
0x148: {  	[sflag:s28] =	ssyncset.done $0x0  }
0x149: {  	s8 =	rddreg [dreg:$0xe];
	[sflag:s28] =	ssyncadd.s32 $0xFFFFC000  }
0x14a: {  	[spmem:s2] =	stream.indirect.scatter.add.f32 [tilespmem:s22], [sflag:$0x7], $0x80, s8, s13, $0xb8;
	[tilespmem:$0x1F4C0] =	vst v63  }
0x14b: {  	_ =	swait.ge [sflag:s26], $0x4000  }
0x14c: {  	[sflag:s26] =	ssyncset.done $0x0  }
0x14d: {  	s9 =	simm.s32 $0x1380;
	[sflag:s26] =	ssyncadd.s32 $0xFFFFC000  }
0x14e: {  	[tilespmem:s22], [sflag:$0x6] =	stream.indirect.gather [hbm4b:s21+s13], $0x80, s9, s13, $0xb8;
	[tilespmem:$0x1F4C0] =	vst v63  }
0x14f: {  	_ =	swait.ge [sflag:s23], $0x4000  }
0x150: {  	[sflag:s23] =	ssyncset.done $0x0  }
0x151: {  	s14 =	rddreg [dreg:$0xf];
	[sflag:s23] =	ssyncadd.s32 $0xFFFFC000  }
0x152: {  	[spmem:s2] =	stream.indirect.scatter.add.f32 [tilespmem:s18], [sflag:$0x7], $0x80, s14, s13, $0xb8;
	[tilespmem:$0x1F4C0] =	vst v63  }
0x153: {  	_ =	swait.ge [sflag:s26], $0x4000  }
0x154: {  	s0 =	simm.s32 @!p1 $0x1400;
	[sflag:s26] =	ssyncset.done $0x0  }
0x155: {  	s6 =	simm.s32 @!p1 $0x80;
	s14 =	simm.s32 @!p1 $0x3C00;
	[sflag:s26] =	ssyncadd.s32 $0xFFFFC000  }
0x156: {  	[tilespmem:s14], [sflag:$0x5] =	stream.indirect.gather @!p1 [hbm4b:s21+s6], $0x80, s0, s6, $0xb8;
	[tilespmem:$0x1F4C0] =	vst v63  }
0x157: {  	_ =	swait.ge [sflag:s28], $0x4000  }
0x158: {  	[sflag:s28] =	ssyncset.done $0x0  }
0x159: {  	s24 =	rddreg [dreg:$0x10];
	[sflag:s28] =	ssyncadd.s32 $0xFFFFC000  }
0x15a: {  	[spmem:s2] =	stream.indirect.scatter.add.f32 [tilespmem:s22], [sflag:$0x7], $0x80, s24, s13, $0xb8;
	[tilespmem:$0x1F4C0] =	vst v63  }
0x15b: {  	s31 =	simm.s32 $0x2000;
	_ =	swait.ge [sflag:s26], $0x4000  }
0x15c: {  	s14 =	sadd.s32 $0x100, s25;
	s24 =	smov.u32 s1;
	[sflag:s26] =	ssyncset.done $0x0  }
.LBB2_4:
0x15d: {  	[sflag:s26] =	ssyncadd.s32 $0xFFFFC000  }
0x15e: {  	[tilespmem:s19], [sflag:$0x4] =	stream.linear.gather [hbm4b:s14+s3], $0x400, $0x38;
	[tilespmem:$0x1F4C0] =	vst v63  }
0x15f: {  	s6 =	smov.u32 s31;
	_ =	swait.ge [sflag:s20], $0x400  }
0x160: {  	s0 =	sshra.s32 s6, $0x2;
	[sflag:s20] =	ssyncset.done $0x0  }
0x161: {  	s7 =	sadd.s32 $0xC80, s0;
	[sflag:s20] =	ssyncadd.s32 $0xFFFFFC00  }
0x162: {  	[tilespmem:s22], [sflag:$0x6] =	stream.indirect.gather [hbm4b:s21+s13], $0x80, s7, s13, $0xb8;
	[tilespmem:$0x1F4C0] =	vst v63  }
0x163: {  	_ =	swait.ge [sflag:s23], $0x4000  }
0x164: {  	[sflag:s23] =	ssyncset.done $0x0  }
0x165: {  	[sflag:s23] =	ssyncadd.s32 $0xFFFFC000  }
0x166: {  	[spmem:s2] =	stream.indirect.scatter.add.f32 [tilespmem:s18], [sflag:$0x7], $0x80, s15, s13, $0xb8;
	[tilespmem:$0x1F4C0] =	vst v63  }
0x167: {  	_ =	swait.ge [sflag:s26], $0x4000  }
0x168: {  	[sflag:s26] =	ssyncset.done $0x0  }
0x169: {  	s9 =	sadd.s32 $0xD00, s0;
	[sflag:s26] =	ssyncadd.s32 $0xFFFFC000  }
0x16a: {  	[tilespmem:s18], [sflag:$0x5] =	stream.indirect.gather [hbm4b:s21+s13], $0x80, s9, s13, $0xb8;
	[tilespmem:$0x1F4C0] =	vst v63  }
0x16b: {  	_ =	swait.ge [sflag:s28], $0x4000  }
0x16c: {  	[sflag:s28] =	ssyncset.done $0x0  }
0x16d: {  	s8 =	rddreg [dreg:$0x3];
	[sflag:s28] =	ssyncadd.s32 $0xFFFFC000  }
0x16e: {  	[spmem:s2] =	stream.indirect.scatter.add.f32 [tilespmem:s22], [sflag:$0x7], $0x80, s8, s13, $0xb8;
	[tilespmem:$0x1F4C0] =	vst v63  }
0x16f: {  	_ =	swait.ge [sflag:s26], $0x4000  }
0x170: {  	[sflag:s26] =	ssyncset.done $0x0  }
0x171: {  	s9 =	sadd.s32 $0xD80, s0;
	[sflag:s26] =	ssyncadd.s32 $0xFFFFC000  }
0x172: {  	[tilespmem:s22], [sflag:$0x6] =	stream.indirect.gather [hbm4b:s21+s13], $0x80, s9, s13, $0xb8;
	[tilespmem:$0x1F4C0] =	vst v63  }
0x173: {  	_ =	swait.ge [sflag:s23], $0x4000  }
0x174: {  	[sflag:s23] =	ssyncset.done $0x0  }
0x175: {  	s8 =	rddreg [dreg:$0x4];
	[sflag:s23] =	ssyncadd.s32 $0xFFFFC000  }
0x176: {  	[spmem:s2] =	stream.indirect.scatter.add.f32 [tilespmem:s18], [sflag:$0x7], $0x80, s8, s13, $0xb8;
	[tilespmem:$0x1F4C0] =	vst v63  }
0x177: {  	_ =	swait.ge [sflag:s26], $0x4000  }
0x178: {  	[sflag:s26] =	ssyncset.done $0x0  }
0x179: {  	s9 =	sadd.s32 $0xE00, s0;
	[sflag:s26] =	ssyncadd.s32 $0xFFFFC000  }
0x17a: {  	[tilespmem:s18], [sflag:$0x5] =	stream.indirect.gather [hbm4b:s21+s13], $0x80, s9, s13, $0xb8;
	[tilespmem:$0x1F4C0] =	vst v63  }
0x17b: {  	_ =	swait.ge [sflag:s28], $0x4000  }
0x17c: {  	[sflag:s28] =	ssyncset.done $0x0  }
0x17d: {  	s8 =	rddreg [dreg:$0x5];
	[sflag:s28] =	ssyncadd.s32 $0xFFFFC000  }
0x17e: {  	[spmem:s2] =	stream.indirect.scatter.add.f32 [tilespmem:s22], [sflag:$0x7], $0x80, s8, s13, $0xb8;
	[tilespmem:$0x1F4C0] =	vst v63  }
0x17f: {  	_ =	swait.ge [sflag:s26], $0x4000  }
0x180: {  	[sflag:s26] =	ssyncset.done $0x0  }
0x181: {  	s9 =	sadd.s32 $0xE80, s0;
	[sflag:s26] =	ssyncadd.s32 $0xFFFFC000  }
0x182: {  	[tilespmem:s22], [sflag:$0x6] =	stream.indirect.gather [hbm4b:s21+s13], $0x80, s9, s13, $0xb8;
	[tilespmem:$0x1F4C0] =	vst v63  }
0x183: {  	_ =	swait.ge [sflag:s23], $0x4000  }
0x184: {  	[sflag:s23] =	ssyncset.done $0x0  }
0x185: {  	s8 =	rddreg [dreg:$0x6];
	[sflag:s23] =	ssyncadd.s32 $0xFFFFC000  }
0x186: {  	[spmem:s2] =	stream.indirect.scatter.add.f32 [tilespmem:s18], [sflag:$0x7], $0x80, s8, s13, $0xb8;
	[tilespmem:$0x1F4C0] =	vst v63  }
0x187: {  	_ =	swait.ge [sflag:s26], $0x4000  }
0x188: {  	[sflag:s26] =	ssyncset.done $0x0  }
0x189: {  	s9 =	sadd.s32 $0xF00, s0;
	[sflag:s26] =	ssyncadd.s32 $0xFFFFC000  }
0x18a: {  	[tilespmem:s18], [sflag:$0x5] =	stream.indirect.gather [hbm4b:s21+s13], $0x80, s9, s13, $0xb8;
	[tilespmem:$0x1F4C0] =	vst v63  }
0x18b: {  	_ =	swait.ge [sflag:s28], $0x4000  }
0x18c: {  	[sflag:s28] =	ssyncset.done $0x0  }
0x18d: {  	s8 =	rddreg [dreg:$0x7];
	[sflag:s28] =	ssyncadd.s32 $0xFFFFC000  }
0x18e: {  	[spmem:s2] =	stream.indirect.scatter.add.f32 [tilespmem:s22], [sflag:$0x7], $0x80, s8, s13, $0xb8;
	[tilespmem:$0x1F4C0] =	vst v63  }
0x18f: {  	_ =	swait.ge [sflag:s26], $0x4000  }
0x190: {  	[sflag:s26] =	ssyncset.done $0x0  }
0x191: {  	s9 =	sadd.s32 $0xF80, s0;
	[sflag:s26] =	ssyncadd.s32 $0xFFFFC000  }
0x192: {  	[tilespmem:s22], [sflag:$0x6] =	stream.indirect.gather [hbm4b:s21+s13], $0x80, s9, s13, $0xb8;
	[tilespmem:$0x1F4C0] =	vst v63  }
0x193: {  	_ =	swait.ge [sflag:s23], $0x4000  }
0x194: {  	[sflag:s23] =	ssyncset.done $0x0  }
0x195: {  	s8 =	rddreg [dreg:$0x8];
	[sflag:s23] =	ssyncadd.s32 $0xFFFFC000  }
0x196: {  	[spmem:s2] =	stream.indirect.scatter.add.f32 [tilespmem:s18], [sflag:$0x7], $0x80, s8, s13, $0xb8;
	[tilespmem:$0x1F4C0] =	vst v63  }
0x197: {  	_ =	swait.ge [sflag:s26], $0x4000  }
0x198: {  	[sflag:s26] =	ssyncset.done $0x0  }
0x199: {  	s9 =	sadd.s32 $0x1000, s0;
	[sflag:s26] =	ssyncadd.s32 $0xFFFFC000  }
0x19a: {  	[tilespmem:s18], [sflag:$0x5] =	stream.indirect.gather [hbm4b:s21+s13], $0x80, s9, s13, $0xb8;
	[tilespmem:$0x1F4C0] =	vst v63  }
0x19b: {  	_ =	swait.ge [sflag:s28], $0x4000  }
0x19c: {  	s24 =	sadd.s32 $0x800, s24;
	[sflag:s28] =	ssyncset.done $0x0  }
0x19d: {  	p2 =	seq.s32 s6, $0x8000;
	s8 =	rddreg [dreg:$0x9];
	[sflag:s28] =	ssyncadd.s32 $0xFFFFC000  }
0x19e: {  	[spmem:s2] =	stream.indirect.scatter.add.f32 [tilespmem:s22], [sflag:$0x7], $0x80, s8, s13, $0xb8;
	[tilespmem:$0x1F4C0] =	vst v63  }
0x19f: {  	s7 =	sshrl.u32 @!p2 s24, $0x3;
	_ =	swait.ge [sflag:s26], $0x4000  }
0x1a0: {  	s7 =	sadd.s32 @!p2 s4, s7;
	[sflag:s26] =	ssyncset.done $0x0  }
0x1a1: {  	s9 =	simm.s32 @!p2 $0x0;
	s8 =	simm.s32 @!p2 $0x3400;
	[sflag:s26] =	ssyncadd.s32 $0xFFFFC000  }
0x1a2: {  	[tilespmem:s8], [sflag:$0x3] =	stream.linear.gather @!p2 [hbm4b:s7+s9], $0x400, $0x38;
	[tilespmem:$0x1F4C0] =	vst v63  }
0x1a3: {  	_ =	swait.ge [sflag:s29], $0x400  }
0x1a4: {  	[sflag:s29] =	ssyncset.done $0x0  }
0x1a5: {  	s9 =	sadd.s32 $0x1080, s0;
	[sflag:s29] =	ssyncadd.s32 $0xFFFFFC00  }
0x1a6: {  	[tilespmem:s22], [sflag:$0x6] =	stream.indirect.gather [hbm4b:s21+s13], $0x80, s9, s13, $0xb8;
	[tilespmem:$0x1F4C0] =	vst v63  }
0x1a7: {  	_ =	swait.ge [sflag:s23], $0x4000  }
0x1a8: {  	[sflag:s23] =	ssyncset.done $0x0  }
0x1a9: {  	[sflag:s23] =	ssyncadd.s32 $0xFFFFC000  }
0x1aa: {  	[spmem:s2] =	stream.indirect.scatter.add.f32 [tilespmem:s18], [sflag:$0x7], $0x80, s19, s13, $0xb8;
	[tilespmem:$0x1F4C0] =	vst v63  }
0x1ab: {  	_ =	swait.ge [sflag:s26], $0x4000  }
0x1ac: {  	[sflag:s26] =	ssyncset.done $0x0  }
0x1ad: {  	s8 =	sadd.s32 $0x1100, s0;
	[sflag:s26] =	ssyncadd.s32 $0xFFFFC000  }
0x1ae: {  	[tilespmem:s18], [sflag:$0x5] =	stream.indirect.gather [hbm4b:s21+s13], $0x80, s8, s13, $0xb8;
	[tilespmem:$0x1F4C0] =	vst v63  }
0x1af: {  	_ =	swait.ge [sflag:s28], $0x4000  }
0x1b0: {  	[sflag:s28] =	ssyncset.done $0x0  }
0x1b1: {  	s9 =	rddreg [dreg:$0xa];
	[sflag:s28] =	ssyncadd.s32 $0xFFFFC000  }
0x1b2: {  	[spmem:s2] =	stream.indirect.scatter.add.f32 [tilespmem:s22], [sflag:$0x7], $0x80, s9, s13, $0xb8;
	[tilespmem:$0x1F4C0] =	vst v63  }
0x1b3: {  	_ =	swait.ge [sflag:s26], $0x4000  }
0x1b4: {  	[sflag:s26] =	ssyncset.done $0x0  }
0x1b5: {  	s8 =	sadd.s32 $0x1180, s0;
	[sflag:s26] =	ssyncadd.s32 $0xFFFFC000  }
0x1b6: {  	[tilespmem:s22], [sflag:$0x6] =	stream.indirect.gather [hbm4b:s21+s13], $0x80, s8, s13, $0xb8;
	[tilespmem:$0x1F4C0] =	vst v63  }
0x1b7: {  	_ =	swait.ge [sflag:s23], $0x4000  }
0x1b8: {  	[sflag:s23] =	ssyncset.done $0x0  }
0x1b9: {  	s9 =	rddreg [dreg:$0xb];
	[sflag:s23] =	ssyncadd.s32 $0xFFFFC000  }
0x1ba: {  	[spmem:s2] =	stream.indirect.scatter.add.f32 [tilespmem:s18], [sflag:$0x7], $0x80, s9, s13, $0xb8;
	[tilespmem:$0x1F4C0] =	vst v63  }
0x1bb: {  	_ =	swait.ge [sflag:s26], $0x4000  }
0x1bc: {  	[sflag:s26] =	ssyncset.done $0x0  }
0x1bd: {  	s8 =	sadd.s32 $0x1200, s0;
	[sflag:s26] =	ssyncadd.s32 $0xFFFFC000  }
0x1be: {  	[tilespmem:s18], [sflag:$0x5] =	stream.indirect.gather [hbm4b:s21+s13], $0x80, s8, s13, $0xb8;
	[tilespmem:$0x1F4C0] =	vst v63  }
0x1bf: {  	_ =	swait.ge [sflag:s28], $0x4000  }
0x1c0: {  	[sflag:s28] =	ssyncset.done $0x0  }
0x1c1: {  	s9 =	rddreg [dreg:$0xc];
	[sflag:s28] =	ssyncadd.s32 $0xFFFFC000  }
0x1c2: {  	[spmem:s2] =	stream.indirect.scatter.add.f32 [tilespmem:s22], [sflag:$0x7], $0x80, s9, s13, $0xb8;
	[tilespmem:$0x1F4C0] =	vst v63  }
0x1c3: {  	_ =	swait.ge [sflag:s26], $0x4000  }
0x1c4: {  	[sflag:s26] =	ssyncset.done $0x0  }
0x1c5: {  	s8 =	sadd.s32 $0x1280, s0;
	[sflag:s26] =	ssyncadd.s32 $0xFFFFC000  }
0x1c6: {  	[tilespmem:s22], [sflag:$0x6] =	stream.indirect.gather [hbm4b:s21+s13], $0x80, s8, s13, $0xb8;
	[tilespmem:$0x1F4C0] =	vst v63  }
0x1c7: {  	_ =	swait.ge [sflag:s23], $0x4000  }
0x1c8: {  	[sflag:s23] =	ssyncset.done $0x0  }
0x1c9: {  	s9 =	rddreg [dreg:$0xd];
	[sflag:s23] =	ssyncadd.s32 $0xFFFFC000  }
0x1ca: {  	[spmem:s2] =	stream.indirect.scatter.add.f32 [tilespmem:s18], [sflag:$0x7], $0x80, s9, s13, $0xb8;
	[tilespmem:$0x1F4C0] =	vst v63  }
0x1cb: {  	_ =	swait.ge [sflag:s26], $0x4000  }
0x1cc: {  	[sflag:s26] =	ssyncset.done $0x0  }
0x1cd: {  	s8 =	sadd.s32 $0x1300, s0;
	[sflag:s26] =	ssyncadd.s32 $0xFFFFC000  }
0x1ce: {  	[tilespmem:s18], [sflag:$0x5] =	stream.indirect.gather [hbm4b:s21+s13], $0x80, s8, s13, $0xb8;
	[tilespmem:$0x1F4C0] =	vst v63  }
0x1cf: {  	_ =	swait.ge [sflag:s28], $0x4000  }
0x1d0: {  	[sflag:s28] =	ssyncset.done $0x0  }
0x1d1: {  	s9 =	rddreg [dreg:$0xe];
	[sflag:s28] =	ssyncadd.s32 $0xFFFFC000  }
0x1d2: {  	[spmem:s2] =	stream.indirect.scatter.add.f32 [tilespmem:s22], [sflag:$0x7], $0x80, s9, s13, $0xb8;
	[tilespmem:$0x1F4C0] =	vst v63  }
0x1d3: {  	_ =	swait.ge [sflag:s26], $0x4000  }
0x1d4: {  	[sflag:s26] =	ssyncset.done $0x0  }
0x1d5: {  	s0 =	sadd.s32 $0x1380, s0;
	[sflag:s26] =	ssyncadd.s32 $0xFFFFC000  }
0x1d6: {  	[tilespmem:s22], [sflag:$0x6] =	stream.indirect.gather [hbm4b:s21+s13], $0x80, s0, s13, $0xb8;
	[tilespmem:$0x1F4C0] =	vst v63  }
0x1d7: {  	_ =	swait.ge [sflag:s23], $0x4000  }
0x1d8: {  	[sflag:s23] =	ssyncset.done $0x0  }
0x1d9: {  	s8 =	rddreg [dreg:$0xf];
	[sflag:s23] =	ssyncadd.s32 $0xFFFFC000  }
0x1da: {  	[spmem:s2] =	stream.indirect.scatter.add.f32 [tilespmem:s18], [sflag:$0x7], $0x80, s8, s13, $0xb8;
	[tilespmem:$0x1F4C0] =	vst v63  }
0x1db: {  	s6 =	sshra.s32 @!p2 s6, $0x2;
	_ =	swait.ge [sflag:s26], $0x4000  }
0x1dc: {  	s31 =	sadd.s32 $0x2000, s31;
	s6 =	sadd.s32 @!p2 $0x1400, s6;
	[sflag:s26] =	ssyncset.done $0x0  }
0x1dd: {  	s7 =	simm.s32 @!p2 $0x3C00;
	s0 =	simm.s32 @!p2 $0x80;
	[sflag:s26] =	ssyncadd.s32 $0xFFFFC000  }
0x1de: {  	[tilespmem:s7], [sflag:$0x5] =	stream.indirect.gather @!p2 [hbm4b:s21+s0], $0x80, s6, s0, $0xb8;
	[tilespmem:$0x1F4C0] =	vst v63  }
0x1df: {  	p1 =	sne.s32 s31, $0xA000;
	_ =	swait.ge [sflag:s28], $0x4000  }
.Ltmp1:
0x1e0: {  	[sflag:s28] =	ssyncset.done $0x0;
	(pc) =	sbr.rel @p1 .LBB2_4-.Ltmp1, $4  }
0x1e1: {  	s9 =	rddreg [dreg:$0x10];
	[sflag:s28] =	ssyncadd.s32 $0xFFFFC000  }
0x1e2: {  	[spmem:s2] =	stream.indirect.scatter.add.f32 [tilespmem:s22], [sflag:$0x7], $0x80, s9, s13, $0xb8;
	[tilespmem:$0x1F4C0] =	vst v63  }
0x1e3: {  	_ =	swait.ge [sflag:s26], $0x4000  }
0x1e4: {  	s14 =	sadd.s32 $0x100, s14;
	[sflag:s26] =	ssyncset.done $0x0  }
0x1e5: {  	[sflag:s26] =	ssyncadd.s32 $0xFFFFC000;
	s0 =	stileid.u32  }
0x1e6: {  	s0 =	sshll.u32 s0, $0x6;
	[bflag:$0x0] =	sbarrier.arrive $0xFFFF  }
0x1e7: {  	s6 =	sshrl.u32 s5, $0x3;
	s0 =	sor.u32 $0x1C07, s0;
	s7 =	rddreg [dreg:$0x1d]  }
0x1e8: {  	[hbm:s7], [sflag:s0] =	dma.local [spmem:s6], $0x2700  }
0x1e9: {  	_ =	swait.ge [sflag:s26], $0x2700  }
0x1ea: {  	s7 =	sld [smem:$0x7F1]  }
0x1eb: {  	[sflag:s26] =	ssyncset.done $0x0  }
0x1ec: {  	s6 =	sshrl.u32 @!p0 s12, $0x3;
	[sflag:s26] =	ssyncadd.s32 $0xFFFFD900  }
0x1ed: {  	[hbm:s7], [sflag:s0] =	dma.local @!p0 [spmem:s6], $0x100  }
0x1ee: {  	s0 =	simm.s32 @!p0 $0x7  }
0x1ef: {  	_ =	swait.ge @!p0 [sflag:s0], $0x100  }
0x1f0: {  	s31 =	sld [smem:$0x7F2];
	_ =	sdelay $0x1  }
0x1f1: {  	s30 =	sadd.s32 $0x1, s30  }
0x1f2: {  	p1 =	sne.s32 s30, s31  }
.Ltmp2:
0x1f3: {  	_ = 	snop;
	(pc) =	sbr.rel @p1 .LBB2_1-.Ltmp2, $3  }
0x1f4: {  	_ =	sdelay $0x1  }
0x1f5: {  	[sflag:s0] =	ssyncset.done @!p0 $0x0  }
0x1f6: {  	s7 =	simm.s32 $0xC00;
	[sflag:s0] =	ssyncadd.s32 @!p0 $0xFFFFFF00  }
0x1f7: {  	_ =	sfence.sel $0x180000  }
0x1f8: {  	[bflag:$0x0] =	sbarrier.arrive $0xFFFF  }
0x1f9: {  	_ =	strace $0x9000004D  }
0x1fa: {  	[bflag:$0x2] =	sbarrier.arrive $0xFFFF  }
0x1fb: {  	s0 =	rddreg [dreg:$0x2]  }
0x1fc: {  	s0 =	sadd.s32 @!p0 $0x100000, s0  }
0x1fd: {  	[sflag:s0] =	ssyncadd.tile.s32 @!p0 $0x1;
	_ =	shalt  }
.Lfunc_end2:
_tile_overlayer_lowered:
.L_overlay_start_2:
0x1fe: {  	(tag) =	ssettag $0x2  }
0x1ff: {  	s0 =	rddreg [dreg:$0x0];
	s2 =	stileid.u32  }
0x200: {  	s1 =	rddreg [dreg:$0x1];
	p0 =	sne.s32 s2, $0x0  }
0x201: {  	s3 =	rddreg [dreg:$0x2];
	[bflag:$0x3] =	sbarrier.arrive $0xFFFF;
	s2 =	simm.s32 @!p0 $0x1C07  }
0x202: {  	[timem:s3], [sflag:s2] =	dma.local @!p0 [hbm:s0], s1  }
0x203: {  	s0 =	simm.s32 @!p0 $0x7  }
0x204: {  	_ =	swait.ge @!p0 [sflag:s0], s1  }
0x205: {  	s1 =	ssub.s32 @!p0 $0x0, s1;
	[sflag:s0] =	ssyncset.done @!p0 $0x0  }
0x206: {  	[sflag:s0] =	ssyncadd.s32 @!p0 s1  }
0x207: {  	[bflag:$0x3] =	sbarrier.arrive $0xFFFF  }
0x208: {  	_ =	shalt  }

// kernel: kernel.8.cloned.1.call-start
scs
__scs_entry_jumppad:
0x0: {  	(pc) =	sbr.rel $0x88, $3  }
0x1: {  	(tag) =	ssettag $0x0;
	lr =	simm.s32 $0x1  }
0x2: {  	[smem:$0x3F99] =	sst lr;
	_ =	strace $0xD0000000  }
0x3: {  	_ = 	snop  }
0x4: {  	_ = 	snop  }
0x5: {  	_ = 	snop  }
0x6: {  	_ = 	snop  }
0x7: {  	_ = 	snop  }
__scs_overlays_trampoline_lowered:
0x8: {  	[smem:$0x3FA8] =	sst s0  }
0x9: {  	[smem:$0x3FA9] =	sst s1  }
0xa: {  	[smem:$0x3FAA] =	sst s2  }
0xb: {  	[smem:$0x3FAB] =	sst s3  }
0xc: {  	[smem:$0x3FAC] =	sst s4  }
0xd: {  	[smem:$0x3FAD] =	sst s5  }
0xe: {  	[smem:$0x3FAE] =	sst s6  }
0xf: {  	[smem:$0x3FAF] =	sst s7  }
0x10: {  	[smem:$0x3FB0] =	sst s8  }
0x11: {  	[smem:$0x3FB1] =	sst s9;
	s0 =	simm.s32 @!p0 $0x0  }
0x12: {  	s1 =	sld [smem:$0x3F97];
	s0 =	simm.s32 @p0 $0x1  }
0x13: {  	[smem:$0x3FB2] =	sst s0;
	s0 =	simm.s32 @!p1 $0x0  }
0x14: {  	s2 =	sld [smem:$0x3F96];
	s0 =	simm.s32 @p1 $0x1  }
0x15: {  	[smem:$0x3FB3] =	sst s0;
	s0 =	simm.s32 @!p2 $0x0  }
0x16: {  	s3 =	sld [smem:$0x3FDB];
	s0 =	simm.s32 @p2 $0x1  }
0x17: {  	s4 =	simm.s32 $0x1BF5;
	[smem:$0x3FB5] =	sst s0  }
0x18: {  	s0 =	sld [smem:$0x3F98];
	_ =	swait.ge [sflag:s4], $0x0  }
0x19: {  	s7 =	sld [smem:$0x3F99]  }
0x1a: {  	s8 =	sadd.s32 $0xFFFFE003, lr  }
0x1b: {  	s9 =	sadd.s32 $0xFFFFFEF7, lr;
	s5 =	simm.s32 $0xFFFFFFFF;
	p2 =	slt.u32 s8, $0xFFFFF086  }
0x1c: {  	p1 =	slt.u32 s9, $0xF7A;
	s5 =	simm.s32 @!p2 $0x0  }
0x1d: {  	s5 =	simm.s32 @p1 $0x1;
	p0 =	seq.s32 s7, s2  }
0x1e: {  	s7 =	smul.u32 @!p0 $0xF7A, s2;
	p2 =	seq.s32 @!p0 s5, $0x0  }
0x1f: {  	s9 =	smul.u32 $0xF7A, s1;
	s8 =	simm.s32 @!p0 $0x1BF5;
	p2 =	por !p2, p0  }
0x20: {  	[sflag:s8] =	ssyncset.s32 @!p0 $0xFFFFF086;
	s6 =	sadd.s32 @!p0 s3, s7;
	s7 =	simm.s32 @!p0 $0x108  }
0x21: {  	s3 =	sadd.s32 s3, s9;
	s6 =	sadd.s32 @!p0 $0x88, s6;
	s7 =	simm.s32 @p2 $0x1082  }
0x22: {  	[simem:s7], [sflag:s8] =	dma.local @!p0 [hbm:s6], $0xF7A  }
0x23: {  	s9 =	sor.u32 $0xD0000000, s2;
	s6 =	simm.s32 $0x108;
	_ =	swait.ge @!p0 [sflag:s8], $0x0  }
0x24: {  	s3 =	sadd.s32 $0x88, s3;
	s6 =	simm.s32 @!p1 $0x1082;
	[sflag:s4] =	ssyncset.s32 $0xFFFFF086  }
0x25: {  	[simem:s6], [sflag:s4] =	dma.local [hbm:s3], $0xF7A  }
0x26: {  	[smem:$0x3F99] =	sst s1;
	(tag) =	ssettag s2;
	_ =	strace s9  }
0x27: {  	s1 =	sld [smem:$0x3FA9]  }
0x28: {  	s2 =	sld [smem:$0x3FAA]  }
0x29: {  	s4 =	sld [smem:$0x3FAC]  }
0x2a: {  	p0 =	seq.s32 s5, $0x0;
	s5 =	sld [smem:$0x3FAD]  }
0x2b: {  	s6 =	sld [smem:$0x3FAE]  }
0x2c: {  	s7 =	sld [smem:$0x3FAF]  }
0x2d: {  	s3 =	simm.s32 $0x108;
	s8 =	sld [smem:$0x3FB0]  }
0x2e: {  	s3 =	simm.s32 @!p0 $0x1082;
	s9 =	sld [smem:$0x3FB1]  }
0x2f: {  	lr =	sadd.s32 s0, s3;
	s0 =	sld [smem:$0x3FA8]  }
0x30: {  	s3 =	sld [smem:$0x3FAB]  }
0x31: {  	[smem:$0x3FB4] =	sst s10  }
0x32: {  	s10 =	sld [smem:$0x3FB2];
	_ =	sdelay $0x3  }
0x33: {  	p0 =	seq.s32 s10, $0x1;
	s10 =	sld [smem:$0x3FB4];
	_ =	sdelay $0x3  }
0x34: {  	[smem:$0x3FB4] =	sst s10  }
0x35: {  	s10 =	sld [smem:$0x3FB3];
	_ =	sdelay $0x3  }
0x36: {  	p1 =	seq.s32 s10, $0x1;
	s10 =	sld [smem:$0x3FB4];
	_ =	sdelay $0x3  }
0x37: {  	[smem:$0x3FB4] =	sst s10  }
0x38: {  	s10 =	sld [smem:$0x3FB5]  }
0x39: {  	_ = 	snop;
	(pc) =	sbr.ind lr, $3  }
0x3a: {  	_ = 	snop  }
0x3b: {  	_ = 	snop  }
0x3c: {  	p2 =	seq.s32 s10, $0x1;
	s10 =	sld [smem:$0x3FB4]  }
0x3d: {  	_ =	shalt  }
0x3e: {  	_ =	shalt  }
0x3f: {  	_ =	shalt  }
0x40: {  	_ =	shalt  }
0x41: {  	_ =	shalt  }
0x42: {  	_ =	shalt  }
0x43: {  	_ =	shalt  }
0x44: {  	_ =	shalt  }
0x45: {  	_ =	shalt  }
0x46: {  	_ =	shalt  }
0x47: {  	_ =	shalt  }
0x48: {  	_ =	shalt  }
0x49: {  	_ =	shalt  }
0x4a: {  	_ =	shalt  }
0x4b: {  	_ =	shalt  }
0x4c: {  	_ =	shalt  }
0x4d: {  	_ =	shalt  }
0x4e: {  	_ =	shalt  }
0x4f: {  	_ =	shalt  }
0x50: {  	_ =	shalt  }
0x51: {  	_ =	shalt  }
0x52: {  	_ =	shalt  }
0x53: {  	_ =	shalt  }
0x54: {  	_ =	shalt  }
0x55: {  	_ =	shalt  }
0x56: {  	_ =	shalt  }
0x57: {  	_ =	shalt  }
0x58: {  	_ =	shalt  }
0x59: {  	_ =	shalt  }
0x5a: {  	_ =	shalt  }
0x5b: {  	_ =	shalt  }
0x5c: {  	_ =	shalt  }
0x5d: {  	_ =	shalt  }
0x5e: {  	_ =	shalt  }
0x5f: {  	_ =	shalt  }
0x60: {  	_ =	shalt  }
0x61: {  	_ =	shalt  }
0x62: {  	_ =	shalt  }
0x63: {  	_ =	shalt  }
0x64: {  	_ =	shalt  }
0x65: {  	_ =	shalt  }
0x66: {  	_ =	shalt  }
0x67: {  	_ =	shalt  }
0x68: {  	_ =	shalt  }
0x69: {  	_ =	shalt  }
0x6a: {  	_ =	shalt  }
0x6b: {  	_ =	shalt  }
0x6c: {  	_ =	shalt  }
0x6d: {  	_ =	shalt  }
0x6e: {  	_ =	shalt  }
0x6f: {  	_ =	shalt  }
0x70: {  	_ =	shalt  }
0x71: {  	_ =	shalt  }
0x72: {  	_ =	shalt  }
0x73: {  	_ =	shalt  }
0x74: {  	_ =	shalt  }
0x75: {  	_ =	shalt  }
0x76: {  	_ =	shalt  }
0x77: {  	_ =	shalt  }
0x78: {  	_ =	shalt  }
0x79: {  	_ =	shalt  }
0x7a: {  	_ =	shalt  }
0x7b: {  	_ =	shalt  }
0x7c: {  	_ =	shalt  }
0x7d: {  	_ =	shalt  }
0x7e: {  	_ =	shalt  }
0x7f: {  	_ =	shalt  }
0x80: {  	_ =	shalt  }
0x81: {  	_ =	shalt  }
0x82: {  	_ =	shalt  }
0x83: {  	_ =	shalt  }
0x84: {  	_ =	shalt  }
0x85: {  	_ =	shalt  }
0x86: {  	_ =	shalt  }
0x87: {  	_ =	shalt  }
.Lfunc_end0:
.L_simem_size_0:
called_computation_lowered:
.L_overlay_start_0:
0x88: {  	s2 =	sld [smem:$0x3FD9]  }
0x89: {  	s3 =	sld [smem:$0x3FFE];
	_ =	sdelay $0x1  }
0x8a: {  	s1 =	srdreg.scid  }
0x8b: {  	s0 =	sand.u32 $0x1, s1  }
0x8c: {  	s16 =	sshll.u32 s0, $0xA;
	s2 =	sadd.s32 s3, s2  }
0x8d: {  	s2 =	sadd.s32 s2, s16  }
0x8e: {  	[smem:$0x3FC0] =	sst s2  }
0x8f: {  	_ = 	snop  }
0x90: {  	(tm) =	ssettm $0x1  }
0x91: {  	s17 =	sld [smem:$0x3FFB];
	_ =	sdelay $0x3  }
0x92: {  	_ =	strace s17  }
0x93: {  	s2 =	sld [smem:$0x3FFC];
	_ =	sdelay $0x3  }
0x94: {  	_ =	strace s2  }
0x95: {  	s2 =	sld [smem:$0x3FFD];
	_ =	sdelay $0x3  }
0x96: {  	_ =	strace s2  }
0x97: {  	_ =	strace $0x8FFFFFFF  }
0x98: {  	s18 =	sld [smem:$0x3FDB];
	_ =	sdelay $0x1  }
0x99: {  	s19 =	simm.s32 $_scs_section_size  }
0x9a: {  	s4 =	simm.s32 $_size__tile_overlayer_lowered;
	s5 =	simm.s32 $_tile_overlayer_lowered  }
0x9b: {  	s22 =	simm.s32 $0x1BFF;
	s21 =	sshll.u32 s5, $0x1;
	s2 =	sadd.s32 s19, s18  }
0x9c: {  	s6 =	simm.s32 $0x0;
	s20 =	sshll.u32 s4, $0x1;
	s4 =	sadd.s32 s21, s2  }
0x9d: {  	[timem:s6], [sflag:s22] =	dma.local [hbm:s4], s20  }
0x9e: {  	_ =	swait.ge [sflag:s22], s20  }
0x9f: {  	s3 =	ssub.s32 $0x0, s20;
	[sflag:s22] =	ssyncset.done $0x0  }
0xa0: {  	[sflag:s22] =	ssyncadd.s32 s3;
	_ =	sdelay $0x1  }
0xa1: {  	s23 =	simm.s32 $0x1B8B  }
0xa2: {  	_ =	swait.ge [sflag:s23], $0x1  }
0xa3: {  	[sflag:s23] =	ssyncset.done $0x0  }
0xa4: {  	s25 =	simm.s32 $0x1B8E;
	s24 =	sld [smem:$0x3FFE];
	[sflag:s23] =	ssyncadd.s32 $0xFFFFFFFF  }
0xa5: {  	s26 =	simm.s32 $execute0_lowered;
	[smem:$0x3FD2] =	sst s25  }
0xa6: {  	s4 =	sshll.u32 s26, $0x1;
	_ =	strace $0x80000046;
	[dreg:$0x1] =	wrdreg $0xFFFFFFFF  }
0xa7: {  	s28 =	simm.s32 $_size_execute0_lowered;
	s2 =	sadd.s32 s2, s4;
	[dreg:$0x0] =	wrdreg $0x0  }
0xa8: {  	s4 =	sshll.u32 s28, $0x1;
	[dreg:$0x2] =	wrdreg s2  }
0xa9: {  	[dreg:$0x3] =	wrdreg s4  }
0xaa: {  	[dreg:$0x4] =	wrdreg $0xC0  }
0xab: {  	_ =	task [dreg:s6], $0x5FFFF  }
0xac: {  	[dreg:$0x1] =	wrdreg $0xFFFFFFFF  }
0xad: {  	[dreg:$0x0] =	wrdreg $0x60  }
0xae: {  	[dreg:$0x2] =	wrdreg s24  }
0xaf: {  	[dreg:$0x3] =	wrdreg $0x9C000  }
0xb0: {  	[dreg:$0x4] =	wrdreg $0x9  }
0xb1: {  	_ =	task.clear_ibuf [dreg:s6], $0x5FFFF;
	_ =	strace $0x90000046  }
0xb2: {  	s29 =	simm.s32 $0x9;
	_ =	strace $0x80000048  }
0xb3: {  	_ =	swait.ge [sflag:s29], $0x1  }
0xb4: {  	[sflag:s29] =	ssyncadd.s32 $0xFFFFFFFF  }
0xb5: {  	_ =	strace $0x90000048  }
0xb6: {  	_ =	sfence  }
0xb7: {  	s30 =	sld [smem:$0x0];
	_ =	sdelay $0x2  }
0xb8: {  	s31 =	sshll.u32 s1, $0xD;
	s1 =	sshrl.u32 s1, $0x2  }
0xb9: {  	s3 =	sand.u32 $0x4000, s31;
	s1 =	sadd.s32 s1, s30  }
0xba: {  	s0 =	sor.u32 s3, s0;
	s1 =	sshll.u32 s1, $0x11  }
0xbb: {  	s0 =	sor.u32 s1, s0  }
0xbc: {  	s0 =	sadd.s32 $0x8F2B, s0  }
0xbd: {  	[sflag:s0] =	ssyncadd.remote.s32 $0x1  }
0xbe: {  	_ =	sfence.sel $0xFFFF  }
0xbf: {  	[dreg:$0x0] =	wrdreg $0xFFFFFFFF;
	(pc) =	sbr.abs _section_cstart, $3  }
0xc0: {  	[dreg:$0x1] =	wrdreg $0xFFFFFFFF  }
0xc1: {  	_ =	task.clear_ibuf [dreg:s6], $0x2FFFF;
	_ =	strace $0x9FFFFFFF  }
0xc2: {  	(tm) =	ssettm $0x7FFFFFFF  }
0xc3: {  	_ =	shalt  }
tec
execute0_lowered:
.L_overlay_start_1:
0x0: {  	(tag) =	ssettag $0x1  }
0x1: {  	s1 =	srdreg.scid  }
0x2: {  	s0 =	stileid.u32;
	s4 =	rddreg [dreg:$0x0]  }
0x3: {  	s2 =	rddreg [dreg:$0x1];
	s3 =	simm.s32 $0x0;
	s17 =	simm.s32 $0x3  }
0x4: {  	s18 =	simm.s32 $0x1;
	s19 =	simm.s32 $0x80;
	s20 =	simm.s32 $0x3400  }
0x5: {  	s21 =	simm.s32 $0x2;
	s22 =	simm.s32 $0x0;
	s5 =	sand.u32 $0x1, s1  }
0x6: {  	s30 =	sshll.u32 s0, $0x1;
	s1 =	rddreg [dreg:$0x2];
	s7 =	smul.u32 $0x4E000, s0  }
0x7: {  	[smem:$0x7FF] =	sst s3;
	s13 =	sadd.s32 $0xB800, s4;
	s12 =	smul.u32 $0x13800, s0  }
0x8: {  	p0 =	sne.s32 s0, $0x0;
	s6 =	sor.u32 s5, s30;
	s8 =	ssub.s32 $0x2, s5  }
0x9: {  	_ =	strace $0x80000047;
	s11 =	smul.u32 $0x138800, s5;
	s31 =	sshrl.u32 s8, $0x1  }
0xa: {  	s6 =	smul.u32 $0x500, s6;
	s7 =	sshrl.u32 s7, $0x2;
	s15 =	ssub.s32 s8, s31  }
0xb: {  	s12 =	sadd.s32 s12, s11;
	s14 =	sshrl.u32 s11, $0x3;
	s11 =	sadd.s32 $0x138000, s2  }
0xc: {  	s6 =	sadd.s32 s6, s4;
	s4 =	sadd.s32 s7, s2;
	s16 =	sshrl.u32 s12, $0x3  }
0xd: {  	s14 =	sadd.s32 s13, s14;
	s12 =	sadd.s32 $0x138800, s2;
	s15 =	smax.u32 s15, $0x1  }
0xe: {  	s5 =	sadd.s32 $0x1800, s6;
	s6 =	sadd.s32 $0x3400, s4;
	s7 =	sadd.s32 $0x6800, s4  }
0xf: {  	s8 =	sadd.s32 $0x9C00, s4;
	s9 =	sadd.s32 $0xD000, s4;
	s10 =	sadd.s32 $0x10400, s4  }
0x10: {  	v0 =	vimm.f32 $0.0e+00;
	v1 =	vimm.f32 $1.000000000e+00;
	s13 =	sadd.s32 s13, s16;
	s14 =	sadd.s32 $0x27000, s14;
	s16 =	simm.s32 $0x7400  }
.LBB2_1:
0x11: {  	[tilespmem:s16], [sflag:$0x1] =	stream.linear.gather [hbm4b:s5+s3], $0x2800, $0x38;
	[tilespmem:$0xC318] =	vst v63  }
0x12: {  	s23 =	simm.s32 $0x0  }
.LBB2_2:
0x13: {  	p1 =	sne.s32 s23, $0xCE00  }
.Ltmp0:
0x14: {  	_ = 	snop;
	(pc) =	sbr.rel @p1 .LBB2_2-.Ltmp0, $3  }
0x15: {  	_ =	sdelay $0x1  }
0x16: {  	s24 =	sshra.s32 s23, $0x2  }
0x17: {  	s23 =	sadd.s32 $0x200, s23;
	[tilespmem:s24+$0x0] =	vst v0  }
0x18: {  	s23 =	simm.s32 $0x200;
	s24 =	simm.s32 $0x0  }
.LBB2_4:
0x19: {  	p1 =	sne.s32 s23, $0xFE00;
	[tilespmem:s24+$0x3400] =	vst v1;
	s24 =	smov.u32 s23;
	s23 =	sadd.s32 $0x200, s23  }
.Ltmp1:
0x1a: {  	(pc) =	sbr.rel @p1 .LBB2_4-.Ltmp1, $2  }
0x1b: {  	_ =	sdelay $0x2  }
0x1c: {  	s24 =	sshra.s32 s24, $0x2  }
0x1d: {  	[tilespmem:s24+$0x3400] =	vst v1  }
0x1e: {  	[spmem:s4] =	stream.linear.scatter [tilespmem:s3], [sflag:$0x3], $0x3400, $0x38;
	[tilespmem:$0xC318] =	vst v63  }
0x1f: {  	_ =	swait.ge [sflag:s17], $0x3400  }
0x20: {  	[sflag:s17] =	ssyncset.done $0x0  }
0x21: {  	[sflag:s17] =	ssyncadd.s32 $0xFFFFCC00  }
0x22: {  	[spmem:s6] =	stream.linear.scatter [tilespmem:s3], [sflag:$0x3], $0x3400, $0x38;
	[tilespmem:$0xC318] =	vst v63  }
0x23: {  	_ =	swait.ge [sflag:s17], $0x3400  }
0x24: {  	[sflag:s17] =	ssyncset.done $0x0  }
0x25: {  	[sflag:s17] =	ssyncadd.s32 $0xFFFFCC00  }
0x26: {  	[spmem:s7] =	stream.linear.scatter [tilespmem:s3], [sflag:$0x3], $0x3400, $0x38;
	[tilespmem:$0xC318] =	vst v63  }
0x27: {  	_ =	swait.ge [sflag:s17], $0x3400  }
0x28: {  	[sflag:s17] =	ssyncset.done $0x0  }
0x29: {  	[sflag:s17] =	ssyncadd.s32 $0xFFFFCC00  }
0x2a: {  	[spmem:s8] =	stream.linear.scatter [tilespmem:s3], [sflag:$0x3], $0x3400, $0x38;
	[tilespmem:$0xC318] =	vst v63  }
0x2b: {  	_ =	swait.ge [sflag:s17], $0x3400  }
0x2c: {  	[sflag:s17] =	ssyncset.done $0x0  }
0x2d: {  	[sflag:s17] =	ssyncadd.s32 $0xFFFFCC00  }
0x2e: {  	[spmem:s9] =	stream.linear.scatter [tilespmem:s3], [sflag:$0x3], $0x3400, $0x38;
	[tilespmem:$0xC318] =	vst v63  }
0x2f: {  	_ =	swait.ge [sflag:s17], $0x3400  }
0x30: {  	[sflag:s17] =	ssyncset.done $0x0  }
0x31: {  	[sflag:s17] =	ssyncadd.s32 $0xFFFFCC00  }
0x32: {  	[spmem:s10] =	stream.linear.scatter [tilespmem:s3], [sflag:$0x3], $0x3400, $0x38;
	[tilespmem:$0xC318] =	vst v63  }
0x33: {  	_ =	swait.ge [sflag:s17], $0x3400  }
0x34: {  	[sflag:s17] =	ssyncset.done $0x0  }
0x35: {  	s23 =	simm.s32 @!p0 $0x0;
	s24 =	simm.s32 @!p0 $0x3;
	[sflag:s17] =	ssyncadd.s32 $0xFFFFCC00  }
0x36: {  	[spmem:s11] =	stream.linear.scatter @!p0 [tilespmem:s23], [sflag:$0x3], $0x800, $0x38;
	[tilespmem:$0xC318] =	vst v63  }
0x37: {  	_ =	swait.ge @!p0 [sflag:s24], $0x800  }
0x38: {  	[sflag:s24] =	ssyncset.done @!p0 $0x0  }
0x39: {  	[sflag:s24] =	ssyncadd.s32 @!p0 $0xFFFFF800  }
0x3a: {  	[spmem:s12] =	stream.linear.scatter @!p0 [tilespmem:s23], [sflag:$0x3], $0x400, $0x38;
	[tilespmem:$0xC318] =	vst v63  }
0x3b: {  	_ =	swait.ge @!p0 [sflag:s24], $0x400  }
0x3c: {  	[sflag:s24] =	ssyncset.done @!p0 $0x0  }
0x3d: {  	[sflag:s24] =	ssyncadd.s32 @!p0 $0xFFFFFC00  }
0x3e: {  	_ =	swait.ge [sflag:s18], $0x2800  }
0x3f: {  	[sflag:s18] =	ssyncset.done $0x0  }
0x40: {  	[sflag:s18] =	ssyncadd.s32 $0xFFFFD800  }
0x41: {  	s23 =	simm.s32 $0x0;
	[bflag:$0x0] =	sbarrier.arrive $0xFFFF  }
.LBB2_6:
0x42: {  	p1 =	sne.s32 s23, $0x9E00  }
.Ltmp2:
0x43: {  	_ = 	snop;
	(pc) =	sbr.rel @p1 .LBB2_6-.Ltmp2, $4  }
0x44: {  	_ = 	snop  }
0x45: {  	s24 =	sshra.s32 s23, $0x2  }
0x46: {  	s23 =	sadd.s32 $0x200, s23;
	s24 =	sadd.s32 $0x7400, s24  }
0x47: {  	[spmem:s2] =	stream.indirect.scatter.add.f32 [tilespmem:s20], [sflag:$0x2], $0x10, s24, s19, $0xb8;
	[tilespmem:$0xC318] =	vst v63  }
0x48: {  	_ =	swait.ge [sflag:s21], $0x800  }
0x49: {  	s23 =	simm.s32 $0x4F;
	[sflag:s21] =	ssyncset.done $0x0  }
.LBB2_8:
0x4a: {  	p1 =	sne.s32 s23, $0x1;
	s23 =	sadd.s32 $0xFFFFFFFF, s23;
	[sflag:s21] =	ssyncadd.s32 $0xFFFFF800  }
.Ltmp3:
0x4b: {  	(pc) =	sbr.rel @p1 .LBB2_8-.Ltmp3, $3  }
0x4c: {  	_ =	sdelay $0x1  }
0x4d: {  	_ =	swait.ge [sflag:s21], $0x800  }
0x4e: {  	[sflag:s21] =	ssyncset.done $0x0  }
0x4f: {  	[sflag:s21] =	ssyncadd.s32 $0xFFFFF800;
	s23 =	sshll.u32 s0, $0x6  }
0x50: {  	s24 =	sshrl.u32 s4, $0x3;
	[bflag:$0x0] =	sbarrier.arrive $0xFFFF;
	s23 =	sor.u32 $0x1C03, s23  }
0x51: {  	[hbm:s13], [sflag:s23] =	dma.local [spmem:s24], $0x2700  }
0x52: {  	_ =	swait.ge [sflag:s17], $0x2700  }
0x53: {  	s22 =	sadd.s32 $0x1, s22;
	[sflag:s17] =	ssyncset.done $0x0  }
0x54: {  	p1 =	sne.s32 s22, s15;
	s24 =	sshrl.u32 @!p0 s11, $0x3;
	[sflag:s17] =	ssyncadd.s32 $0xFFFFD900  }
0x55: {  	[hbm:s14], [sflag:s23] =	dma.local @!p0 [spmem:s24], $0x100  }
.Ltmp4:
0x56: {  	_ = 	snop;
	(pc) =	sbr.rel @p1 .LBB2_1-.Ltmp4, $4  }
0x57: {  	s23 =	simm.s32 @!p0 $0x3  }
0x58: {  	_ =	swait.ge @!p0 [sflag:s23], $0x100  }
0x59: {  	[sflag:s23] =	ssyncset.done @!p0 $0x0  }
0x5a: {  	[sflag:s23] =	ssyncadd.s32 @!p0 $0xFFFFFF00  }
0x5b: {  	_ =	sfence.sel $0x180000  }
0x5c: {  	[bflag:$0x0] =	sbarrier.arrive $0xFFFF  }
0x5d: {  	_ =	strace $0x90000047  }
0x5e: {  	s0 =	sadd.s32 @!p0 $0x100000, s1;
	[bflag:$0x2] =	sbarrier.arrive $0xFFFF  }
0x5f: {  	[sflag:s0] =	ssyncadd.tile.s32 @!p0 $0x1;
	_ =	shalt  }
.Lfunc_end2:
_tile_overlayer_lowered:
.L_overlay_start_2:
0x60: {  	(tag) =	ssettag $0x2  }
0x61: {  	s0 =	rddreg [dreg:$0x0];
	s2 =	stileid.u32  }
0x62: {  	s1 =	rddreg [dreg:$0x1];
	p0 =	sne.s32 s2, $0x0  }
0x63: {  	s3 =	rddreg [dreg:$0x2];
	[bflag:$0x3] =	sbarrier.arrive $0xFFFF;
	s2 =	simm.s32 @!p0 $0x1C03  }
0x64: {  	[timem:s3], [sflag:s2] =	dma.local @!p0 [hbm:s0], s1  }
0x65: {  	s0 =	simm.s32 @!p0 $0x3  }
0x66: {  	_ =	swait.ge @!p0 [sflag:s0], s1  }
0x67: {  	s1 =	ssub.s32 @!p0 $0x0, s1;
	[sflag:s0] =	ssyncset.done @!p0 $0x0  }
0x68: {  	[sflag:s0] =	ssyncadd.s32 @!p0 s1  }
0x69: {  	[bflag:$0x3] =	sbarrier.arrive $0xFFFF  }
0x6a: {  	_ =	shalt  }

</sc_bundles>
